<compile_context>
chip_gen: v7x
topology: tpu7x:2x2x1
jax: 0.10.2.dev20260603
libtpu: 0.0.44.dev20260713+nightly
codegen_flags: <defaults>
</compile_context>

<pallas_src>
import dataclasses

import jax
import jax.numpy as jnp
from jax import lax
from jax.experimental import pallas as pl
from jax.experimental.pallas import tpu as pltpu
from jax.experimental.pallas import tpu_sc as plsc

_EMB = 32
_NUM_CORES = 2
_NUM_SUBCORES = 16
_LANES = 16
_BT = 128


def _sc_params():
    cp = pltpu.CompilerParams(use_tc_tiling_on_sc=False)
    if "needs_layout_passes" in pltpu.CompilerParams.__dataclass_fields__:
        cp = dataclasses.replace(cp, needs_layout_passes=False)
    return cp


def kernel(inputs, table):
    n_rows, n_cols = inputs.shape
    n_workers = _NUM_CORES * _NUM_SUBCORES
    n_btiles = n_rows // _BT
    units = n_cols * n_btiles
    units_per_worker = units // n_workers

    idx_t = inputs.T
    mesh = plsc.VectorSubcoreMesh(
        core_axis_name="core", subcore_axis_name="subcore"
    )

    @pl.kernel(
        out_type=jax.ShapeDtypeStruct(
            (n_cols, _EMB // 8, n_btiles, 8, _BT), table.dtype
        ),
        mesh=mesh,
        scratch_types=[
            pltpu.VMEM((2, _BT), jnp.int32),
            pltpu.VMEM((2, _BT, _EMB), jnp.float32),
            pltpu.VMEM((2, _EMB, _BT + 1), jnp.float32),
            pltpu.SemaphoreType.DMA,
            pltpu.SemaphoreType.DMA,
            pltpu.SemaphoreType.DMA,
        ],
        compiler_params=_sc_params(),
    )
    def _gather(
        table_hbm, idx_hbm, out_hbm, idx_v, rows_v, ct, sem, sem_w, sem_i
    ):
        wid = lax.axis_index("subcore") * _NUM_CORES + lax.axis_index("core")
        g0 = wid * units_per_worker
        lane = lax.iota(jnp.int32, _LANES)

        def fire_idx(g, buf):
            j = g // n_btiles
            u = lax.rem(g, n_btiles)
            pltpu.async_copy(
                idx_hbm.at[j, pl.ds(u * _BT, _BT)], idx_v.at[buf], sem_i
            )

        def drain_idx(buf):
            pltpu.make_async_copy(
                idx_hbm.at[0, pl.ds(0, _BT)], idx_v.at[buf], sem_i
            ).wait()

        fire_idx(g0, 0)
        drain_idx(0)
        pltpu.async_copy(table_hbm.at[idx_v.at[0]], rows_v.at[0], sem)
        fire_idx(g0 + 1, 1)

        @pl.loop(0, units_per_worker)
        def _(k):
            b = lax.rem(k, 2)
            nb = lax.rem(k + 1, 2)
            g = g0 + k
            j = g // n_btiles
            u = lax.rem(g, n_btiles)

            @pl.when(k < units_per_worker - 1)
            def _():
                drain_idx(nb)
                pltpu.async_copy(
                    table_hbm.at[idx_v.at[nb]], rows_v.at[nb], sem
                )

            pltpu.make_async_copy(
                table_hbm.at[idx_v.at[b]], rows_v.at[b], sem
            ).wait()

            @pl.when(k < units_per_worker - 2)
            def _():
                fire_idx(g + 2, b)

            @pl.when(k >= 2)
            def _():
                for r in range(_EMB // 8):
                    pltpu.make_async_copy(
                        ct.at[b, pl.ds(r * 8, 8), pl.ds(0, _BT)],
                        out_hbm.at[j, r, u],
                        sem_w,
                    ).wait()

            rbuf = rows_v.at[b]
            cbuf = ct.at[b]
            c_vecs = [
                lane + cg * _LANES for cg in range(_EMB // _LANES)
            ]
            for l in range(_BT):
                l_vec = jnp.full((_LANES,), l, jnp.int32)
                for cg in range(_EMB // _LANES):
                    v = rbuf[l, pl.ds(cg * _LANES, _LANES)]
                    plsc.store_scatter(cbuf, [c_vecs[cg], l_vec], v)

            for r in range(_EMB // 8):
                pltpu.async_copy(
                    ct.at[b, pl.ds(r * 8, 8), pl.ds(0, _BT)],
                    out_hbm.at[j, r, u],
                    sem_w,
                )

        for b in range(2):
            for r in range(_EMB // 8):
                pltpu.make_async_copy(
                    ct.at[b, pl.ds(r * 8, 8), pl.ds(0, _BT)],
                    out_hbm.at[0, r, 0],
                    sem_w,
                ).wait()

    out5 = _gather(table, idx_t)
    return out5.transpose(2, 4, 0, 1, 3).reshape(n_rows, n_cols, _EMB)

# --- scband reference (transcript-rebuilt; emitter-appended) ---
"""Pipeline reference for scband-concept-embedding-17300128268558 (READ-ONLY COPY).

The authoritative reference and input builder live on the scoring server;
editing this copy changes nothing except your own understanding.
"""

import jax, jax.numpy as jnp
import numpy as np

NUM_EMBEDDINGS = 1000000
EMBEDDING_SIZE = 32

def setup_inputs(seed: int = 0) -> dict:
    key = jax.random.key(seed)
    k1, k2 = jax.random.split(key)
    inputs = jax.random.randint(k1, (16384, 50), 0, NUM_EMBEDDINGS, dtype=jnp.int64 if jax.config.jax_enable_x64 else jnp.int32)
    table = jax.random.normal(k2, (NUM_EMBEDDINGS, EMBEDDING_SIZE), dtype=jnp.float32)
    return {"inputs": inputs, "table": table}

def reference(inputs, table):
    # nn.Embedding forward: gather rows of the table by index
    return jnp.take(table, inputs, axis=0)

if __name__ == "__main__":
    import jax
    _d = setup_inputs()
    print(jax.jit(kernel)(*tuple(_d.values())))

</pallas_src>

<mosaic_0001>
#map = affine_map<(d0, d1) -> (0, 0)>
#map1 = affine_map<(d0, d1) -> (0, 0, 0, 0, 0)>
module attributes {stable_mosaic.version = 14 : i64} {
  func.func @_gather(%arg0: i32, %arg1: i32, %arg2: memref<1000000x32xf32, #tpu.memory_space<hbm>>, %arg3: memref<50x16384xi32, #tpu.memory_space<hbm>>, %arg4: memref<50x4x128x8x128xf32, #tpu.memory_space<hbm>>, %arg5: memref<2x128xi32, #tpu.memory_space<vmem>>, %arg6: memref<2x128x32xf32, #tpu.memory_space<vmem>>, %arg7: memref<2x32x129xf32, #tpu.memory_space<vmem>>, %arg8: memref<!tpu.dma_semaphore, #tpu.memory_space<semaphore_mem>>, %arg9: memref<!tpu.dma_semaphore, #tpu.memory_space<semaphore_mem>>, %arg10: memref<!tpu.dma_semaphore, #tpu.memory_space<semaphore_mem>>) attributes {dimension_semantics = [#tpu.dimension_semantics<core_parallel>, #tpu.dimension_semantics<subcore_parallel>], iteration_bounds = array<i64: 2, 16>, scalar_prefetch = 0 : i64, scratch_operands = 6 : i64, tpu.core_type = #tpu.core_type<sc_vector_subcore>, window_params = [{transform_indices = #map}, {transform_indices = #map}, {transform_indices = #map1}]} {
    %mul3A = arith.constant 2 : i32
    %mul3A_0 = arith.muli %arg1, %mul3A : i32
    %add3A = arith.addi %mul3A_0, %arg0 : i32
    %mul3A_1 = arith.constant 200 : i32
    %mul3A_2 = arith.muli %add3A, %mul3A_1 : i32
    %iota3A = tpu.iota {dimensions = array<i32: 0>} : vector<16xi32>
    %jit3A = arith.constant 128 : i32
    %div3A = arith.divsi %mul3A_2, %jit3A : i32
    %sign3A = arith.constant 0 : i32
    %sign3A_3 = arith.cmpi sgt, %mul3A_2, %sign3A : i32
    %sign3A_4 = arith.extui %sign3A_3 : i1 to i32
    %sign3A_5 = arith.constant 0 : i32
    %sign3A_6 = arith.cmpi slt, %mul3A_2, %sign3A_5 : i32
    %sign3A_7 = arith.extui %sign3A_6 : i1 to i32
    %sign3A_8 = arith.subi %sign3A_4, %sign3A_7 : i32
    %sign3A_9 = arith.constant 0 : i32
    %sign3A_10 = arith.cmpi sgt, %jit3A, %sign3A_9 : i32
    %sign3A_11 = arith.extui %sign3A_10 : i1 to i32
    %sign3A_12 = arith.constant 0 : i32
    %sign3A_13 = arith.cmpi slt, %jit3A, %sign3A_12 : i32
    %sign3A_14 = arith.extui %sign3A_13 : i1 to i32
    %sign3A_15 = arith.subi %sign3A_11, %sign3A_14 : i32
    %ne3A = arith.cmpi ne, %sign3A_8, %sign3A_15 : i32
    %rem3A = arith.remsi %mul3A_2, %jit3A : i32
    %ne3A_16 = arith.constant 0 : i32
    %ne3A_17 = arith.cmpi ne, %rem3A, %ne3A_16 : i32
    %and3A = arith.andi %ne3A, %ne3A_17 : i1
    %sub3A = arith.constant 1 : i32
    %sub3A_18 = arith.subi %div3A, %sub3A : i32
    %select_n3A = arith.select %and3A, %sub3A_18, %div3A : i32
    %rem3A_19 = arith.constant 128 : i32
    %rem3A_20 = arith.remsi %mul3A_2, %rem3A_19 : i32
    %mul3A_21 = arith.constant 128 : i32
    %mul3A_22 = arith.muli %rem3A_20, %mul3A_21 : i32
    %dma_start3A = arith.constant 0 : i32
    %dma_start3A_23 = arith.constant 0 : i32
    %dma_start3A_24 = tpu.memref_slice %arg5[%dma_start3A, %dma_start3A_23] : memref<2x128xi32, #tpu.memory_space<vmem>> -> memref<1x128xi32, #tpu.memory_space<vmem>>
    %dma_start3A_25 = tpu.memref_squeeze %dma_start3A_24 : memref<1x128xi32, #tpu.memory_space<vmem>> -> memref<128xi32, #tpu.memory_space<vmem>>
    %dma_start3A_26 = tpu.memref_slice %arg3[%select_n3A, %mul3A_22] : memref<50x16384xi32, #tpu.memory_space<hbm>> -> memref<1x128xi32, #tpu.memory_space<hbm>>
    %dma_start3A_27 = tpu.memref_squeeze %dma_start3A_26 : memref<1x128xi32, #tpu.memory_space<hbm>> -> memref<128xi32, #tpu.memory_space<hbm>>
    %dma_start3A_28 = arith.constant 0 : i32
    %dma_start3A_29 = tpu.memref_slice %arg5[%dma_start3A, %dma_start3A_28] : memref<2x128xi32, #tpu.memory_space<vmem>> -> memref<1x128xi32, #tpu.memory_space<vmem>>
    %dma_start3A_30 = tpu.memref_squeeze %dma_start3A_29 : memref<1x128xi32, #tpu.memory_space<vmem>> -> memref<128xi32, #tpu.memory_space<vmem>>
    %dma_start3A_31 = tpu.memref_slice %arg3[%select_n3A, %mul3A_22] : memref<50x16384xi32, #tpu.memory_space<hbm>> -> memref<1x128xi32, #tpu.memory_space<hbm>>
    %dma_start3A_32 = tpu.memref_squeeze %dma_start3A_31 : memref<1x128xi32, #tpu.memory_space<hbm>> -> memref<128xi32, #tpu.memory_space<hbm>>
    tpu.enqueue_dma source(%dma_start3A_32 : memref<128xi32, #tpu.memory_space<hbm>>) target(%dma_start3A_30 : memref<128xi32, #tpu.memory_space<vmem>>) target_semaphore(%arg10 : memref<!tpu.dma_semaphore, #tpu.memory_space<semaphore_mem>>)
    %dma_wait3A = arith.constant 0 : i32
    %dma_wait3A_33 = arith.constant 0 : i32
    %dma_wait3A_34 = arith.constant 0 : i32
    %dma_wait3A_35 = tpu.memref_slice %arg5[%dma_wait3A_33, %dma_wait3A_34] : memref<2x128xi32, #tpu.memory_space<vmem>> -> memref<1x128xi32, #tpu.memory_space<vmem>>
    %dma_wait3A_36 = tpu.memref_squeeze %dma_wait3A_35 : memref<1x128xi32, #tpu.memory_space<vmem>> -> memref<128xi32, #tpu.memory_space<vmem>>
    %dma_wait3A_37 = arith.constant 0 : i32
    %dma_wait3A_38 = tpu.memref_slice %arg3[%dma_wait3A, %dma_wait3A_37] : memref<50x16384xi32, #tpu.memory_space<hbm>> -> memref<1x128xi32, #tpu.memory_space<hbm>>
    %dma_wait3A_39 = tpu.memref_squeeze %dma_wait3A_38 : memref<1x128xi32, #tpu.memory_space<hbm>> -> memref<128xi32, #tpu.memory_space<hbm>>
    %dma_wait3A_40 = arith.constant 0 : i32
    %dma_wait3A_41 = tpu.memref_slice %arg5[%dma_wait3A_33, %dma_wait3A_40] : memref<2x128xi32, #tpu.memory_space<vmem>> -> memref<1x128xi32, #tpu.memory_space<vmem>>
    %dma_wait3A_42 = tpu.memref_squeeze %dma_wait3A_41 : memref<1x128xi32, #tpu.memory_space<vmem>> -> memref<128xi32, #tpu.memory_space<vmem>>
    %dma_wait3A_43 = arith.constant 0 : i32
    %dma_wait3A_44 = tpu.memref_slice %arg3[%dma_wait3A, %dma_wait3A_43] : memref<50x16384xi32, #tpu.memory_space<hbm>> -> memref<1x128xi32, #tpu.memory_space<hbm>>
    %dma_wait3A_45 = tpu.memref_squeeze %dma_wait3A_44 : memref<1x128xi32, #tpu.memory_space<hbm>> -> memref<128xi32, #tpu.memory_space<hbm>>
    tpu.wait_dma2 semaphore(%arg10 : memref<!tpu.dma_semaphore, #tpu.memory_space<semaphore_mem>>) src(%dma_wait3A_45 : memref<128xi32, #tpu.memory_space<hbm>>) dst(%dma_wait3A_42 : memref<128xi32, #tpu.memory_space<vmem>>)
    %dma_start3A_46 = arith.constant 0 : i32
    %dma_start3A_47 = arith.constant 0 : i32
    %dma_start3A_48 = arith.constant 0 : i32
    %dma_start3A_49 = arith.constant 0 : i32
    %dma_start3A_50 = tpu.memref_slice %arg6[%dma_start3A_47, %dma_start3A_48, %dma_start3A_49] : memref<2x128x32xf32, #tpu.memory_space<vmem>> -> memref<1x128x32xf32, #tpu.memory_space<vmem>>
    %dma_start3A_51 = tpu.memref_squeeze %dma_start3A_50 : memref<1x128x32xf32, #tpu.memory_space<vmem>> -> memref<128x32xf32, #tpu.memory_space<vmem>>
    %dma_start3A_52 = arith.constant 0 : i32
    %dma_start3A_53 = tpu.memref_slice %arg5[%dma_start3A_46, %dma_start3A_52] : memref<2x128xi32, #tpu.memory_space<vmem>> -> memref<1x128xi32, #tpu.memory_space<vmem>>
    %dma_start3A_54 = tpu.memref_squeeze %dma_start3A_53 : memref<1x128xi32, #tpu.memory_space<vmem>> -> memref<128xi32, #tpu.memory_space<vmem>>
    %dma_start3A_55 = arith.constant 0 : i32
    %dma_start3A_56 = arith.constant 0 : i32
    %dma_start3A_57 = tpu.memref_slice %arg2[%dma_start3A_55, %dma_start3A_56] : memref<1000000x32xf32, #tpu.memory_space<hbm>> -> memref<1000000x32xf32, #tpu.memory_space<hbm>>
    tpu.enqueue_indirect_dma source(%dma_start3A_57 : memref<1000000x32xf32, #tpu.memory_space<hbm>>) target(%dma_start3A_51 : memref<128x32xf32, #tpu.memory_space<vmem>>) offsets(%dma_start3A_54 : memref<128xi32, #tpu.memory_space<vmem>>) semaphore(%arg8 : memref<!tpu.dma_semaphore, #tpu.memory_space<semaphore_mem>>)
    %add3A_58 = arith.constant 1 : i32
    %add3A_59 = arith.addi %mul3A_2, %add3A_58 : i32
    %jit3A_60 = arith.constant 128 : i32
    %div3A_61 = arith.divsi %add3A_59, %jit3A_60 : i32
    %sign3A_62 = arith.constant 0 : i32
    %sign3A_63 = arith.cmpi sgt, %add3A_59, %sign3A_62 : i32
    %sign3A_64 = arith.extui %sign3A_63 : i1 to i32
    %sign3A_65 = arith.constant 0 : i32
    %sign3A_66 = arith.cmpi slt, %add3A_59, %sign3A_65 : i32
    %sign3A_67 = arith.extui %sign3A_66 : i1 to i32
    %sign3A_68 = arith.subi %sign3A_64, %sign3A_67 : i32
    %sign3A_69 = arith.constant 0 : i32
    %sign3A_70 = arith.cmpi sgt, %jit3A_60, %sign3A_69 : i32
    %sign3A_71 = arith.extui %sign3A_70 : i1 to i32
    %sign3A_72 = arith.constant 0 : i32
    %sign3A_73 = arith.cmpi slt, %jit3A_60, %sign3A_72 : i32
    %sign3A_74 = arith.extui %sign3A_73 : i1 to i32
    %sign3A_75 = arith.subi %sign3A_71, %sign3A_74 : i32
    %ne3A_76 = arith.cmpi ne, %sign3A_68, %sign3A_75 : i32
    %rem3A_77 = arith.remsi %add3A_59, %jit3A_60 : i32
    %ne3A_78 = arith.constant 0 : i32
    %ne3A_79 = arith.cmpi ne, %rem3A_77, %ne3A_78 : i32
    %and3A_80 = arith.andi %ne3A_76, %ne3A_79 : i1
    %sub3A_81 = arith.constant 1 : i32
    %sub3A_82 = arith.subi %div3A_61, %sub3A_81 : i32
    %select_n3A_83 = arith.select %and3A_80, %sub3A_82, %div3A_61 : i32
    %rem3A_84 = arith.constant 128 : i32
    %rem3A_85 = arith.remsi %add3A_59, %rem3A_84 : i32
    %mul3A_86 = arith.constant 128 : i32
    %mul3A_87 = arith.muli %rem3A_85, %mul3A_86 : i32
    %dma_start3A_88 = arith.constant 1 : i32
    %dma_start3A_89 = arith.constant 0 : i32
    %dma_start3A_90 = tpu.memref_slice %arg5[%dma_start3A_88, %dma_start3A_89] : memref<2x128xi32, #tpu.memory_space<vmem>> -> memref<1x128xi32, #tpu.memory_space<vmem>>
    %dma_start3A_91 = tpu.memref_squeeze %dma_start3A_90 : memref<1x128xi32, #tpu.memory_space<vmem>> -> memref<128xi32, #tpu.memory_space<vmem>>
    %dma_start3A_92 = tpu.memref_slice %arg3[%select_n3A_83, %mul3A_87] : memref<50x16384xi32, #tpu.memory_space<hbm>> -> memref<1x128xi32, #tpu.memory_space<hbm>>
    %dma_start3A_93 = tpu.memref_squeeze %dma_start3A_92 : memref<1x128xi32, #tpu.memory_space<hbm>> -> memref<128xi32, #tpu.memory_space<hbm>>
    %dma_start3A_94 = arith.constant 0 : i32
    %dma_start3A_95 = tpu.memref_slice %arg5[%dma_start3A_88, %dma_start3A_94] : memref<2x128xi32, #tpu.memory_space<vmem>> -> memref<1x128xi32, #tpu.memory_space<vmem>>
    %dma_start3A_96 = tpu.memref_squeeze %dma_start3A_95 : memref<1x128xi32, #tpu.memory_space<vmem>> -> memref<128xi32, #tpu.memory_space<vmem>>
    %dma_start3A_97 = tpu.memref_slice %arg3[%select_n3A_83, %mul3A_87] : memref<50x16384xi32, #tpu.memory_space<hbm>> -> memref<1x128xi32, #tpu.memory_space<hbm>>
    %dma_start3A_98 = tpu.memref_squeeze %dma_start3A_97 : memref<1x128xi32, #tpu.memory_space<hbm>> -> memref<128xi32, #tpu.memory_space<hbm>>
    tpu.enqueue_dma source(%dma_start3A_98 : memref<128xi32, #tpu.memory_space<hbm>>) target(%dma_start3A_96 : memref<128xi32, #tpu.memory_space<vmem>>) target_semaphore(%arg10 : memref<!tpu.dma_semaphore, #tpu.memory_space<semaphore_mem>>)
    %scan3A = arith.constant 0 : i32
    %scan3A_99 = arith.constant 200 : i32
    %scan3A_100 = arith.addi %scan3A, %scan3A_99 : i32
    %scan3A_101 = arith.constant 1 : i32
    scf.for %scan3A_263 = %scan3A to %scan3A_100 step %scan3A_101  : i32 {
      %mul3A_264 = arith.constant 1 : i32
      %mul3A_265 = arith.muli %scan3A_263, %mul3A_264 : i32
      %add3A_266 = arith.constant 0 : i32
      %add3A_267 = arith.addi %add3A_266, %mul3A_265 : i32
      %rem3A_268 = arith.constant 2 : i32
      %rem3A_269 = arith.remsi %add3A_267, %rem3A_268 : i32
      %add3A_270 = arith.constant 1 : i32
      %add3A_271 = arith.addi %add3A_267, %add3A_270 : i32
      %rem3A_272 = arith.constant 2 : i32
      %rem3A_273 = arith.remsi %add3A_271, %rem3A_272 : i32
      %add3A_274 = arith.addi %mul3A_2, %add3A_267 : i32
      %jit3A_275 = arith.constant 128 : i32
      %div3A_276 = arith.divsi %add3A_274, %jit3A_275 : i32
      %sign3A_277 = arith.constant 0 : i32
      %sign3A_278 = arith.cmpi sgt, %add3A_274, %sign3A_277 : i32
      %sign3A_279 = arith.extui %sign3A_278 : i1 to i32
      %sign3A_280 = arith.constant 0 : i32
      %sign3A_281 = arith.cmpi slt, %add3A_274, %sign3A_280 : i32
      %sign3A_282 = arith.extui %sign3A_281 : i1 to i32
      %sign3A_283 = arith.subi %sign3A_279, %sign3A_282 : i32
      %sign3A_284 = arith.constant 0 : i32
      %sign3A_285 = arith.cmpi sgt, %jit3A_275, %sign3A_284 : i32
      %sign3A_286 = arith.extui %sign3A_285 : i1 to i32
      %sign3A_287 = arith.constant 0 : i32
      %sign3A_288 = arith.cmpi slt, %jit3A_275, %sign3A_287 : i32
      %sign3A_289 = arith.extui %sign3A_288 : i1 to i32
      %sign3A_290 = arith.subi %sign3A_286, %sign3A_289 : i32
      %ne3A_291 = arith.cmpi ne, %sign3A_283, %sign3A_290 : i32
      %rem3A_292 = arith.remsi %add3A_274, %jit3A_275 : i32
      %ne3A_293 = arith.constant 0 : i32
      %ne3A_294 = arith.cmpi ne, %rem3A_292, %ne3A_293 : i32
      %and3A_295 = arith.andi %ne3A_291, %ne3A_294 : i1
      %sub3A_296 = arith.constant 1 : i32
      %sub3A_297 = arith.subi %div3A_276, %sub3A_296 : i32
      %select_n3A_298 = arith.select %and3A_295, %sub3A_297, %div3A_276 : i32
      %rem3A_299 = arith.constant 128 : i32
      %rem3A_300 = arith.remsi %add3A_274, %rem3A_299 : i32
      %lt3A = arith.constant 199 : i32
      %lt3A_301 = arith.cmpi slt, %add3A_267, %lt3A : i32
      %convert_element_type3A = arith.extui %lt3A_301 : i1 to i32
      %cond3A = arith.constant 0 : i32
      %cond3A_302 = arith.cmpi ne, %convert_element_type3A, %cond3A : i32
      scf.if %cond3A_302 {
        %dma_wait3A_3721 = arith.constant 0 : i32
        %dma_wait3A_3722 = arith.constant 0 : i32
        %dma_wait3A_3723 = tpu.memref_slice %arg5[%rem3A_273, %dma_wait3A_3722] : memref<2x128xi32, #tpu.memory_space<vmem>> -> memref<1x128xi32, #tpu.memory_space<vmem>>
        %dma_wait3A_3724 = tpu.memref_squeeze %dma_wait3A_3723 : memref<1x128xi32, #tpu.memory_space<vmem>> -> memref<128xi32, #tpu.memory_space<vmem>>
        %dma_wait3A_3725 = arith.constant 0 : i32
        %dma_wait3A_3726 = tpu.memref_slice %arg3[%dma_wait3A_3721, %dma_wait3A_3725] : memref<50x16384xi32, #tpu.memory_space<hbm>> -> memref<1x128xi32, #tpu.memory_space<hbm>>
        %dma_wait3A_3727 = tpu.memref_squeeze %dma_wait3A_3726 : memref<1x128xi32, #tpu.memory_space<hbm>> -> memref<128xi32, #tpu.memory_space<hbm>>
        %dma_wait3A_3728 = arith.constant 0 : i32
        %dma_wait3A_3729 = tpu.memref_slice %arg5[%rem3A_273, %dma_wait3A_3728] : memref<2x128xi32, #tpu.memory_space<vmem>> -> memref<1x128xi32, #tpu.memory_space<vmem>>
        %dma_wait3A_3730 = tpu.memref_squeeze %dma_wait3A_3729 : memref<1x128xi32, #tpu.memory_space<vmem>> -> memref<128xi32, #tpu.memory_space<vmem>>
        %dma_wait3A_3731 = arith.constant 0 : i32
        %dma_wait3A_3732 = tpu.memref_slice %arg3[%dma_wait3A_3721, %dma_wait3A_3731] : memref<50x16384xi32, #tpu.memory_space<hbm>> -> memref<1x128xi32, #tpu.memory_space<hbm>>
        %dma_wait3A_3733 = tpu.memref_squeeze %dma_wait3A_3732 : memref<1x128xi32, #tpu.memory_space<hbm>> -> memref<128xi32, #tpu.memory_space<hbm>>
        tpu.wait_dma2 semaphore(%arg10 : memref<!tpu.dma_semaphore, #tpu.memory_space<semaphore_mem>>) src(%dma_wait3A_3733 : memref<128xi32, #tpu.memory_space<hbm>>) dst(%dma_wait3A_3730 : memref<128xi32, #tpu.memory_space<vmem>>)
        %dma_start3A_3734 = arith.constant 0 : i32
        %dma_start3A_3735 = arith.constant 0 : i32
        %dma_start3A_3736 = tpu.memref_slice %arg6[%rem3A_273, %dma_start3A_3734, %dma_start3A_3735] : memref<2x128x32xf32, #tpu.memory_space<vmem>> -> memref<1x128x32xf32, #tpu.memory_space<vmem>>
        %dma_start3A_3737 = tpu.memref_squeeze %dma_start3A_3736 : memref<1x128x32xf32, #tpu.memory_space<vmem>> -> memref<128x32xf32, #tpu.memory_space<vmem>>
        %dma_start3A_3738 = arith.constant 0 : i32
        %dma_start3A_3739 = tpu.memref_slice %arg5[%rem3A_273, %dma_start3A_3738] : memref<2x128xi32, #tpu.memory_space<vmem>> -> memref<1x128xi32, #tpu.memory_space<vmem>>
        %dma_start3A_3740 = tpu.memref_squeeze %dma_start3A_3739 : memref<1x128xi32, #tpu.memory_space<vmem>> -> memref<128xi32, #tpu.memory_space<vmem>>
        %dma_start3A_3741 = arith.constant 0 : i32
        %dma_start3A_3742 = arith.constant 0 : i32
        %dma_start3A_3743 = tpu.memref_slice %arg2[%dma_start3A_3741, %dma_start3A_3742] : memref<1000000x32xf32, #tpu.memory_space<hbm>> -> memref<1000000x32xf32, #tpu.memory_space<hbm>>
        tpu.enqueue_indirect_dma source(%dma_start3A_3743 : memref<1000000x32xf32, #tpu.memory_space<hbm>>) target(%dma_start3A_3737 : memref<128x32xf32, #tpu.memory_space<vmem>>) offsets(%dma_start3A_3740 : memref<128xi32, #tpu.memory_space<vmem>>) semaphore(%arg8 : memref<!tpu.dma_semaphore, #tpu.memory_space<semaphore_mem>>)
      } else {
      }
      %dma_wait3A_303 = arith.constant 0 : i32
      %dma_wait3A_304 = arith.constant 0 : i32
      %dma_wait3A_305 = tpu.memref_slice %arg6[%rem3A_269, %dma_wait3A_303, %dma_wait3A_304] : memref<2x128x32xf32, #tpu.memory_space<vmem>> -> memref<1x128x32xf32, #tpu.memory_space<vmem>>
      %dma_wait3A_306 = tpu.memref_squeeze %dma_wait3A_305 : memref<1x128x32xf32, #tpu.memory_space<vmem>> -> memref<128x32xf32, #tpu.memory_space<vmem>>
      %dma_wait3A_307 = arith.constant 0 : i32
      %dma_wait3A_308 = tpu.memref_slice %arg5[%rem3A_269, %dma_wait3A_307] : memref<2x128xi32, #tpu.memory_space<vmem>> -> memref<1x128xi32, #tpu.memory_space<vmem>>
      %dma_wait3A_309 = tpu.memref_squeeze %dma_wait3A_308 : memref<1x128xi32, #tpu.memory_space<vmem>> -> memref<128xi32, #tpu.memory_space<vmem>>
      %dma_wait3A_310 = arith.constant 0 : i32
      %dma_wait3A_311 = arith.constant 0 : i32
      %dma_wait3A_312 = tpu.memref_slice %arg2[%dma_wait3A_310, %dma_wait3A_311] : memref<1000000x32xf32, #tpu.memory_space<hbm>> -> memref<1000000x32xf32, #tpu.memory_space<hbm>>
      tpu.wait_indirect_dma semaphore(%arg8 : memref<!tpu.dma_semaphore, #tpu.memory_space<semaphore_mem>>) src(%dma_wait3A_312 : memref<1000000x32xf32, #tpu.memory_space<hbm>>) dst(%dma_wait3A_306 : memref<128x32xf32, #tpu.memory_space<vmem>>)
      %lt3A_313 = arith.constant 198 : i32
      %lt3A_314 = arith.cmpi slt, %add3A_267, %lt3A_313 : i32
      %convert_element_type3A_315 = arith.extui %lt3A_314 : i1 to i32
      %cond3A_316 = arith.constant 0 : i32
      %cond3A_317 = arith.cmpi ne, %convert_element_type3A_315, %cond3A_316 : i32
      scf.if %cond3A_317 {
        %add3A_3721 = arith.constant 2 : i32
        %add3A_3722 = arith.addi %add3A_274, %add3A_3721 : i32
        %jit3A_3723 = arith.constant 128 : i32
        %div3A_3724 = arith.divsi %add3A_3722, %jit3A_3723 : i32
        %sign3A_3725 = arith.constant 0 : i32
        %sign3A_3726 = arith.cmpi sgt, %add3A_3722, %sign3A_3725 : i32
        %sign3A_3727 = arith.extui %sign3A_3726 : i1 to i32
        %sign3A_3728 = arith.constant 0 : i32
        %sign3A_3729 = arith.cmpi slt, %add3A_3722, %sign3A_3728 : i32
        %sign3A_3730 = arith.extui %sign3A_3729 : i1 to i32
        %sign3A_3731 = arith.subi %sign3A_3727, %sign3A_3730 : i32
        %sign3A_3732 = arith.constant 0 : i32
        %sign3A_3733 = arith.cmpi sgt, %jit3A_3723, %sign3A_3732 : i32
        %sign3A_3734 = arith.extui %sign3A_3733 : i1 to i32
        %sign3A_3735 = arith.constant 0 : i32
        %sign3A_3736 = arith.cmpi slt, %jit3A_3723, %sign3A_3735 : i32
        %sign3A_3737 = arith.extui %sign3A_3736 : i1 to i32
        %sign3A_3738 = arith.subi %sign3A_3734, %sign3A_3737 : i32
        %ne3A_3739 = arith.cmpi ne, %sign3A_3731, %sign3A_3738 : i32
        %rem3A_3740 = arith.remsi %add3A_3722, %jit3A_3723 : i32
        %ne3A_3741 = arith.constant 0 : i32
        %ne3A_3742 = arith.cmpi ne, %rem3A_3740, %ne3A_3741 : i32
        %and3A_3743 = arith.andi %ne3A_3739, %ne3A_3742 : i1
        %sub3A_3744 = arith.constant 1 : i32
        %sub3A_3745 = arith.subi %div3A_3724, %sub3A_3744 : i32
        %select_n3A_3746 = arith.select %and3A_3743, %sub3A_3745, %div3A_3724 : i32
        %rem3A_3747 = arith.constant 128 : i32
        %rem3A_3748 = arith.remsi %add3A_3722, %rem3A_3747 : i32
        %mul3A_3749 = arith.constant 128 : i32
        %mul3A_3750 = arith.muli %rem3A_3748, %mul3A_3749 : i32
        %dma_start3A_3751 = arith.constant 0 : i32
        %dma_start3A_3752 = tpu.memref_slice %arg5[%rem3A_269, %dma_start3A_3751] : memref<2x128xi32, #tpu.memory_space<vmem>> -> memref<1x128xi32, #tpu.memory_space<vmem>>
        %dma_start3A_3753 = tpu.memref_squeeze %dma_start3A_3752 : memref<1x128xi32, #tpu.memory_space<vmem>> -> memref<128xi32, #tpu.memory_space<vmem>>
        %dma_start3A_3754 = tpu.memref_slice %arg3[%select_n3A_3746, %mul3A_3750] : memref<50x16384xi32, #tpu.memory_space<hbm>> -> memref<1x128xi32, #tpu.memory_space<hbm>>
        %dma_start3A_3755 = tpu.memref_squeeze %dma_start3A_3754 : memref<1x128xi32, #tpu.memory_space<hbm>> -> memref<128xi32, #tpu.memory_space<hbm>>
        %dma_start3A_3756 = arith.constant 0 : i32
        %dma_start3A_3757 = tpu.memref_slice %arg5[%rem3A_269, %dma_start3A_3756] : memref<2x128xi32, #tpu.memory_space<vmem>> -> memref<1x128xi32, #tpu.memory_space<vmem>>
        %dma_start3A_3758 = tpu.memref_squeeze %dma_start3A_3757 : memref<1x128xi32, #tpu.memory_space<vmem>> -> memref<128xi32, #tpu.memory_space<vmem>>
        %dma_start3A_3759 = tpu.memref_slice %arg3[%select_n3A_3746, %mul3A_3750] : memref<50x16384xi32, #tpu.memory_space<hbm>> -> memref<1x128xi32, #tpu.memory_space<hbm>>
        %dma_start3A_3760 = tpu.memref_squeeze %dma_start3A_3759 : memref<1x128xi32, #tpu.memory_space<hbm>> -> memref<128xi32, #tpu.memory_space<hbm>>
        tpu.enqueue_dma source(%dma_start3A_3760 : memref<128xi32, #tpu.memory_space<hbm>>) target(%dma_start3A_3758 : memref<128xi32, #tpu.memory_space<vmem>>) target_semaphore(%arg10 : memref<!tpu.dma_semaphore, #tpu.memory_space<semaphore_mem>>)
      } else {
      }
      %ge3A = arith.constant 2 : i32
      %ge3A_318 = arith.cmpi sge, %add3A_267, %ge3A : i32
      %convert_element_type3A_319 = arith.extui %ge3A_318 : i1 to i32
      %cond3A_320 = arith.constant 0 : i32
      %cond3A_321 = arith.cmpi ne, %convert_element_type3A_319, %cond3A_320 : i32
      scf.if %cond3A_321 {
        %dma_wait3A_3721 = arith.constant 0 : i32
        %dma_wait3A_3722 = arith.constant 0 : i32
        %dma_wait3A_3723 = arith.constant 0 : i32
        %dma_wait3A_3724 = tpu.memref_slice %arg7[%rem3A_269, %dma_wait3A_3722, %dma_wait3A_3723] : memref<2x32x129xf32, #tpu.memory_space<vmem>> -> memref<1x8x128xf32, #tpu.memory_space<vmem>>
        %dma_wait3A_3725 = tpu.memref_squeeze %dma_wait3A_3724 : memref<1x8x128xf32, #tpu.memory_space<vmem>> -> memref<8x128xf32, #tpu.memory_space<vmem>>
        %dma_wait3A_3726 = arith.constant 0 : i32
        %dma_wait3A_3727 = arith.constant 0 : i32
        %dma_wait3A_3728 = tpu.memref_slice %arg4[%select_n3A_298, %dma_wait3A_3721, %rem3A_300, %dma_wait3A_3726, %dma_wait3A_3727] : memref<50x4x128x8x128xf32, #tpu.memory_space<hbm>> -> memref<1x1x1x8x128xf32, #tpu.memory_space<hbm>>
        %dma_wait3A_3729 = tpu.memref_squeeze %dma_wait3A_3728 : memref<1x1x1x8x128xf32, #tpu.memory_space<hbm>> -> memref<8x128xf32, #tpu.memory_space<hbm>>
        %dma_wait3A_3730 = arith.constant 0 : i32
        %dma_wait3A_3731 = arith.constant 0 : i32
        %dma_wait3A_3732 = tpu.memref_slice %arg4[%select_n3A_298, %dma_wait3A_3721, %rem3A_300, %dma_wait3A_3730, %dma_wait3A_3731] : memref<50x4x128x8x128xf32, #tpu.memory_space<hbm>> -> memref<1x1x1x8x128xf32, #tpu.memory_space<hbm>>
        %dma_wait3A_3733 = tpu.memref_squeeze %dma_wait3A_3732 : memref<1x1x1x8x128xf32, #tpu.memory_space<hbm>> -> memref<8x128xf32, #tpu.memory_space<hbm>>
        %dma_wait3A_3734 = arith.constant 0 : i32
        %dma_wait3A_3735 = arith.constant 0 : i32
        %dma_wait3A_3736 = tpu.memref_slice %arg7[%rem3A_269, %dma_wait3A_3734, %dma_wait3A_3735] : memref<2x32x129xf32, #tpu.memory_space<vmem>> -> memref<1x8x128xf32, #tpu.memory_space<vmem>>
        %dma_wait3A_3737 = tpu.memref_squeeze %dma_wait3A_3736 : memref<1x8x128xf32, #tpu.memory_space<vmem>> -> memref<8x128xf32, #tpu.memory_space<vmem>>
        tpu.wait_dma2 semaphore(%arg9 : memref<!tpu.dma_semaphore, #tpu.memory_space<semaphore_mem>>) src(%dma_wait3A_3737 : memref<8x128xf32, #tpu.memory_space<vmem>>) dst(%dma_wait3A_3733 : memref<8x128xf32, #tpu.memory_space<hbm>>)
        %dma_wait3A_3738 = arith.constant 1 : i32
        %dma_wait3A_3739 = arith.constant 8 : i32
        %dma_wait3A_3740 = arith.constant 0 : i32
        %dma_wait3A_3741 = tpu.memref_slice %arg7[%rem3A_269, %dma_wait3A_3739, %dma_wait3A_3740] : memref<2x32x129xf32, #tpu.memory_space<vmem>> -> memref<1x8x128xf32, #tpu.memory_space<vmem>>
        %dma_wait3A_3742 = tpu.memref_squeeze %dma_wait3A_3741 : memref<1x8x128xf32, #tpu.memory_space<vmem>> -> memref<8x128xf32, #tpu.memory_space<vmem>>
        %dma_wait3A_3743 = arith.constant 0 : i32
        %dma_wait3A_3744 = arith.constant 0 : i32
        %dma_wait3A_3745 = tpu.memref_slice %arg4[%select_n3A_298, %dma_wait3A_3738, %rem3A_300, %dma_wait3A_3743, %dma_wait3A_3744] : memref<50x4x128x8x128xf32, #tpu.memory_space<hbm>> -> memref<1x1x1x8x128xf32, #tpu.memory_space<hbm>>
        %dma_wait3A_3746 = tpu.memref_squeeze %dma_wait3A_3745 : memref<1x1x1x8x128xf32, #tpu.memory_space<hbm>> -> memref<8x128xf32, #tpu.memory_space<hbm>>
        %dma_wait3A_3747 = arith.constant 0 : i32
        %dma_wait3A_3748 = arith.constant 0 : i32
        %dma_wait3A_3749 = tpu.memref_slice %arg4[%select_n3A_298, %dma_wait3A_3738, %rem3A_300, %dma_wait3A_3747, %dma_wait3A_3748] : memref<50x4x128x8x128xf32, #tpu.memory_space<hbm>> -> memref<1x1x1x8x128xf32, #tpu.memory_space<hbm>>
        %dma_wait3A_3750 = tpu.memref_squeeze %dma_wait3A_3749 : memref<1x1x1x8x128xf32, #tpu.memory_space<hbm>> -> memref<8x128xf32, #tpu.memory_space<hbm>>
        %dma_wait3A_3751 = arith.constant 8 : i32
        %dma_wait3A_3752 = arith.constant 0 : i32
        %dma_wait3A_3753 = tpu.memref_slice %arg7[%rem3A_269, %dma_wait3A_3751, %dma_wait3A_3752] : memref<2x32x129xf32, #tpu.memory_space<vmem>> -> memref<1x8x128xf32, #tpu.memory_space<vmem>>
        %dma_wait3A_3754 = tpu.memref_squeeze %dma_wait3A_3753 : memref<1x8x128xf32, #tpu.memory_space<vmem>> -> memref<8x128xf32, #tpu.memory_space<vmem>>
        tpu.wait_dma2 semaphore(%arg9 : memref<!tpu.dma_semaphore, #tpu.memory_space<semaphore_mem>>) src(%dma_wait3A_3754 : memref<8x128xf32, #tpu.memory_space<vmem>>) dst(%dma_wait3A_3750 : memref<8x128xf32, #tpu.memory_space<hbm>>)
        %dma_wait3A_3755 = arith.constant 2 : i32
        %dma_wait3A_3756 = arith.constant 16 : i32
        %dma_wait3A_3757 = arith.constant 0 : i32
        %dma_wait3A_3758 = tpu.memref_slice %arg7[%rem3A_269, %dma_wait3A_3756, %dma_wait3A_3757] : memref<2x32x129xf32, #tpu.memory_space<vmem>> -> memref<1x8x128xf32, #tpu.memory_space<vmem>>
        %dma_wait3A_3759 = tpu.memref_squeeze %dma_wait3A_3758 : memref<1x8x128xf32, #tpu.memory_space<vmem>> -> memref<8x128xf32, #tpu.memory_space<vmem>>
        %dma_wait3A_3760 = arith.constant 0 : i32
        %dma_wait3A_3761 = arith.constant 0 : i32
        %dma_wait3A_3762 = tpu.memref_slice %arg4[%select_n3A_298, %dma_wait3A_3755, %rem3A_300, %dma_wait3A_3760, %dma_wait3A_3761] : memref<50x4x128x8x128xf32, #tpu.memory_space<hbm>> -> memref<1x1x1x8x128xf32, #tpu.memory_space<hbm>>
        %dma_wait3A_3763 = tpu.memref_squeeze %dma_wait3A_3762 : memref<1x1x1x8x128xf32, #tpu.memory_space<hbm>> -> memref<8x128xf32, #tpu.memory_space<hbm>>
        %dma_wait3A_3764 = arith.constant 0 : i32
        %dma_wait3A_3765 = arith.constant 0 : i32
        %dma_wait3A_3766 = tpu.memref_slice %arg4[%select_n3A_298, %dma_wait3A_3755, %rem3A_300, %dma_wait3A_3764, %dma_wait3A_3765] : memref<50x4x128x8x128xf32, #tpu.memory_space<hbm>> -> memref<1x1x1x8x128xf32, #tpu.memory_space<hbm>>
        %dma_wait3A_3767 = tpu.memref_squeeze %dma_wait3A_3766 : memref<1x1x1x8x128xf32, #tpu.memory_space<hbm>> -> memref<8x128xf32, #tpu.memory_space<hbm>>
        %dma_wait3A_3768 = arith.constant 16 : i32
        %dma_wait3A_3769 = arith.constant 0 : i32
        %dma_wait3A_3770 = tpu.memref_slice %arg7[%rem3A_269, %dma_wait3A_3768, %dma_wait3A_3769] : memref<2x32x129xf32, #tpu.memory_space<vmem>> -> memref<1x8x128xf32, #tpu.memory_space<vmem>>
        %dma_wait3A_3771 = tpu.memref_squeeze %dma_wait3A_3770 : memref<1x8x128xf32, #tpu.memory_space<vmem>> -> memref<8x128xf32, #tpu.memory_space<vmem>>
        tpu.wait_dma2 semaphore(%arg9 : memref<!tpu.dma_semaphore, #tpu.memory_space<semaphore_mem>>) src(%dma_wait3A_3771 : memref<8x128xf32, #tpu.memory_space<vmem>>) dst(%dma_wait3A_3767 : memref<8x128xf32, #tpu.memory_space<hbm>>)
        %dma_wait3A_3772 = arith.constant 3 : i32
        %dma_wait3A_3773 = arith.constant 24 : i32
        %dma_wait3A_3774 = arith.constant 0 : i32
        %dma_wait3A_3775 = tpu.memref_slice %arg7[%rem3A_269, %dma_wait3A_3773, %dma_wait3A_3774] : memref<2x32x129xf32, #tpu.memory_space<vmem>> -> memref<1x8x128xf32, #tpu.memory_space<vmem>>
        %dma_wait3A_3776 = tpu.memref_squeeze %dma_wait3A_3775 : memref<1x8x128xf32, #tpu.memory_space<vmem>> -> memref<8x128xf32, #tpu.memory_space<vmem>>
        %dma_wait3A_3777 = arith.constant 0 : i32
        %dma_wait3A_3778 = arith.constant 0 : i32
        %dma_wait3A_3779 = tpu.memref_slice %arg4[%select_n3A_298, %dma_wait3A_3772, %rem3A_300, %dma_wait3A_3777, %dma_wait3A_3778] : memref<50x4x128x8x128xf32, #tpu.memory_space<hbm>> -> memref<1x1x1x8x128xf32, #tpu.memory_space<hbm>>
        %dma_wait3A_3780 = tpu.memref_squeeze %dma_wait3A_3779 : memref<1x1x1x8x128xf32, #tpu.memory_space<hbm>> -> memref<8x128xf32, #tpu.memory_space<hbm>>
        %dma_wait3A_3781 = arith.constant 0 : i32
        %dma_wait3A_3782 = arith.constant 0 : i32
        %dma_wait3A_3783 = tpu.memref_slice %arg4[%select_n3A_298, %dma_wait3A_3772, %rem3A_300, %dma_wait3A_3781, %dma_wait3A_3782] : memref<50x4x128x8x128xf32, #tpu.memory_space<hbm>> -> memref<1x1x1x8x128xf32, #tpu.memory_space<hbm>>
        %dma_wait3A_3784 = tpu.memref_squeeze %dma_wait3A_3783 : memref<1x1x1x8x128xf32, #tpu.memory_space<hbm>> -> memref<8x128xf32, #tpu.memory_space<hbm>>
        %dma_wait3A_3785 = arith.constant 24 : i32
        %dma_wait3A_3786 = arith.constant 0 : i32
        %dma_wait3A_3787 = tpu.memref_slice %arg7[%rem3A_269, %dma_wait3A_3785, %dma_wait3A_3786] : memref<2x32x129xf32, #tpu.memory_space<vmem>> -> memref<1x8x128xf32, #tpu.memory_space<vmem>>
        %dma_wait3A_3788 = tpu.memref_squeeze %dma_wait3A_3787 : memref<1x8x128xf32, #tpu.memory_space<vmem>> -> memref<8x128xf32, #tpu.memory_space<vmem>>
        tpu.wait_dma2 semaphore(%arg9 : memref<!tpu.dma_semaphore, #tpu.memory_space<semaphore_mem>>) src(%dma_wait3A_3788 : memref<8x128xf32, #tpu.memory_space<vmem>>) dst(%dma_wait3A_3784 : memref<8x128xf32, #tpu.memory_space<hbm>>)
      } else {
      }
      %add3A_322 = arith.constant 0 : i32
      %add3A_323 = vector.broadcast %add3A_322 : i32 to vector<16xi32>
      %add3A_324 = arith.addi %iota3A, %add3A_323 : vector<16xi32>
      %add3A_325 = arith.constant 16 : i32
      %add3A_326 = vector.broadcast %add3A_325 : i32 to vector<16xi32>
      %add3A_327 = arith.addi %iota3A, %add3A_326 : vector<16xi32>
      %broadcast_in_dim3A = arith.constant 0 : i32
      %broadcast_in_dim3A_328 = vector.broadcast %broadcast_in_dim3A : i32 to vector<16xi32>
      %get3A = arith.constant 0 : i32
      %get3A_329 = arith.constant 0 : i32
      %get3A_330 = arith.constant 0 : i32
      %get3A_331 = tpu.memref_slice %arg6[%rem3A_269, %get3A_329, %get3A_330] : memref<2x128x32xf32, #tpu.memory_space<vmem>> -> memref<1x128x32xf32, #tpu.memory_space<vmem>>
      %get3A_332 = tpu.memref_squeeze %get3A_331 : memref<1x128x32xf32, #tpu.memory_space<vmem>> -> memref<128x32xf32, #tpu.memory_space<vmem>>
      %get3A_333 = arith.index_cast %get3A : i32 to index
      %get3A_334 = arith.constant 0 : index
      %get3A_335 = tpu.vector_load %get3A_332[%get3A_333, %get3A_334] {strides = array<i32>} : memref<128x32xf32, #tpu.memory_space<vmem>>, vector<16xf32>,
      %scatter3A = arith.constant 0 : i32
      %scatter3A_336 = arith.constant 0 : i32
      %scatter3A_337 = tpu.memref_slice %arg7[%rem3A_269, %scatter3A, %scatter3A_336] : memref<2x32x129xf32, #tpu.memory_space<vmem>> -> memref<1x32x129xf32, #tpu.memory_space<vmem>>
      %scatter3A_338 = tpu.memref_squeeze %scatter3A_337 : memref<1x32x129xf32, #tpu.memory_space<vmem>> -> memref<32x129xf32, #tpu.memory_space<vmem>>
      tpu.vector_store_idx %scatter3A_338[%add3A_324, %broadcast_in_dim3A_328], %get3A_335 : memref<32x129xf32, #tpu.memory_space<vmem>>[vector<16xi32>, vector<16xi32>], vector<16xf32>,
      %get3A_339 = arith.constant 0 : i32
      %get3A_340 = arith.constant 0 : i32
      %get3A_341 = arith.constant 0 : i32
      %get3A_342 = tpu.memref_slice %arg6[%rem3A_269, %get3A_340, %get3A_341] : memref<2x128x32xf32, #tpu.memory_space<vmem>> -> memref<1x128x32xf32, #tpu.memory_space<vmem>>
      %get3A_343 = tpu.memref_squeeze %get3A_342 : memref<1x128x32xf32, #tpu.memory_space<vmem>> -> memref<128x32xf32, #tpu.memory_space<vmem>>
      %get3A_344 = arith.index_cast %get3A_339 : i32 to index
      %get3A_345 = arith.constant 16 : index
      %get3A_346 = tpu.vector_load %get3A_343[%get3A_344, %get3A_345] {strides = array<i32>} : memref<128x32xf32, #tpu.memory_space<vmem>>, vector<16xf32>,
      %scatter3A_347 = arith.constant 0 : i32
      %scatter3A_348 = arith.constant 0 : i32
      %scatter3A_349 = tpu.memref_slice %arg7[%rem3A_269, %scatter3A_347, %scatter3A_348] : memref<2x32x129xf32, #tpu.memory_space<vmem>> -> memref<1x32x129xf32, #tpu.memory_space<vmem>>
      %scatter3A_350 = tpu.memref_squeeze %scatter3A_349 : memref<1x32x129xf32, #tpu.memory_space<vmem>> -> memref<32x129xf32, #tpu.memory_space<vmem>>
      tpu.vector_store_idx %scatter3A_350[%add3A_327, %broadcast_in_dim3A_328], %get3A_346 : memref<32x129xf32, #tpu.memory_space<vmem>>[vector<16xi32>, vector<16xi32>], vector<16xf32>,
      %broadcast_in_dim3A_351 = arith.constant 1 : i32
      %broadcast_in_dim3A_352 = vector.broadcast %broadcast_in_dim3A_351 : i32 to vector<16xi32>
      %get3A_353 = arith.constant 1 : i32
      %get3A_354 = arith.constant 0 : i32
      %get3A_355 = arith.constant 0 : i32
      %get3A_356 = tpu.memref_slice %arg6[%rem3A_269, %get3A_354, %get3A_355] : memref<2x128x32xf32, #tpu.memory_space<vmem>> -> memref<1x128x32xf32, #tpu.memory_space<vmem>>
      %get3A_357 = tpu.memref_squeeze %get3A_356 : memref<1x128x32xf32, #tpu.memory_space<vmem>> -> memref<128x32xf32, #tpu.memory_space<vmem>>
      %get3A_358 = arith.index_cast %get3A_353 : i32 to index
      %get3A_359 = arith.constant 0 : index
      %get3A_360 = tpu.vector_load %get3A_357[%get3A_358, %get3A_359] {strides = array<i32>} : memref<128x32xf32, #tpu.memory_space<vmem>>, vector<16xf32>,
      %scatter3A_361 = arith.constant 0 : i32
      %scatter3A_362 = arith.constant 0 : i32
      %scatter3A_363 = tpu.memref_slice %arg7[%rem3A_269, %scatter3A_361, %scatter3A_362] : memref<2x32x129xf32, #tpu.memory_space<vmem>> -> memref<1x32x129xf32, #tpu.memory_space<vmem>>
      %scatter3A_364 = tpu.memref_squeeze %scatter3A_363 : memref<1x32x129xf32, #tpu.memory_space<vmem>> -> memref<32x129xf32, #tpu.memory_space<vmem>>
      tpu.vector_store_idx %scatter3A_364[%add3A_324, %broadcast_in_dim3A_352], %get3A_360 : memref<32x129xf32, #tpu.memory_space<vmem>>[vector<16xi32>, vector<16xi32>], vector<16xf32>,
      %get3A_365 = arith.constant 1 : i32
      %get3A_366 = arith.constant 0 : i32
      %get3A_367 = arith.constant 0 : i32
      %get3A_368 = tpu.memref_slice %arg6[%rem3A_269, %get3A_366, %get3A_367] : memref<2x128x32xf32, #tpu.memory_space<vmem>> -> memref<1x128x32xf32, #tpu.memory_space<vmem>>
      %get3A_369 = tpu.memref_squeeze %get3A_368 : memref<1x128x32xf32, #tpu.memory_space<vmem>> -> memref<128x32xf32, #tpu.memory_space<vmem>>
      %get3A_370 = arith.index_cast %get3A_365 : i32 to index
      %get3A_371 = arith.constant 16 : index
      %get3A_372 = tpu.vector_load %get3A_369[%get3A_370, %get3A_371] {strides = array<i32>} : memref<128x32xf32, #tpu.memory_space<vmem>>, vector<16xf32>,
      %scatter3A_373 = arith.constant 0 : i32
      %scatter3A_374 = arith.constant 0 : i32
      %scatter3A_375 = tpu.memref_slice %arg7[%rem3A_269, %scatter3A_373, %scatter3A_374] : memref<2x32x129xf32, #tpu.memory_space<vmem>> -> memref<1x32x129xf32, #tpu.memory_space<vmem>>
      %scatter3A_376 = tpu.memref_squeeze %scatter3A_375 : memref<1x32x129xf32, #tpu.memory_space<vmem>> -> memref<32x129xf32, #tpu.memory_space<vmem>>
      tpu.vector_store_idx %scatter3A_376[%add3A_327, %broadcast_in_dim3A_352], %get3A_372 : memref<32x129xf32, #tpu.memory_space<vmem>>[vector<16xi32>, vector<16xi32>], vector<16xf32>,
      %broadcast_in_dim3A_377 = arith.constant 2 : i32
      %broadcast_in_dim3A_378 = vector.broadcast %broadcast_in_dim3A_377 : i32 to vector<16xi32>
      %get3A_379 = arith.constant 2 : i32
      %get3A_380 = arith.constant 0 : i32
      %get3A_381 = arith.constant 0 : i32
      %get3A_382 = tpu.memref_slice %arg6[%rem3A_269, %get3A_380, %get3A_381] : memref<2x128x32xf32, #tpu.memory_space<vmem>> -> memref<1x128x32xf32, #tpu.memory_space<vmem>>
      %get3A_383 = tpu.memref_squeeze %get3A_382 : memref<1x128x32xf32, #tpu.memory_space<vmem>> -> memref<128x32xf32, #tpu.memory_space<vmem>>
      %get3A_384 = arith.index_cast %get3A_379 : i32 to index
      %get3A_385 = arith.constant 0 : index
      %get3A_386 = tpu.vector_load %get3A_383[%get3A_384, %get3A_385] {strides = array<i32>} : memref<128x32xf32, #tpu.memory_space<vmem>>, vector<16xf32>,
      %scatter3A_387 = arith.constant 0 : i32
      %scatter3A_388 = arith.constant 0 : i32
      %scatter3A_389 = tpu.memref_slice %arg7[%rem3A_269, %scatter3A_387, %scatter3A_388] : memref<2x32x129xf32, #tpu.memory_space<vmem>> -> memref<1x32x129xf32, #tpu.memory_space<vmem>>
      %scatter3A_390 = tpu.memref_squeeze %scatter3A_389 : memref<1x32x129xf32, #tpu.memory_space<vmem>> -> memref<32x129xf32, #tpu.memory_space<vmem>>
      tpu.vector_store_idx %scatter3A_390[%add3A_324, %broadcast_in_dim3A_378], %get3A_386 : memref<32x129xf32, #tpu.memory_space<vmem>>[vector<16xi32>, vector<16xi32>], vector<16xf32>,
      %get3A_391 = arith.constant 2 : i32
      %get3A_392 = arith.constant 0 : i32
      %get3A_393 = arith.constant 0 : i32
      %get3A_394 = tpu.memref_slice %arg6[%rem3A_269, %get3A_392, %get3A_393] : memref<2x128x32xf32, #tpu.memory_space<vmem>> -> memref<1x128x32xf32, #tpu.memory_space<vmem>>
      %get3A_395 = tpu.memref_squeeze %get3A_394 : memref<1x128x32xf32, #tpu.memory_space<vmem>> -> memref<128x32xf32, #tpu.memory_space<vmem>>
      %get3A_396 = arith.index_cast %get3A_391 : i32 to index
      %get3A_397 = arith.constant 16 : index
      %get3A_398 = tpu.vector_load %get3A_395[%get3A_396, %get3A_397] {strides = array<i32>} : memref<128x32xf32, #tpu.memory_space<vmem>>, vector<16xf32>,
      %scatter3A_399 = arith.constant 0 : i32
      %scatter3A_400 = arith.constant 0 : i32
      %scatter3A_401 = tpu.memref_slice %arg7[%rem3A_269, %scatter3A_399, %scatter3A_400] : memref<2x32x129xf32, #tpu.memory_space<vmem>> -> memref<1x32x129xf32, #tpu.memory_space<vmem>>
      %scatter3A_402 = tpu.memref_squeeze %scatter3A_401 : memref<1x32x129xf32, #tpu.memory_space<vmem>> -> memref<32x129xf32, #tpu.memory_space<vmem>>
      tpu.vector_store_idx %scatter3A_402[%add3A_327, %broadcast_in_dim3A_378], %get3A_398 : memref<32x129xf32, #tpu.memory_space<vmem>>[vector<16xi32>, vector<16xi32>], vector<16xf32>,
      %broadcast_in_dim3A_403 = arith.constant 3 : i32
      %broadcast_in_dim3A_404 = vector.broadcast %broadcast_in_dim3A_403 : i32 to vector<16xi32>
      %get3A_405 = arith.constant 3 : i32
      %get3A_406 = arith.constant 0 : i32
      %get3A_407 = arith.constant 0 : i32
      %get3A_408 = tpu.memref_slice %arg6[%rem3A_269, %get3A_406, %get3A_407] : memref<2x128x32xf32, #tpu.memory_space<vmem>> -> memref<1x128x32xf32, #tpu.memory_space<vmem>>
      %get3A_409 = tpu.memref_squeeze %get3A_408 : memref<1x128x32xf32, #tpu.memory_space<vmem>> -> memref<128x32xf32, #tpu.memory_space<vmem>>
      %get3A_410 = arith.index_cast %get3A_405 : i32 to index
      %get3A_411 = arith.constant 0 : index
      %get3A_412 = tpu.vector_load %get3A_409[%get3A_410, %get3A_411] {strides = array<i32>} : memref<128x32xf32, #tpu.memory_space<vmem>>, vector<16xf32>,
      %scatter3A_413 = arith.constant 0 : i32
      %scatter3A_414 = arith.constant 0 : i32
      %scatter3A_415 = tpu.memref_slice %arg7[%rem3A_269, %scatter3A_413, %scatter3A_414] : memref<2x32x129xf32, #tpu.memory_space<vmem>> -> memref<1x32x129xf32, #tpu.memory_space<vmem>>
      %scatter3A_416 = tpu.memref_squeeze %scatter3A_415 : memref<1x32x129xf32, #tpu.memory_space<vmem>> -> memref<32x129xf32, #tpu.memory_space<vmem>>
      tpu.vector_store_idx %scatter3A_416[%add3A_324, %broadcast_in_dim3A_404], %get3A_412 : memref<32x129xf32, #tpu.memory_space<vmem>>[vector<16xi32>, vector<16xi32>], vector<16xf32>,
      %get3A_417 = arith.constant 3 : i32
      %get3A_418 = arith.constant 0 : i32
      %get3A_419 = arith.constant 0 : i32
      %get3A_420 = tpu.memref_slice %arg6[%rem3A_269, %get3A_418, %get3A_419] : memref<2x128x32xf32, #tpu.memory_space<vmem>> -> memref<1x128x32xf32, #tpu.memory_space<vmem>>
      %get3A_421 = tpu.memref_squeeze %get3A_420 : memref<1x128x32xf32, #tpu.memory_space<vmem>> -> memref<128x32xf32, #tpu.memory_space<vmem>>
      %get3A_422 = arith.index_cast %get3A_417 : i32 to index
      %get3A_423 = arith.constant 16 : index
      %get3A_424 = tpu.vector_load %get3A_421[%get3A_422, %get3A_423] {strides = array<i32>} : memref<128x32xf32, #tpu.memory_space<vmem>>, vector<16xf32>,
      %scatter3A_425 = arith.constant 0 : i32
      %scatter3A_426 = arith.constant 0 : i32
      %scatter3A_427 = tpu.memref_slice %arg7[%rem3A_269, %scatter3A_425, %scatter3A_426] : memref<2x32x129xf32, #tpu.memory_space<vmem>> -> memref<1x32x129xf32, #tpu.memory_space<vmem>>
      %scatter3A_428 = tpu.memref_squeeze %scatter3A_427 : memref<1x32x129xf32, #tpu.memory_space<vmem>> -> memref<32x129xf32, #tpu.memory_space<vmem>>
      tpu.vector_store_idx %scatter3A_428[%add3A_327, %broadcast_in_dim3A_404], %get3A_424 : memref<32x129xf32, #tpu.memory_space<vmem>>[vector<16xi32>, vector<16xi32>], vector<16xf32>,
      %broadcast_in_dim3A_429 = arith.constant 4 : i32
      %broadcast_in_dim3A_430 = vector.broadcast %broadcast_in_dim3A_429 : i32 to vector<16xi32>
      %get3A_431 = arith.constant 4 : i32
      %get3A_432 = arith.constant 0 : i32
      %get3A_433 = arith.constant 0 : i32
      %get3A_434 = tpu.memref_slice %arg6[%rem3A_269, %get3A_432, %get3A_433] : memref<2x128x32xf32, #tpu.memory_space<vmem>> -> memref<1x128x32xf32, #tpu.memory_space<vmem>>
      %get3A_435 = tpu.memref_squeeze %get3A_434 : memref<1x128x32xf32, #tpu.memory_space<vmem>> -> memref<128x32xf32, #tpu.memory_space<vmem>>
      %get3A_436 = arith.index_cast %get3A_431 : i32 to index
      %get3A_437 = arith.constant 0 : index
      %get3A_438 = tpu.vector_load %get3A_435[%get3A_436, %get3A_437] {strides = array<i32>} : memref<128x32xf32, #tpu.memory_space<vmem>>, vector<16xf32>,
      %scatter3A_439 = arith.constant 0 : i32
      %scatter3A_440 = arith.constant 0 : i32
      %scatter3A_441 = tpu.memref_slice %arg7[%rem3A_269, %scatter3A_439, %scatter3A_440] : memref<2x32x129xf32, #tpu.memory_space<vmem>> -> memref<1x32x129xf32, #tpu.memory_space<vmem>>
      %scatter3A_442 = tpu.memref_squeeze %scatter3A_441 : memref<1x32x129xf32, #tpu.memory_space<vmem>> -> memref<32x129xf32, #tpu.memory_space<vmem>>
      tpu.vector_store_idx %scatter3A_442[%add3A_324, %broadcast_in_dim3A_430], %get3A_438 : memref<32x129xf32, #tpu.memory_space<vmem>>[vector<16xi32>, vector<16xi32>], vector<16xf32>,
      %get3A_443 = arith.constant 4 : i32
      %get3A_444 = arith.constant 0 : i32
      %get3A_445 = arith.constant 0 : i32
      %get3A_446 = tpu.memref_slice %arg6[%rem3A_269, %get3A_444, %get3A_445] : memref<2x128x32xf32, #tpu.memory_space<vmem>> -> memref<1x128x32xf32, #tpu.memory_space<vmem>>
      %get3A_447 = tpu.memref_squeeze %get3A_446 : memref<1x128x32xf32, #tpu.memory_space<vmem>> -> memref<128x32xf32, #tpu.memory_space<vmem>>
      %get3A_448 = arith.index_cast %get3A_443 : i32 to index
      %get3A_449 = arith.constant 16 : index
      %get3A_450 = tpu.vector_load %get3A_447[%get3A_448, %get3A_449] {strides = array<i32>} : memref<128x32xf32, #tpu.memory_space<vmem>>, vector<16xf32>,
      %scatter3A_451 = arith.constant 0 : i32
      %scatter3A_452 = arith.constant 0 : i32
      %scatter3A_453 = tpu.memref_slice %arg7[%rem3A_269, %scatter3A_451, %scatter3A_452] : memref<2x32x129xf32, #tpu.memory_space<vmem>> -> memref<1x32x129xf32, #tpu.memory_space<vmem>>
      %scatter3A_454 = tpu.memref_squeeze %scatter3A_453 : memref<1x32x129xf32, #tpu.memory_space<vmem>> -> memref<32x129xf32, #tpu.memory_space<vmem>>
      tpu.vector_store_idx %scatter3A_454[%add3A_327, %broadcast_in_dim3A_430], %get3A_450 : memref<32x129xf32, #tpu.memory_space<vmem>>[vector<16xi32>, vector<16xi32>], vector<16xf32>,
      %broadcast_in_dim3A_455 = arith.constant 5 : i32
      %broadcast_in_dim3A_456 = vector.broadcast %broadcast_in_dim3A_455 : i32 to vector<16xi32>
      %get3A_457 = arith.constant 5 : i32
      %get3A_458 = arith.constant 0 : i32
      %get3A_459 = arith.constant 0 : i32
      %get3A_460 = tpu.memref_slice %arg6[%rem3A_269, %get3A_458, %get3A_459] : memref<2x128x32xf32, #tpu.memory_space<vmem>> -> memref<1x128x32xf32, #tpu.memory_space<vmem>>
      %get3A_461 = tpu.memref_squeeze %get3A_460 : memref<1x128x32xf32, #tpu.memory_space<vmem>> -> memref<128x32xf32, #tpu.memory_space<vmem>>
      %get3A_462 = arith.index_cast %get3A_457 : i32 to index
      %get3A_463 = arith.constant 0 : index
      %get3A_464 = tpu.vector_load %get3A_461[%get3A_462, %get3A_463] {strides = array<i32>} : memref<128x32xf32, #tpu.memory_space<vmem>>, vector<16xf32>,
      %scatter3A_465 = arith.constant 0 : i32
      %scatter3A_466 = arith.constant 0 : i32
      %scatter3A_467 = tpu.memref_slice %arg7[%rem3A_269, %scatter3A_465, %scatter3A_466] : memref<2x32x129xf32, #tpu.memory_space<vmem>> -> memref<1x32x129xf32, #tpu.memory_space<vmem>>
      %scatter3A_468 = tpu.memref_squeeze %scatter3A_467 : memref<1x32x129xf32, #tpu.memory_space<vmem>> -> memref<32x129xf32, #tpu.memory_space<vmem>>
      tpu.vector_store_idx %scatter3A_468[%add3A_324, %broadcast_in_dim3A_456], %get3A_464 : memref<32x129xf32, #tpu.memory_space<vmem>>[vector<16xi32>, vector<16xi32>], vector<16xf32>,
      %get3A_469 = arith.constant 5 : i32
      %get3A_470 = arith.constant 0 : i32
      %get3A_471 = arith.constant 0 : i32
      %get3A_472 = tpu.memref_slice %arg6[%rem3A_269, %get3A_470, %get3A_471] : memref<2x128x32xf32, #tpu.memory_space<vmem>> -> memref<1x128x32xf32, #tpu.memory_space<vmem>>
      %get3A_473 = tpu.memref_squeeze %get3A_472 : memref<1x128x32xf32, #tpu.memory_space<vmem>> -> memref<128x32xf32, #tpu.memory_space<vmem>>
      %get3A_474 = arith.index_cast %get3A_469 : i32 to index
      %get3A_475 = arith.constant 16 : index
      %get3A_476 = tpu.vector_load %get3A_473[%get3A_474, %get3A_475] {strides = array<i32>} : memref<128x32xf32, #tpu.memory_space<vmem>>, vector<16xf32>,
      %scatter3A_477 = arith.constant 0 : i32
      %scatter3A_478 = arith.constant 0 : i32
      %scatter3A_479 = tpu.memref_slice %arg7[%rem3A_269, %scatter3A_477, %scatter3A_478] : memref<2x32x129xf32, #tpu.memory_space<vmem>> -> memref<1x32x129xf32, #tpu.memory_space<vmem>>
      %scatter3A_480 = tpu.memref_squeeze %scatter3A_479 : memref<1x32x129xf32, #tpu.memory_space<vmem>> -> memref<32x129xf32, #tpu.memory_space<vmem>>
      tpu.vector_store_idx %scatter3A_480[%add3A_327, %broadcast_in_dim3A_456], %get3A_476 : memref<32x129xf32, #tpu.memory_space<vmem>>[vector<16xi32>, vector<16xi32>], vector<16xf32>,
      %broadcast_in_dim3A_481 = arith.constant 6 : i32
      %broadcast_in_dim3A_482 = vector.broadcast %broadcast_in_dim3A_481 : i32 to vector<16xi32>
      %get3A_483 = arith.constant 6 : i32
      %get3A_484 = arith.constant 0 : i32
      %get3A_485 = arith.constant 0 : i32
      %get3A_486 = tpu.memref_slice %arg6[%rem3A_269, %get3A_484, %get3A_485] : memref<2x128x32xf32, #tpu.memory_space<vmem>> -> memref<1x128x32xf32, #tpu.memory_space<vmem>>
      %get3A_487 = tpu.memref_squeeze %get3A_486 : memref<1x128x32xf32, #tpu.memory_space<vmem>> -> memref<128x32xf32, #tpu.memory_space<vmem>>
      %get3A_488 = arith.index_cast %get3A_483 : i32 to index
      %get3A_489 = arith.constant 0 : index
      %get3A_490 = tpu.vector_load %get3A_487[%get3A_488, %get3A_489] {strides = array<i32>} : memref<128x32xf32, #tpu.memory_space<vmem>>, vector<16xf32>,
      %scatter3A_491 = arith.constant 0 : i32
      %scatter3A_492 = arith.constant 0 : i32
      %scatter3A_493 = tpu.memref_slice %arg7[%rem3A_269, %scatter3A_491, %scatter3A_492] : memref<2x32x129xf32, #tpu.memory_space<vmem>> -> memref<1x32x129xf32, #tpu.memory_space<vmem>>
      %scatter3A_494 = tpu.memref_squeeze %scatter3A_493 : memref<1x32x129xf32, #tpu.memory_space<vmem>> -> memref<32x129xf32, #tpu.memory_space<vmem>>
      tpu.vector_store_idx %scatter3A_494[%add3A_324, %broadcast_in_dim3A_482], %get3A_490 : memref<32x129xf32, #tpu.memory_space<vmem>>[vector<16xi32>, vector<16xi32>], vector<16xf32>,
      %get3A_495 = arith.constant 6 : i32
      %get3A_496 = arith.constant 0 : i32
      %get3A_497 = arith.constant 0 : i32
      %get3A_498 = tpu.memref_slice %arg6[%rem3A_269, %get3A_496, %get3A_497] : memref<2x128x32xf32, #tpu.memory_space<vmem>> -> memref<1x128x32xf32, #tpu.memory_space<vmem>>
      %get3A_499 = tpu.memref_squeeze %get3A_498 : memref<1x128x32xf32, #tpu.memory_space<vmem>> -> memref<128x32xf32, #tpu.memory_space<vmem>>
      %get3A_500 = arith.index_cast %get3A_495 : i32 to index
      %get3A_501 = arith.constant 16 : index
      %get3A_502 = tpu.vector_load %get3A_499[%get3A_500, %get3A_501] {strides = array<i32>} : memref<128x32xf32, #tpu.memory_space<vmem>>, vector<16xf32>,
      %scatter3A_503 = arith.constant 0 : i32
      %scatter3A_504 = arith.constant 0 : i32
      %scatter3A_505 = tpu.memref_slice %arg7[%rem3A_269, %scatter3A_503, %scatter3A_504] : memref<2x32x129xf32, #tpu.memory_space<vmem>> -> memref<1x32x129xf32, #tpu.memory_space<vmem>>
      %scatter3A_506 = tpu.memref_squeeze %scatter3A_505 : memref<1x32x129xf32, #tpu.memory_space<vmem>> -> memref<32x129xf32, #tpu.memory_space<vmem>>
      tpu.vector_store_idx %scatter3A_506[%add3A_327, %broadcast_in_dim3A_482], %get3A_502 : memref<32x129xf32, #tpu.memory_space<vmem>>[vector<16xi32>, vector<16xi32>], vector<16xf32>,
      %broadcast_in_dim3A_507 = arith.constant 7 : i32
      %broadcast_in_dim3A_508 = vector.broadcast %broadcast_in_dim3A_507 : i32 to vector<16xi32>
      %get3A_509 = arith.constant 7 : i32
      %get3A_510 = arith.constant 0 : i32
      %get3A_511 = arith.constant 0 : i32
      %get3A_512 = tpu.memref_slice %arg6[%rem3A_269, %get3A_510, %get3A_511] : memref<2x128x32xf32, #tpu.memory_space<vmem>> -> memref<1x128x32xf32, #tpu.memory_space<vmem>>
      %get3A_513 = tpu.memref_squeeze %get3A_512 : memref<1x128x32xf32, #tpu.memory_space<vmem>> -> memref<128x32xf32, #tpu.memory_space<vmem>>
      %get3A_514 = arith.index_cast %get3A_509 : i32 to index
      %get3A_515 = arith.constant 0 : index
      %get3A_516 = tpu.vector_load %get3A_513[%get3A_514, %get3A_515] {strides = array<i32>} : memref<128x32xf32, #tpu.memory_space<vmem>>, vector<16xf32>,
      %scatter3A_517 = arith.constant 0 : i32
      %scatter3A_518 = arith.constant 0 : i32
      %scatter3A_519 = tpu.memref_slice %arg7[%rem3A_269, %scatter3A_517, %scatter3A_518] : memref<2x32x129xf32, #tpu.memory_space<vmem>> -> memref<1x32x129xf32, #tpu.memory_space<vmem>>
      %scatter3A_520 = tpu.memref_squeeze %scatter3A_519 : memref<1x32x129xf32, #tpu.memory_space<vmem>> -> memref<32x129xf32, #tpu.memory_space<vmem>>
      tpu.vector_store_idx %scatter3A_520[%add3A_324, %broadcast_in_dim3A_508], %get3A_516 : memref<32x129xf32, #tpu.memory_space<vmem>>[vector<16xi32>, vector<16xi32>], vector<16xf32>,
      %get3A_521 = arith.constant 7 : i32
      %get3A_522 = arith.constant 0 : i32
      %get3A_523 = arith.constant 0 : i32
      %get3A_524 = tpu.memref_slice %arg6[%rem3A_269, %get3A_522, %get3A_523] : memref<2x128x32xf32, #tpu.memory_space<vmem>> -> memref<1x128x32xf32, #tpu.memory_space<vmem>>
      %get3A_525 = tpu.memref_squeeze %get3A_524 : memref<1x128x32xf32, #tpu.memory_space<vmem>> -> memref<128x32xf32, #tpu.memory_space<vmem>>
      %get3A_526 = arith.index_cast %get3A_521 : i32 to index
      %get3A_527 = arith.constant 16 : index
      %get3A_528 = tpu.vector_load %get3A_525[%get3A_526, %get3A_527] {strides = array<i32>} : memref<128x32xf32, #tpu.memory_space<vmem>>, vector<16xf32>,
      %scatter3A_529 = arith.constant 0 : i32
      %scatter3A_530 = arith.constant 0 : i32
      %scatter3A_531 = tpu.memref_slice %arg7[%rem3A_269, %scatter3A_529, %scatter3A_530] : memref<2x32x129xf32, #tpu.memory_space<vmem>> -> memref<1x32x129xf32, #tpu.memory_space<vmem>>
      %scatter3A_532 = tpu.memref_squeeze %scatter3A_531 : memref<1x32x129xf32, #tpu.memory_space<vmem>> -> memref<32x129xf32, #tpu.memory_space<vmem>>
      tpu.vector_store_idx %scatter3A_532[%add3A_327, %broadcast_in_dim3A_508], %get3A_528 : memref<32x129xf32, #tpu.memory_space<vmem>>[vector<16xi32>, vector<16xi32>], vector<16xf32>,
      %broadcast_in_dim3A_533 = arith.constant 8 : i32
      %broadcast_in_dim3A_534 = vector.broadcast %broadcast_in_dim3A_533 : i32 to vector<16xi32>
      %get3A_535 = arith.constant 8 : i32
      %get3A_536 = arith.constant 0 : i32
      %get3A_537 = arith.constant 0 : i32
      %get3A_538 = tpu.memref_slice %arg6[%rem3A_269, %get3A_536, %get3A_537] : memref<2x128x32xf32, #tpu.memory_space<vmem>> -> memref<1x128x32xf32, #tpu.memory_space<vmem>>
      %get3A_539 = tpu.memref_squeeze %get3A_538 : memref<1x128x32xf32, #tpu.memory_space<vmem>> -> memref<128x32xf32, #tpu.memory_space<vmem>>
      %get3A_540 = arith.index_cast %get3A_535 : i32 to index
      %get3A_541 = arith.constant 0 : index
      %get3A_542 = tpu.vector_load %get3A_539[%get3A_540, %get3A_541] {strides = array<i32>} : memref<128x32xf32, #tpu.memory_space<vmem>>, vector<16xf32>,
      %scatter3A_543 = arith.constant 0 : i32
      %scatter3A_544 = arith.constant 0 : i32
      %scatter3A_545 = tpu.memref_slice %arg7[%rem3A_269, %scatter3A_543, %scatter3A_544] : memref<2x32x129xf32, #tpu.memory_space<vmem>> -> memref<1x32x129xf32, #tpu.memory_space<vmem>>
      %scatter3A_546 = tpu.memref_squeeze %scatter3A_545 : memref<1x32x129xf32, #tpu.memory_space<vmem>> -> memref<32x129xf32, #tpu.memory_space<vmem>>
      tpu.vector_store_idx %scatter3A_546[%add3A_324, %broadcast_in_dim3A_534], %get3A_542 : memref<32x129xf32, #tpu.memory_space<vmem>>[vector<16xi32>, vector<16xi32>], vector<16xf32>,
      %get3A_547 = arith.constant 8 : i32
      %get3A_548 = arith.constant 0 : i32
      %get3A_549 = arith.constant 0 : i32
      %get3A_550 = tpu.memref_slice %arg6[%rem3A_269, %get3A_548, %get3A_549] : memref<2x128x32xf32, #tpu.memory_space<vmem>> -> memref<1x128x32xf32, #tpu.memory_space<vmem>>
      %get3A_551 = tpu.memref_squeeze %get3A_550 : memref<1x128x32xf32, #tpu.memory_space<vmem>> -> memref<128x32xf32, #tpu.memory_space<vmem>>
      %get3A_552 = arith.index_cast %get3A_547 : i32 to index
      %get3A_553 = arith.constant 16 : index
      %get3A_554 = tpu.vector_load %get3A_551[%get3A_552, %get3A_553] {strides = array<i32>} : memref<128x32xf32, #tpu.memory_space<vmem>>, vector<16xf32>,
      %scatter3A_555 = arith.constant 0 : i32
      %scatter3A_556 = arith.constant 0 : i32
      %scatter3A_557 = tpu.memref_slice %arg7[%rem3A_269, %scatter3A_555, %scatter3A_556] : memref<2x32x129xf32, #tpu.memory_space<vmem>> -> memref<1x32x129xf32, #tpu.memory_space<vmem>>
      %scatter3A_558 = tpu.memref_squeeze %scatter3A_557 : memref<1x32x129xf32, #tpu.memory_space<vmem>> -> memref<32x129xf32, #tpu.memory_space<vmem>>
      tpu.vector_store_idx %scatter3A_558[%add3A_327, %broadcast_in_dim3A_534], %get3A_554 : memref<32x129xf32, #tpu.memory_space<vmem>>[vector<16xi32>, vector<16xi32>], vector<16xf32>,
      %broadcast_in_dim3A_559 = arith.constant 9 : i32
      %broadcast_in_dim3A_560 = vector.broadcast %broadcast_in_dim3A_559 : i32 to vector<16xi32>
      %get3A_561 = arith.constant 9 : i32
      %get3A_562 = arith.constant 0 : i32
      %get3A_563 = arith.constant 0 : i32
      %get3A_564 = tpu.memref_slice %arg6[%rem3A_269, %get3A_562, %get3A_563] : memref<2x128x32xf32, #tpu.memory_space<vmem>> -> memref<1x128x32xf32, #tpu.memory_space<vmem>>
      %get3A_565 = tpu.memref_squeeze %get3A_564 : memref<1x128x32xf32, #tpu.memory_space<vmem>> -> memref<128x32xf32, #tpu.memory_space<vmem>>
      %get3A_566 = arith.index_cast %get3A_561 : i32 to index
      %get3A_567 = arith.constant 0 : index
      %get3A_568 = tpu.vector_load %get3A_565[%get3A_566, %get3A_567] {strides = array<i32>} : memref<128x32xf32, #tpu.memory_space<vmem>>, vector<16xf32>,
      %scatter3A_569 = arith.constant 0 : i32
      %scatter3A_570 = arith.constant 0 : i32
      %scatter3A_571 = tpu.memref_slice %arg7[%rem3A_269, %scatter3A_569, %scatter3A_570] : memref<2x32x129xf32, #tpu.memory_space<vmem>> -> memref<1x32x129xf32, #tpu.memory_space<vmem>>
      %scatter3A_572 = tpu.memref_squeeze %scatter3A_571 : memref<1x32x129xf32, #tpu.memory_space<vmem>> -> memref<32x129xf32, #tpu.memory_space<vmem>>
      tpu.vector_store_idx %scatter3A_572[%add3A_324, %broadcast_in_dim3A_560], %get3A_568 : memref<32x129xf32, #tpu.memory_space<vmem>>[vector<16xi32>, vector<16xi32>], vector<16xf32>,
      %get3A_573 = arith.constant 9 : i32
      %get3A_574 = arith.constant 0 : i32
      %get3A_575 = arith.constant 0 : i32
      %get3A_576 = tpu.memref_slice %arg6[%rem3A_269, %get3A_574, %get3A_575] : memref<2x128x32xf32, #tpu.memory_space<vmem>> -> memref<1x128x32xf32, #tpu.memory_space<vmem>>
      %get3A_577 = tpu.memref_squeeze %get3A_576 : memref<1x128x32xf32, #tpu.memory_space<vmem>> -> memref<128x32xf32, #tpu.memory_space<vmem>>
      %get3A_578 = arith.index_cast %get3A_573 : i32 to index
      %get3A_579 = arith.constant 16 : index
      %get3A_580 = tpu.vector_load %get3A_577[%get3A_578, %get3A_579] {strides = array<i32>} : memref<128x32xf32, #tpu.memory_space<vmem>>, vector<16xf32>,
      %scatter3A_581 = arith.constant 0 : i32
      %scatter3A_582 = arith.constant 0 : i32
      %scatter3A_583 = tpu.memref_slice %arg7[%rem3A_269, %scatter3A_581, %scatter3A_582] : memref<2x32x129xf32, #tpu.memory_space<vmem>> -> memref<1x32x129xf32, #tpu.memory_space<vmem>>
      %scatter3A_584 = tpu.memref_squeeze %scatter3A_583 : memref<1x32x129xf32, #tpu.memory_space<vmem>> -> memref<32x129xf32, #tpu.memory_space<vmem>>
      tpu.vector_store_idx %scatter3A_584[%add3A_327, %broadcast_in_dim3A_560], %get3A_580 : memref<32x129xf32, #tpu.memory_space<vmem>>[vector<16xi32>, vector<16xi32>], vector<16xf32>,
      %broadcast_in_dim3A_585 = arith.constant 10 : i32
      %broadcast_in_dim3A_586 = vector.broadcast %broadcast_in_dim3A_585 : i32 to vector<16xi32>
      %get3A_587 = arith.constant 10 : i32
      %get3A_588 = arith.constant 0 : i32
      %get3A_589 = arith.constant 0 : i32
      %get3A_590 = tpu.memref_slice %arg6[%rem3A_269, %get3A_588, %get3A_589] : memref<2x128x32xf32, #tpu.memory_space<vmem>> -> memref<1x128x32xf32, #tpu.memory_space<vmem>>
      %get3A_591 = tpu.memref_squeeze %get3A_590 : memref<1x128x32xf32, #tpu.memory_space<vmem>> -> memref<128x32xf32, #tpu.memory_space<vmem>>
      %get3A_592 = arith.index_cast %get3A_587 : i32 to index
      %get3A_593 = arith.constant 0 : index
      %get3A_594 = tpu.vector_load %get3A_591[%get3A_592, %get3A_593] {strides = array<i32>} : memref<128x32xf32, #tpu.memory_space<vmem>>, vector<16xf32>,
      %scatter3A_595 = arith.constant 0 : i32
      %scatter3A_596 = arith.constant 0 : i32
      %scatter3A_597 = tpu.memref_slice %arg7[%rem3A_269, %scatter3A_595, %scatter3A_596] : memref<2x32x129xf32, #tpu.memory_space<vmem>> -> memref<1x32x129xf32, #tpu.memory_space<vmem>>
      %scatter3A_598 = tpu.memref_squeeze %scatter3A_597 : memref<1x32x129xf32, #tpu.memory_space<vmem>> -> memref<32x129xf32, #tpu.memory_space<vmem>>
      tpu.vector_store_idx %scatter3A_598[%add3A_324, %broadcast_in_dim3A_586], %get3A_594 : memref<32x129xf32, #tpu.memory_space<vmem>>[vector<16xi32>, vector<16xi32>], vector<16xf32>,
      %get3A_599 = arith.constant 10 : i32
      %get3A_600 = arith.constant 0 : i32
      %get3A_601 = arith.constant 0 : i32
      %get3A_602 = tpu.memref_slice %arg6[%rem3A_269, %get3A_600, %get3A_601] : memref<2x128x32xf32, #tpu.memory_space<vmem>> -> memref<1x128x32xf32, #tpu.memory_space<vmem>>
      %get3A_603 = tpu.memref_squeeze %get3A_602 : memref<1x128x32xf32, #tpu.memory_space<vmem>> -> memref<128x32xf32, #tpu.memory_space<vmem>>
      %get3A_604 = arith.index_cast %get3A_599 : i32 to index
      %get3A_605 = arith.constant 16 : index
      %get3A_606 = tpu.vector_load %get3A_603[%get3A_604, %get3A_605] {strides = array<i32>} : memref<128x32xf32, #tpu.memory_space<vmem>>, vector<16xf32>,
      %scatter3A_607 = arith.constant 0 : i32
      %scatter3A_608 = arith.constant 0 : i32
      %scatter3A_609 = tpu.memref_slice %arg7[%rem3A_269, %scatter3A_607, %scatter3A_608] : memref<2x32x129xf32, #tpu.memory_space<vmem>> -> memref<1x32x129xf32, #tpu.memory_space<vmem>>
      %scatter3A_610 = tpu.memref_squeeze %scatter3A_609 : memref<1x32x129xf32, #tpu.memory_space<vmem>> -> memref<32x129xf32, #tpu.memory_space<vmem>>
      tpu.vector_store_idx %scatter3A_610[%add3A_327, %broadcast_in_dim3A_586], %get3A_606 : memref<32x129xf32, #tpu.memory_space<vmem>>[vector<16xi32>, vector<16xi32>], vector<16xf32>,
      %broadcast_in_dim3A_611 = arith.constant 11 : i32
      %broadcast_in_dim3A_612 = vector.broadcast %broadcast_in_dim3A_611 : i32 to vector<16xi32>
      %get3A_613 = arith.constant 11 : i32
      %get3A_614 = arith.constant 0 : i32
      %get3A_615 = arith.constant 0 : i32
      %get3A_616 = tpu.memref_slice %arg6[%rem3A_269, %get3A_614, %get3A_615] : memref<2x128x32xf32, #tpu.memory_space<vmem>> -> memref<1x128x32xf32, #tpu.memory_space<vmem>>
      %get3A_617 = tpu.memref_squeeze %get3A_616 : memref<1x128x32xf32, #tpu.memory_space<vmem>> -> memref<128x32xf32, #tpu.memory_space<vmem>>
      %get3A_618 = arith.index_cast %get3A_613 : i32 to index
      %get3A_619 = arith.constant 0 : index
      %get3A_620 = tpu.vector_load %get3A_617[%get3A_618, %get3A_619] {strides = array<i32>} : memref<128x32xf32, #tpu.memory_space<vmem>>, vector<16xf32>,
      %scatter3A_621 = arith.constant 0 : i32
      %scatter3A_622 = arith.constant 0 : i32
      %scatter3A_623 = tpu.memref_slice %arg7[%rem3A_269, %scatter3A_621, %scatter3A_622] : memref<2x32x129xf32, #tpu.memory_space<vmem>> -> memref<1x32x129xf32, #tpu.memory_space<vmem>>
      %scatter3A_624 = tpu.memref_squeeze %scatter3A_623 : memref<1x32x129xf32, #tpu.memory_space<vmem>> -> memref<32x129xf32, #tpu.memory_space<vmem>>
      tpu.vector_store_idx %scatter3A_624[%add3A_324, %broadcast_in_dim3A_612], %get3A_620 : memref<32x129xf32, #tpu.memory_space<vmem>>[vector<16xi32>, vector<16xi32>], vector<16xf32>,
      %get3A_625 = arith.constant 11 : i32
      %get3A_626 = arith.constant 0 : i32
      %get3A_627 = arith.constant 0 : i32
      %get3A_628 = tpu.memref_slice %arg6[%rem3A_269, %get3A_626, %get3A_627] : memref<2x128x32xf32, #tpu.memory_space<vmem>> -> memref<1x128x32xf32, #tpu.memory_space<vmem>>
      %get3A_629 = tpu.memref_squeeze %get3A_628 : memref<1x128x32xf32, #tpu.memory_space<vmem>> -> memref<128x32xf32, #tpu.memory_space<vmem>>
      %get3A_630 = arith.index_cast %get3A_625 : i32 to index
      %get3A_631 = arith.constant 16 : index
      %get3A_632 = tpu.vector_load %get3A_629[%get3A_630, %get3A_631] {strides = array<i32>} : memref<128x32xf32, #tpu.memory_space<vmem>>, vector<16xf32>,
      %scatter3A_633 = arith.constant 0 : i32
      %scatter3A_634 = arith.constant 0 : i32
      %scatter3A_635 = tpu.memref_slice %arg7[%rem3A_269, %scatter3A_633, %scatter3A_634] : memref<2x32x129xf32, #tpu.memory_space<vmem>> -> memref<1x32x129xf32, #tpu.memory_space<vmem>>
      %scatter3A_636 = tpu.memref_squeeze %scatter3A_635 : memref<1x32x129xf32, #tpu.memory_space<vmem>> -> memref<32x129xf32, #tpu.memory_space<vmem>>
      tpu.vector_store_idx %scatter3A_636[%add3A_327, %broadcast_in_dim3A_612], %get3A_632 : memref<32x129xf32, #tpu.memory_space<vmem>>[vector<16xi32>, vector<16xi32>], vector<16xf32>,
      %broadcast_in_dim3A_637 = arith.constant 12 : i32
      %broadcast_in_dim3A_638 = vector.broadcast %broadcast_in_dim3A_637 : i32 to vector<16xi32>
      %get3A_639 = arith.constant 12 : i32
      %get3A_640 = arith.constant 0 : i32
      %get3A_641 = arith.constant 0 : i32
      %get3A_642 = tpu.memref_slice %arg6[%rem3A_269, %get3A_640, %get3A_641] : memref<2x128x32xf32, #tpu.memory_space<vmem>> -> memref<1x128x32xf32, #tpu.memory_space<vmem>>
      %get3A_643 = tpu.memref_squeeze %get3A_642 : memref<1x128x32xf32, #tpu.memory_space<vmem>> -> memref<128x32xf32, #tpu.memory_space<vmem>>
      %get3A_644 = arith.index_cast %get3A_639 : i32 to index
      %get3A_645 = arith.constant 0 : index
      %get3A_646 = tpu.vector_load %get3A_643[%get3A_644, %get3A_645] {strides = array<i32>} : memref<128x32xf32, #tpu.memory_space<vmem>>, vector<16xf32>,
      %scatter3A_647 = arith.constant 0 : i32
      %scatter3A_648 = arith.constant 0 : i32
      %scatter3A_649 = tpu.memref_slice %arg7[%rem3A_269, %scatter3A_647, %scatter3A_648] : memref<2x32x129xf32, #tpu.memory_space<vmem>> -> memref<1x32x129xf32, #tpu.memory_space<vmem>>
      %scatter3A_650 = tpu.memref_squeeze %scatter3A_649 : memref<1x32x129xf32, #tpu.memory_space<vmem>> -> memref<32x129xf32, #tpu.memory_space<vmem>>
      tpu.vector_store_idx %scatter3A_650[%add3A_324, %broadcast_in_dim3A_638], %get3A_646 : memref<32x129xf32, #tpu.memory_space<vmem>>[vector<16xi32>, vector<16xi32>], vector<16xf32>,
      %get3A_651 = arith.constant 12 : i32
      %get3A_652 = arith.constant 0 : i32
      %get3A_653 = arith.constant 0 : i32
      %get3A_654 = tpu.memref_slice %arg6[%rem3A_269, %get3A_652, %get3A_653] : memref<2x128x32xf32, #tpu.memory_space<vmem>> -> memref<1x128x32xf32, #tpu.memory_space<vmem>>
      %get3A_655 = tpu.memref_squeeze %get3A_654 : memref<1x128x32xf32, #tpu.memory_space<vmem>> -> memref<128x32xf32, #tpu.memory_space<vmem>>
      %get3A_656 = arith.index_cast %get3A_651 : i32 to index
      %get3A_657 = arith.constant 16 : index
      %get3A_658 = tpu.vector_load %get3A_655[%get3A_656, %get3A_657] {strides = array<i32>} : memref<128x32xf32, #tpu.memory_space<vmem>>, vector<16xf32>,
      %scatter3A_659 = arith.constant 0 : i32
      %scatter3A_660 = arith.constant 0 : i32
      %scatter3A_661 = tpu.memref_slice %arg7[%rem3A_269, %scatter3A_659, %scatter3A_660] : memref<2x32x129xf32, #tpu.memory_space<vmem>> -> memref<1x32x129xf32, #tpu.memory_space<vmem>>
      %scatter3A_662 = tpu.memref_squeeze %scatter3A_661 : memref<1x32x129xf32, #tpu.memory_space<vmem>> -> memref<32x129xf32, #tpu.memory_space<vmem>>
      tpu.vector_store_idx %scatter3A_662[%add3A_327, %broadcast_in_dim3A_638], %get3A_658 : memref<32x129xf32, #tpu.memory_space<vmem>>[vector<16xi32>, vector<16xi32>], vector<16xf32>,
      %broadcast_in_dim3A_663 = arith.constant 13 : i32
      %broadcast_in_dim3A_664 = vector.broadcast %broadcast_in_dim3A_663 : i32 to vector<16xi32>
      %get3A_665 = arith.constant 13 : i32
      %get3A_666 = arith.constant 0 : i32
      %get3A_667 = arith.constant 0 : i32
      %get3A_668 = tpu.memref_slice %arg6[%rem3A_269, %get3A_666, %get3A_667] : memref<2x128x32xf32, #tpu.memory_space<vmem>> -> memref<1x128x32xf32, #tpu.memory_space<vmem>>
      %get3A_669 = tpu.memref_squeeze %get3A_668 : memref<1x128x32xf32, #tpu.memory_space<vmem>> -> memref<128x32xf32, #tpu.memory_space<vmem>>
      %get3A_670 = arith.index_cast %get3A_665 : i32 to index
      %get3A_671 = arith.constant 0 : index
      %get3A_672 = tpu.vector_load %get3A_669[%get3A_670, %get3A_671] {strides = array<i32>} : memref<128x32xf32, #tpu.memory_space<vmem>>, vector<16xf32>,
      %scatter3A_673 = arith.constant 0 : i32
      %scatter3A_674 = arith.constant 0 : i32
      %scatter3A_675 = tpu.memref_slice %arg7[%rem3A_269, %scatter3A_673, %scatter3A_674] : memref<2x32x129xf32, #tpu.memory_space<vmem>> -> memref<1x32x129xf32, #tpu.memory_space<vmem>>
      %scatter3A_676 = tpu.memref_squeeze %scatter3A_675 : memref<1x32x129xf32, #tpu.memory_space<vmem>> -> memref<32x129xf32, #tpu.memory_space<vmem>>
      tpu.vector_store_idx %scatter3A_676[%add3A_324, %broadcast_in_dim3A_664], %get3A_672 : memref<32x129xf32, #tpu.memory_space<vmem>>[vector<16xi32>, vector<16xi32>], vector<16xf32>,
      %get3A_677 = arith.constant 13 : i32
      %get3A_678 = arith.constant 0 : i32
      %get3A_679 = arith.constant 0 : i32
      %get3A_680 = tpu.memref_slice %arg6[%rem3A_269, %get3A_678, %get3A_679] : memref<2x128x32xf32, #tpu.memory_space<vmem>> -> memref<1x128x32xf32, #tpu.memory_space<vmem>>
      %get3A_681 = tpu.memref_squeeze %get3A_680 : memref<1x128x32xf32, #tpu.memory_space<vmem>> -> memref<128x32xf32, #tpu.memory_space<vmem>>
      %get3A_682 = arith.index_cast %get3A_677 : i32 to index
      %get3A_683 = arith.constant 16 : index
      %get3A_684 = tpu.vector_load %get3A_681[%get3A_682, %get3A_683] {strides = array<i32>} : memref<128x32xf32, #tpu.memory_space<vmem>>, vector<16xf32>,
      %scatter3A_685 = arith.constant 0 : i32
      %scatter3A_686 = arith.constant 0 : i32
      %scatter3A_687 = tpu.memref_slice %arg7[%rem3A_269, %scatter3A_685, %scatter3A_686] : memref<2x32x129xf32, #tpu.memory_space<vmem>> -> memref<1x32x129xf32, #tpu.memory_space<vmem>>
      %scatter3A_688 = tpu.memref_squeeze %scatter3A_687 : memref<1x32x129xf32, #tpu.memory_space<vmem>> -> memref<32x129xf32, #tpu.memory_space<vmem>>
      tpu.vector_store_idx %scatter3A_688[%add3A_327, %broadcast_in_dim3A_664], %get3A_684 : memref<32x129xf32, #tpu.memory_space<vmem>>[vector<16xi32>, vector<16xi32>], vector<16xf32>,
      %broadcast_in_dim3A_689 = arith.constant 14 : i32
      %broadcast_in_dim3A_690 = vector.broadcast %broadcast_in_dim3A_689 : i32 to vector<16xi32>
      %get3A_691 = arith.constant 14 : i32
      %get3A_692 = arith.constant 0 : i32
      %get3A_693 = arith.constant 0 : i32
      %get3A_694 = tpu.memref_slice %arg6[%rem3A_269, %get3A_692, %get3A_693] : memref<2x128x32xf32, #tpu.memory_space<vmem>> -> memref<1x128x32xf32, #tpu.memory_space<vmem>>
      %get3A_695 = tpu.memref_squeeze %get3A_694 : memref<1x128x32xf32, #tpu.memory_space<vmem>> -> memref<128x32xf32, #tpu.memory_space<vmem>>
      %get3A_696 = arith.index_cast %get3A_691 : i32 to index
      %get3A_697 = arith.constant 0 : index
      %get3A_698 = tpu.vector_load %get3A_695[%get3A_696, %get3A_697] {strides = array<i32>} : memref<128x32xf32, #tpu.memory_space<vmem>>, vector<16xf32>,
      %scatter3A_699 = arith.constant 0 : i32
      %scatter3A_700 = arith.constant 0 : i32
      %scatter3A_701 = tpu.memref_slice %arg7[%rem3A_269, %scatter3A_699, %scatter3A_700] : memref<2x32x129xf32, #tpu.memory_space<vmem>> -> memref<1x32x129xf32, #tpu.memory_space<vmem>>
      %scatter3A_702 = tpu.memref_squeeze %scatter3A_701 : memref<1x32x129xf32, #tpu.memory_space<vmem>> -> memref<32x129xf32, #tpu.memory_space<vmem>>
      tpu.vector_store_idx %scatter3A_702[%add3A_324, %broadcast_in_dim3A_690], %get3A_698 : memref<32x129xf32, #tpu.memory_space<vmem>>[vector<16xi32>, vector<16xi32>], vector<16xf32>,
      %get3A_703 = arith.constant 14 : i32
      %get3A_704 = arith.constant 0 : i32
      %get3A_705 = arith.constant 0 : i32
      %get3A_706 = tpu.memref_slice %arg6[%rem3A_269, %get3A_704, %get3A_705] : memref<2x128x32xf32, #tpu.memory_space<vmem>> -> memref<1x128x32xf32, #tpu.memory_space<vmem>>
      %get3A_707 = tpu.memref_squeeze %get3A_706 : memref<1x128x32xf32, #tpu.memory_space<vmem>> -> memref<128x32xf32, #tpu.memory_space<vmem>>
      %get3A_708 = arith.index_cast %get3A_703 : i32 to index
      %get3A_709 = arith.constant 16 : index
      %get3A_710 = tpu.vector_load %get3A_707[%get3A_708, %get3A_709] {strides = array<i32>} : memref<128x32xf32, #tpu.memory_space<vmem>>, vector<16xf32>,
      %scatter3A_711 = arith.constant 0 : i32
      %scatter3A_712 = arith.constant 0 : i32
      %scatter3A_713 = tpu.memref_slice %arg7[%rem3A_269, %scatter3A_711, %scatter3A_712] : memref<2x32x129xf32, #tpu.memory_space<vmem>> -> memref<1x32x129xf32, #tpu.memory_space<vmem>>
      %scatter3A_714 = tpu.memref_squeeze %scatter3A_713 : memref<1x32x129xf32, #tpu.memory_space<vmem>> -> memref<32x129xf32, #tpu.memory_space<vmem>>
      tpu.vector_store_idx %scatter3A_714[%add3A_327, %broadcast_in_dim3A_690], %get3A_710 : memref<32x129xf32, #tpu.memory_space<vmem>>[vector<16xi32>, vector<16xi32>], vector<16xf32>,
      %broadcast_in_dim3A_715 = arith.constant 15 : i32
      %broadcast_in_dim3A_716 = vector.broadcast %broadcast_in_dim3A_715 : i32 to vector<16xi32>
      %get3A_717 = arith.constant 15 : i32
      %get3A_718 = arith.constant 0 : i32
      %get3A_719 = arith.constant 0 : i32
      %get3A_720 = tpu.memref_slice %arg6[%rem3A_269, %get3A_718, %get3A_719] : memref<2x128x32xf32, #tpu.memory_space<vmem>> -> memref<1x128x32xf32, #tpu.memory_space<vmem>>
      %get3A_721 = tpu.memref_squeeze %get3A_720 : memref<1x128x32xf32, #tpu.memory_space<vmem>> -> memref<128x32xf32, #tpu.memory_space<vmem>>
      %get3A_722 = arith.index_cast %get3A_717 : i32 to index
      %get3A_723 = arith.constant 0 : index
      %get3A_724 = tpu.vector_load %get3A_721[%get3A_722, %get3A_723] {strides = array<i32>} : memref<128x32xf32, #tpu.memory_space<vmem>>, vector<16xf32>,
      %scatter3A_725 = arith.constant 0 : i32
      %scatter3A_726 = arith.constant 0 : i32
      %scatter3A_727 = tpu.memref_slice %arg7[%rem3A_269, %scatter3A_725, %scatter3A_726] : memref<2x32x129xf32, #tpu.memory_space<vmem>> -> memref<1x32x129xf32, #tpu.memory_space<vmem>>
      %scatter3A_728 = tpu.memref_squeeze %scatter3A_727 : memref<1x32x129xf32, #tpu.memory_space<vmem>> -> memref<32x129xf32, #tpu.memory_space<vmem>>
      tpu.vector_store_idx %scatter3A_728[%add3A_324, %broadcast_in_dim3A_716], %get3A_724 : memref<32x129xf32, #tpu.memory_space<vmem>>[vector<16xi32>, vector<16xi32>], vector<16xf32>,
      %get3A_729 = arith.constant 15 : i32
      %get3A_730 = arith.constant 0 : i32
      %get3A_731 = arith.constant 0 : i32
      %get3A_732 = tpu.memref_slice %arg6[%rem3A_269, %get3A_730, %get3A_731] : memref<2x128x32xf32, #tpu.memory_space<vmem>> -> memref<1x128x32xf32, #tpu.memory_space<vmem>>
      %get3A_733 = tpu.memref_squeeze %get3A_732 : memref<1x128x32xf32, #tpu.memory_space<vmem>> -> memref<128x32xf32, #tpu.memory_space<vmem>>
      %get3A_734 = arith.index_cast %get3A_729 : i32 to index
      %get3A_735 = arith.constant 16 : index
      %get3A_736 = tpu.vector_load %get3A_733[%get3A_734, %get3A_735] {strides = array<i32>} : memref<128x32xf32, #tpu.memory_space<vmem>>, vector<16xf32>,
      %scatter3A_737 = arith.constant 0 : i32
      %scatter3A_738 = arith.constant 0 : i32
      %scatter3A_739 = tpu.memref_slice %arg7[%rem3A_269, %scatter3A_737, %scatter3A_738] : memref<2x32x129xf32, #tpu.memory_space<vmem>> -> memref<1x32x129xf32, #tpu.memory_space<vmem>>
      %scatter3A_740 = tpu.memref_squeeze %scatter3A_739 : memref<1x32x129xf32, #tpu.memory_space<vmem>> -> memref<32x129xf32, #tpu.memory_space<vmem>>
      tpu.vector_store_idx %scatter3A_740[%add3A_327, %broadcast_in_dim3A_716], %get3A_736 : memref<32x129xf32, #tpu.memory_space<vmem>>[vector<16xi32>, vector<16xi32>], vector<16xf32>,
      %broadcast_in_dim3A_741 = arith.constant 16 : i32
      %broadcast_in_dim3A_742 = vector.broadcast %broadcast_in_dim3A_741 : i32 to vector<16xi32>
      %get3A_743 = arith.constant 16 : i32
      %get3A_744 = arith.constant 0 : i32
      %get3A_745 = arith.constant 0 : i32
      %get3A_746 = tpu.memref_slice %arg6[%rem3A_269, %get3A_744, %get3A_745] : memref<2x128x32xf32, #tpu.memory_space<vmem>> -> memref<1x128x32xf32, #tpu.memory_space<vmem>>
      %get3A_747 = tpu.memref_squeeze %get3A_746 : memref<1x128x32xf32, #tpu.memory_space<vmem>> -> memref<128x32xf32, #tpu.memory_space<vmem>>
      %get3A_748 = arith.index_cast %get3A_743 : i32 to index
      %get3A_749 = arith.constant 0 : index
      %get3A_750 = tpu.vector_load %get3A_747[%get3A_748, %get3A_749] {strides = array<i32>} : memref<128x32xf32, #tpu.memory_space<vmem>>, vector<16xf32>,
      %scatter3A_751 = arith.constant 0 : i32
      %scatter3A_752 = arith.constant 0 : i32
      %scatter3A_753 = tpu.memref_slice %arg7[%rem3A_269, %scatter3A_751, %scatter3A_752] : memref<2x32x129xf32, #tpu.memory_space<vmem>> -> memref<1x32x129xf32, #tpu.memory_space<vmem>>
      %scatter3A_754 = tpu.memref_squeeze %scatter3A_753 : memref<1x32x129xf32, #tpu.memory_space<vmem>> -> memref<32x129xf32, #tpu.memory_space<vmem>>
      tpu.vector_store_idx %scatter3A_754[%add3A_324, %broadcast_in_dim3A_742], %get3A_750 : memref<32x129xf32, #tpu.memory_space<vmem>>[vector<16xi32>, vector<16xi32>], vector<16xf32>,
      %get3A_755 = arith.constant 16 : i32
      %get3A_756 = arith.constant 0 : i32
      %get3A_757 = arith.constant 0 : i32
      %get3A_758 = tpu.memref_slice %arg6[%rem3A_269, %get3A_756, %get3A_757] : memref<2x128x32xf32, #tpu.memory_space<vmem>> -> memref<1x128x32xf32, #tpu.memory_space<vmem>>
      %get3A_759 = tpu.memref_squeeze %get3A_758 : memref<1x128x32xf32, #tpu.memory_space<vmem>> -> memref<128x32xf32, #tpu.memory_space<vmem>>
      %get3A_760 = arith.index_cast %get3A_755 : i32 to index
      %get3A_761 = arith.constant 16 : index
      %get3A_762 = tpu.vector_load %get3A_759[%get3A_760, %get3A_761] {strides = array<i32>} : memref<128x32xf32, #tpu.memory_space<vmem>>, vector<16xf32>,
      %scatter3A_763 = arith.constant 0 : i32
      %scatter3A_764 = arith.constant 0 : i32
      %scatter3A_765 = tpu.memref_slice %arg7[%rem3A_269, %scatter3A_763, %scatter3A_764] : memref<2x32x129xf32, #tpu.memory_space<vmem>> -> memref<1x32x129xf32, #tpu.memory_space<vmem>>
      %scatter3A_766 = tpu.memref_squeeze %scatter3A_765 : memref<1x32x129xf32, #tpu.memory_space<vmem>> -> memref<32x129xf32, #tpu.memory_space<vmem>>
      tpu.vector_store_idx %scatter3A_766[%add3A_327, %broadcast_in_dim3A_742], %get3A_762 : memref<32x129xf32, #tpu.memory_space<vmem>>[vector<16xi32>, vector<16xi32>], vector<16xf32>,
      %broadcast_in_dim3A_767 = arith.constant 17 : i32
      %broadcast_in_dim3A_768 = vector.broadcast %broadcast_in_dim3A_767 : i32 to vector<16xi32>
      %get3A_769 = arith.constant 17 : i32
      %get3A_770 = arith.constant 0 : i32
      %get3A_771 = arith.constant 0 : i32
      %get3A_772 = tpu.memref_slice %arg6[%rem3A_269, %get3A_770, %get3A_771] : memref<2x128x32xf32, #tpu.memory_space<vmem>> -> memref<1x128x32xf32, #tpu.memory_space<vmem>>
      %get3A_773 = tpu.memref_squeeze %get3A_772 : memref<1x128x32xf32, #tpu.memory_space<vmem>> -> memref<128x32xf32, #tpu.memory_space<vmem>>
      %get3A_774 = arith.index_cast %get3A_769 : i32 to index
      %get3A_775 = arith.constant 0 : index
      %get3A_776 = tpu.vector_load %get3A_773[%get3A_774, %get3A_775] {strides = array<i32>} : memref<128x32xf32, #tpu.memory_space<vmem>>, vector<16xf32>,
      %scatter3A_777 = arith.constant 0 : i32
      %scatter3A_778 = arith.constant 0 : i32
      %scatter3A_779 = tpu.memref_slice %arg7[%rem3A_269, %scatter3A_777, %scatter3A_778] : memref<2x32x129xf32, #tpu.memory_space<vmem>> -> memref<1x32x129xf32, #tpu.memory_space<vmem>>
      %scatter3A_780 = tpu.memref_squeeze %scatter3A_779 : memref<1x32x129xf32, #tpu.memory_space<vmem>> -> memref<32x129xf32, #tpu.memory_space<vmem>>
      tpu.vector_store_idx %scatter3A_780[%add3A_324, %broadcast_in_dim3A_768], %get3A_776 : memref<32x129xf32, #tpu.memory_space<vmem>>[vector<16xi32>, vector<16xi32>], vector<16xf32>,
      %get3A_781 = arith.constant 17 : i32
      %get3A_782 = arith.constant 0 : i32
      %get3A_783 = arith.constant 0 : i32
      %get3A_784 = tpu.memref_slice %arg6[%rem3A_269, %get3A_782, %get3A_783] : memref<2x128x32xf32, #tpu.memory_space<vmem>> -> memref<1x128x32xf32, #tpu.memory_space<vmem>>
      %get3A_785 = tpu.memref_squeeze %get3A_784 : memref<1x128x32xf32, #tpu.memory_space<vmem>> -> memref<128x32xf32, #tpu.memory_space<vmem>>
      %get3A_786 = arith.index_cast %get3A_781 : i32 to index
      %get3A_787 = arith.constant 16 : index
      %get3A_788 = tpu.vector_load %get3A_785[%get3A_786, %get3A_787] {strides = array<i32>} : memref<128x32xf32, #tpu.memory_space<vmem>>, vector<16xf32>,
      %scatter3A_789 = arith.constant 0 : i32
      %scatter3A_790 = arith.constant 0 : i32
      %scatter3A_791 = tpu.memref_slice %arg7[%rem3A_269, %scatter3A_789, %scatter3A_790] : memref<2x32x129xf32, #tpu.memory_space<vmem>> -> memref<1x32x129xf32, #tpu.memory_space<vmem>>
      %scatter3A_792 = tpu.memref_squeeze %scatter3A_791 : memref<1x32x129xf32, #tpu.memory_space<vmem>> -> memref<32x129xf32, #tpu.memory_space<vmem>>
      tpu.vector_store_idx %scatter3A_792[%add3A_327, %broadcast_in_dim3A_768], %get3A_788 : memref<32x129xf32, #tpu.memory_space<vmem>>[vector<16xi32>, vector<16xi32>], vector<16xf32>,
      %broadcast_in_dim3A_793 = arith.constant 18 : i32
      %broadcast_in_dim3A_794 = vector.broadcast %broadcast_in_dim3A_793 : i32 to vector<16xi32>
      %get3A_795 = arith.constant 18 : i32
      %get3A_796 = arith.constant 0 : i32
      %get3A_797 = arith.constant 0 : i32
      %get3A_798 = tpu.memref_slice %arg6[%rem3A_269, %get3A_796, %get3A_797] : memref<2x128x32xf32, #tpu.memory_space<vmem>> -> memref<1x128x32xf32, #tpu.memory_space<vmem>>
      %get3A_799 = tpu.memref_squeeze %get3A_798 : memref<1x128x32xf32, #tpu.memory_space<vmem>> -> memref<128x32xf32, #tpu.memory_space<vmem>>
      %get3A_800 = arith.index_cast %get3A_795 : i32 to index
      %get3A_801 = arith.constant 0 : index
      %get3A_802 = tpu.vector_load %get3A_799[%get3A_800, %get3A_801] {strides = array<i32>} : memref<128x32xf32, #tpu.memory_space<vmem>>, vector<16xf32>,
      %scatter3A_803 = arith.constant 0 : i32
      %scatter3A_804 = arith.constant 0 : i32
      %scatter3A_805 = tpu.memref_slice %arg7[%rem3A_269, %scatter3A_803, %scatter3A_804] : memref<2x32x129xf32, #tpu.memory_space<vmem>> -> memref<1x32x129xf32, #tpu.memory_space<vmem>>
      %scatter3A_806 = tpu.memref_squeeze %scatter3A_805 : memref<1x32x129xf32, #tpu.memory_space<vmem>> -> memref<32x129xf32, #tpu.memory_space<vmem>>
      tpu.vector_store_idx %scatter3A_806[%add3A_324, %broadcast_in_dim3A_794], %get3A_802 : memref<32x129xf32, #tpu.memory_space<vmem>>[vector<16xi32>, vector<16xi32>], vector<16xf32>,
      %get3A_807 = arith.constant 18 : i32
      %get3A_808 = arith.constant 0 : i32
      %get3A_809 = arith.constant 0 : i32
      %get3A_810 = tpu.memref_slice %arg6[%rem3A_269, %get3A_808, %get3A_809] : memref<2x128x32xf32, #tpu.memory_space<vmem>> -> memref<1x128x32xf32, #tpu.memory_space<vmem>>
      %get3A_811 = tpu.memref_squeeze %get3A_810 : memref<1x128x32xf32, #tpu.memory_space<vmem>> -> memref<128x32xf32, #tpu.memory_space<vmem>>
      %get3A_812 = arith.index_cast %get3A_807 : i32 to index
      %get3A_813 = arith.constant 16 : index
      %get3A_814 = tpu.vector_load %get3A_811[%get3A_812, %get3A_813] {strides = array<i32>} : memref<128x32xf32, #tpu.memory_space<vmem>>, vector<16xf32>,
      %scatter3A_815 = arith.constant 0 : i32
      %scatter3A_816 = arith.constant 0 : i32
      %scatter3A_817 = tpu.memref_slice %arg7[%rem3A_269, %scatter3A_815, %scatter3A_816] : memref<2x32x129xf32, #tpu.memory_space<vmem>> -> memref<1x32x129xf32, #tpu.memory_space<vmem>>
      %scatter3A_818 = tpu.memref_squeeze %scatter3A_817 : memref<1x32x129xf32, #tpu.memory_space<vmem>> -> memref<32x129xf32, #tpu.memory_space<vmem>>
      tpu.vector_store_idx %scatter3A_818[%add3A_327, %broadcast_in_dim3A_794], %get3A_814 : memref<32x129xf32, #tpu.memory_space<vmem>>[vector<16xi32>, vector<16xi32>], vector<16xf32>,
      %broadcast_in_dim3A_819 = arith.constant 19 : i32
      %broadcast_in_dim3A_820 = vector.broadcast %broadcast_in_dim3A_819 : i32 to vector<16xi32>
      %get3A_821 = arith.constant 19 : i32
      %get3A_822 = arith.constant 0 : i32
      %get3A_823 = arith.constant 0 : i32
      %get3A_824 = tpu.memref_slice %arg6[%rem3A_269, %get3A_822, %get3A_823] : memref<2x128x32xf32, #tpu.memory_space<vmem>> -> memref<1x128x32xf32, #tpu.memory_space<vmem>>
      %get3A_825 = tpu.memref_squeeze %get3A_824 : memref<1x128x32xf32, #tpu.memory_space<vmem>> -> memref<128x32xf32, #tpu.memory_space<vmem>>
      %get3A_826 = arith.index_cast %get3A_821 : i32 to index
      %get3A_827 = arith.constant 0 : index
      %get3A_828 = tpu.vector_load %get3A_825[%get3A_826, %get3A_827] {strides = array<i32>} : memref<128x32xf32, #tpu.memory_space<vmem>>, vector<16xf32>,
      %scatter3A_829 = arith.constant 0 : i32
      %scatter3A_830 = arith.constant 0 : i32
      %scatter3A_831 = tpu.memref_slice %arg7[%rem3A_269, %scatter3A_829, %scatter3A_830] : memref<2x32x129xf32, #tpu.memory_space<vmem>> -> memref<1x32x129xf32, #tpu.memory_space<vmem>>
      %scatter3A_832 = tpu.memref_squeeze %scatter3A_831 : memref<1x32x129xf32, #tpu.memory_space<vmem>> -> memref<32x129xf32, #tpu.memory_space<vmem>>
      tpu.vector_store_idx %scatter3A_832[%add3A_324, %broadcast_in_dim3A_820], %get3A_828 : memref<32x129xf32, #tpu.memory_space<vmem>>[vector<16xi32>, vector<16xi32>], vector<16xf32>,
      %get3A_833 = arith.constant 19 : i32
      %get3A_834 = arith.constant 0 : i32
      %get3A_835 = arith.constant 0 : i32
      %get3A_836 = tpu.memref_slice %arg6[%rem3A_269, %get3A_834, %get3A_835] : memref<2x128x32xf32, #tpu.memory_space<vmem>> -> memref<1x128x32xf32, #tpu.memory_space<vmem>>
      %get3A_837 = tpu.memref_squeeze %get3A_836 : memref<1x128x32xf32, #tpu.memory_space<vmem>> -> memref<128x32xf32, #tpu.memory_space<vmem>>
      %get3A_838 = arith.index_cast %get3A_833 : i32 to index
      %get3A_839 = arith.constant 16 : index
      %get3A_840 = tpu.vector_load %get3A_837[%get3A_838, %get3A_839] {strides = array<i32>} : memref<128x32xf32, #tpu.memory_space<vmem>>, vector<16xf32>,
      %scatter3A_841 = arith.constant 0 : i32
      %scatter3A_842 = arith.constant 0 : i32
      %scatter3A_843 = tpu.memref_slice %arg7[%rem3A_269, %scatter3A_841, %scatter3A_842] : memref<2x32x129xf32, #tpu.memory_space<vmem>> -> memref<1x32x129xf32, #tpu.memory_space<vmem>>
      %scatter3A_844 = tpu.memref_squeeze %scatter3A_843 : memref<1x32x129xf32, #tpu.memory_space<vmem>> -> memref<32x129xf32, #tpu.memory_space<vmem>>
      tpu.vector_store_idx %scatter3A_844[%add3A_327, %broadcast_in_dim3A_820], %get3A_840 : memref<32x129xf32, #tpu.memory_space<vmem>>[vector<16xi32>, vector<16xi32>], vector<16xf32>,
      %broadcast_in_dim3A_845 = arith.constant 20 : i32
      %broadcast_in_dim3A_846 = vector.broadcast %broadcast_in_dim3A_845 : i32 to vector<16xi32>
      %get3A_847 = arith.constant 20 : i32
      %get3A_848 = arith.constant 0 : i32
      %get3A_849 = arith.constant 0 : i32
      %get3A_850 = tpu.memref_slice %arg6[%rem3A_269, %get3A_848, %get3A_849] : memref<2x128x32xf32, #tpu.memory_space<vmem>> -> memref<1x128x32xf32, #tpu.memory_space<vmem>>
      %get3A_851 = tpu.memref_squeeze %get3A_850 : memref<1x128x32xf32, #tpu.memory_space<vmem>> -> memref<128x32xf32, #tpu.memory_space<vmem>>
      %get3A_852 = arith.index_cast %get3A_847 : i32 to index
      %get3A_853 = arith.constant 0 : index
      %get3A_854 = tpu.vector_load %get3A_851[%get3A_852, %get3A_853] {strides = array<i32>} : memref<128x32xf32, #tpu.memory_space<vmem>>, vector<16xf32>,
      %scatter3A_855 = arith.constant 0 : i32
      %scatter3A_856 = arith.constant 0 : i32
      %scatter3A_857 = tpu.memref_slice %arg7[%rem3A_269, %scatter3A_855, %scatter3A_856] : memref<2x32x129xf32, #tpu.memory_space<vmem>> -> memref<1x32x129xf32, #tpu.memory_space<vmem>>
      %scatter3A_858 = tpu.memref_squeeze %scatter3A_857 : memref<1x32x129xf32, #tpu.memory_space<vmem>> -> memref<32x129xf32, #tpu.memory_space<vmem>>
      tpu.vector_store_idx %scatter3A_858[%add3A_324, %broadcast_in_dim3A_846], %get3A_854 : memref<32x129xf32, #tpu.memory_space<vmem>>[vector<16xi32>, vector<16xi32>], vector<16xf32>,
      %get3A_859 = arith.constant 20 : i32
      %get3A_860 = arith.constant 0 : i32
      %get3A_861 = arith.constant 0 : i32
      %get3A_862 = tpu.memref_slice %arg6[%rem3A_269, %get3A_860, %get3A_861] : memref<2x128x32xf32, #tpu.memory_space<vmem>> -> memref<1x128x32xf32, #tpu.memory_space<vmem>>
      %get3A_863 = tpu.memref_squeeze %get3A_862 : memref<1x128x32xf32, #tpu.memory_space<vmem>> -> memref<128x32xf32, #tpu.memory_space<vmem>>
      %get3A_864 = arith.index_cast %get3A_859 : i32 to index
      %get3A_865 = arith.constant 16 : index
      %get3A_866 = tpu.vector_load %get3A_863[%get3A_864, %get3A_865] {strides = array<i32>} : memref<128x32xf32, #tpu.memory_space<vmem>>, vector<16xf32>,
      %scatter3A_867 = arith.constant 0 : i32
      %scatter3A_868 = arith.constant 0 : i32
      %scatter3A_869 = tpu.memref_slice %arg7[%rem3A_269, %scatter3A_867, %scatter3A_868] : memref<2x32x129xf32, #tpu.memory_space<vmem>> -> memref<1x32x129xf32, #tpu.memory_space<vmem>>
      %scatter3A_870 = tpu.memref_squeeze %scatter3A_869 : memref<1x32x129xf32, #tpu.memory_space<vmem>> -> memref<32x129xf32, #tpu.memory_space<vmem>>
      tpu.vector_store_idx %scatter3A_870[%add3A_327, %broadcast_in_dim3A_846], %get3A_866 : memref<32x129xf32, #tpu.memory_space<vmem>>[vector<16xi32>, vector<16xi32>], vector<16xf32>,
      %broadcast_in_dim3A_871 = arith.constant 21 : i32
      %broadcast_in_dim3A_872 = vector.broadcast %broadcast_in_dim3A_871 : i32 to vector<16xi32>
      %get3A_873 = arith.constant 21 : i32
      %get3A_874 = arith.constant 0 : i32
      %get3A_875 = arith.constant 0 : i32
      %get3A_876 = tpu.memref_slice %arg6[%rem3A_269, %get3A_874, %get3A_875] : memref<2x128x32xf32, #tpu.memory_space<vmem>> -> memref<1x128x32xf32, #tpu.memory_space<vmem>>
      %get3A_877 = tpu.memref_squeeze %get3A_876 : memref<1x128x32xf32, #tpu.memory_space<vmem>> -> memref<128x32xf32, #tpu.memory_space<vmem>>
      %get3A_878 = arith.index_cast %get3A_873 : i32 to index
      %get3A_879 = arith.constant 0 : index
      %get3A_880 = tpu.vector_load %get3A_877[%get3A_878, %get3A_879] {strides = array<i32>} : memref<128x32xf32, #tpu.memory_space<vmem>>, vector<16xf32>,
      %scatter3A_881 = arith.constant 0 : i32
      %scatter3A_882 = arith.constant 0 : i32
      %scatter3A_883 = tpu.memref_slice %arg7[%rem3A_269, %scatter3A_881, %scatter3A_882] : memref<2x32x129xf32, #tpu.memory_space<vmem>> -> memref<1x32x129xf32, #tpu.memory_space<vmem>>
      %scatter3A_884 = tpu.memref_squeeze %scatter3A_883 : memref<1x32x129xf32, #tpu.memory_space<vmem>> -> memref<32x129xf32, #tpu.memory_space<vmem>>
      tpu.vector_store_idx %scatter3A_884[%add3A_324, %broadcast_in_dim3A_872], %get3A_880 : memref<32x129xf32, #tpu.memory_space<vmem>>[vector<16xi32>, vector<16xi32>], vector<16xf32>,
      %get3A_885 = arith.constant 21 : i32
      %get3A_886 = arith.constant 0 : i32
      %get3A_887 = arith.constant 0 : i32
      %get3A_888 = tpu.memref_slice %arg6[%rem3A_269, %get3A_886, %get3A_887] : memref<2x128x32xf32, #tpu.memory_space<vmem>> -> memref<1x128x32xf32, #tpu.memory_space<vmem>>
      %get3A_889 = tpu.memref_squeeze %get3A_888 : memref<1x128x32xf32, #tpu.memory_space<vmem>> -> memref<128x32xf32, #tpu.memory_space<vmem>>
      %get3A_890 = arith.index_cast %get3A_885 : i32 to index
      %get3A_891 = arith.constant 16 : index
      %get3A_892 = tpu.vector_load %get3A_889[%get3A_890, %get3A_891] {strides = array<i32>} : memref<128x32xf32, #tpu.memory_space<vmem>>, vector<16xf32>,
      %scatter3A_893 = arith.constant 0 : i32
      %scatter3A_894 = arith.constant 0 : i32
      %scatter3A_895 = tpu.memref_slice %arg7[%rem3A_269, %scatter3A_893, %scatter3A_894] : memref<2x32x129xf32, #tpu.memory_space<vmem>> -> memref<1x32x129xf32, #tpu.memory_space<vmem>>
      %scatter3A_896 = tpu.memref_squeeze %scatter3A_895 : memref<1x32x129xf32, #tpu.memory_space<vmem>> -> memref<32x129xf32, #tpu.memory_space<vmem>>
      tpu.vector_store_idx %scatter3A_896[%add3A_327, %broadcast_in_dim3A_872], %get3A_892 : memref<32x129xf32, #tpu.memory_space<vmem>>[vector<16xi32>, vector<16xi32>], vector<16xf32>,
      %broadcast_in_dim3A_897 = arith.constant 22 : i32
      %broadcast_in_dim3A_898 = vector.broadcast %broadcast_in_dim3A_897 : i32 to vector<16xi32>
      %get3A_899 = arith.constant 22 : i32
      %get3A_900 = arith.constant 0 : i32
      %get3A_901 = arith.constant 0 : i32
      %get3A_902 = tpu.memref_slice %arg6[%rem3A_269, %get3A_900, %get3A_901] : memref<2x128x32xf32, #tpu.memory_space<vmem>> -> memref<1x128x32xf32, #tpu.memory_space<vmem>>
      %get3A_903 = tpu.memref_squeeze %get3A_902 : memref<1x128x32xf32, #tpu.memory_space<vmem>> -> memref<128x32xf32, #tpu.memory_space<vmem>>
      %get3A_904 = arith.index_cast %get3A_899 : i32 to index
      %get3A_905 = arith.constant 0 : index
      %get3A_906 = tpu.vector_load %get3A_903[%get3A_904, %get3A_905] {strides = array<i32>} : memref<128x32xf32, #tpu.memory_space<vmem>>, vector<16xf32>,
      %scatter3A_907 = arith.constant 0 : i32
      %scatter3A_908 = arith.constant 0 : i32
      %scatter3A_909 = tpu.memref_slice %arg7[%rem3A_269, %scatter3A_907, %scatter3A_908] : memref<2x32x129xf32, #tpu.memory_space<vmem>> -> memref<1x32x129xf32, #tpu.memory_space<vmem>>
      %scatter3A_910 = tpu.memref_squeeze %scatter3A_909 : memref<1x32x129xf32, #tpu.memory_space<vmem>> -> memref<32x129xf32, #tpu.memory_space<vmem>>
      tpu.vector_store_idx %scatter3A_910[%add3A_324, %broadcast_in_dim3A_898], %get3A_906 : memref<32x129xf32, #tpu.memory_space<vmem>>[vector<16xi32>, vector<16xi32>], vector<16xf32>,
      %get3A_911 = arith.constant 22 : i32
      %get3A_912 = arith.constant 0 : i32
      %get3A_913 = arith.constant 0 : i32
      %get3A_914 = tpu.memref_slice %arg6[%rem3A_269, %get3A_912, %get3A_913] : memref<2x128x32xf32, #tpu.memory_space<vmem>> -> memref<1x128x32xf32, #tpu.memory_space<vmem>>
      %get3A_915 = tpu.memref_squeeze %get3A_914 : memref<1x128x32xf32, #tpu.memory_space<vmem>> -> memref<128x32xf32, #tpu.memory_space<vmem>>
      %get3A_916 = arith.index_cast %get3A_911 : i32 to index
      %get3A_917 = arith.constant 16 : index
      %get3A_918 = tpu.vector_load %get3A_915[%get3A_916, %get3A_917] {strides = array<i32>} : memref<128x32xf32, #tpu.memory_space<vmem>>, vector<16xf32>,
      %scatter3A_919 = arith.constant 0 : i32
      %scatter3A_920 = arith.constant 0 : i32
      %scatter3A_921 = tpu.memref_slice %arg7[%rem3A_269, %scatter3A_919, %scatter3A_920] : memref<2x32x129xf32, #tpu.memory_space<vmem>> -> memref<1x32x129xf32, #tpu.memory_space<vmem>>
      %scatter3A_922 = tpu.memref_squeeze %scatter3A_921 : memref<1x32x129xf32, #tpu.memory_space<vmem>> -> memref<32x129xf32, #tpu.memory_space<vmem>>
      tpu.vector_store_idx %scatter3A_922[%add3A_327, %broadcast_in_dim3A_898], %get3A_918 : memref<32x129xf32, #tpu.memory_space<vmem>>[vector<16xi32>, vector<16xi32>], vector<16xf32>,
      %broadcast_in_dim3A_923 = arith.constant 23 : i32
      %broadcast_in_dim3A_924 = vector.broadcast %broadcast_in_dim3A_923 : i32 to vector<16xi32>
      %get3A_925 = arith.constant 23 : i32
      %get3A_926 = arith.constant 0 : i32
      %get3A_927 = arith.constant 0 : i32
      %get3A_928 = tpu.memref_slice %arg6[%rem3A_269, %get3A_926, %get3A_927] : memref<2x128x32xf32, #tpu.memory_space<vmem>> -> memref<1x128x32xf32, #tpu.memory_space<vmem>>
      %get3A_929 = tpu.memref_squeeze %get3A_928 : memref<1x128x32xf32, #tpu.memory_space<vmem>> -> memref<128x32xf32, #tpu.memory_space<vmem>>
      %get3A_930 = arith.index_cast %get3A_925 : i32 to index
      %get3A_931 = arith.constant 0 : index
      %get3A_932 = tpu.vector_load %get3A_929[%get3A_930, %get3A_931] {strides = array<i32>} : memref<128x32xf32, #tpu.memory_space<vmem>>, vector<16xf32>,
      %scatter3A_933 = arith.constant 0 : i32
      %scatter3A_934 = arith.constant 0 : i32
      %scatter3A_935 = tpu.memref_slice %arg7[%rem3A_269, %scatter3A_933, %scatter3A_934] : memref<2x32x129xf32, #tpu.memory_space<vmem>> -> memref<1x32x129xf32, #tpu.memory_space<vmem>>
      %scatter3A_936 = tpu.memref_squeeze %scatter3A_935 : memref<1x32x129xf32, #tpu.memory_space<vmem>> -> memref<32x129xf32, #tpu.memory_space<vmem>>
      tpu.vector_store_idx %scatter3A_936[%add3A_324, %broadcast_in_dim3A_924], %get3A_932 : memref<32x129xf32, #tpu.memory_space<vmem>>[vector<16xi32>, vector<16xi32>], vector<16xf32>,
      %get3A_937 = arith.constant 23 : i32
      %get3A_938 = arith.constant 0 : i32
      %get3A_939 = arith.constant 0 : i32
      %get3A_940 = tpu.memref_slice %arg6[%rem3A_269, %get3A_938, %get3A_939] : memref<2x128x32xf32, #tpu.memory_space<vmem>> -> memref<1x128x32xf32, #tpu.memory_space<vmem>>
      %get3A_941 = tpu.memref_squeeze %get3A_940 : memref<1x128x32xf32, #tpu.memory_space<vmem>> -> memref<128x32xf32, #tpu.memory_space<vmem>>
      %get3A_942 = arith.index_cast %get3A_937 : i32 to index
      %get3A_943 = arith.constant 16 : index
      %get3A_944 = tpu.vector_load %get3A_941[%get3A_942, %get3A_943] {strides = array<i32>} : memref<128x32xf32, #tpu.memory_space<vmem>>, vector<16xf32>,
      %scatter3A_945 = arith.constant 0 : i32
      %scatter3A_946 = arith.constant 0 : i32
      %scatter3A_947 = tpu.memref_slice %arg7[%rem3A_269, %scatter3A_945, %scatter3A_946] : memref<2x32x129xf32, #tpu.memory_space<vmem>> -> memref<1x32x129xf32, #tpu.memory_space<vmem>>
      %scatter3A_948 = tpu.memref_squeeze %scatter3A_947 : memref<1x32x129xf32, #tpu.memory_space<vmem>> -> memref<32x129xf32, #tpu.memory_space<vmem>>
      tpu.vector_store_idx %scatter3A_948[%add3A_327, %broadcast_in_dim3A_924], %get3A_944 : memref<32x129xf32, #tpu.memory_space<vmem>>[vector<16xi32>, vector<16xi32>], vector<16xf32>,
      %broadcast_in_dim3A_949 = arith.constant 24 : i32
      %broadcast_in_dim3A_950 = vector.broadcast %broadcast_in_dim3A_949 : i32 to vector<16xi32>
      %get3A_951 = arith.constant 24 : i32
      %get3A_952 = arith.constant 0 : i32
      %get3A_953 = arith.constant 0 : i32
      %get3A_954 = tpu.memref_slice %arg6[%rem3A_269, %get3A_952, %get3A_953] : memref<2x128x32xf32, #tpu.memory_space<vmem>> -> memref<1x128x32xf32, #tpu.memory_space<vmem>>
      %get3A_955 = tpu.memref_squeeze %get3A_954 : memref<1x128x32xf32, #tpu.memory_space<vmem>> -> memref<128x32xf32, #tpu.memory_space<vmem>>
      %get3A_956 = arith.index_cast %get3A_951 : i32 to index
      %get3A_957 = arith.constant 0 : index
      %get3A_958 = tpu.vector_load %get3A_955[%get3A_956, %get3A_957] {strides = array<i32>} : memref<128x32xf32, #tpu.memory_space<vmem>>, vector<16xf32>,
      %scatter3A_959 = arith.constant 0 : i32
      %scatter3A_960 = arith.constant 0 : i32
      %scatter3A_961 = tpu.memref_slice %arg7[%rem3A_269, %scatter3A_959, %scatter3A_960] : memref<2x32x129xf32, #tpu.memory_space<vmem>> -> memref<1x32x129xf32, #tpu.memory_space<vmem>>
      %scatter3A_962 = tpu.memref_squeeze %scatter3A_961 : memref<1x32x129xf32, #tpu.memory_space<vmem>> -> memref<32x129xf32, #tpu.memory_space<vmem>>
      tpu.vector_store_idx %scatter3A_962[%add3A_324, %broadcast_in_dim3A_950], %get3A_958 : memref<32x129xf32, #tpu.memory_space<vmem>>[vector<16xi32>, vector<16xi32>], vector<16xf32>,
      %get3A_963 = arith.constant 24 : i32
      %get3A_964 = arith.constant 0 : i32
      %get3A_965 = arith.constant 0 : i32
      %get3A_966 = tpu.memref_slice %arg6[%rem3A_269, %get3A_964, %get3A_965] : memref<2x128x32xf32, #tpu.memory_space<vmem>> -> memref<1x128x32xf32, #tpu.memory_space<vmem>>
      %get3A_967 = tpu.memref_squeeze %get3A_966 : memref<1x128x32xf32, #tpu.memory_space<vmem>> -> memref<128x32xf32, #tpu.memory_space<vmem>>
      %get3A_968 = arith.index_cast %get3A_963 : i32 to index
      %get3A_969 = arith.constant 16 : index
      %get3A_970 = tpu.vector_load %get3A_967[%get3A_968, %get3A_969] {strides = array<i32>} : memref<128x32xf32, #tpu.memory_space<vmem>>, vector<16xf32>,
      %scatter3A_971 = arith.constant 0 : i32
      %scatter3A_972 = arith.constant 0 : i32
      %scatter3A_973 = tpu.memref_slice %arg7[%rem3A_269, %scatter3A_971, %scatter3A_972] : memref<2x32x129xf32, #tpu.memory_space<vmem>> -> memref<1x32x129xf32, #tpu.memory_space<vmem>>
      %scatter3A_974 = tpu.memref_squeeze %scatter3A_973 : memref<1x32x129xf32, #tpu.memory_space<vmem>> -> memref<32x129xf32, #tpu.memory_space<vmem>>
      tpu.vector_store_idx %scatter3A_974[%add3A_327, %broadcast_in_dim3A_950], %get3A_970 : memref<32x129xf32, #tpu.memory_space<vmem>>[vector<16xi32>, vector<16xi32>], vector<16xf32>,
      %broadcast_in_dim3A_975 = arith.constant 25 : i32
      %broadcast_in_dim3A_976 = vector.broadcast %broadcast_in_dim3A_975 : i32 to vector<16xi32>
      %get3A_977 = arith.constant 25 : i32
      %get3A_978 = arith.constant 0 : i32
      %get3A_979 = arith.constant 0 : i32
      %get3A_980 = tpu.memref_slice %arg6[%rem3A_269, %get3A_978, %get3A_979] : memref<2x128x32xf32, #tpu.memory_space<vmem>> -> memref<1x128x32xf32, #tpu.memory_space<vmem>>
      %get3A_981 = tpu.memref_squeeze %get3A_980 : memref<1x128x32xf32, #tpu.memory_space<vmem>> -> memref<128x32xf32, #tpu.memory_space<vmem>>
      %get3A_982 = arith.index_cast %get3A_977 : i32 to index
      %get3A_983 = arith.constant 0 : index
      %get3A_984 = tpu.vector_load %get3A_981[%get3A_982, %get3A_983] {strides = array<i32>} : memref<128x32xf32, #tpu.memory_space<vmem>>, vector<16xf32>,
      %scatter3A_985 = arith.constant 0 : i32
      %scatter3A_986 = arith.constant 0 : i32
      %scatter3A_987 = tpu.memref_slice %arg7[%rem3A_269, %scatter3A_985, %scatter3A_986] : memref<2x32x129xf32, #tpu.memory_space<vmem>> -> memref<1x32x129xf32, #tpu.memory_space<vmem>>
      %scatter3A_988 = tpu.memref_squeeze %scatter3A_987 : memref<1x32x129xf32, #tpu.memory_space<vmem>> -> memref<32x129xf32, #tpu.memory_space<vmem>>
      tpu.vector_store_idx %scatter3A_988[%add3A_324, %broadcast_in_dim3A_976], %get3A_984 : memref<32x129xf32, #tpu.memory_space<vmem>>[vector<16xi32>, vector<16xi32>], vector<16xf32>,
      %get3A_989 = arith.constant 25 : i32
      %get3A_990 = arith.constant 0 : i32
      %get3A_991 = arith.constant 0 : i32
      %get3A_992 = tpu.memref_slice %arg6[%rem3A_269, %get3A_990, %get3A_991] : memref<2x128x32xf32, #tpu.memory_space<vmem>> -> memref<1x128x32xf32, #tpu.memory_space<vmem>>
      %get3A_993 = tpu.memref_squeeze %get3A_992 : memref<1x128x32xf32, #tpu.memory_space<vmem>> -> memref<128x32xf32, #tpu.memory_space<vmem>>
      %get3A_994 = arith.index_cast %get3A_989 : i32 to index
      %get3A_995 = arith.constant 16 : index
      %get3A_996 = tpu.vector_load %get3A_993[%get3A_994, %get3A_995] {strides = array<i32>} : memref<128x32xf32, #tpu.memory_space<vmem>>, vector<16xf32>,
      %scatter3A_997 = arith.constant 0 : i32
      %scatter3A_998 = arith.constant 0 : i32
      %scatter3A_999 = tpu.memref_slice %arg7[%rem3A_269, %scatter3A_997, %scatter3A_998] : memref<2x32x129xf32, #tpu.memory_space<vmem>> -> memref<1x32x129xf32, #tpu.memory_space<vmem>>
      %scatter3A_1000 = tpu.memref_squeeze %scatter3A_999 : memref<1x32x129xf32, #tpu.memory_space<vmem>> -> memref<32x129xf32, #tpu.memory_space<vmem>>
      tpu.vector_store_idx %scatter3A_1000[%add3A_327, %broadcast_in_dim3A_976], %get3A_996 : memref<32x129xf32, #tpu.memory_space<vmem>>[vector<16xi32>, vector<16xi32>], vector<16xf32>,
      %broadcast_in_dim3A_1001 = arith.constant 26 : i32
      %broadcast_in_dim3A_1002 = vector.broadcast %broadcast_in_dim3A_1001 : i32 to vector<16xi32>
      %get3A_1003 = arith.constant 26 : i32
      %get3A_1004 = arith.constant 0 : i32
      %get3A_1005 = arith.constant 0 : i32
      %get3A_1006 = tpu.memref_slice %arg6[%rem3A_269, %get3A_1004, %get3A_1005] : memref<2x128x32xf32, #tpu.memory_space<vmem>> -> memref<1x128x32xf32, #tpu.memory_space<vmem>>
      %get3A_1007 = tpu.memref_squeeze %get3A_1006 : memref<1x128x32xf32, #tpu.memory_space<vmem>> -> memref<128x32xf32, #tpu.memory_space<vmem>>
      %get3A_1008 = arith.index_cast %get3A_1003 : i32 to index
      %get3A_1009 = arith.constant 0 : index
      %get3A_1010 = tpu.vector_load %get3A_1007[%get3A_1008, %get3A_1009] {strides = array<i32>} : memref<128x32xf32, #tpu.memory_space<vmem>>, vector<16xf32>,
      %scatter3A_1011 = arith.constant 0 : i32
      %scatter3A_1012 = arith.constant 0 : i32
      %scatter3A_1013 = tpu.memref_slice %arg7[%rem3A_269, %scatter3A_1011, %scatter3A_1012] : memref<2x32x129xf32, #tpu.memory_space<vmem>> -> memref<1x32x129xf32, #tpu.memory_space<vmem>>
      %scatter3A_1014 = tpu.memref_squeeze %scatter3A_1013 : memref<1x32x129xf32, #tpu.memory_space<vmem>> -> memref<32x129xf32, #tpu.memory_space<vmem>>
      tpu.vector_store_idx %scatter3A_1014[%add3A_324, %broadcast_in_dim3A_1002], %get3A_1010 : memref<32x129xf32, #tpu.memory_space<vmem>>[vector<16xi32>, vector<16xi32>], vector<16xf32>,
      %get3A_1015 = arith.constant 26 : i32
      %get3A_1016 = arith.constant 0 : i32
      %get3A_1017 = arith.constant 0 : i32
      %get3A_1018 = tpu.memref_slice %arg6[%rem3A_269, %get3A_1016, %get3A_1017] : memref<2x128x32xf32, #tpu.memory_space<vmem>> -> memref<1x128x32xf32, #tpu.memory_space<vmem>>
      %get3A_1019 = tpu.memref_squeeze %get3A_1018 : memref<1x128x32xf32, #tpu.memory_space<vmem>> -> memref<128x32xf32, #tpu.memory_space<vmem>>
      %get3A_1020 = arith.index_cast %get3A_1015 : i32 to index
      %get3A_1021 = arith.constant 16 : index
      %get3A_1022 = tpu.vector_load %get3A_1019[%get3A_1020, %get3A_1021] {strides = array<i32>} : memref<128x32xf32, #tpu.memory_space<vmem>>, vector<16xf32>,
      %scatter3A_1023 = arith.constant 0 : i32
      %scatter3A_1024 = arith.constant 0 : i32
      %scatter3A_1025 = tpu.memref_slice %arg7[%rem3A_269, %scatter3A_1023, %scatter3A_1024] : memref<2x32x129xf32, #tpu.memory_space<vmem>> -> memref<1x32x129xf32, #tpu.memory_space<vmem>>
      %scatter3A_1026 = tpu.memref_squeeze %scatter3A_1025 : memref<1x32x129xf32, #tpu.memory_space<vmem>> -> memref<32x129xf32, #tpu.memory_space<vmem>>
      tpu.vector_store_idx %scatter3A_1026[%add3A_327, %broadcast_in_dim3A_1002], %get3A_1022 : memref<32x129xf32, #tpu.memory_space<vmem>>[vector<16xi32>, vector<16xi32>], vector<16xf32>,
      %broadcast_in_dim3A_1027 = arith.constant 27 : i32
      %broadcast_in_dim3A_1028 = vector.broadcast %broadcast_in_dim3A_1027 : i32 to vector<16xi32>
      %get3A_1029 = arith.constant 27 : i32
      %get3A_1030 = arith.constant 0 : i32
      %get3A_1031 = arith.constant 0 : i32
      %get3A_1032 = tpu.memref_slice %arg6[%rem3A_269, %get3A_1030, %get3A_1031] : memref<2x128x32xf32, #tpu.memory_space<vmem>> -> memref<1x128x32xf32, #tpu.memory_space<vmem>>
      %get3A_1033 = tpu.memref_squeeze %get3A_1032 : memref<1x128x32xf32, #tpu.memory_space<vmem>> -> memref<128x32xf32, #tpu.memory_space<vmem>>
      %get3A_1034 = arith.index_cast %get3A_1029 : i32 to index
      %get3A_1035 = arith.constant 0 : index
      %get3A_1036 = tpu.vector_load %get3A_1033[%get3A_1034, %get3A_1035] {strides = array<i32>} : memref<128x32xf32, #tpu.memory_space<vmem>>, vector<16xf32>,
      %scatter3A_1037 = arith.constant 0 : i32
      %scatter3A_1038 = arith.constant 0 : i32
      %scatter3A_1039 = tpu.memref_slice %arg7[%rem3A_269, %scatter3A_1037, %scatter3A_1038] : memref<2x32x129xf32, #tpu.memory_space<vmem>> -> memref<1x32x129xf32, #tpu.memory_space<vmem>>
      %scatter3A_1040 = tpu.memref_squeeze %scatter3A_1039 : memref<1x32x129xf32, #tpu.memory_space<vmem>> -> memref<32x129xf32, #tpu.memory_space<vmem>>
      tpu.vector_store_idx %scatter3A_1040[%add3A_324, %broadcast_in_dim3A_1028], %get3A_1036 : memref<32x129xf32, #tpu.memory_space<vmem>>[vector<16xi32>, vector<16xi32>], vector<16xf32>,
      %get3A_1041 = arith.constant 27 : i32
      %get3A_1042 = arith.constant 0 : i32
      %get3A_1043 = arith.constant 0 : i32
      %get3A_1044 = tpu.memref_slice %arg6[%rem3A_269, %get3A_1042, %get3A_1043] : memref<2x128x32xf32, #tpu.memory_space<vmem>> -> memref<1x128x32xf32, #tpu.memory_space<vmem>>
      %get3A_1045 = tpu.memref_squeeze %get3A_1044 : memref<1x128x32xf32, #tpu.memory_space<vmem>> -> memref<128x32xf32, #tpu.memory_space<vmem>>
      %get3A_1046 = arith.index_cast %get3A_1041 : i32 to index
      %get3A_1047 = arith.constant 16 : index
      %get3A_1048 = tpu.vector_load %get3A_1045[%get3A_1046, %get3A_1047] {strides = array<i32>} : memref<128x32xf32, #tpu.memory_space<vmem>>, vector<16xf32>,
      %scatter3A_1049 = arith.constant 0 : i32
      %scatter3A_1050 = arith.constant 0 : i32
      %scatter3A_1051 = tpu.memref_slice %arg7[%rem3A_269, %scatter3A_1049, %scatter3A_1050] : memref<2x32x129xf32, #tpu.memory_space<vmem>> -> memref<1x32x129xf32, #tpu.memory_space<vmem>>
      %scatter3A_1052 = tpu.memref_squeeze %scatter3A_1051 : memref<1x32x129xf32, #tpu.memory_space<vmem>> -> memref<32x129xf32, #tpu.memory_space<vmem>>
      tpu.vector_store_idx %scatter3A_1052[%add3A_327, %broadcast_in_dim3A_1028], %get3A_1048 : memref<32x129xf32, #tpu.memory_space<vmem>>[vector<16xi32>, vector<16xi32>], vector<16xf32>,
      %broadcast_in_dim3A_1053 = arith.constant 28 : i32
      %broadcast_in_dim3A_1054 = vector.broadcast %broadcast_in_dim3A_1053 : i32 to vector<16xi32>
      %get3A_1055 = arith.constant 28 : i32
      %get3A_1056 = arith.constant 0 : i32
      %get3A_1057 = arith.constant 0 : i32
      %get3A_1058 = tpu.memref_slice %arg6[%rem3A_269, %get3A_1056, %get3A_1057] : memref<2x128x32xf32, #tpu.memory_space<vmem>> -> memref<1x128x32xf32, #tpu.memory_space<vmem>>
      %get3A_1059 = tpu.memref_squeeze %get3A_1058 : memref<1x128x32xf32, #tpu.memory_space<vmem>> -> memref<128x32xf32, #tpu.memory_space<vmem>>
      %get3A_1060 = arith.index_cast %get3A_1055 : i32 to index
      %get3A_1061 = arith.constant 0 : index
      %get3A_1062 = tpu.vector_load %get3A_1059[%get3A_1060, %get3A_1061] {strides = array<i32>} : memref<128x32xf32, #tpu.memory_space<vmem>>, vector<16xf32>,
      %scatter3A_1063 = arith.constant 0 : i32
      %scatter3A_1064 = arith.constant 0 : i32
      %scatter3A_1065 = tpu.memref_slice %arg7[%rem3A_269, %scatter3A_1063, %scatter3A_1064] : memref<2x32x129xf32, #tpu.memory_space<vmem>> -> memref<1x32x129xf32, #tpu.memory_space<vmem>>
      %scatter3A_1066 = tpu.memref_squeeze %scatter3A_1065 : memref<1x32x129xf32, #tpu.memory_space<vmem>> -> memref<32x129xf32, #tpu.memory_space<vmem>>
      tpu.vector_store_idx %scatter3A_1066[%add3A_324, %broadcast_in_dim3A_1054], %get3A_1062 : memref<32x129xf32, #tpu.memory_space<vmem>>[vector<16xi32>, vector<16xi32>], vector<16xf32>,
      %get3A_1067 = arith.constant 28 : i32
      %get3A_1068 = arith.constant 0 : i32
      %get3A_1069 = arith.constant 0 : i32
      %get3A_1070 = tpu.memref_slice %arg6[%rem3A_269, %get3A_1068, %get3A_1069] : memref<2x128x32xf32, #tpu.memory_space<vmem>> -> memref<1x128x32xf32, #tpu.memory_space<vmem>>
      %get3A_1071 = tpu.memref_squeeze %get3A_1070 : memref<1x128x32xf32, #tpu.memory_space<vmem>> -> memref<128x32xf32, #tpu.memory_space<vmem>>
      %get3A_1072 = arith.index_cast %get3A_1067 : i32 to index
      %get3A_1073 = arith.constant 16 : index
      %get3A_1074 = tpu.vector_load %get3A_1071[%get3A_1072, %get3A_1073] {strides = array<i32>} : memref<128x32xf32, #tpu.memory_space<vmem>>, vector<16xf32>,
      %scatter3A_1075 = arith.constant 0 : i32
      %scatter3A_1076 = arith.constant 0 : i32
      %scatter3A_1077 = tpu.memref_slice %arg7[%rem3A_269, %scatter3A_1075, %scatter3A_1076] : memref<2x32x129xf32, #tpu.memory_space<vmem>> -> memref<1x32x129xf32, #tpu.memory_space<vmem>>
      %scatter3A_1078 = tpu.memref_squeeze %scatter3A_1077 : memref<1x32x129xf32, #tpu.memory_space<vmem>> -> memref<32x129xf32, #tpu.memory_space<vmem>>
      tpu.vector_store_idx %scatter3A_1078[%add3A_327, %broadcast_in_dim3A_1054], %get3A_1074 : memref<32x129xf32, #tpu.memory_space<vmem>>[vector<16xi32>, vector<16xi32>], vector<16xf32>,
      %broadcast_in_dim3A_1079 = arith.constant 29 : i32
      %broadcast_in_dim3A_1080 = vector.broadcast %broadcast_in_dim3A_1079 : i32 to vector<16xi32>
      %get3A_1081 = arith.constant 29 : i32
      %get3A_1082 = arith.constant 0 : i32
      %get3A_1083 = arith.constant 0 : i32
      %get3A_1084 = tpu.memref_slice %arg6[%rem3A_269, %get3A_1082, %get3A_1083] : memref<2x128x32xf32, #tpu.memory_space<vmem>> -> memref<1x128x32xf32, #tpu.memory_space<vmem>>
      %get3A_1085 = tpu.memref_squeeze %get3A_1084 : memref<1x128x32xf32, #tpu.memory_space<vmem>> -> memref<128x32xf32, #tpu.memory_space<vmem>>
      %get3A_1086 = arith.index_cast %get3A_1081 : i32 to index
      %get3A_1087 = arith.constant 0 : index
      %get3A_1088 = tpu.vector_load %get3A_1085[%get3A_1086, %get3A_1087] {strides = array<i32>} : memref<128x32xf32, #tpu.memory_space<vmem>>, vector<16xf32>,
      %scatter3A_1089 = arith.constant 0 : i32
      %scatter3A_1090 = arith.constant 0 : i32
      %scatter3A_1091 = tpu.memref_slice %arg7[%rem3A_269, %scatter3A_1089, %scatter3A_1090] : memref<2x32x129xf32, #tpu.memory_space<vmem>> -> memref<1x32x129xf32, #tpu.memory_space<vmem>>
      %scatter3A_1092 = tpu.memref_squeeze %scatter3A_1091 : memref<1x32x129xf32, #tpu.memory_space<vmem>> -> memref<32x129xf32, #tpu.memory_space<vmem>>
      tpu.vector_store_idx %scatter3A_1092[%add3A_324, %broadcast_in_dim3A_1080], %get3A_1088 : memref<32x129xf32, #tpu.memory_space<vmem>>[vector<16xi32>, vector<16xi32>], vector<16xf32>,
      %get3A_1093 = arith.constant 29 : i32
      %get3A_1094 = arith.constant 0 : i32
      %get3A_1095 = arith.constant 0 : i32
      %get3A_1096 = tpu.memref_slice %arg6[%rem3A_269, %get3A_1094, %get3A_1095] : memref<2x128x32xf32, #tpu.memory_space<vmem>> -> memref<1x128x32xf32, #tpu.memory_space<vmem>>
      %get3A_1097 = tpu.memref_squeeze %get3A_1096 : memref<1x128x32xf32, #tpu.memory_space<vmem>> -> memref<128x32xf32, #tpu.memory_space<vmem>>
      %get3A_1098 = arith.index_cast %get3A_1093 : i32 to index
      %get3A_1099 = arith.constant 16 : index
      %get3A_1100 = tpu.vector_load %get3A_1097[%get3A_1098, %get3A_1099] {strides = array<i32>} : memref<128x32xf32, #tpu.memory_space<vmem>>, vector<16xf32>,
      %scatter3A_1101 = arith.constant 0 : i32
      %scatter3A_1102 = arith.constant 0 : i32
      %scatter3A_1103 = tpu.memref_slice %arg7[%rem3A_269, %scatter3A_1101, %scatter3A_1102] : memref<2x32x129xf32, #tpu.memory_space<vmem>> -> memref<1x32x129xf32, #tpu.memory_space<vmem>>
      %scatter3A_1104 = tpu.memref_squeeze %scatter3A_1103 : memref<1x32x129xf32, #tpu.memory_space<vmem>> -> memref<32x129xf32, #tpu.memory_space<vmem>>
      tpu.vector_store_idx %scatter3A_1104[%add3A_327, %broadcast_in_dim3A_1080], %get3A_1100 : memref<32x129xf32, #tpu.memory_space<vmem>>[vector<16xi32>, vector<16xi32>], vector<16xf32>,
      %broadcast_in_dim3A_1105 = arith.constant 30 : i32
      %broadcast_in_dim3A_1106 = vector.broadcast %broadcast_in_dim3A_1105 : i32 to vector<16xi32>
      %get3A_1107 = arith.constant 30 : i32
      %get3A_1108 = arith.constant 0 : i32
      %get3A_1109 = arith.constant 0 : i32
      %get3A_1110 = tpu.memref_slice %arg6[%rem3A_269, %get3A_1108, %get3A_1109] : memref<2x128x32xf32, #tpu.memory_space<vmem>> -> memref<1x128x32xf32, #tpu.memory_space<vmem>>
      %get3A_1111 = tpu.memref_squeeze %get3A_1110 : memref<1x128x32xf32, #tpu.memory_space<vmem>> -> memref<128x32xf32, #tpu.memory_space<vmem>>
      %get3A_1112 = arith.index_cast %get3A_1107 : i32 to index
      %get3A_1113 = arith.constant 0 : index
      %get3A_1114 = tpu.vector_load %get3A_1111[%get3A_1112, %get3A_1113] {strides = array<i32>} : memref<128x32xf32, #tpu.memory_space<vmem>>, vector<16xf32>,
      %scatter3A_1115 = arith.constant 0 : i32
      %scatter3A_1116 = arith.constant 0 : i32
      %scatter3A_1117 = tpu.memref_slice %arg7[%rem3A_269, %scatter3A_1115, %scatter3A_1116] : memref<2x32x129xf32, #tpu.memory_space<vmem>> -> memref<1x32x129xf32, #tpu.memory_space<vmem>>
      %scatter3A_1118 = tpu.memref_squeeze %scatter3A_1117 : memref<1x32x129xf32, #tpu.memory_space<vmem>> -> memref<32x129xf32, #tpu.memory_space<vmem>>
      tpu.vector_store_idx %scatter3A_1118[%add3A_324, %broadcast_in_dim3A_1106], %get3A_1114 : memref<32x129xf32, #tpu.memory_space<vmem>>[vector<16xi32>, vector<16xi32>], vector<16xf32>,
      %get3A_1119 = arith.constant 30 : i32
      %get3A_1120 = arith.constant 0 : i32
      %get3A_1121 = arith.constant 0 : i32
      %get3A_1122 = tpu.memref_slice %arg6[%rem3A_269, %get3A_1120, %get3A_1121] : memref<2x128x32xf32, #tpu.memory_space<vmem>> -> memref<1x128x32xf32, #tpu.memory_space<vmem>>
      %get3A_1123 = tpu.memref_squeeze %get3A_1122 : memref<1x128x32xf32, #tpu.memory_space<vmem>> -> memref<128x32xf32, #tpu.memory_space<vmem>>
      %get3A_1124 = arith.index_cast %get3A_1119 : i32 to index
      %get3A_1125 = arith.constant 16 : index
      %get3A_1126 = tpu.vector_load %get3A_1123[%get3A_1124, %get3A_1125] {strides = array<i32>} : memref<128x32xf32, #tpu.memory_space<vmem>>, vector<16xf32>,
      %scatter3A_1127 = arith.constant 0 : i32
      %scatter3A_1128 = arith.constant 0 : i32
      %scatter3A_1129 = tpu.memref_slice %arg7[%rem3A_269, %scatter3A_1127, %scatter3A_1128] : memref<2x32x129xf32, #tpu.memory_space<vmem>> -> memref<1x32x129xf32, #tpu.memory_space<vmem>>
      %scatter3A_1130 = tpu.memref_squeeze %scatter3A_1129 : memref<1x32x129xf32, #tpu.memory_space<vmem>> -> memref<32x129xf32, #tpu.memory_space<vmem>>
      tpu.vector_store_idx %scatter3A_1130[%add3A_327, %broadcast_in_dim3A_1106], %get3A_1126 : memref<32x129xf32, #tpu.memory_space<vmem>>[vector<16xi32>, vector<16xi32>], vector<16xf32>,
      %broadcast_in_dim3A_1131 = arith.constant 31 : i32
      %broadcast_in_dim3A_1132 = vector.broadcast %broadcast_in_dim3A_1131 : i32 to vector<16xi32>
      %get3A_1133 = arith.constant 31 : i32
      %get3A_1134 = arith.constant 0 : i32
      %get3A_1135 = arith.constant 0 : i32
      %get3A_1136 = tpu.memref_slice %arg6[%rem3A_269, %get3A_1134, %get3A_1135] : memref<2x128x32xf32, #tpu.memory_space<vmem>> -> memref<1x128x32xf32, #tpu.memory_space<vmem>>
      %get3A_1137 = tpu.memref_squeeze %get3A_1136 : memref<1x128x32xf32, #tpu.memory_space<vmem>> -> memref<128x32xf32, #tpu.memory_space<vmem>>
      %get3A_1138 = arith.index_cast %get3A_1133 : i32 to index
      %get3A_1139 = arith.constant 0 : index
      %get3A_1140 = tpu.vector_load %get3A_1137[%get3A_1138, %get3A_1139] {strides = array<i32>} : memref<128x32xf32, #tpu.memory_space<vmem>>, vector<16xf32>,
      %scatter3A_1141 = arith.constant 0 : i32
      %scatter3A_1142 = arith.constant 0 : i32
      %scatter3A_1143 = tpu.memref_slice %arg7[%rem3A_269, %scatter3A_1141, %scatter3A_1142] : memref<2x32x129xf32, #tpu.memory_space<vmem>> -> memref<1x32x129xf32, #tpu.memory_space<vmem>>
      %scatter3A_1144 = tpu.memref_squeeze %scatter3A_1143 : memref<1x32x129xf32, #tpu.memory_space<vmem>> -> memref<32x129xf32, #tpu.memory_space<vmem>>
      tpu.vector_store_idx %scatter3A_1144[%add3A_324, %broadcast_in_dim3A_1132], %get3A_1140 : memref<32x129xf32, #tpu.memory_space<vmem>>[vector<16xi32>, vector<16xi32>], vector<16xf32>,
      %get3A_1145 = arith.constant 31 : i32
      %get3A_1146 = arith.constant 0 : i32
      %get3A_1147 = arith.constant 0 : i32
      %get3A_1148 = tpu.memref_slice %arg6[%rem3A_269, %get3A_1146, %get3A_1147] : memref<2x128x32xf32, #tpu.memory_space<vmem>> -> memref<1x128x32xf32, #tpu.memory_space<vmem>>
      %get3A_1149 = tpu.memref_squeeze %get3A_1148 : memref<1x128x32xf32, #tpu.memory_space<vmem>> -> memref<128x32xf32, #tpu.memory_space<vmem>>
      %get3A_1150 = arith.index_cast %get3A_1145 : i32 to index
      %get3A_1151 = arith.constant 16 : index
      %get3A_1152 = tpu.vector_load %get3A_1149[%get3A_1150, %get3A_1151] {strides = array<i32>} : memref<128x32xf32, #tpu.memory_space<vmem>>, vector<16xf32>,
      %scatter3A_1153 = arith.constant 0 : i32
      %scatter3A_1154 = arith.constant 0 : i32
      %scatter3A_1155 = tpu.memref_slice %arg7[%rem3A_269, %scatter3A_1153, %scatter3A_1154] : memref<2x32x129xf32, #tpu.memory_space<vmem>> -> memref<1x32x129xf32, #tpu.memory_space<vmem>>
      %scatter3A_1156 = tpu.memref_squeeze %scatter3A_1155 : memref<1x32x129xf32, #tpu.memory_space<vmem>> -> memref<32x129xf32, #tpu.memory_space<vmem>>
      tpu.vector_store_idx %scatter3A_1156[%add3A_327, %broadcast_in_dim3A_1132], %get3A_1152 : memref<32x129xf32, #tpu.memory_space<vmem>>[vector<16xi32>, vector<16xi32>], vector<16xf32>,
      %broadcast_in_dim3A_1157 = arith.constant 32 : i32
      %broadcast_in_dim3A_1158 = vector.broadcast %broadcast_in_dim3A_1157 : i32 to vector<16xi32>
      %get3A_1159 = arith.constant 32 : i32
      %get3A_1160 = arith.constant 0 : i32
      %get3A_1161 = arith.constant 0 : i32
      %get3A_1162 = tpu.memref_slice %arg6[%rem3A_269, %get3A_1160, %get3A_1161] : memref<2x128x32xf32, #tpu.memory_space<vmem>> -> memref<1x128x32xf32, #tpu.memory_space<vmem>>
      %get3A_1163 = tpu.memref_squeeze %get3A_1162 : memref<1x128x32xf32, #tpu.memory_space<vmem>> -> memref<128x32xf32, #tpu.memory_space<vmem>>
      %get3A_1164 = arith.index_cast %get3A_1159 : i32 to index
      %get3A_1165 = arith.constant 0 : index
      %get3A_1166 = tpu.vector_load %get3A_1163[%get3A_1164, %get3A_1165] {strides = array<i32>} : memref<128x32xf32, #tpu.memory_space<vmem>>, vector<16xf32>,
      %scatter3A_1167 = arith.constant 0 : i32
      %scatter3A_1168 = arith.constant 0 : i32
      %scatter3A_1169 = tpu.memref_slice %arg7[%rem3A_269, %scatter3A_1167, %scatter3A_1168] : memref<2x32x129xf32, #tpu.memory_space<vmem>> -> memref<1x32x129xf32, #tpu.memory_space<vmem>>
      %scatter3A_1170 = tpu.memref_squeeze %scatter3A_1169 : memref<1x32x129xf32, #tpu.memory_space<vmem>> -> memref<32x129xf32, #tpu.memory_space<vmem>>
      tpu.vector_store_idx %scatter3A_1170[%add3A_324, %broadcast_in_dim3A_1158], %get3A_1166 : memref<32x129xf32, #tpu.memory_space<vmem>>[vector<16xi32>, vector<16xi32>], vector<16xf32>,
      %get3A_1171 = arith.constant 32 : i32
      %get3A_1172 = arith.constant 0 : i32
      %get3A_1173 = arith.constant 0 : i32
      %get3A_1174 = tpu.memref_slice %arg6[%rem3A_269, %get3A_1172, %get3A_1173] : memref<2x128x32xf32, #tpu.memory_space<vmem>> -> memref<1x128x32xf32, #tpu.memory_space<vmem>>
      %get3A_1175 = tpu.memref_squeeze %get3A_1174 : memref<1x128x32xf32, #tpu.memory_space<vmem>> -> memref<128x32xf32, #tpu.memory_space<vmem>>
      %get3A_1176 = arith.index_cast %get3A_1171 : i32 to index
      %get3A_1177 = arith.constant 16 : index
      %get3A_1178 = tpu.vector_load %get3A_1175[%get3A_1176, %get3A_1177] {strides = array<i32>} : memref<128x32xf32, #tpu.memory_space<vmem>>, vector<16xf32>,
      %scatter3A_1179 = arith.constant 0 : i32
      %scatter3A_1180 = arith.constant 0 : i32
      %scatter3A_1181 = tpu.memref_slice %arg7[%rem3A_269, %scatter3A_1179, %scatter3A_1180] : memref<2x32x129xf32, #tpu.memory_space<vmem>> -> memref<1x32x129xf32, #tpu.memory_space<vmem>>
      %scatter3A_1182 = tpu.memref_squeeze %scatter3A_1181 : memref<1x32x129xf32, #tpu.memory_space<vmem>> -> memref<32x129xf32, #tpu.memory_space<vmem>>
      tpu.vector_store_idx %scatter3A_1182[%add3A_327, %broadcast_in_dim3A_1158], %get3A_1178 : memref<32x129xf32, #tpu.memory_space<vmem>>[vector<16xi32>, vector<16xi32>], vector<16xf32>,
      %broadcast_in_dim3A_1183 = arith.constant 33 : i32
      %broadcast_in_dim3A_1184 = vector.broadcast %broadcast_in_dim3A_1183 : i32 to vector<16xi32>
      %get3A_1185 = arith.constant 33 : i32
      %get3A_1186 = arith.constant 0 : i32
      %get3A_1187 = arith.constant 0 : i32
      %get3A_1188 = tpu.memref_slice %arg6[%rem3A_269, %get3A_1186, %get3A_1187] : memref<2x128x32xf32, #tpu.memory_space<vmem>> -> memref<1x128x32xf32, #tpu.memory_space<vmem>>
      %get3A_1189 = tpu.memref_squeeze %get3A_1188 : memref<1x128x32xf32, #tpu.memory_space<vmem>> -> memref<128x32xf32, #tpu.memory_space<vmem>>
      %get3A_1190 = arith.index_cast %get3A_1185 : i32 to index
      %get3A_1191 = arith.constant 0 : index
      %get3A_1192 = tpu.vector_load %get3A_1189[%get3A_1190, %get3A_1191] {strides = array<i32>} : memref<128x32xf32, #tpu.memory_space<vmem>>, vector<16xf32>,
      %scatter3A_1193 = arith.constant 0 : i32
      %scatter3A_1194 = arith.constant 0 : i32
      %scatter3A_1195 = tpu.memref_slice %arg7[%rem3A_269, %scatter3A_1193, %scatter3A_1194] : memref<2x32x129xf32, #tpu.memory_space<vmem>> -> memref<1x32x129xf32, #tpu.memory_space<vmem>>
      %scatter3A_1196 = tpu.memref_squeeze %scatter3A_1195 : memref<1x32x129xf32, #tpu.memory_space<vmem>> -> memref<32x129xf32, #tpu.memory_space<vmem>>
      tpu.vector_store_idx %scatter3A_1196[%add3A_324, %broadcast_in_dim3A_1184], %get3A_1192 : memref<32x129xf32, #tpu.memory_space<vmem>>[vector<16xi32>, vector<16xi32>], vector<16xf32>,
      %get3A_1197 = arith.constant 33 : i32
      %get3A_1198 = arith.constant 0 : i32
      %get3A_1199 = arith.constant 0 : i32
      %get3A_1200 = tpu.memref_slice %arg6[%rem3A_269, %get3A_1198, %get3A_1199] : memref<2x128x32xf32, #tpu.memory_space<vmem>> -> memref<1x128x32xf32, #tpu.memory_space<vmem>>
      %get3A_1201 = tpu.memref_squeeze %get3A_1200 : memref<1x128x32xf32, #tpu.memory_space<vmem>> -> memref<128x32xf32, #tpu.memory_space<vmem>>
      %get3A_1202 = arith.index_cast %get3A_1197 : i32 to index
      %get3A_1203 = arith.constant 16 : index
      %get3A_1204 = tpu.vector_load %get3A_1201[%get3A_1202, %get3A_1203] {strides = array<i32>} : memref<128x32xf32, #tpu.memory_space<vmem>>, vector<16xf32>,
      %scatter3A_1205 = arith.constant 0 : i32
      %scatter3A_1206 = arith.constant 0 : i32
      %scatter3A_1207 = tpu.memref_slice %arg7[%rem3A_269, %scatter3A_1205, %scatter3A_1206] : memref<2x32x129xf32, #tpu.memory_space<vmem>> -> memref<1x32x129xf32, #tpu.memory_space<vmem>>
      %scatter3A_1208 = tpu.memref_squeeze %scatter3A_1207 : memref<1x32x129xf32, #tpu.memory_space<vmem>> -> memref<32x129xf32, #tpu.memory_space<vmem>>
      tpu.vector_store_idx %scatter3A_1208[%add3A_327, %broadcast_in_dim3A_1184], %get3A_1204 : memref<32x129xf32, #tpu.memory_space<vmem>>[vector<16xi32>, vector<16xi32>], vector<16xf32>,
      %broadcast_in_dim3A_1209 = arith.constant 34 : i32
      %broadcast_in_dim3A_1210 = vector.broadcast %broadcast_in_dim3A_1209 : i32 to vector<16xi32>
      %get3A_1211 = arith.constant 34 : i32
      %get3A_1212 = arith.constant 0 : i32
      %get3A_1213 = arith.constant 0 : i32
      %get3A_1214 = tpu.memref_slice %arg6[%rem3A_269, %get3A_1212, %get3A_1213] : memref<2x128x32xf32, #tpu.memory_space<vmem>> -> memref<1x128x32xf32, #tpu.memory_space<vmem>>
      %get3A_1215 = tpu.memref_squeeze %get3A_1214 : memref<1x128x32xf32, #tpu.memory_space<vmem>> -> memref<128x32xf32, #tpu.memory_space<vmem>>
      %get3A_1216 = arith.index_cast %get3A_1211 : i32 to index
      %get3A_1217 = arith.constant 0 : index
      %get3A_1218 = tpu.vector_load %get3A_1215[%get3A_1216, %get3A_1217] {strides = array<i32>} : memref<128x32xf32, #tpu.memory_space<vmem>>, vector<16xf32>,
      %scatter3A_1219 = arith.constant 0 : i32
      %scatter3A_1220 = arith.constant 0 : i32
      %scatter3A_1221 = tpu.memref_slice %arg7[%rem3A_269, %scatter3A_1219, %scatter3A_1220] : memref<2x32x129xf32, #tpu.memory_space<vmem>> -> memref<1x32x129xf32, #tpu.memory_space<vmem>>
      %scatter3A_1222 = tpu.memref_squeeze %scatter3A_1221 : memref<1x32x129xf32, #tpu.memory_space<vmem>> -> memref<32x129xf32, #tpu.memory_space<vmem>>
      tpu.vector_store_idx %scatter3A_1222[%add3A_324, %broadcast_in_dim3A_1210], %get3A_1218 : memref<32x129xf32, #tpu.memory_space<vmem>>[vector<16xi32>, vector<16xi32>], vector<16xf32>,
      %get3A_1223 = arith.constant 34 : i32
      %get3A_1224 = arith.constant 0 : i32
      %get3A_1225 = arith.constant 0 : i32
      %get3A_1226 = tpu.memref_slice %arg6[%rem3A_269, %get3A_1224, %get3A_1225] : memref<2x128x32xf32, #tpu.memory_space<vmem>> -> memref<1x128x32xf32, #tpu.memory_space<vmem>>
      %get3A_1227 = tpu.memref_squeeze %get3A_1226 : memref<1x128x32xf32, #tpu.memory_space<vmem>> -> memref<128x32xf32, #tpu.memory_space<vmem>>
      %get3A_1228 = arith.index_cast %get3A_1223 : i32 to index
      %get3A_1229 = arith.constant 16 : index
      %get3A_1230 = tpu.vector_load %get3A_1227[%get3A_1228, %get3A_1229] {strides = array<i32>} : memref<128x32xf32, #tpu.memory_space<vmem>>, vector<16xf32>,
      %scatter3A_1231 = arith.constant 0 : i32
      %scatter3A_1232 = arith.constant 0 : i32
      %scatter3A_1233 = tpu.memref_slice %arg7[%rem3A_269, %scatter3A_1231, %scatter3A_1232] : memref<2x32x129xf32, #tpu.memory_space<vmem>> -> memref<1x32x129xf32, #tpu.memory_space<vmem>>
      %scatter3A_1234 = tpu.memref_squeeze %scatter3A_1233 : memref<1x32x129xf32, #tpu.memory_space<vmem>> -> memref<32x129xf32, #tpu.memory_space<vmem>>
      tpu.vector_store_idx %scatter3A_1234[%add3A_327, %broadcast_in_dim3A_1210], %get3A_1230 : memref<32x129xf32, #tpu.memory_space<vmem>>[vector<16xi32>, vector<16xi32>], vector<16xf32>,
      %broadcast_in_dim3A_1235 = arith.constant 35 : i32
      %broadcast_in_dim3A_1236 = vector.broadcast %broadcast_in_dim3A_1235 : i32 to vector<16xi32>
      %get3A_1237 = arith.constant 35 : i32
      %get3A_1238 = arith.constant 0 : i32
      %get3A_1239 = arith.constant 0 : i32
      %get3A_1240 = tpu.memref_slice %arg6[%rem3A_269, %get3A_1238, %get3A_1239] : memref<2x128x32xf32, #tpu.memory_space<vmem>> -> memref<1x128x32xf32, #tpu.memory_space<vmem>>
      %get3A_1241 = tpu.memref_squeeze %get3A_1240 : memref<1x128x32xf32, #tpu.memory_space<vmem>> -> memref<128x32xf32, #tpu.memory_space<vmem>>
      %get3A_1242 = arith.index_cast %get3A_1237 : i32 to index
      %get3A_1243 = arith.constant 0 : index
      %get3A_1244 = tpu.vector_load %get3A_1241[%get3A_1242, %get3A_1243] {strides = array<i32>} : memref<128x32xf32, #tpu.memory_space<vmem>>, vector<16xf32>,
      %scatter3A_1245 = arith.constant 0 : i32
      %scatter3A_1246 = arith.constant 0 : i32
      %scatter3A_1247 = tpu.memref_slice %arg7[%rem3A_269, %scatter3A_1245, %scatter3A_1246] : memref<2x32x129xf32, #tpu.memory_space<vmem>> -> memref<1x32x129xf32, #tpu.memory_space<vmem>>
      %scatter3A_1248 = tpu.memref_squeeze %scatter3A_1247 : memref<1x32x129xf32, #tpu.memory_space<vmem>> -> memref<32x129xf32, #tpu.memory_space<vmem>>
      tpu.vector_store_idx %scatter3A_1248[%add3A_324, %broadcast_in_dim3A_1236], %get3A_1244 : memref<32x129xf32, #tpu.memory_space<vmem>>[vector<16xi32>, vector<16xi32>], vector<16xf32>,
      %get3A_1249 = arith.constant 35 : i32
      %get3A_1250 = arith.constant 0 : i32
      %get3A_1251 = arith.constant 0 : i32
      %get3A_1252 = tpu.memref_slice %arg6[%rem3A_269, %get3A_1250, %get3A_1251] : memref<2x128x32xf32, #tpu.memory_space<vmem>> -> memref<1x128x32xf32, #tpu.memory_space<vmem>>
      %get3A_1253 = tpu.memref_squeeze %get3A_1252 : memref<1x128x32xf32, #tpu.memory_space<vmem>> -> memref<128x32xf32, #tpu.memory_space<vmem>>
      %get3A_1254 = arith.index_cast %get3A_1249 : i32 to index
      %get3A_1255 = arith.constant 16 : index
      %get3A_1256 = tpu.vector_load %get3A_1253[%get3A_1254, %get3A_1255] {strides = array<i32>} : memref<128x32xf32, #tpu.memory_space<vmem>>, vector<16xf32>,
      %scatter3A_1257 = arith.constant 0 : i32
      %scatter3A_1258 = arith.constant 0 : i32
      %scatter3A_1259 = tpu.memref_slice %arg7[%rem3A_269, %scatter3A_1257, %scatter3A_1258] : memref<2x32x129xf32, #tpu.memory_space<vmem>> -> memref<1x32x129xf32, #tpu.memory_space<vmem>>
      %scatter3A_1260 = tpu.memref_squeeze %scatter3A_1259 : memref<1x32x129xf32, #tpu.memory_space<vmem>> -> memref<32x129xf32, #tpu.memory_space<vmem>>
      tpu.vector_store_idx %scatter3A_1260[%add3A_327, %broadcast_in_dim3A_1236], %get3A_1256 : memref<32x129xf32, #tpu.memory_space<vmem>>[vector<16xi32>, vector<16xi32>], vector<16xf32>,
      %broadcast_in_dim3A_1261 = arith.constant 36 : i32
      %broadcast_in_dim3A_1262 = vector.broadcast %broadcast_in_dim3A_1261 : i32 to vector<16xi32>
      %get3A_1263 = arith.constant 36 : i32
      %get3A_1264 = arith.constant 0 : i32
      %get3A_1265 = arith.constant 0 : i32
      %get3A_1266 = tpu.memref_slice %arg6[%rem3A_269, %get3A_1264, %get3A_1265] : memref<2x128x32xf32, #tpu.memory_space<vmem>> -> memref<1x128x32xf32, #tpu.memory_space<vmem>>
      %get3A_1267 = tpu.memref_squeeze %get3A_1266 : memref<1x128x32xf32, #tpu.memory_space<vmem>> -> memref<128x32xf32, #tpu.memory_space<vmem>>
      %get3A_1268 = arith.index_cast %get3A_1263 : i32 to index
      %get3A_1269 = arith.constant 0 : index
      %get3A_1270 = tpu.vector_load %get3A_1267[%get3A_1268, %get3A_1269] {strides = array<i32>} : memref<128x32xf32, #tpu.memory_space<vmem>>, vector<16xf32>,
      %scatter3A_1271 = arith.constant 0 : i32
      %scatter3A_1272 = arith.constant 0 : i32
      %scatter3A_1273 = tpu.memref_slice %arg7[%rem3A_269, %scatter3A_1271, %scatter3A_1272] : memref<2x32x129xf32, #tpu.memory_space<vmem>> -> memref<1x32x129xf32, #tpu.memory_space<vmem>>
      %scatter3A_1274 = tpu.memref_squeeze %scatter3A_1273 : memref<1x32x129xf32, #tpu.memory_space<vmem>> -> memref<32x129xf32, #tpu.memory_space<vmem>>
      tpu.vector_store_idx %scatter3A_1274[%add3A_324, %broadcast_in_dim3A_1262], %get3A_1270 : memref<32x129xf32, #tpu.memory_space<vmem>>[vector<16xi32>, vector<16xi32>], vector<16xf32>,
      %get3A_1275 = arith.constant 36 : i32
      %get3A_1276 = arith.constant 0 : i32
      %get3A_1277 = arith.constant 0 : i32
      %get3A_1278 = tpu.memref_slice %arg6[%rem3A_269, %get3A_1276, %get3A_1277] : memref<2x128x32xf32, #tpu.memory_space<vmem>> -> memref<1x128x32xf32, #tpu.memory_space<vmem>>
      %get3A_1279 = tpu.memref_squeeze %get3A_1278 : memref<1x128x32xf32, #tpu.memory_space<vmem>> -> memref<128x32xf32, #tpu.memory_space<vmem>>
      %get3A_1280 = arith.index_cast %get3A_1275 : i32 to index
      %get3A_1281 = arith.constant 16 : index
      %get3A_1282 = tpu.vector_load %get3A_1279[%get3A_1280, %get3A_1281] {strides = array<i32>} : memref<128x32xf32, #tpu.memory_space<vmem>>, vector<16xf32>,
      %scatter3A_1283 = arith.constant 0 : i32
      %scatter3A_1284 = arith.constant 0 : i32
      %scatter3A_1285 = tpu.memref_slice %arg7[%rem3A_269, %scatter3A_1283, %scatter3A_1284] : memref<2x32x129xf32, #tpu.memory_space<vmem>> -> memref<1x32x129xf32, #tpu.memory_space<vmem>>
      %scatter3A_1286 = tpu.memref_squeeze %scatter3A_1285 : memref<1x32x129xf32, #tpu.memory_space<vmem>> -> memref<32x129xf32, #tpu.memory_space<vmem>>
      tpu.vector_store_idx %scatter3A_1286[%add3A_327, %broadcast_in_dim3A_1262], %get3A_1282 : memref<32x129xf32, #tpu.memory_space<vmem>>[vector<16xi32>, vector<16xi32>], vector<16xf32>,
      %broadcast_in_dim3A_1287 = arith.constant 37 : i32
      %broadcast_in_dim3A_1288 = vector.broadcast %broadcast_in_dim3A_1287 : i32 to vector<16xi32>
      %get3A_1289 = arith.constant 37 : i32
      %get3A_1290 = arith.constant 0 : i32
      %get3A_1291 = arith.constant 0 : i32
      %get3A_1292 = tpu.memref_slice %arg6[%rem3A_269, %get3A_1290, %get3A_1291] : memref<2x128x32xf32, #tpu.memory_space<vmem>> -> memref<1x128x32xf32, #tpu.memory_space<vmem>>
      %get3A_1293 = tpu.memref_squeeze %get3A_1292 : memref<1x128x32xf32, #tpu.memory_space<vmem>> -> memref<128x32xf32, #tpu.memory_space<vmem>>
      %get3A_1294 = arith.index_cast %get3A_1289 : i32 to index
      %get3A_1295 = arith.constant 0 : index
      %get3A_1296 = tpu.vector_load %get3A_1293[%get3A_1294, %get3A_1295] {strides = array<i32>} : memref<128x32xf32, #tpu.memory_space<vmem>>, vector<16xf32>,
      %scatter3A_1297 = arith.constant 0 : i32
      %scatter3A_1298 = arith.constant 0 : i32
      %scatter3A_1299 = tpu.memref_slice %arg7[%rem3A_269, %scatter3A_1297, %scatter3A_1298] : memref<2x32x129xf32, #tpu.memory_space<vmem>> -> memref<1x32x129xf32, #tpu.memory_space<vmem>>
      %scatter3A_1300 = tpu.memref_squeeze %scatter3A_1299 : memref<1x32x129xf32, #tpu.memory_space<vmem>> -> memref<32x129xf32, #tpu.memory_space<vmem>>
      tpu.vector_store_idx %scatter3A_1300[%add3A_324, %broadcast_in_dim3A_1288], %get3A_1296 : memref<32x129xf32, #tpu.memory_space<vmem>>[vector<16xi32>, vector<16xi32>], vector<16xf32>,
      %get3A_1301 = arith.constant 37 : i32
      %get3A_1302 = arith.constant 0 : i32
      %get3A_1303 = arith.constant 0 : i32
      %get3A_1304 = tpu.memref_slice %arg6[%rem3A_269, %get3A_1302, %get3A_1303] : memref<2x128x32xf32, #tpu.memory_space<vmem>> -> memref<1x128x32xf32, #tpu.memory_space<vmem>>
      %get3A_1305 = tpu.memref_squeeze %get3A_1304 : memref<1x128x32xf32, #tpu.memory_space<vmem>> -> memref<128x32xf32, #tpu.memory_space<vmem>>
      %get3A_1306 = arith.index_cast %get3A_1301 : i32 to index
      %get3A_1307 = arith.constant 16 : index
      %get3A_1308 = tpu.vector_load %get3A_1305[%get3A_1306, %get3A_1307] {strides = array<i32>} : memref<128x32xf32, #tpu.memory_space<vmem>>, vector<16xf32>,
      %scatter3A_1309 = arith.constant 0 : i32
      %scatter3A_1310 = arith.constant 0 : i32
      %scatter3A_1311 = tpu.memref_slice %arg7[%rem3A_269, %scatter3A_1309, %scatter3A_1310] : memref<2x32x129xf32, #tpu.memory_space<vmem>> -> memref<1x32x129xf32, #tpu.memory_space<vmem>>
      %scatter3A_1312 = tpu.memref_squeeze %scatter3A_1311 : memref<1x32x129xf32, #tpu.memory_space<vmem>> -> memref<32x129xf32, #tpu.memory_space<vmem>>
      tpu.vector_store_idx %scatter3A_1312[%add3A_327, %broadcast_in_dim3A_1288], %get3A_1308 : memref<32x129xf32, #tpu.memory_space<vmem>>[vector<16xi32>, vector<16xi32>], vector<16xf32>,
      %broadcast_in_dim3A_1313 = arith.constant 38 : i32
      %broadcast_in_dim3A_1314 = vector.broadcast %broadcast_in_dim3A_1313 : i32 to vector<16xi32>
      %get3A_1315 = arith.constant 38 : i32
      %get3A_1316 = arith.constant 0 : i32
      %get3A_1317 = arith.constant 0 : i32
      %get3A_1318 = tpu.memref_slice %arg6[%rem3A_269, %get3A_1316, %get3A_1317] : memref<2x128x32xf32, #tpu.memory_space<vmem>> -> memref<1x128x32xf32, #tpu.memory_space<vmem>>
      %get3A_1319 = tpu.memref_squeeze %get3A_1318 : memref<1x128x32xf32, #tpu.memory_space<vmem>> -> memref<128x32xf32, #tpu.memory_space<vmem>>
      %get3A_1320 = arith.index_cast %get3A_1315 : i32 to index
      %get3A_1321 = arith.constant 0 : index
      %get3A_1322 = tpu.vector_load %get3A_1319[%get3A_1320, %get3A_1321] {strides = array<i32>} : memref<128x32xf32, #tpu.memory_space<vmem>>, vector<16xf32>,
      %scatter3A_1323 = arith.constant 0 : i32
      %scatter3A_1324 = arith.constant 0 : i32
      %scatter3A_1325 = tpu.memref_slice %arg7[%rem3A_269, %scatter3A_1323, %scatter3A_1324] : memref<2x32x129xf32, #tpu.memory_space<vmem>> -> memref<1x32x129xf32, #tpu.memory_space<vmem>>
      %scatter3A_1326 = tpu.memref_squeeze %scatter3A_1325 : memref<1x32x129xf32, #tpu.memory_space<vmem>> -> memref<32x129xf32, #tpu.memory_space<vmem>>
      tpu.vector_store_idx %scatter3A_1326[%add3A_324, %broadcast_in_dim3A_1314], %get3A_1322 : memref<32x129xf32, #tpu.memory_space<vmem>>[vector<16xi32>, vector<16xi32>], vector<16xf32>,
      %get3A_1327 = arith.constant 38 : i32
      %get3A_1328 = arith.constant 0 : i32
      %get3A_1329 = arith.constant 0 : i32
      %get3A_1330 = tpu.memref_slice %arg6[%rem3A_269, %get3A_1328, %get3A_1329] : memref<2x128x32xf32, #tpu.memory_space<vmem>> -> memref<1x128x32xf32, #tpu.memory_space<vmem>>
      %get3A_1331 = tpu.memref_squeeze %get3A_1330 : memref<1x128x32xf32, #tpu.memory_space<vmem>> -> memref<128x32xf32, #tpu.memory_space<vmem>>
      %get3A_1332 = arith.index_cast %get3A_1327 : i32 to index
      %get3A_1333 = arith.constant 16 : index
      %get3A_1334 = tpu.vector_load %get3A_1331[%get3A_1332, %get3A_1333] {strides = array<i32>} : memref<128x32xf32, #tpu.memory_space<vmem>>, vector<16xf32>,
      %scatter3A_1335 = arith.constant 0 : i32
      %scatter3A_1336 = arith.constant 0 : i32
      %scatter3A_1337 = tpu.memref_slice %arg7[%rem3A_269, %scatter3A_1335, %scatter3A_1336] : memref<2x32x129xf32, #tpu.memory_space<vmem>> -> memref<1x32x129xf32, #tpu.memory_space<vmem>>
      %scatter3A_1338 = tpu.memref_squeeze %scatter3A_1337 : memref<1x32x129xf32, #tpu.memory_space<vmem>> -> memref<32x129xf32, #tpu.memory_space<vmem>>
      tpu.vector_store_idx %scatter3A_1338[%add3A_327, %broadcast_in_dim3A_1314], %get3A_1334 : memref<32x129xf32, #tpu.memory_space<vmem>>[vector<16xi32>, vector<16xi32>], vector<16xf32>,
      %broadcast_in_dim3A_1339 = arith.constant 39 : i32
      %broadcast_in_dim3A_1340 = vector.broadcast %broadcast_in_dim3A_1339 : i32 to vector<16xi32>
      %get3A_1341 = arith.constant 39 : i32
      %get3A_1342 = arith.constant 0 : i32
      %get3A_1343 = arith.constant 0 : i32
      %get3A_1344 = tpu.memref_slice %arg6[%rem3A_269, %get3A_1342, %get3A_1343] : memref<2x128x32xf32, #tpu.memory_space<vmem>> -> memref<1x128x32xf32, #tpu.memory_space<vmem>>
      %get3A_1345 = tpu.memref_squeeze %get3A_1344 : memref<1x128x32xf32, #tpu.memory_space<vmem>> -> memref<128x32xf32, #tpu.memory_space<vmem>>
      %get3A_1346 = arith.index_cast %get3A_1341 : i32 to index
      %get3A_1347 = arith.constant 0 : index
      %get3A_1348 = tpu.vector_load %get3A_1345[%get3A_1346, %get3A_1347] {strides = array<i32>} : memref<128x32xf32, #tpu.memory_space<vmem>>, vector<16xf32>,
      %scatter3A_1349 = arith.constant 0 : i32
      %scatter3A_1350 = arith.constant 0 : i32
      %scatter3A_1351 = tpu.memref_slice %arg7[%rem3A_269, %scatter3A_1349, %scatter3A_1350] : memref<2x32x129xf32, #tpu.memory_space<vmem>> -> memref<1x32x129xf32, #tpu.memory_space<vmem>>
      %scatter3A_1352 = tpu.memref_squeeze %scatter3A_1351 : memref<1x32x129xf32, #tpu.memory_space<vmem>> -> memref<32x129xf32, #tpu.memory_space<vmem>>
      tpu.vector_store_idx %scatter3A_1352[%add3A_324, %broadcast_in_dim3A_1340], %get3A_1348 : memref<32x129xf32, #tpu.memory_space<vmem>>[vector<16xi32>, vector<16xi32>], vector<16xf32>,
      %get3A_1353 = arith.constant 39 : i32
      %get3A_1354 = arith.constant 0 : i32
      %get3A_1355 = arith.constant 0 : i32
      %get3A_1356 = tpu.memref_slice %arg6[%rem3A_269, %get3A_1354, %get3A_1355] : memref<2x128x32xf32, #tpu.memory_space<vmem>> -> memref<1x128x32xf32, #tpu.memory_space<vmem>>
      %get3A_1357 = tpu.memref_squeeze %get3A_1356 : memref<1x128x32xf32, #tpu.memory_space<vmem>> -> memref<128x32xf32, #tpu.memory_space<vmem>>
      %get3A_1358 = arith.index_cast %get3A_1353 : i32 to index
      %get3A_1359 = arith.constant 16 : index
      %get3A_1360 = tpu.vector_load %get3A_1357[%get3A_1358, %get3A_1359] {strides = array<i32>} : memref<128x32xf32, #tpu.memory_space<vmem>>, vector<16xf32>,
      %scatter3A_1361 = arith.constant 0 : i32
      %scatter3A_1362 = arith.constant 0 : i32
      %scatter3A_1363 = tpu.memref_slice %arg7[%rem3A_269, %scatter3A_1361, %scatter3A_1362] : memref<2x32x129xf32, #tpu.memory_space<vmem>> -> memref<1x32x129xf32, #tpu.memory_space<vmem>>
      %scatter3A_1364 = tpu.memref_squeeze %scatter3A_1363 : memref<1x32x129xf32, #tpu.memory_space<vmem>> -> memref<32x129xf32, #tpu.memory_space<vmem>>
      tpu.vector_store_idx %scatter3A_1364[%add3A_327, %broadcast_in_dim3A_1340], %get3A_1360 : memref<32x129xf32, #tpu.memory_space<vmem>>[vector<16xi32>, vector<16xi32>], vector<16xf32>,
      %broadcast_in_dim3A_1365 = arith.constant 40 : i32
      %broadcast_in_dim3A_1366 = vector.broadcast %broadcast_in_dim3A_1365 : i32 to vector<16xi32>
      %get3A_1367 = arith.constant 40 : i32
      %get3A_1368 = arith.constant 0 : i32
      %get3A_1369 = arith.constant 0 : i32
      %get3A_1370 = tpu.memref_slice %arg6[%rem3A_269, %get3A_1368, %get3A_1369] : memref<2x128x32xf32, #tpu.memory_space<vmem>> -> memref<1x128x32xf32, #tpu.memory_space<vmem>>
      %get3A_1371 = tpu.memref_squeeze %get3A_1370 : memref<1x128x32xf32, #tpu.memory_space<vmem>> -> memref<128x32xf32, #tpu.memory_space<vmem>>
      %get3A_1372 = arith.index_cast %get3A_1367 : i32 to index
      %get3A_1373 = arith.constant 0 : index
      %get3A_1374 = tpu.vector_load %get3A_1371[%get3A_1372, %get3A_1373] {strides = array<i32>} : memref<128x32xf32, #tpu.memory_space<vmem>>, vector<16xf32>,
      %scatter3A_1375 = arith.constant 0 : i32
      %scatter3A_1376 = arith.constant 0 : i32
      %scatter3A_1377 = tpu.memref_slice %arg7[%rem3A_269, %scatter3A_1375, %scatter3A_1376] : memref<2x32x129xf32, #tpu.memory_space<vmem>> -> memref<1x32x129xf32, #tpu.memory_space<vmem>>
      %scatter3A_1378 = tpu.memref_squeeze %scatter3A_1377 : memref<1x32x129xf32, #tpu.memory_space<vmem>> -> memref<32x129xf32, #tpu.memory_space<vmem>>
      tpu.vector_store_idx %scatter3A_1378[%add3A_324, %broadcast_in_dim3A_1366], %get3A_1374 : memref<32x129xf32, #tpu.memory_space<vmem>>[vector<16xi32>, vector<16xi32>], vector<16xf32>,
      %get3A_1379 = arith.constant 40 : i32
      %get3A_1380 = arith.constant 0 : i32
      %get3A_1381 = arith.constant 0 : i32
      %get3A_1382 = tpu.memref_slice %arg6[%rem3A_269, %get3A_1380, %get3A_1381] : memref<2x128x32xf32, #tpu.memory_space<vmem>> -> memref<1x128x32xf32, #tpu.memory_space<vmem>>
      %get3A_1383 = tpu.memref_squeeze %get3A_1382 : memref<1x128x32xf32, #tpu.memory_space<vmem>> -> memref<128x32xf32, #tpu.memory_space<vmem>>
      %get3A_1384 = arith.index_cast %get3A_1379 : i32 to index
      %get3A_1385 = arith.constant 16 : index
      %get3A_1386 = tpu.vector_load %get3A_1383[%get3A_1384, %get3A_1385] {strides = array<i32>} : memref<128x32xf32, #tpu.memory_space<vmem>>, vector<16xf32>,
      %scatter3A_1387 = arith.constant 0 : i32
      %scatter3A_1388 = arith.constant 0 : i32
      %scatter3A_1389 = tpu.memref_slice %arg7[%rem3A_269, %scatter3A_1387, %scatter3A_1388] : memref<2x32x129xf32, #tpu.memory_space<vmem>> -> memref<1x32x129xf32, #tpu.memory_space<vmem>>
      %scatter3A_1390 = tpu.memref_squeeze %scatter3A_1389 : memref<1x32x129xf32, #tpu.memory_space<vmem>> -> memref<32x129xf32, #tpu.memory_space<vmem>>
      tpu.vector_store_idx %scatter3A_1390[%add3A_327, %broadcast_in_dim3A_1366], %get3A_1386 : memref<32x129xf32, #tpu.memory_space<vmem>>[vector<16xi32>, vector<16xi32>], vector<16xf32>,
      %broadcast_in_dim3A_1391 = arith.constant 41 : i32
      %broadcast_in_dim3A_1392 = vector.broadcast %broadcast_in_dim3A_1391 : i32 to vector<16xi32>
      %get3A_1393 = arith.constant 41 : i32
      %get3A_1394 = arith.constant 0 : i32
      %get3A_1395 = arith.constant 0 : i32
      %get3A_1396 = tpu.memref_slice %arg6[%rem3A_269, %get3A_1394, %get3A_1395] : memref<2x128x32xf32, #tpu.memory_space<vmem>> -> memref<1x128x32xf32, #tpu.memory_space<vmem>>
      %get3A_1397 = tpu.memref_squeeze %get3A_1396 : memref<1x128x32xf32, #tpu.memory_space<vmem>> -> memref<128x32xf32, #tpu.memory_space<vmem>>
      %get3A_1398 = arith.index_cast %get3A_1393 : i32 to index
      %get3A_1399 = arith.constant 0 : index
      %get3A_1400 = tpu.vector_load %get3A_1397[%get3A_1398, %get3A_1399] {strides = array<i32>} : memref<128x32xf32, #tpu.memory_space<vmem>>, vector<16xf32>,
      %scatter3A_1401 = arith.constant 0 : i32
      %scatter3A_1402 = arith.constant 0 : i32
      %scatter3A_1403 = tpu.memref_slice %arg7[%rem3A_269, %scatter3A_1401, %scatter3A_1402] : memref<2x32x129xf32, #tpu.memory_space<vmem>> -> memref<1x32x129xf32, #tpu.memory_space<vmem>>
      %scatter3A_1404 = tpu.memref_squeeze %scatter3A_1403 : memref<1x32x129xf32, #tpu.memory_space<vmem>> -> memref<32x129xf32, #tpu.memory_space<vmem>>
      tpu.vector_store_idx %scatter3A_1404[%add3A_324, %broadcast_in_dim3A_1392], %get3A_1400 : memref<32x129xf32, #tpu.memory_space<vmem>>[vector<16xi32>, vector<16xi32>], vector<16xf32>,
      %get3A_1405 = arith.constant 41 : i32
      %get3A_1406 = arith.constant 0 : i32
      %get3A_1407 = arith.constant 0 : i32
      %get3A_1408 = tpu.memref_slice %arg6[%rem3A_269, %get3A_1406, %get3A_1407] : memref<2x128x32xf32, #tpu.memory_space<vmem>> -> memref<1x128x32xf32, #tpu.memory_space<vmem>>
      %get3A_1409 = tpu.memref_squeeze %get3A_1408 : memref<1x128x32xf32, #tpu.memory_space<vmem>> -> memref<128x32xf32, #tpu.memory_space<vmem>>
      %get3A_1410 = arith.index_cast %get3A_1405 : i32 to index
      %get3A_1411 = arith.constant 16 : index
      %get3A_1412 = tpu.vector_load %get3A_1409[%get3A_1410, %get3A_1411] {strides = array<i32>} : memref<128x32xf32, #tpu.memory_space<vmem>>, vector<16xf32>,
      %scatter3A_1413 = arith.constant 0 : i32
      %scatter3A_1414 = arith.constant 0 : i32
      %scatter3A_1415 = tpu.memref_slice %arg7[%rem3A_269, %scatter3A_1413, %scatter3A_1414] : memref<2x32x129xf32, #tpu.memory_space<vmem>> -> memref<1x32x129xf32, #tpu.memory_space<vmem>>
      %scatter3A_1416 = tpu.memref_squeeze %scatter3A_1415 : memref<1x32x129xf32, #tpu.memory_space<vmem>> -> memref<32x129xf32, #tpu.memory_space<vmem>>
      tpu.vector_store_idx %scatter3A_1416[%add3A_327, %broadcast_in_dim3A_1392], %get3A_1412 : memref<32x129xf32, #tpu.memory_space<vmem>>[vector<16xi32>, vector<16xi32>], vector<16xf32>,
      %broadcast_in_dim3A_1417 = arith.constant 42 : i32
      %broadcast_in_dim3A_1418 = vector.broadcast %broadcast_in_dim3A_1417 : i32 to vector<16xi32>
      %get3A_1419 = arith.constant 42 : i32
      %get3A_1420 = arith.constant 0 : i32
      %get3A_1421 = arith.constant 0 : i32
      %get3A_1422 = tpu.memref_slice %arg6[%rem3A_269, %get3A_1420, %get3A_1421] : memref<2x128x32xf32, #tpu.memory_space<vmem>> -> memref<1x128x32xf32, #tpu.memory_space<vmem>>
      %get3A_1423 = tpu.memref_squeeze %get3A_1422 : memref<1x128x32xf32, #tpu.memory_space<vmem>> -> memref<128x32xf32, #tpu.memory_space<vmem>>
      %get3A_1424 = arith.index_cast %get3A_1419 : i32 to index
      %get3A_1425 = arith.constant 0 : index
      %get3A_1426 = tpu.vector_load %get3A_1423[%get3A_1424, %get3A_1425] {strides = array<i32>} : memref<128x32xf32, #tpu.memory_space<vmem>>, vector<16xf32>,
      %scatter3A_1427 = arith.constant 0 : i32
      %scatter3A_1428 = arith.constant 0 : i32
      %scatter3A_1429 = tpu.memref_slice %arg7[%rem3A_269, %scatter3A_1427, %scatter3A_1428] : memref<2x32x129xf32, #tpu.memory_space<vmem>> -> memref<1x32x129xf32, #tpu.memory_space<vmem>>
      %scatter3A_1430 = tpu.memref_squeeze %scatter3A_1429 : memref<1x32x129xf32, #tpu.memory_space<vmem>> -> memref<32x129xf32, #tpu.memory_space<vmem>>
      tpu.vector_store_idx %scatter3A_1430[%add3A_324, %broadcast_in_dim3A_1418], %get3A_1426 : memref<32x129xf32, #tpu.memory_space<vmem>>[vector<16xi32>, vector<16xi32>], vector<16xf32>,
      %get3A_1431 = arith.constant 42 : i32
      %get3A_1432 = arith.constant 0 : i32
      %get3A_1433 = arith.constant 0 : i32
      %get3A_1434 = tpu.memref_slice %arg6[%rem3A_269, %get3A_1432, %get3A_1433] : memref<2x128x32xf32, #tpu.memory_space<vmem>> -> memref<1x128x32xf32, #tpu.memory_space<vmem>>
      %get3A_1435 = tpu.memref_squeeze %get3A_1434 : memref<1x128x32xf32, #tpu.memory_space<vmem>> -> memref<128x32xf32, #tpu.memory_space<vmem>>
      %get3A_1436 = arith.index_cast %get3A_1431 : i32 to index
      %get3A_1437 = arith.constant 16 : index
      %get3A_1438 = tpu.vector_load %get3A_1435[%get3A_1436, %get3A_1437] {strides = array<i32>} : memref<128x32xf32, #tpu.memory_space<vmem>>, vector<16xf32>,
      %scatter3A_1439 = arith.constant 0 : i32
      %scatter3A_1440 = arith.constant 0 : i32
      %scatter3A_1441 = tpu.memref_slice %arg7[%rem3A_269, %scatter3A_1439, %scatter3A_1440] : memref<2x32x129xf32, #tpu.memory_space<vmem>> -> memref<1x32x129xf32, #tpu.memory_space<vmem>>
      %scatter3A_1442 = tpu.memref_squeeze %scatter3A_1441 : memref<1x32x129xf32, #tpu.memory_space<vmem>> -> memref<32x129xf32, #tpu.memory_space<vmem>>
      tpu.vector_store_idx %scatter3A_1442[%add3A_327, %broadcast_in_dim3A_1418], %get3A_1438 : memref<32x129xf32, #tpu.memory_space<vmem>>[vector<16xi32>, vector<16xi32>], vector<16xf32>,
      %broadcast_in_dim3A_1443 = arith.constant 43 : i32
      %broadcast_in_dim3A_1444 = vector.broadcast %broadcast_in_dim3A_1443 : i32 to vector<16xi32>
      %get3A_1445 = arith.constant 43 : i32
      %get3A_1446 = arith.constant 0 : i32
      %get3A_1447 = arith.constant 0 : i32
      %get3A_1448 = tpu.memref_slice %arg6[%rem3A_269, %get3A_1446, %get3A_1447] : memref<2x128x32xf32, #tpu.memory_space<vmem>> -> memref<1x128x32xf32, #tpu.memory_space<vmem>>
      %get3A_1449 = tpu.memref_squeeze %get3A_1448 : memref<1x128x32xf32, #tpu.memory_space<vmem>> -> memref<128x32xf32, #tpu.memory_space<vmem>>
      %get3A_1450 = arith.index_cast %get3A_1445 : i32 to index
      %get3A_1451 = arith.constant 0 : index
      %get3A_1452 = tpu.vector_load %get3A_1449[%get3A_1450, %get3A_1451] {strides = array<i32>} : memref<128x32xf32, #tpu.memory_space<vmem>>, vector<16xf32>,
      %scatter3A_1453 = arith.constant 0 : i32
      %scatter3A_1454 = arith.constant 0 : i32
      %scatter3A_1455 = tpu.memref_slice %arg7[%rem3A_269, %scatter3A_1453, %scatter3A_1454] : memref<2x32x129xf32, #tpu.memory_space<vmem>> -> memref<1x32x129xf32, #tpu.memory_space<vmem>>
      %scatter3A_1456 = tpu.memref_squeeze %scatter3A_1455 : memref<1x32x129xf32, #tpu.memory_space<vmem>> -> memref<32x129xf32, #tpu.memory_space<vmem>>
      tpu.vector_store_idx %scatter3A_1456[%add3A_324, %broadcast_in_dim3A_1444], %get3A_1452 : memref<32x129xf32, #tpu.memory_space<vmem>>[vector<16xi32>, vector<16xi32>], vector<16xf32>,
      %get3A_1457 = arith.constant 43 : i32
      %get3A_1458 = arith.constant 0 : i32
      %get3A_1459 = arith.constant 0 : i32
      %get3A_1460 = tpu.memref_slice %arg6[%rem3A_269, %get3A_1458, %get3A_1459] : memref<2x128x32xf32, #tpu.memory_space<vmem>> -> memref<1x128x32xf32, #tpu.memory_space<vmem>>
      %get3A_1461 = tpu.memref_squeeze %get3A_1460 : memref<1x128x32xf32, #tpu.memory_space<vmem>> -> memref<128x32xf32, #tpu.memory_space<vmem>>
      %get3A_1462 = arith.index_cast %get3A_1457 : i32 to index
      %get3A_1463 = arith.constant 16 : index
      %get3A_1464 = tpu.vector_load %get3A_1461[%get3A_1462, %get3A_1463] {strides = array<i32>} : memref<128x32xf32, #tpu.memory_space<vmem>>, vector<16xf32>,
      %scatter3A_1465 = arith.constant 0 : i32
      %scatter3A_1466 = arith.constant 0 : i32
      %scatter3A_1467 = tpu.memref_slice %arg7[%rem3A_269, %scatter3A_1465, %scatter3A_1466] : memref<2x32x129xf32, #tpu.memory_space<vmem>> -> memref<1x32x129xf32, #tpu.memory_space<vmem>>
      %scatter3A_1468 = tpu.memref_squeeze %scatter3A_1467 : memref<1x32x129xf32, #tpu.memory_space<vmem>> -> memref<32x129xf32, #tpu.memory_space<vmem>>
      tpu.vector_store_idx %scatter3A_1468[%add3A_327, %broadcast_in_dim3A_1444], %get3A_1464 : memref<32x129xf32, #tpu.memory_space<vmem>>[vector<16xi32>, vector<16xi32>], vector<16xf32>,
      %broadcast_in_dim3A_1469 = arith.constant 44 : i32
      %broadcast_in_dim3A_1470 = vector.broadcast %broadcast_in_dim3A_1469 : i32 to vector<16xi32>
      %get3A_1471 = arith.constant 44 : i32
      %get3A_1472 = arith.constant 0 : i32
      %get3A_1473 = arith.constant 0 : i32
      %get3A_1474 = tpu.memref_slice %arg6[%rem3A_269, %get3A_1472, %get3A_1473] : memref<2x128x32xf32, #tpu.memory_space<vmem>> -> memref<1x128x32xf32, #tpu.memory_space<vmem>>
      %get3A_1475 = tpu.memref_squeeze %get3A_1474 : memref<1x128x32xf32, #tpu.memory_space<vmem>> -> memref<128x32xf32, #tpu.memory_space<vmem>>
      %get3A_1476 = arith.index_cast %get3A_1471 : i32 to index
      %get3A_1477 = arith.constant 0 : index
      %get3A_1478 = tpu.vector_load %get3A_1475[%get3A_1476, %get3A_1477] {strides = array<i32>} : memref<128x32xf32, #tpu.memory_space<vmem>>, vector<16xf32>,
      %scatter3A_1479 = arith.constant 0 : i32
      %scatter3A_1480 = arith.constant 0 : i32
      %scatter3A_1481 = tpu.memref_slice %arg7[%rem3A_269, %scatter3A_1479, %scatter3A_1480] : memref<2x32x129xf32, #tpu.memory_space<vmem>> -> memref<1x32x129xf32, #tpu.memory_space<vmem>>
      %scatter3A_1482 = tpu.memref_squeeze %scatter3A_1481 : memref<1x32x129xf32, #tpu.memory_space<vmem>> -> memref<32x129xf32, #tpu.memory_space<vmem>>
      tpu.vector_store_idx %scatter3A_1482[%add3A_324, %broadcast_in_dim3A_1470], %get3A_1478 : memref<32x129xf32, #tpu.memory_space<vmem>>[vector<16xi32>, vector<16xi32>], vector<16xf32>,
      %get3A_1483 = arith.constant 44 : i32
      %get3A_1484 = arith.constant 0 : i32
      %get3A_1485 = arith.constant 0 : i32
      %get3A_1486 = tpu.memref_slice %arg6[%rem3A_269, %get3A_1484, %get3A_1485] : memref<2x128x32xf32, #tpu.memory_space<vmem>> -> memref<1x128x32xf32, #tpu.memory_space<vmem>>
      %get3A_1487 = tpu.memref_squeeze %get3A_1486 : memref<1x128x32xf32, #tpu.memory_space<vmem>> -> memref<128x32xf32, #tpu.memory_space<vmem>>
      %get3A_1488 = arith.index_cast %get3A_1483 : i32 to index
      %get3A_1489 = arith.constant 16 : index
      %get3A_1490 = tpu.vector_load %get3A_1487[%get3A_1488, %get3A_1489] {strides = array<i32>} : memref<128x32xf32, #tpu.memory_space<vmem>>, vector<16xf32>,
      %scatter3A_1491 = arith.constant 0 : i32
      %scatter3A_1492 = arith.constant 0 : i32
      %scatter3A_1493 = tpu.memref_slice %arg7[%rem3A_269, %scatter3A_1491, %scatter3A_1492] : memref<2x32x129xf32, #tpu.memory_space<vmem>> -> memref<1x32x129xf32, #tpu.memory_space<vmem>>
      %scatter3A_1494 = tpu.memref_squeeze %scatter3A_1493 : memref<1x32x129xf32, #tpu.memory_space<vmem>> -> memref<32x129xf32, #tpu.memory_space<vmem>>
      tpu.vector_store_idx %scatter3A_1494[%add3A_327, %broadcast_in_dim3A_1470], %get3A_1490 : memref<32x129xf32, #tpu.memory_space<vmem>>[vector<16xi32>, vector<16xi32>], vector<16xf32>,
      %broadcast_in_dim3A_1495 = arith.constant 45 : i32
      %broadcast_in_dim3A_1496 = vector.broadcast %broadcast_in_dim3A_1495 : i32 to vector<16xi32>
      %get3A_1497 = arith.constant 45 : i32
      %get3A_1498 = arith.constant 0 : i32
      %get3A_1499 = arith.constant 0 : i32
      %get3A_1500 = tpu.memref_slice %arg6[%rem3A_269, %get3A_1498, %get3A_1499] : memref<2x128x32xf32, #tpu.memory_space<vmem>> -> memref<1x128x32xf32, #tpu.memory_space<vmem>>
      %get3A_1501 = tpu.memref_squeeze %get3A_1500 : memref<1x128x32xf32, #tpu.memory_space<vmem>> -> memref<128x32xf32, #tpu.memory_space<vmem>>
      %get3A_1502 = arith.index_cast %get3A_1497 : i32 to index
      %get3A_1503 = arith.constant 0 : index
      %get3A_1504 = tpu.vector_load %get3A_1501[%get3A_1502, %get3A_1503] {strides = array<i32>} : memref<128x32xf32, #tpu.memory_space<vmem>>, vector<16xf32>,
      %scatter3A_1505 = arith.constant 0 : i32
      %scatter3A_1506 = arith.constant 0 : i32
      %scatter3A_1507 = tpu.memref_slice %arg7[%rem3A_269, %scatter3A_1505, %scatter3A_1506] : memref<2x32x129xf32, #tpu.memory_space<vmem>> -> memref<1x32x129xf32, #tpu.memory_space<vmem>>
      %scatter3A_1508 = tpu.memref_squeeze %scatter3A_1507 : memref<1x32x129xf32, #tpu.memory_space<vmem>> -> memref<32x129xf32, #tpu.memory_space<vmem>>
      tpu.vector_store_idx %scatter3A_1508[%add3A_324, %broadcast_in_dim3A_1496], %get3A_1504 : memref<32x129xf32, #tpu.memory_space<vmem>>[vector<16xi32>, vector<16xi32>], vector<16xf32>,
      %get3A_1509 = arith.constant 45 : i32
      %get3A_1510 = arith.constant 0 : i32
      %get3A_1511 = arith.constant 0 : i32
      %get3A_1512 = tpu.memref_slice %arg6[%rem3A_269, %get3A_1510, %get3A_1511] : memref<2x128x32xf32, #tpu.memory_space<vmem>> -> memref<1x128x32xf32, #tpu.memory_space<vmem>>
      %get3A_1513 = tpu.memref_squeeze %get3A_1512 : memref<1x128x32xf32, #tpu.memory_space<vmem>> -> memref<128x32xf32, #tpu.memory_space<vmem>>
      %get3A_1514 = arith.index_cast %get3A_1509 : i32 to index
      %get3A_1515 = arith.constant 16 : index
      %get3A_1516 = tpu.vector_load %get3A_1513[%get3A_1514, %get3A_1515] {strides = array<i32>} : memref<128x32xf32, #tpu.memory_space<vmem>>, vector<16xf32>,
      %scatter3A_1517 = arith.constant 0 : i32
      %scatter3A_1518 = arith.constant 0 : i32
      %scatter3A_1519 = tpu.memref_slice %arg7[%rem3A_269, %scatter3A_1517, %scatter3A_1518] : memref<2x32x129xf32, #tpu.memory_space<vmem>> -> memref<1x32x129xf32, #tpu.memory_space<vmem>>
      %scatter3A_1520 = tpu.memref_squeeze %scatter3A_1519 : memref<1x32x129xf32, #tpu.memory_space<vmem>> -> memref<32x129xf32, #tpu.memory_space<vmem>>
      tpu.vector_store_idx %scatter3A_1520[%add3A_327, %broadcast_in_dim3A_1496], %get3A_1516 : memref<32x129xf32, #tpu.memory_space<vmem>>[vector<16xi32>, vector<16xi32>], vector<16xf32>,
      %broadcast_in_dim3A_1521 = arith.constant 46 : i32
      %broadcast_in_dim3A_1522 = vector.broadcast %broadcast_in_dim3A_1521 : i32 to vector<16xi32>
      %get3A_1523 = arith.constant 46 : i32
      %get3A_1524 = arith.constant 0 : i32
      %get3A_1525 = arith.constant 0 : i32
      %get3A_1526 = tpu.memref_slice %arg6[%rem3A_269, %get3A_1524, %get3A_1525] : memref<2x128x32xf32, #tpu.memory_space<vmem>> -> memref<1x128x32xf32, #tpu.memory_space<vmem>>
      %get3A_1527 = tpu.memref_squeeze %get3A_1526 : memref<1x128x32xf32, #tpu.memory_space<vmem>> -> memref<128x32xf32, #tpu.memory_space<vmem>>
      %get3A_1528 = arith.index_cast %get3A_1523 : i32 to index
      %get3A_1529 = arith.constant 0 : index
      %get3A_1530 = tpu.vector_load %get3A_1527[%get3A_1528, %get3A_1529] {strides = array<i32>} : memref<128x32xf32, #tpu.memory_space<vmem>>, vector<16xf32>,
      %scatter3A_1531 = arith.constant 0 : i32
      %scatter3A_1532 = arith.constant 0 : i32
      %scatter3A_1533 = tpu.memref_slice %arg7[%rem3A_269, %scatter3A_1531, %scatter3A_1532] : memref<2x32x129xf32, #tpu.memory_space<vmem>> -> memref<1x32x129xf32, #tpu.memory_space<vmem>>
      %scatter3A_1534 = tpu.memref_squeeze %scatter3A_1533 : memref<1x32x129xf32, #tpu.memory_space<vmem>> -> memref<32x129xf32, #tpu.memory_space<vmem>>
      tpu.vector_store_idx %scatter3A_1534[%add3A_324, %broadcast_in_dim3A_1522], %get3A_1530 : memref<32x129xf32, #tpu.memory_space<vmem>>[vector<16xi32>, vector<16xi32>], vector<16xf32>,
      %get3A_1535 = arith.constant 46 : i32
      %get3A_1536 = arith.constant 0 : i32
      %get3A_1537 = arith.constant 0 : i32
      %get3A_1538 = tpu.memref_slice %arg6[%rem3A_269, %get3A_1536, %get3A_1537] : memref<2x128x32xf32, #tpu.memory_space<vmem>> -> memref<1x128x32xf32, #tpu.memory_space<vmem>>
      %get3A_1539 = tpu.memref_squeeze %get3A_1538 : memref<1x128x32xf32, #tpu.memory_space<vmem>> -> memref<128x32xf32, #tpu.memory_space<vmem>>
      %get3A_1540 = arith.index_cast %get3A_1535 : i32 to index
      %get3A_1541 = arith.constant 16 : index
      %get3A_1542 = tpu.vector_load %get3A_1539[%get3A_1540, %get3A_1541] {strides = array<i32>} : memref<128x32xf32, #tpu.memory_space<vmem>>, vector<16xf32>,
      %scatter3A_1543 = arith.constant 0 : i32
      %scatter3A_1544 = arith.constant 0 : i32
      %scatter3A_1545 = tpu.memref_slice %arg7[%rem3A_269, %scatter3A_1543, %scatter3A_1544] : memref<2x32x129xf32, #tpu.memory_space<vmem>> -> memref<1x32x129xf32, #tpu.memory_space<vmem>>
      %scatter3A_1546 = tpu.memref_squeeze %scatter3A_1545 : memref<1x32x129xf32, #tpu.memory_space<vmem>> -> memref<32x129xf32, #tpu.memory_space<vmem>>
      tpu.vector_store_idx %scatter3A_1546[%add3A_327, %broadcast_in_dim3A_1522], %get3A_1542 : memref<32x129xf32, #tpu.memory_space<vmem>>[vector<16xi32>, vector<16xi32>], vector<16xf32>,
      %broadcast_in_dim3A_1547 = arith.constant 47 : i32
      %broadcast_in_dim3A_1548 = vector.broadcast %broadcast_in_dim3A_1547 : i32 to vector<16xi32>
      %get3A_1549 = arith.constant 47 : i32
      %get3A_1550 = arith.constant 0 : i32
      %get3A_1551 = arith.constant 0 : i32
      %get3A_1552 = tpu.memref_slice %arg6[%rem3A_269, %get3A_1550, %get3A_1551] : memref<2x128x32xf32, #tpu.memory_space<vmem>> -> memref<1x128x32xf32, #tpu.memory_space<vmem>>
      %get3A_1553 = tpu.memref_squeeze %get3A_1552 : memref<1x128x32xf32, #tpu.memory_space<vmem>> -> memref<128x32xf32, #tpu.memory_space<vmem>>
      %get3A_1554 = arith.index_cast %get3A_1549 : i32 to index
      %get3A_1555 = arith.constant 0 : index
      %get3A_1556 = tpu.vector_load %get3A_1553[%get3A_1554, %get3A_1555] {strides = array<i32>} : memref<128x32xf32, #tpu.memory_space<vmem>>, vector<16xf32>,
      %scatter3A_1557 = arith.constant 0 : i32
      %scatter3A_1558 = arith.constant 0 : i32
      %scatter3A_1559 = tpu.memref_slice %arg7[%rem3A_269, %scatter3A_1557, %scatter3A_1558] : memref<2x32x129xf32, #tpu.memory_space<vmem>> -> memref<1x32x129xf32, #tpu.memory_space<vmem>>
      %scatter3A_1560 = tpu.memref_squeeze %scatter3A_1559 : memref<1x32x129xf32, #tpu.memory_space<vmem>> -> memref<32x129xf32, #tpu.memory_space<vmem>>
      tpu.vector_store_idx %scatter3A_1560[%add3A_324, %broadcast_in_dim3A_1548], %get3A_1556 : memref<32x129xf32, #tpu.memory_space<vmem>>[vector<16xi32>, vector<16xi32>], vector<16xf32>,
      %get3A_1561 = arith.constant 47 : i32
      %get3A_1562 = arith.constant 0 : i32
      %get3A_1563 = arith.constant 0 : i32
      %get3A_1564 = tpu.memref_slice %arg6[%rem3A_269, %get3A_1562, %get3A_1563] : memref<2x128x32xf32, #tpu.memory_space<vmem>> -> memref<1x128x32xf32, #tpu.memory_space<vmem>>
      %get3A_1565 = tpu.memref_squeeze %get3A_1564 : memref<1x128x32xf32, #tpu.memory_space<vmem>> -> memref<128x32xf32, #tpu.memory_space<vmem>>
      %get3A_1566 = arith.index_cast %get3A_1561 : i32 to index
      %get3A_1567 = arith.constant 16 : index
      %get3A_1568 = tpu.vector_load %get3A_1565[%get3A_1566, %get3A_1567] {strides = array<i32>} : memref<128x32xf32, #tpu.memory_space<vmem>>, vector<16xf32>,
      %scatter3A_1569 = arith.constant 0 : i32
      %scatter3A_1570 = arith.constant 0 : i32
      %scatter3A_1571 = tpu.memref_slice %arg7[%rem3A_269, %scatter3A_1569, %scatter3A_1570] : memref<2x32x129xf32, #tpu.memory_space<vmem>> -> memref<1x32x129xf32, #tpu.memory_space<vmem>>
      %scatter3A_1572 = tpu.memref_squeeze %scatter3A_1571 : memref<1x32x129xf32, #tpu.memory_space<vmem>> -> memref<32x129xf32, #tpu.memory_space<vmem>>
      tpu.vector_store_idx %scatter3A_1572[%add3A_327, %broadcast_in_dim3A_1548], %get3A_1568 : memref<32x129xf32, #tpu.memory_space<vmem>>[vector<16xi32>, vector<16xi32>], vector<16xf32>,
      %broadcast_in_dim3A_1573 = arith.constant 48 : i32
      %broadcast_in_dim3A_1574 = vector.broadcast %broadcast_in_dim3A_1573 : i32 to vector<16xi32>
      %get3A_1575 = arith.constant 48 : i32
      %get3A_1576 = arith.constant 0 : i32
      %get3A_1577 = arith.constant 0 : i32
      %get3A_1578 = tpu.memref_slice %arg6[%rem3A_269, %get3A_1576, %get3A_1577] : memref<2x128x32xf32, #tpu.memory_space<vmem>> -> memref<1x128x32xf32, #tpu.memory_space<vmem>>
      %get3A_1579 = tpu.memref_squeeze %get3A_1578 : memref<1x128x32xf32, #tpu.memory_space<vmem>> -> memref<128x32xf32, #tpu.memory_space<vmem>>
      %get3A_1580 = arith.index_cast %get3A_1575 : i32 to index
      %get3A_1581 = arith.constant 0 : index
      %get3A_1582 = tpu.vector_load %get3A_1579[%get3A_1580, %get3A_1581] {strides = array<i32>} : memref<128x32xf32, #tpu.memory_space<vmem>>, vector<16xf32>,
      %scatter3A_1583 = arith.constant 0 : i32
      %scatter3A_1584 = arith.constant 0 : i32
      %scatter3A_1585 = tpu.memref_slice %arg7[%rem3A_269, %scatter3A_1583, %scatter3A_1584] : memref<2x32x129xf32, #tpu.memory_space<vmem>> -> memref<1x32x129xf32, #tpu.memory_space<vmem>>
      %scatter3A_1586 = tpu.memref_squeeze %scatter3A_1585 : memref<1x32x129xf32, #tpu.memory_space<vmem>> -> memref<32x129xf32, #tpu.memory_space<vmem>>
      tpu.vector_store_idx %scatter3A_1586[%add3A_324, %broadcast_in_dim3A_1574], %get3A_1582 : memref<32x129xf32, #tpu.memory_space<vmem>>[vector<16xi32>, vector<16xi32>], vector<16xf32>,
      %get3A_1587 = arith.constant 48 : i32
      %get3A_1588 = arith.constant 0 : i32
      %get3A_1589 = arith.constant 0 : i32
      %get3A_1590 = tpu.memref_slice %arg6[%rem3A_269, %get3A_1588, %get3A_1589] : memref<2x128x32xf32, #tpu.memory_space<vmem>> -> memref<1x128x32xf32, #tpu.memory_space<vmem>>
      %get3A_1591 = tpu.memref_squeeze %get3A_1590 : memref<1x128x32xf32, #tpu.memory_space<vmem>> -> memref<128x32xf32, #tpu.memory_space<vmem>>
      %get3A_1592 = arith.index_cast %get3A_1587 : i32 to index
      %get3A_1593 = arith.constant 16 : index
      %get3A_1594 = tpu.vector_load %get3A_1591[%get3A_1592, %get3A_1593] {strides = array<i32>} : memref<128x32xf32, #tpu.memory_space<vmem>>, vector<16xf32>,
      %scatter3A_1595 = arith.constant 0 : i32
      %scatter3A_1596 = arith.constant 0 : i32
      %scatter3A_1597 = tpu.memref_slice %arg7[%rem3A_269, %scatter3A_1595, %scatter3A_1596] : memref<2x32x129xf32, #tpu.memory_space<vmem>> -> memref<1x32x129xf32, #tpu.memory_space<vmem>>
      %scatter3A_1598 = tpu.memref_squeeze %scatter3A_1597 : memref<1x32x129xf32, #tpu.memory_space<vmem>> -> memref<32x129xf32, #tpu.memory_space<vmem>>
      tpu.vector_store_idx %scatter3A_1598[%add3A_327, %broadcast_in_dim3A_1574], %get3A_1594 : memref<32x129xf32, #tpu.memory_space<vmem>>[vector<16xi32>, vector<16xi32>], vector<16xf32>,
      %broadcast_in_dim3A_1599 = arith.constant 49 : i32
      %broadcast_in_dim3A_1600 = vector.broadcast %broadcast_in_dim3A_1599 : i32 to vector<16xi32>
      %get3A_1601 = arith.constant 49 : i32
      %get3A_1602 = arith.constant 0 : i32
      %get3A_1603 = arith.constant 0 : i32
      %get3A_1604 = tpu.memref_slice %arg6[%rem3A_269, %get3A_1602, %get3A_1603] : memref<2x128x32xf32, #tpu.memory_space<vmem>> -> memref<1x128x32xf32, #tpu.memory_space<vmem>>
      %get3A_1605 = tpu.memref_squeeze %get3A_1604 : memref<1x128x32xf32, #tpu.memory_space<vmem>> -> memref<128x32xf32, #tpu.memory_space<vmem>>
      %get3A_1606 = arith.index_cast %get3A_1601 : i32 to index
      %get3A_1607 = arith.constant 0 : index
      %get3A_1608 = tpu.vector_load %get3A_1605[%get3A_1606, %get3A_1607] {strides = array<i32>} : memref<128x32xf32, #tpu.memory_space<vmem>>, vector<16xf32>,
      %scatter3A_1609 = arith.constant 0 : i32
      %scatter3A_1610 = arith.constant 0 : i32
      %scatter3A_1611 = tpu.memref_slice %arg7[%rem3A_269, %scatter3A_1609, %scatter3A_1610] : memref<2x32x129xf32, #tpu.memory_space<vmem>> -> memref<1x32x129xf32, #tpu.memory_space<vmem>>
      %scatter3A_1612 = tpu.memref_squeeze %scatter3A_1611 : memref<1x32x129xf32, #tpu.memory_space<vmem>> -> memref<32x129xf32, #tpu.memory_space<vmem>>
      tpu.vector_store_idx %scatter3A_1612[%add3A_324, %broadcast_in_dim3A_1600], %get3A_1608 : memref<32x129xf32, #tpu.memory_space<vmem>>[vector<16xi32>, vector<16xi32>], vector<16xf32>,
      %get3A_1613 = arith.constant 49 : i32
      %get3A_1614 = arith.constant 0 : i32
      %get3A_1615 = arith.constant 0 : i32
      %get3A_1616 = tpu.memref_slice %arg6[%rem3A_269, %get3A_1614, %get3A_1615] : memref<2x128x32xf32, #tpu.memory_space<vmem>> -> memref<1x128x32xf32, #tpu.memory_space<vmem>>
      %get3A_1617 = tpu.memref_squeeze %get3A_1616 : memref<1x128x32xf32, #tpu.memory_space<vmem>> -> memref<128x32xf32, #tpu.memory_space<vmem>>
      %get3A_1618 = arith.index_cast %get3A_1613 : i32 to index
      %get3A_1619 = arith.constant 16 : index
      %get3A_1620 = tpu.vector_load %get3A_1617[%get3A_1618, %get3A_1619] {strides = array<i32>} : memref<128x32xf32, #tpu.memory_space<vmem>>, vector<16xf32>,
      %scatter3A_1621 = arith.constant 0 : i32
      %scatter3A_1622 = arith.constant 0 : i32
      %scatter3A_1623 = tpu.memref_slice %arg7[%rem3A_269, %scatter3A_1621, %scatter3A_1622] : memref<2x32x129xf32, #tpu.memory_space<vmem>> -> memref<1x32x129xf32, #tpu.memory_space<vmem>>
      %scatter3A_1624 = tpu.memref_squeeze %scatter3A_1623 : memref<1x32x129xf32, #tpu.memory_space<vmem>> -> memref<32x129xf32, #tpu.memory_space<vmem>>
      tpu.vector_store_idx %scatter3A_1624[%add3A_327, %broadcast_in_dim3A_1600], %get3A_1620 : memref<32x129xf32, #tpu.memory_space<vmem>>[vector<16xi32>, vector<16xi32>], vector<16xf32>,
      %broadcast_in_dim3A_1625 = arith.constant 50 : i32
      %broadcast_in_dim3A_1626 = vector.broadcast %broadcast_in_dim3A_1625 : i32 to vector<16xi32>
      %get3A_1627 = arith.constant 50 : i32
      %get3A_1628 = arith.constant 0 : i32
      %get3A_1629 = arith.constant 0 : i32
      %get3A_1630 = tpu.memref_slice %arg6[%rem3A_269, %get3A_1628, %get3A_1629] : memref<2x128x32xf32, #tpu.memory_space<vmem>> -> memref<1x128x32xf32, #tpu.memory_space<vmem>>
      %get3A_1631 = tpu.memref_squeeze %get3A_1630 : memref<1x128x32xf32, #tpu.memory_space<vmem>> -> memref<128x32xf32, #tpu.memory_space<vmem>>
      %get3A_1632 = arith.index_cast %get3A_1627 : i32 to index
      %get3A_1633 = arith.constant 0 : index
      %get3A_1634 = tpu.vector_load %get3A_1631[%get3A_1632, %get3A_1633] {strides = array<i32>} : memref<128x32xf32, #tpu.memory_space<vmem>>, vector<16xf32>,
      %scatter3A_1635 = arith.constant 0 : i32
      %scatter3A_1636 = arith.constant 0 : i32
      %scatter3A_1637 = tpu.memref_slice %arg7[%rem3A_269, %scatter3A_1635, %scatter3A_1636] : memref<2x32x129xf32, #tpu.memory_space<vmem>> -> memref<1x32x129xf32, #tpu.memory_space<vmem>>
      %scatter3A_1638 = tpu.memref_squeeze %scatter3A_1637 : memref<1x32x129xf32, #tpu.memory_space<vmem>> -> memref<32x129xf32, #tpu.memory_space<vmem>>
      tpu.vector_store_idx %scatter3A_1638[%add3A_324, %broadcast_in_dim3A_1626], %get3A_1634 : memref<32x129xf32, #tpu.memory_space<vmem>>[vector<16xi32>, vector<16xi32>], vector<16xf32>,
      %get3A_1639 = arith.constant 50 : i32
      %get3A_1640 = arith.constant 0 : i32
      %get3A_1641 = arith.constant 0 : i32
      %get3A_1642 = tpu.memref_slice %arg6[%rem3A_269, %get3A_1640, %get3A_1641] : memref<2x128x32xf32, #tpu.memory_space<vmem>> -> memref<1x128x32xf32, #tpu.memory_space<vmem>>
      %get3A_1643 = tpu.memref_squeeze %get3A_1642 : memref<1x128x32xf32, #tpu.memory_space<vmem>> -> memref<128x32xf32, #tpu.memory_space<vmem>>
      %get3A_1644 = arith.index_cast %get3A_1639 : i32 to index
      %get3A_1645 = arith.constant 16 : index
      %get3A_1646 = tpu.vector_load %get3A_1643[%get3A_1644, %get3A_1645] {strides = array<i32>} : memref<128x32xf32, #tpu.memory_space<vmem>>, vector<16xf32>,
      %scatter3A_1647 = arith.constant 0 : i32
      %scatter3A_1648 = arith.constant 0 : i32
      %scatter3A_1649 = tpu.memref_slice %arg7[%rem3A_269, %scatter3A_1647, %scatter3A_1648] : memref<2x32x129xf32, #tpu.memory_space<vmem>> -> memref<1x32x129xf32, #tpu.memory_space<vmem>>
      %scatter3A_1650 = tpu.memref_squeeze %scatter3A_1649 : memref<1x32x129xf32, #tpu.memory_space<vmem>> -> memref<32x129xf32, #tpu.memory_space<vmem>>
      tpu.vector_store_idx %scatter3A_1650[%add3A_327, %broadcast_in_dim3A_1626], %get3A_1646 : memref<32x129xf32, #tpu.memory_space<vmem>>[vector<16xi32>, vector<16xi32>], vector<16xf32>,
      %broadcast_in_dim3A_1651 = arith.constant 51 : i32
      %broadcast_in_dim3A_1652 = vector.broadcast %broadcast_in_dim3A_1651 : i32 to vector<16xi32>
      %get3A_1653 = arith.constant 51 : i32
      %get3A_1654 = arith.constant 0 : i32
      %get3A_1655 = arith.constant 0 : i32
      %get3A_1656 = tpu.memref_slice %arg6[%rem3A_269, %get3A_1654, %get3A_1655] : memref<2x128x32xf32, #tpu.memory_space<vmem>> -> memref<1x128x32xf32, #tpu.memory_space<vmem>>
      %get3A_1657 = tpu.memref_squeeze %get3A_1656 : memref<1x128x32xf32, #tpu.memory_space<vmem>> -> memref<128x32xf32, #tpu.memory_space<vmem>>
      %get3A_1658 = arith.index_cast %get3A_1653 : i32 to index
      %get3A_1659 = arith.constant 0 : index
      %get3A_1660 = tpu.vector_load %get3A_1657[%get3A_1658, %get3A_1659] {strides = array<i32>} : memref<128x32xf32, #tpu.memory_space<vmem>>, vector<16xf32>,
      %scatter3A_1661 = arith.constant 0 : i32
      %scatter3A_1662 = arith.constant 0 : i32
      %scatter3A_1663 = tpu.memref_slice %arg7[%rem3A_269, %scatter3A_1661, %scatter3A_1662] : memref<2x32x129xf32, #tpu.memory_space<vmem>> -> memref<1x32x129xf32, #tpu.memory_space<vmem>>
      %scatter3A_1664 = tpu.memref_squeeze %scatter3A_1663 : memref<1x32x129xf32, #tpu.memory_space<vmem>> -> memref<32x129xf32, #tpu.memory_space<vmem>>
      tpu.vector_store_idx %scatter3A_1664[%add3A_324, %broadcast_in_dim3A_1652], %get3A_1660 : memref<32x129xf32, #tpu.memory_space<vmem>>[vector<16xi32>, vector<16xi32>], vector<16xf32>,
      %get3A_1665 = arith.constant 51 : i32
      %get3A_1666 = arith.constant 0 : i32
      %get3A_1667 = arith.constant 0 : i32
      %get3A_1668 = tpu.memref_slice %arg6[%rem3A_269, %get3A_1666, %get3A_1667] : memref<2x128x32xf32, #tpu.memory_space<vmem>> -> memref<1x128x32xf32, #tpu.memory_space<vmem>>
      %get3A_1669 = tpu.memref_squeeze %get3A_1668 : memref<1x128x32xf32, #tpu.memory_space<vmem>> -> memref<128x32xf32, #tpu.memory_space<vmem>>
      %get3A_1670 = arith.index_cast %get3A_1665 : i32 to index
      %get3A_1671 = arith.constant 16 : index
      %get3A_1672 = tpu.vector_load %get3A_1669[%get3A_1670, %get3A_1671] {strides = array<i32>} : memref<128x32xf32, #tpu.memory_space<vmem>>, vector<16xf32>,
      %scatter3A_1673 = arith.constant 0 : i32
      %scatter3A_1674 = arith.constant 0 : i32
      %scatter3A_1675 = tpu.memref_slice %arg7[%rem3A_269, %scatter3A_1673, %scatter3A_1674] : memref<2x32x129xf32, #tpu.memory_space<vmem>> -> memref<1x32x129xf32, #tpu.memory_space<vmem>>
      %scatter3A_1676 = tpu.memref_squeeze %scatter3A_1675 : memref<1x32x129xf32, #tpu.memory_space<vmem>> -> memref<32x129xf32, #tpu.memory_space<vmem>>
      tpu.vector_store_idx %scatter3A_1676[%add3A_327, %broadcast_in_dim3A_1652], %get3A_1672 : memref<32x129xf32, #tpu.memory_space<vmem>>[vector<16xi32>, vector<16xi32>], vector<16xf32>,
      %broadcast_in_dim3A_1677 = arith.constant 52 : i32
      %broadcast_in_dim3A_1678 = vector.broadcast %broadcast_in_dim3A_1677 : i32 to vector<16xi32>
      %get3A_1679 = arith.constant 52 : i32
      %get3A_1680 = arith.constant 0 : i32
      %get3A_1681 = arith.constant 0 : i32
      %get3A_1682 = tpu.memref_slice %arg6[%rem3A_269, %get3A_1680, %get3A_1681] : memref<2x128x32xf32, #tpu.memory_space<vmem>> -> memref<1x128x32xf32, #tpu.memory_space<vmem>>
      %get3A_1683 = tpu.memref_squeeze %get3A_1682 : memref<1x128x32xf32, #tpu.memory_space<vmem>> -> memref<128x32xf32, #tpu.memory_space<vmem>>
      %get3A_1684 = arith.index_cast %get3A_1679 : i32 to index
      %get3A_1685 = arith.constant 0 : index
      %get3A_1686 = tpu.vector_load %get3A_1683[%get3A_1684, %get3A_1685] {strides = array<i32>} : memref<128x32xf32, #tpu.memory_space<vmem>>, vector<16xf32>,
      %scatter3A_1687 = arith.constant 0 : i32
      %scatter3A_1688 = arith.constant 0 : i32
      %scatter3A_1689 = tpu.memref_slice %arg7[%rem3A_269, %scatter3A_1687, %scatter3A_1688] : memref<2x32x129xf32, #tpu.memory_space<vmem>> -> memref<1x32x129xf32, #tpu.memory_space<vmem>>
      %scatter3A_1690 = tpu.memref_squeeze %scatter3A_1689 : memref<1x32x129xf32, #tpu.memory_space<vmem>> -> memref<32x129xf32, #tpu.memory_space<vmem>>
      tpu.vector_store_idx %scatter3A_1690[%add3A_324, %broadcast_in_dim3A_1678], %get3A_1686 : memref<32x129xf32, #tpu.memory_space<vmem>>[vector<16xi32>, vector<16xi32>], vector<16xf32>,
      %get3A_1691 = arith.constant 52 : i32
      %get3A_1692 = arith.constant 0 : i32
      %get3A_1693 = arith.constant 0 : i32
      %get3A_1694 = tpu.memref_slice %arg6[%rem3A_269, %get3A_1692, %get3A_1693] : memref<2x128x32xf32, #tpu.memory_space<vmem>> -> memref<1x128x32xf32, #tpu.memory_space<vmem>>
      %get3A_1695 = tpu.memref_squeeze %get3A_1694 : memref<1x128x32xf32, #tpu.memory_space<vmem>> -> memref<128x32xf32, #tpu.memory_space<vmem>>
      %get3A_1696 = arith.index_cast %get3A_1691 : i32 to index
      %get3A_1697 = arith.constant 16 : index
      %get3A_1698 = tpu.vector_load %get3A_1695[%get3A_1696, %get3A_1697] {strides = array<i32>} : memref<128x32xf32, #tpu.memory_space<vmem>>, vector<16xf32>,
      %scatter3A_1699 = arith.constant 0 : i32
      %scatter3A_1700 = arith.constant 0 : i32
      %scatter3A_1701 = tpu.memref_slice %arg7[%rem3A_269, %scatter3A_1699, %scatter3A_1700] : memref<2x32x129xf32, #tpu.memory_space<vmem>> -> memref<1x32x129xf32, #tpu.memory_space<vmem>>
      %scatter3A_1702 = tpu.memref_squeeze %scatter3A_1701 : memref<1x32x129xf32, #tpu.memory_space<vmem>> -> memref<32x129xf32, #tpu.memory_space<vmem>>
      tpu.vector_store_idx %scatter3A_1702[%add3A_327, %broadcast_in_dim3A_1678], %get3A_1698 : memref<32x129xf32, #tpu.memory_space<vmem>>[vector<16xi32>, vector<16xi32>], vector<16xf32>,
      %broadcast_in_dim3A_1703 = arith.constant 53 : i32
      %broadcast_in_dim3A_1704 = vector.broadcast %broadcast_in_dim3A_1703 : i32 to vector<16xi32>
      %get3A_1705 = arith.constant 53 : i32
      %get3A_1706 = arith.constant 0 : i32
      %get3A_1707 = arith.constant 0 : i32
      %get3A_1708 = tpu.memref_slice %arg6[%rem3A_269, %get3A_1706, %get3A_1707] : memref<2x128x32xf32, #tpu.memory_space<vmem>> -> memref<1x128x32xf32, #tpu.memory_space<vmem>>
      %get3A_1709 = tpu.memref_squeeze %get3A_1708 : memref<1x128x32xf32, #tpu.memory_space<vmem>> -> memref<128x32xf32, #tpu.memory_space<vmem>>
      %get3A_1710 = arith.index_cast %get3A_1705 : i32 to index
      %get3A_1711 = arith.constant 0 : index
      %get3A_1712 = tpu.vector_load %get3A_1709[%get3A_1710, %get3A_1711] {strides = array<i32>} : memref<128x32xf32, #tpu.memory_space<vmem>>, vector<16xf32>,
      %scatter3A_1713 = arith.constant 0 : i32
      %scatter3A_1714 = arith.constant 0 : i32
      %scatter3A_1715 = tpu.memref_slice %arg7[%rem3A_269, %scatter3A_1713, %scatter3A_1714] : memref<2x32x129xf32, #tpu.memory_space<vmem>> -> memref<1x32x129xf32, #tpu.memory_space<vmem>>
      %scatter3A_1716 = tpu.memref_squeeze %scatter3A_1715 : memref<1x32x129xf32, #tpu.memory_space<vmem>> -> memref<32x129xf32, #tpu.memory_space<vmem>>
      tpu.vector_store_idx %scatter3A_1716[%add3A_324, %broadcast_in_dim3A_1704], %get3A_1712 : memref<32x129xf32, #tpu.memory_space<vmem>>[vector<16xi32>, vector<16xi32>], vector<16xf32>,
      %get3A_1717 = arith.constant 53 : i32
      %get3A_1718 = arith.constant 0 : i32
      %get3A_1719 = arith.constant 0 : i32
      %get3A_1720 = tpu.memref_slice %arg6[%rem3A_269, %get3A_1718, %get3A_1719] : memref<2x128x32xf32, #tpu.memory_space<vmem>> -> memref<1x128x32xf32, #tpu.memory_space<vmem>>
      %get3A_1721 = tpu.memref_squeeze %get3A_1720 : memref<1x128x32xf32, #tpu.memory_space<vmem>> -> memref<128x32xf32, #tpu.memory_space<vmem>>
      %get3A_1722 = arith.index_cast %get3A_1717 : i32 to index
      %get3A_1723 = arith.constant 16 : index
      %get3A_1724 = tpu.vector_load %get3A_1721[%get3A_1722, %get3A_1723] {strides = array<i32>} : memref<128x32xf32, #tpu.memory_space<vmem>>, vector<16xf32>,
      %scatter3A_1725 = arith.constant 0 : i32
      %scatter3A_1726 = arith.constant 0 : i32
      %scatter3A_1727 = tpu.memref_slice %arg7[%rem3A_269, %scatter3A_1725, %scatter3A_1726] : memref<2x32x129xf32, #tpu.memory_space<vmem>> -> memref<1x32x129xf32, #tpu.memory_space<vmem>>
      %scatter3A_1728 = tpu.memref_squeeze %scatter3A_1727 : memref<1x32x129xf32, #tpu.memory_space<vmem>> -> memref<32x129xf32, #tpu.memory_space<vmem>>
      tpu.vector_store_idx %scatter3A_1728[%add3A_327, %broadcast_in_dim3A_1704], %get3A_1724 : memref<32x129xf32, #tpu.memory_space<vmem>>[vector<16xi32>, vector<16xi32>], vector<16xf32>,
      %broadcast_in_dim3A_1729 = arith.constant 54 : i32
      %broadcast_in_dim3A_1730 = vector.broadcast %broadcast_in_dim3A_1729 : i32 to vector<16xi32>
      %get3A_1731 = arith.constant 54 : i32
      %get3A_1732 = arith.constant 0 : i32
      %get3A_1733 = arith.constant 0 : i32
      %get3A_1734 = tpu.memref_slice %arg6[%rem3A_269, %get3A_1732, %get3A_1733] : memref<2x128x32xf32, #tpu.memory_space<vmem>> -> memref<1x128x32xf32, #tpu.memory_space<vmem>>
      %get3A_1735 = tpu.memref_squeeze %get3A_1734 : memref<1x128x32xf32, #tpu.memory_space<vmem>> -> memref<128x32xf32, #tpu.memory_space<vmem>>
      %get3A_1736 = arith.index_cast %get3A_1731 : i32 to index
      %get3A_1737 = arith.constant 0 : index
      %get3A_1738 = tpu.vector_load %get3A_1735[%get3A_1736, %get3A_1737] {strides = array<i32>} : memref<128x32xf32, #tpu.memory_space<vmem>>, vector<16xf32>,
      %scatter3A_1739 = arith.constant 0 : i32
      %scatter3A_1740 = arith.constant 0 : i32
      %scatter3A_1741 = tpu.memref_slice %arg7[%rem3A_269, %scatter3A_1739, %scatter3A_1740] : memref<2x32x129xf32, #tpu.memory_space<vmem>> -> memref<1x32x129xf32, #tpu.memory_space<vmem>>
      %scatter3A_1742 = tpu.memref_squeeze %scatter3A_1741 : memref<1x32x129xf32, #tpu.memory_space<vmem>> -> memref<32x129xf32, #tpu.memory_space<vmem>>
      tpu.vector_store_idx %scatter3A_1742[%add3A_324, %broadcast_in_dim3A_1730], %get3A_1738 : memref<32x129xf32, #tpu.memory_space<vmem>>[vector<16xi32>, vector<16xi32>], vector<16xf32>,
      %get3A_1743 = arith.constant 54 : i32
      %get3A_1744 = arith.constant 0 : i32
      %get3A_1745 = arith.constant 0 : i32
      %get3A_1746 = tpu.memref_slice %arg6[%rem3A_269, %get3A_1744, %get3A_1745] : memref<2x128x32xf32, #tpu.memory_space<vmem>> -> memref<1x128x32xf32, #tpu.memory_space<vmem>>
      %get3A_1747 = tpu.memref_squeeze %get3A_1746 : memref<1x128x32xf32, #tpu.memory_space<vmem>> -> memref<128x32xf32, #tpu.memory_space<vmem>>
      %get3A_1748 = arith.index_cast %get3A_1743 : i32 to index
      %get3A_1749 = arith.constant 16 : index
      %get3A_1750 = tpu.vector_load %get3A_1747[%get3A_1748, %get3A_1749] {strides = array<i32>} : memref<128x32xf32, #tpu.memory_space<vmem>>, vector<16xf32>,
      %scatter3A_1751 = arith.constant 0 : i32
      %scatter3A_1752 = arith.constant 0 : i32
      %scatter3A_1753 = tpu.memref_slice %arg7[%rem3A_269, %scatter3A_1751, %scatter3A_1752] : memref<2x32x129xf32, #tpu.memory_space<vmem>> -> memref<1x32x129xf32, #tpu.memory_space<vmem>>
      %scatter3A_1754 = tpu.memref_squeeze %scatter3A_1753 : memref<1x32x129xf32, #tpu.memory_space<vmem>> -> memref<32x129xf32, #tpu.memory_space<vmem>>
      tpu.vector_store_idx %scatter3A_1754[%add3A_327, %broadcast_in_dim3A_1730], %get3A_1750 : memref<32x129xf32, #tpu.memory_space<vmem>>[vector<16xi32>, vector<16xi32>], vector<16xf32>,
      %broadcast_in_dim3A_1755 = arith.constant 55 : i32
      %broadcast_in_dim3A_1756 = vector.broadcast %broadcast_in_dim3A_1755 : i32 to vector<16xi32>
      %get3A_1757 = arith.constant 55 : i32
      %get3A_1758 = arith.constant 0 : i32
      %get3A_1759 = arith.constant 0 : i32
      %get3A_1760 = tpu.memref_slice %arg6[%rem3A_269, %get3A_1758, %get3A_1759] : memref<2x128x32xf32, #tpu.memory_space<vmem>> -> memref<1x128x32xf32, #tpu.memory_space<vmem>>
      %get3A_1761 = tpu.memref_squeeze %get3A_1760 : memref<1x128x32xf32, #tpu.memory_space<vmem>> -> memref<128x32xf32, #tpu.memory_space<vmem>>
      %get3A_1762 = arith.index_cast %get3A_1757 : i32 to index
      %get3A_1763 = arith.constant 0 : index
      %get3A_1764 = tpu.vector_load %get3A_1761[%get3A_1762, %get3A_1763] {strides = array<i32>} : memref<128x32xf32, #tpu.memory_space<vmem>>, vector<16xf32>,
      %scatter3A_1765 = arith.constant 0 : i32
      %scatter3A_1766 = arith.constant 0 : i32
      %scatter3A_1767 = tpu.memref_slice %arg7[%rem3A_269, %scatter3A_1765, %scatter3A_1766] : memref<2x32x129xf32, #tpu.memory_space<vmem>> -> memref<1x32x129xf32, #tpu.memory_space<vmem>>
      %scatter3A_1768 = tpu.memref_squeeze %scatter3A_1767 : memref<1x32x129xf32, #tpu.memory_space<vmem>> -> memref<32x129xf32, #tpu.memory_space<vmem>>
      tpu.vector_store_idx %scatter3A_1768[%add3A_324, %broadcast_in_dim3A_1756], %get3A_1764 : memref<32x129xf32, #tpu.memory_space<vmem>>[vector<16xi32>, vector<16xi32>], vector<16xf32>,
      %get3A_1769 = arith.constant 55 : i32
      %get3A_1770 = arith.constant 0 : i32
      %get3A_1771 = arith.constant 0 : i32
      %get3A_1772 = tpu.memref_slice %arg6[%rem3A_269, %get3A_1770, %get3A_1771] : memref<2x128x32xf32, #tpu.memory_space<vmem>> -> memref<1x128x32xf32, #tpu.memory_space<vmem>>
      %get3A_1773 = tpu.memref_squeeze %get3A_1772 : memref<1x128x32xf32, #tpu.memory_space<vmem>> -> memref<128x32xf32, #tpu.memory_space<vmem>>
      %get3A_1774 = arith.index_cast %get3A_1769 : i32 to index
      %get3A_1775 = arith.constant 16 : index
      %get3A_1776 = tpu.vector_load %get3A_1773[%get3A_1774, %get3A_1775] {strides = array<i32>} : memref<128x32xf32, #tpu.memory_space<vmem>>, vector<16xf32>,
      %scatter3A_1777 = arith.constant 0 : i32
      %scatter3A_1778 = arith.constant 0 : i32
      %scatter3A_1779 = tpu.memref_slice %arg7[%rem3A_269, %scatter3A_1777, %scatter3A_1778] : memref<2x32x129xf32, #tpu.memory_space<vmem>> -> memref<1x32x129xf32, #tpu.memory_space<vmem>>
      %scatter3A_1780 = tpu.memref_squeeze %scatter3A_1779 : memref<1x32x129xf32, #tpu.memory_space<vmem>> -> memref<32x129xf32, #tpu.memory_space<vmem>>
      tpu.vector_store_idx %scatter3A_1780[%add3A_327, %broadcast_in_dim3A_1756], %get3A_1776 : memref<32x129xf32, #tpu.memory_space<vmem>>[vector<16xi32>, vector<16xi32>], vector<16xf32>,
      %broadcast_in_dim3A_1781 = arith.constant 56 : i32
      %broadcast_in_dim3A_1782 = vector.broadcast %broadcast_in_dim3A_1781 : i32 to vector<16xi32>
      %get3A_1783 = arith.constant 56 : i32
      %get3A_1784 = arith.constant 0 : i32
      %get3A_1785 = arith.constant 0 : i32
      %get3A_1786 = tpu.memref_slice %arg6[%rem3A_269, %get3A_1784, %get3A_1785] : memref<2x128x32xf32, #tpu.memory_space<vmem>> -> memref<1x128x32xf32, #tpu.memory_space<vmem>>
      %get3A_1787 = tpu.memref_squeeze %get3A_1786 : memref<1x128x32xf32, #tpu.memory_space<vmem>> -> memref<128x32xf32, #tpu.memory_space<vmem>>
      %get3A_1788 = arith.index_cast %get3A_1783 : i32 to index
      %get3A_1789 = arith.constant 0 : index
      %get3A_1790 = tpu.vector_load %get3A_1787[%get3A_1788, %get3A_1789] {strides = array<i32>} : memref<128x32xf32, #tpu.memory_space<vmem>>, vector<16xf32>,
      %scatter3A_1791 = arith.constant 0 : i32
      %scatter3A_1792 = arith.constant 0 : i32
      %scatter3A_1793 = tpu.memref_slice %arg7[%rem3A_269, %scatter3A_1791, %scatter3A_1792] : memref<2x32x129xf32, #tpu.memory_space<vmem>> -> memref<1x32x129xf32, #tpu.memory_space<vmem>>
      %scatter3A_1794 = tpu.memref_squeeze %scatter3A_1793 : memref<1x32x129xf32, #tpu.memory_space<vmem>> -> memref<32x129xf32, #tpu.memory_space<vmem>>
      tpu.vector_store_idx %scatter3A_1794[%add3A_324, %broadcast_in_dim3A_1782], %get3A_1790 : memref<32x129xf32, #tpu.memory_space<vmem>>[vector<16xi32>, vector<16xi32>], vector<16xf32>,
      %get3A_1795 = arith.constant 56 : i32
      %get3A_1796 = arith.constant 0 : i32
      %get3A_1797 = arith.constant 0 : i32
      %get3A_1798 = tpu.memref_slice %arg6[%rem3A_269, %get3A_1796, %get3A_1797] : memref<2x128x32xf32, #tpu.memory_space<vmem>> -> memref<1x128x32xf32, #tpu.memory_space<vmem>>
      %get3A_1799 = tpu.memref_squeeze %get3A_1798 : memref<1x128x32xf32, #tpu.memory_space<vmem>> -> memref<128x32xf32, #tpu.memory_space<vmem>>
      %get3A_1800 = arith.index_cast %get3A_1795 : i32 to index
      %get3A_1801 = arith.constant 16 : index
      %get3A_1802 = tpu.vector_load %get3A_1799[%get3A_1800, %get3A_1801] {strides = array<i32>} : memref<128x32xf32, #tpu.memory_space<vmem>>, vector<16xf32>,
      %scatter3A_1803 = arith.constant 0 : i32
      %scatter3A_1804 = arith.constant 0 : i32
      %scatter3A_1805 = tpu.memref_slice %arg7[%rem3A_269, %scatter3A_1803, %scatter3A_1804] : memref<2x32x129xf32, #tpu.memory_space<vmem>> -> memref<1x32x129xf32, #tpu.memory_space<vmem>>
      %scatter3A_1806 = tpu.memref_squeeze %scatter3A_1805 : memref<1x32x129xf32, #tpu.memory_space<vmem>> -> memref<32x129xf32, #tpu.memory_space<vmem>>
      tpu.vector_store_idx %scatter3A_1806[%add3A_327, %broadcast_in_dim3A_1782], %get3A_1802 : memref<32x129xf32, #tpu.memory_space<vmem>>[vector<16xi32>, vector<16xi32>], vector<16xf32>,
      %broadcast_in_dim3A_1807 = arith.constant 57 : i32
      %broadcast_in_dim3A_1808 = vector.broadcast %broadcast_in_dim3A_1807 : i32 to vector<16xi32>
      %get3A_1809 = arith.constant 57 : i32
      %get3A_1810 = arith.constant 0 : i32
      %get3A_1811 = arith.constant 0 : i32
      %get3A_1812 = tpu.memref_slice %arg6[%rem3A_269, %get3A_1810, %get3A_1811] : memref<2x128x32xf32, #tpu.memory_space<vmem>> -> memref<1x128x32xf32, #tpu.memory_space<vmem>>
      %get3A_1813 = tpu.memref_squeeze %get3A_1812 : memref<1x128x32xf32, #tpu.memory_space<vmem>> -> memref<128x32xf32, #tpu.memory_space<vmem>>
      %get3A_1814 = arith.index_cast %get3A_1809 : i32 to index
      %get3A_1815 = arith.constant 0 : index
      %get3A_1816 = tpu.vector_load %get3A_1813[%get3A_1814, %get3A_1815] {strides = array<i32>} : memref<128x32xf32, #tpu.memory_space<vmem>>, vector<16xf32>,
      %scatter3A_1817 = arith.constant 0 : i32
      %scatter3A_1818 = arith.constant 0 : i32
      %scatter3A_1819 = tpu.memref_slice %arg7[%rem3A_269, %scatter3A_1817, %scatter3A_1818] : memref<2x32x129xf32, #tpu.memory_space<vmem>> -> memref<1x32x129xf32, #tpu.memory_space<vmem>>
      %scatter3A_1820 = tpu.memref_squeeze %scatter3A_1819 : memref<1x32x129xf32, #tpu.memory_space<vmem>> -> memref<32x129xf32, #tpu.memory_space<vmem>>
      tpu.vector_store_idx %scatter3A_1820[%add3A_324, %broadcast_in_dim3A_1808], %get3A_1816 : memref<32x129xf32, #tpu.memory_space<vmem>>[vector<16xi32>, vector<16xi32>], vector<16xf32>,
      %get3A_1821 = arith.constant 57 : i32
      %get3A_1822 = arith.constant 0 : i32
      %get3A_1823 = arith.constant 0 : i32
      %get3A_1824 = tpu.memref_slice %arg6[%rem3A_269, %get3A_1822, %get3A_1823] : memref<2x128x32xf32, #tpu.memory_space<vmem>> -> memref<1x128x32xf32, #tpu.memory_space<vmem>>
      %get3A_1825 = tpu.memref_squeeze %get3A_1824 : memref<1x128x32xf32, #tpu.memory_space<vmem>> -> memref<128x32xf32, #tpu.memory_space<vmem>>
      %get3A_1826 = arith.index_cast %get3A_1821 : i32 to index
      %get3A_1827 = arith.constant 16 : index
      %get3A_1828 = tpu.vector_load %get3A_1825[%get3A_1826, %get3A_1827] {strides = array<i32>} : memref<128x32xf32, #tpu.memory_space<vmem>>, vector<16xf32>,
      %scatter3A_1829 = arith.constant 0 : i32
      %scatter3A_1830 = arith.constant 0 : i32
      %scatter3A_1831 = tpu.memref_slice %arg7[%rem3A_269, %scatter3A_1829, %scatter3A_1830] : memref<2x32x129xf32, #tpu.memory_space<vmem>> -> memref<1x32x129xf32, #tpu.memory_space<vmem>>
      %scatter3A_1832 = tpu.memref_squeeze %scatter3A_1831 : memref<1x32x129xf32, #tpu.memory_space<vmem>> -> memref<32x129xf32, #tpu.memory_space<vmem>>
      tpu.vector_store_idx %scatter3A_1832[%add3A_327, %broadcast_in_dim3A_1808], %get3A_1828 : memref<32x129xf32, #tpu.memory_space<vmem>>[vector<16xi32>, vector<16xi32>], vector<16xf32>,
      %broadcast_in_dim3A_1833 = arith.constant 58 : i32
      %broadcast_in_dim3A_1834 = vector.broadcast %broadcast_in_dim3A_1833 : i32 to vector<16xi32>
      %get3A_1835 = arith.constant 58 : i32
      %get3A_1836 = arith.constant 0 : i32
      %get3A_1837 = arith.constant 0 : i32
      %get3A_1838 = tpu.memref_slice %arg6[%rem3A_269, %get3A_1836, %get3A_1837] : memref<2x128x32xf32, #tpu.memory_space<vmem>> -> memref<1x128x32xf32, #tpu.memory_space<vmem>>
      %get3A_1839 = tpu.memref_squeeze %get3A_1838 : memref<1x128x32xf32, #tpu.memory_space<vmem>> -> memref<128x32xf32, #tpu.memory_space<vmem>>
      %get3A_1840 = arith.index_cast %get3A_1835 : i32 to index
      %get3A_1841 = arith.constant 0 : index
      %get3A_1842 = tpu.vector_load %get3A_1839[%get3A_1840, %get3A_1841] {strides = array<i32>} : memref<128x32xf32, #tpu.memory_space<vmem>>, vector<16xf32>,
      %scatter3A_1843 = arith.constant 0 : i32
      %scatter3A_1844 = arith.constant 0 : i32
      %scatter3A_1845 = tpu.memref_slice %arg7[%rem3A_269, %scatter3A_1843, %scatter3A_1844] : memref<2x32x129xf32, #tpu.memory_space<vmem>> -> memref<1x32x129xf32, #tpu.memory_space<vmem>>
      %scatter3A_1846 = tpu.memref_squeeze %scatter3A_1845 : memref<1x32x129xf32, #tpu.memory_space<vmem>> -> memref<32x129xf32, #tpu.memory_space<vmem>>
      tpu.vector_store_idx %scatter3A_1846[%add3A_324, %broadcast_in_dim3A_1834], %get3A_1842 : memref<32x129xf32, #tpu.memory_space<vmem>>[vector<16xi32>, vector<16xi32>], vector<16xf32>,
      %get3A_1847 = arith.constant 58 : i32
      %get3A_1848 = arith.constant 0 : i32
      %get3A_1849 = arith.constant 0 : i32
      %get3A_1850 = tpu.memref_slice %arg6[%rem3A_269, %get3A_1848, %get3A_1849] : memref<2x128x32xf32, #tpu.memory_space<vmem>> -> memref<1x128x32xf32, #tpu.memory_space<vmem>>
      %get3A_1851 = tpu.memref_squeeze %get3A_1850 : memref<1x128x32xf32, #tpu.memory_space<vmem>> -> memref<128x32xf32, #tpu.memory_space<vmem>>
      %get3A_1852 = arith.index_cast %get3A_1847 : i32 to index
      %get3A_1853 = arith.constant 16 : index
      %get3A_1854 = tpu.vector_load %get3A_1851[%get3A_1852, %get3A_1853] {strides = array<i32>} : memref<128x32xf32, #tpu.memory_space<vmem>>, vector<16xf32>,
      %scatter3A_1855 = arith.constant 0 : i32
      %scatter3A_1856 = arith.constant 0 : i32
      %scatter3A_1857 = tpu.memref_slice %arg7[%rem3A_269, %scatter3A_1855, %scatter3A_1856] : memref<2x32x129xf32, #tpu.memory_space<vmem>> -> memref<1x32x129xf32, #tpu.memory_space<vmem>>
      %scatter3A_1858 = tpu.memref_squeeze %scatter3A_1857 : memref<1x32x129xf32, #tpu.memory_space<vmem>> -> memref<32x129xf32, #tpu.memory_space<vmem>>
      tpu.vector_store_idx %scatter3A_1858[%add3A_327, %broadcast_in_dim3A_1834], %get3A_1854 : memref<32x129xf32, #tpu.memory_space<vmem>>[vector<16xi32>, vector<16xi32>], vector<16xf32>,
      %broadcast_in_dim3A_1859 = arith.constant 59 : i32
      %broadcast_in_dim3A_1860 = vector.broadcast %broadcast_in_dim3A_1859 : i32 to vector<16xi32>
      %get3A_1861 = arith.constant 59 : i32
      %get3A_1862 = arith.constant 0 : i32
      %get3A_1863 = arith.constant 0 : i32
      %get3A_1864 = tpu.memref_slice %arg6[%rem3A_269, %get3A_1862, %get3A_1863] : memref<2x128x32xf32, #tpu.memory_space<vmem>> -> memref<1x128x32xf32, #tpu.memory_space<vmem>>
      %get3A_1865 = tpu.memref_squeeze %get3A_1864 : memref<1x128x32xf32, #tpu.memory_space<vmem>> -> memref<128x32xf32, #tpu.memory_space<vmem>>
      %get3A_1866 = arith.index_cast %get3A_1861 : i32 to index
      %get3A_1867 = arith.constant 0 : index
      %get3A_1868 = tpu.vector_load %get3A_1865[%get3A_1866, %get3A_1867] {strides = array<i32>} : memref<128x32xf32, #tpu.memory_space<vmem>>, vector<16xf32>,
      %scatter3A_1869 = arith.constant 0 : i32
      %scatter3A_1870 = arith.constant 0 : i32
      %scatter3A_1871 = tpu.memref_slice %arg7[%rem3A_269, %scatter3A_1869, %scatter3A_1870] : memref<2x32x129xf32, #tpu.memory_space<vmem>> -> memref<1x32x129xf32, #tpu.memory_space<vmem>>
      %scatter3A_1872 = tpu.memref_squeeze %scatter3A_1871 : memref<1x32x129xf32, #tpu.memory_space<vmem>> -> memref<32x129xf32, #tpu.memory_space<vmem>>
      tpu.vector_store_idx %scatter3A_1872[%add3A_324, %broadcast_in_dim3A_1860], %get3A_1868 : memref<32x129xf32, #tpu.memory_space<vmem>>[vector<16xi32>, vector<16xi32>], vector<16xf32>,
      %get3A_1873 = arith.constant 59 : i32
      %get3A_1874 = arith.constant 0 : i32
      %get3A_1875 = arith.constant 0 : i32
      %get3A_1876 = tpu.memref_slice %arg6[%rem3A_269, %get3A_1874, %get3A_1875] : memref<2x128x32xf32, #tpu.memory_space<vmem>> -> memref<1x128x32xf32, #tpu.memory_space<vmem>>
      %get3A_1877 = tpu.memref_squeeze %get3A_1876 : memref<1x128x32xf32, #tpu.memory_space<vmem>> -> memref<128x32xf32, #tpu.memory_space<vmem>>
      %get3A_1878 = arith.index_cast %get3A_1873 : i32 to index
      %get3A_1879 = arith.constant 16 : index
      %get3A_1880 = tpu.vector_load %get3A_1877[%get3A_1878, %get3A_1879] {strides = array<i32>} : memref<128x32xf32, #tpu.memory_space<vmem>>, vector<16xf32>,
      %scatter3A_1881 = arith.constant 0 : i32
      %scatter3A_1882 = arith.constant 0 : i32
      %scatter3A_1883 = tpu.memref_slice %arg7[%rem3A_269, %scatter3A_1881, %scatter3A_1882] : memref<2x32x129xf32, #tpu.memory_space<vmem>> -> memref<1x32x129xf32, #tpu.memory_space<vmem>>
      %scatter3A_1884 = tpu.memref_squeeze %scatter3A_1883 : memref<1x32x129xf32, #tpu.memory_space<vmem>> -> memref<32x129xf32, #tpu.memory_space<vmem>>
      tpu.vector_store_idx %scatter3A_1884[%add3A_327, %broadcast_in_dim3A_1860], %get3A_1880 : memref<32x129xf32, #tpu.memory_space<vmem>>[vector<16xi32>, vector<16xi32>], vector<16xf32>,
      %broadcast_in_dim3A_1885 = arith.constant 60 : i32
      %broadcast_in_dim3A_1886 = vector.broadcast %broadcast_in_dim3A_1885 : i32 to vector<16xi32>
      %get3A_1887 = arith.constant 60 : i32
      %get3A_1888 = arith.constant 0 : i32
      %get3A_1889 = arith.constant 0 : i32
      %get3A_1890 = tpu.memref_slice %arg6[%rem3A_269, %get3A_1888, %get3A_1889] : memref<2x128x32xf32, #tpu.memory_space<vmem>> -> memref<1x128x32xf32, #tpu.memory_space<vmem>>
      %get3A_1891 = tpu.memref_squeeze %get3A_1890 : memref<1x128x32xf32, #tpu.memory_space<vmem>> -> memref<128x32xf32, #tpu.memory_space<vmem>>
      %get3A_1892 = arith.index_cast %get3A_1887 : i32 to index
      %get3A_1893 = arith.constant 0 : index
      %get3A_1894 = tpu.vector_load %get3A_1891[%get3A_1892, %get3A_1893] {strides = array<i32>} : memref<128x32xf32, #tpu.memory_space<vmem>>, vector<16xf32>,
      %scatter3A_1895 = arith.constant 0 : i32
      %scatter3A_1896 = arith.constant 0 : i32
      %scatter3A_1897 = tpu.memref_slice %arg7[%rem3A_269, %scatter3A_1895, %scatter3A_1896] : memref<2x32x129xf32, #tpu.memory_space<vmem>> -> memref<1x32x129xf32, #tpu.memory_space<vmem>>
      %scatter3A_1898 = tpu.memref_squeeze %scatter3A_1897 : memref<1x32x129xf32, #tpu.memory_space<vmem>> -> memref<32x129xf32, #tpu.memory_space<vmem>>
      tpu.vector_store_idx %scatter3A_1898[%add3A_324, %broadcast_in_dim3A_1886], %get3A_1894 : memref<32x129xf32, #tpu.memory_space<vmem>>[vector<16xi32>, vector<16xi32>], vector<16xf32>,
      %get3A_1899 = arith.constant 60 : i32
      %get3A_1900 = arith.constant 0 : i32
      %get3A_1901 = arith.constant 0 : i32
      %get3A_1902 = tpu.memref_slice %arg6[%rem3A_269, %get3A_1900, %get3A_1901] : memref<2x128x32xf32, #tpu.memory_space<vmem>> -> memref<1x128x32xf32, #tpu.memory_space<vmem>>
      %get3A_1903 = tpu.memref_squeeze %get3A_1902 : memref<1x128x32xf32, #tpu.memory_space<vmem>> -> memref<128x32xf32, #tpu.memory_space<vmem>>
      %get3A_1904 = arith.index_cast %get3A_1899 : i32 to index
      %get3A_1905 = arith.constant 16 : index
      %get3A_1906 = tpu.vector_load %get3A_1903[%get3A_1904, %get3A_1905] {strides = array<i32>} : memref<128x32xf32, #tpu.memory_space<vmem>>, vector<16xf32>,
      %scatter3A_1907 = arith.constant 0 : i32
      %scatter3A_1908 = arith.constant 0 : i32
      %scatter3A_1909 = tpu.memref_slice %arg7[%rem3A_269, %scatter3A_1907, %scatter3A_1908] : memref<2x32x129xf32, #tpu.memory_space<vmem>> -> memref<1x32x129xf32, #tpu.memory_space<vmem>>
      %scatter3A_1910 = tpu.memref_squeeze %scatter3A_1909 : memref<1x32x129xf32, #tpu.memory_space<vmem>> -> memref<32x129xf32, #tpu.memory_space<vmem>>
      tpu.vector_store_idx %scatter3A_1910[%add3A_327, %broadcast_in_dim3A_1886], %get3A_1906 : memref<32x129xf32, #tpu.memory_space<vmem>>[vector<16xi32>, vector<16xi32>], vector<16xf32>,
      %broadcast_in_dim3A_1911 = arith.constant 61 : i32
      %broadcast_in_dim3A_1912 = vector.broadcast %broadcast_in_dim3A_1911 : i32 to vector<16xi32>
      %get3A_1913 = arith.constant 61 : i32
      %get3A_1914 = arith.constant 0 : i32
      %get3A_1915 = arith.constant 0 : i32
      %get3A_1916 = tpu.memref_slice %arg6[%rem3A_269, %get3A_1914, %get3A_1915] : memref<2x128x32xf32, #tpu.memory_space<vmem>> -> memref<1x128x32xf32, #tpu.memory_space<vmem>>
      %get3A_1917 = tpu.memref_squeeze %get3A_1916 : memref<1x128x32xf32, #tpu.memory_space<vmem>> -> memref<128x32xf32, #tpu.memory_space<vmem>>
      %get3A_1918 = arith.index_cast %get3A_1913 : i32 to index
      %get3A_1919 = arith.constant 0 : index
      %get3A_1920 = tpu.vector_load %get3A_1917[%get3A_1918, %get3A_1919] {strides = array<i32>} : memref<128x32xf32, #tpu.memory_space<vmem>>, vector<16xf32>,
      %scatter3A_1921 = arith.constant 0 : i32
      %scatter3A_1922 = arith.constant 0 : i32
      %scatter3A_1923 = tpu.memref_slice %arg7[%rem3A_269, %scatter3A_1921, %scatter3A_1922] : memref<2x32x129xf32, #tpu.memory_space<vmem>> -> memref<1x32x129xf32, #tpu.memory_space<vmem>>
      %scatter3A_1924 = tpu.memref_squeeze %scatter3A_1923 : memref<1x32x129xf32, #tpu.memory_space<vmem>> -> memref<32x129xf32, #tpu.memory_space<vmem>>
      tpu.vector_store_idx %scatter3A_1924[%add3A_324, %broadcast_in_dim3A_1912], %get3A_1920 : memref<32x129xf32, #tpu.memory_space<vmem>>[vector<16xi32>, vector<16xi32>], vector<16xf32>,
      %get3A_1925 = arith.constant 61 : i32
      %get3A_1926 = arith.constant 0 : i32
      %get3A_1927 = arith.constant 0 : i32
      %get3A_1928 = tpu.memref_slice %arg6[%rem3A_269, %get3A_1926, %get3A_1927] : memref<2x128x32xf32, #tpu.memory_space<vmem>> -> memref<1x128x32xf32, #tpu.memory_space<vmem>>
      %get3A_1929 = tpu.memref_squeeze %get3A_1928 : memref<1x128x32xf32, #tpu.memory_space<vmem>> -> memref<128x32xf32, #tpu.memory_space<vmem>>
      %get3A_1930 = arith.index_cast %get3A_1925 : i32 to index
      %get3A_1931 = arith.constant 16 : index
      %get3A_1932 = tpu.vector_load %get3A_1929[%get3A_1930, %get3A_1931] {strides = array<i32>} : memref<128x32xf32, #tpu.memory_space<vmem>>, vector<16xf32>,
      %scatter3A_1933 = arith.constant 0 : i32
      %scatter3A_1934 = arith.constant 0 : i32
      %scatter3A_1935 = tpu.memref_slice %arg7[%rem3A_269, %scatter3A_1933, %scatter3A_1934] : memref<2x32x129xf32, #tpu.memory_space<vmem>> -> memref<1x32x129xf32, #tpu.memory_space<vmem>>
      %scatter3A_1936 = tpu.memref_squeeze %scatter3A_1935 : memref<1x32x129xf32, #tpu.memory_space<vmem>> -> memref<32x129xf32, #tpu.memory_space<vmem>>
      tpu.vector_store_idx %scatter3A_1936[%add3A_327, %broadcast_in_dim3A_1912], %get3A_1932 : memref<32x129xf32, #tpu.memory_space<vmem>>[vector<16xi32>, vector<16xi32>], vector<16xf32>,
      %broadcast_in_dim3A_1937 = arith.constant 62 : i32
      %broadcast_in_dim3A_1938 = vector.broadcast %broadcast_in_dim3A_1937 : i32 to vector<16xi32>
      %get3A_1939 = arith.constant 62 : i32
      %get3A_1940 = arith.constant 0 : i32
      %get3A_1941 = arith.constant 0 : i32
      %get3A_1942 = tpu.memref_slice %arg6[%rem3A_269, %get3A_1940, %get3A_1941] : memref<2x128x32xf32, #tpu.memory_space<vmem>> -> memref<1x128x32xf32, #tpu.memory_space<vmem>>
      %get3A_1943 = tpu.memref_squeeze %get3A_1942 : memref<1x128x32xf32, #tpu.memory_space<vmem>> -> memref<128x32xf32, #tpu.memory_space<vmem>>
      %get3A_1944 = arith.index_cast %get3A_1939 : i32 to index
      %get3A_1945 = arith.constant 0 : index
      %get3A_1946 = tpu.vector_load %get3A_1943[%get3A_1944, %get3A_1945] {strides = array<i32>} : memref<128x32xf32, #tpu.memory_space<vmem>>, vector<16xf32>,
      %scatter3A_1947 = arith.constant 0 : i32
      %scatter3A_1948 = arith.constant 0 : i32
      %scatter3A_1949 = tpu.memref_slice %arg7[%rem3A_269, %scatter3A_1947, %scatter3A_1948] : memref<2x32x129xf32, #tpu.memory_space<vmem>> -> memref<1x32x129xf32, #tpu.memory_space<vmem>>
      %scatter3A_1950 = tpu.memref_squeeze %scatter3A_1949 : memref<1x32x129xf32, #tpu.memory_space<vmem>> -> memref<32x129xf32, #tpu.memory_space<vmem>>
      tpu.vector_store_idx %scatter3A_1950[%add3A_324, %broadcast_in_dim3A_1938], %get3A_1946 : memref<32x129xf32, #tpu.memory_space<vmem>>[vector<16xi32>, vector<16xi32>], vector<16xf32>,
      %get3A_1951 = arith.constant 62 : i32
      %get3A_1952 = arith.constant 0 : i32
      %get3A_1953 = arith.constant 0 : i32
      %get3A_1954 = tpu.memref_slice %arg6[%rem3A_269, %get3A_1952, %get3A_1953] : memref<2x128x32xf32, #tpu.memory_space<vmem>> -> memref<1x128x32xf32, #tpu.memory_space<vmem>>
      %get3A_1955 = tpu.memref_squeeze %get3A_1954 : memref<1x128x32xf32, #tpu.memory_space<vmem>> -> memref<128x32xf32, #tpu.memory_space<vmem>>
      %get3A_1956 = arith.index_cast %get3A_1951 : i32 to index
      %get3A_1957 = arith.constant 16 : index
      %get3A_1958 = tpu.vector_load %get3A_1955[%get3A_1956, %get3A_1957] {strides = array<i32>} : memref<128x32xf32, #tpu.memory_space<vmem>>, vector<16xf32>,
      %scatter3A_1959 = arith.constant 0 : i32
      %scatter3A_1960 = arith.constant 0 : i32
      %scatter3A_1961 = tpu.memref_slice %arg7[%rem3A_269, %scatter3A_1959, %scatter3A_1960] : memref<2x32x129xf32, #tpu.memory_space<vmem>> -> memref<1x32x129xf32, #tpu.memory_space<vmem>>
      %scatter3A_1962 = tpu.memref_squeeze %scatter3A_1961 : memref<1x32x129xf32, #tpu.memory_space<vmem>> -> memref<32x129xf32, #tpu.memory_space<vmem>>
      tpu.vector_store_idx %scatter3A_1962[%add3A_327, %broadcast_in_dim3A_1938], %get3A_1958 : memref<32x129xf32, #tpu.memory_space<vmem>>[vector<16xi32>, vector<16xi32>], vector<16xf32>,
      %broadcast_in_dim3A_1963 = arith.constant 63 : i32
      %broadcast_in_dim3A_1964 = vector.broadcast %broadcast_in_dim3A_1963 : i32 to vector<16xi32>
      %get3A_1965 = arith.constant 63 : i32
      %get3A_1966 = arith.constant 0 : i32
      %get3A_1967 = arith.constant 0 : i32
      %get3A_1968 = tpu.memref_slice %arg6[%rem3A_269, %get3A_1966, %get3A_1967] : memref<2x128x32xf32, #tpu.memory_space<vmem>> -> memref<1x128x32xf32, #tpu.memory_space<vmem>>
      %get3A_1969 = tpu.memref_squeeze %get3A_1968 : memref<1x128x32xf32, #tpu.memory_space<vmem>> -> memref<128x32xf32, #tpu.memory_space<vmem>>
      %get3A_1970 = arith.index_cast %get3A_1965 : i32 to index
      %get3A_1971 = arith.constant 0 : index
      %get3A_1972 = tpu.vector_load %get3A_1969[%get3A_1970, %get3A_1971] {strides = array<i32>} : memref<128x32xf32, #tpu.memory_space<vmem>>, vector<16xf32>,
      %scatter3A_1973 = arith.constant 0 : i32
      %scatter3A_1974 = arith.constant 0 : i32
      %scatter3A_1975 = tpu.memref_slice %arg7[%rem3A_269, %scatter3A_1973, %scatter3A_1974] : memref<2x32x129xf32, #tpu.memory_space<vmem>> -> memref<1x32x129xf32, #tpu.memory_space<vmem>>
      %scatter3A_1976 = tpu.memref_squeeze %scatter3A_1975 : memref<1x32x129xf32, #tpu.memory_space<vmem>> -> memref<32x129xf32, #tpu.memory_space<vmem>>
      tpu.vector_store_idx %scatter3A_1976[%add3A_324, %broadcast_in_dim3A_1964], %get3A_1972 : memref<32x129xf32, #tpu.memory_space<vmem>>[vector<16xi32>, vector<16xi32>], vector<16xf32>,
      %get3A_1977 = arith.constant 63 : i32
      %get3A_1978 = arith.constant 0 : i32
      %get3A_1979 = arith.constant 0 : i32
      %get3A_1980 = tpu.memref_slice %arg6[%rem3A_269, %get3A_1978, %get3A_1979] : memref<2x128x32xf32, #tpu.memory_space<vmem>> -> memref<1x128x32xf32, #tpu.memory_space<vmem>>
      %get3A_1981 = tpu.memref_squeeze %get3A_1980 : memref<1x128x32xf32, #tpu.memory_space<vmem>> -> memref<128x32xf32, #tpu.memory_space<vmem>>
      %get3A_1982 = arith.index_cast %get3A_1977 : i32 to index
      %get3A_1983 = arith.constant 16 : index
      %get3A_1984 = tpu.vector_load %get3A_1981[%get3A_1982, %get3A_1983] {strides = array<i32>} : memref<128x32xf32, #tpu.memory_space<vmem>>, vector<16xf32>,
      %scatter3A_1985 = arith.constant 0 : i32
      %scatter3A_1986 = arith.constant 0 : i32
      %scatter3A_1987 = tpu.memref_slice %arg7[%rem3A_269, %scatter3A_1985, %scatter3A_1986] : memref<2x32x129xf32, #tpu.memory_space<vmem>> -> memref<1x32x129xf32, #tpu.memory_space<vmem>>
      %scatter3A_1988 = tpu.memref_squeeze %scatter3A_1987 : memref<1x32x129xf32, #tpu.memory_space<vmem>> -> memref<32x129xf32, #tpu.memory_space<vmem>>
      tpu.vector_store_idx %scatter3A_1988[%add3A_327, %broadcast_in_dim3A_1964], %get3A_1984 : memref<32x129xf32, #tpu.memory_space<vmem>>[vector<16xi32>, vector<16xi32>], vector<16xf32>,
      %broadcast_in_dim3A_1989 = arith.constant 64 : i32
      %broadcast_in_dim3A_1990 = vector.broadcast %broadcast_in_dim3A_1989 : i32 to vector<16xi32>
      %get3A_1991 = arith.constant 64 : i32
      %get3A_1992 = arith.constant 0 : i32
      %get3A_1993 = arith.constant 0 : i32
      %get3A_1994 = tpu.memref_slice %arg6[%rem3A_269, %get3A_1992, %get3A_1993] : memref<2x128x32xf32, #tpu.memory_space<vmem>> -> memref<1x128x32xf32, #tpu.memory_space<vmem>>
      %get3A_1995 = tpu.memref_squeeze %get3A_1994 : memref<1x128x32xf32, #tpu.memory_space<vmem>> -> memref<128x32xf32, #tpu.memory_space<vmem>>
      %get3A_1996 = arith.index_cast %get3A_1991 : i32 to index
      %get3A_1997 = arith.constant 0 : index
      %get3A_1998 = tpu.vector_load %get3A_1995[%get3A_1996, %get3A_1997] {strides = array<i32>} : memref<128x32xf32, #tpu.memory_space<vmem>>, vector<16xf32>,
      %scatter3A_1999 = arith.constant 0 : i32
      %scatter3A_2000 = arith.constant 0 : i32
      %scatter3A_2001 = tpu.memref_slice %arg7[%rem3A_269, %scatter3A_1999, %scatter3A_2000] : memref<2x32x129xf32, #tpu.memory_space<vmem>> -> memref<1x32x129xf32, #tpu.memory_space<vmem>>
      %scatter3A_2002 = tpu.memref_squeeze %scatter3A_2001 : memref<1x32x129xf32, #tpu.memory_space<vmem>> -> memref<32x129xf32, #tpu.memory_space<vmem>>
      tpu.vector_store_idx %scatter3A_2002[%add3A_324, %broadcast_in_dim3A_1990], %get3A_1998 : memref<32x129xf32, #tpu.memory_space<vmem>>[vector<16xi32>, vector<16xi32>], vector<16xf32>,
      %get3A_2003 = arith.constant 64 : i32
      %get3A_2004 = arith.constant 0 : i32
      %get3A_2005 = arith.constant 0 : i32
      %get3A_2006 = tpu.memref_slice %arg6[%rem3A_269, %get3A_2004, %get3A_2005] : memref<2x128x32xf32, #tpu.memory_space<vmem>> -> memref<1x128x32xf32, #tpu.memory_space<vmem>>
      %get3A_2007 = tpu.memref_squeeze %get3A_2006 : memref<1x128x32xf32, #tpu.memory_space<vmem>> -> memref<128x32xf32, #tpu.memory_space<vmem>>
      %get3A_2008 = arith.index_cast %get3A_2003 : i32 to index
      %get3A_2009 = arith.constant 16 : index
      %get3A_2010 = tpu.vector_load %get3A_2007[%get3A_2008, %get3A_2009] {strides = array<i32>} : memref<128x32xf32, #tpu.memory_space<vmem>>, vector<16xf32>,
      %scatter3A_2011 = arith.constant 0 : i32
      %scatter3A_2012 = arith.constant 0 : i32
      %scatter3A_2013 = tpu.memref_slice %arg7[%rem3A_269, %scatter3A_2011, %scatter3A_2012] : memref<2x32x129xf32, #tpu.memory_space<vmem>> -> memref<1x32x129xf32, #tpu.memory_space<vmem>>
      %scatter3A_2014 = tpu.memref_squeeze %scatter3A_2013 : memref<1x32x129xf32, #tpu.memory_space<vmem>> -> memref<32x129xf32, #tpu.memory_space<vmem>>
      tpu.vector_store_idx %scatter3A_2014[%add3A_327, %broadcast_in_dim3A_1990], %get3A_2010 : memref<32x129xf32, #tpu.memory_space<vmem>>[vector<16xi32>, vector<16xi32>], vector<16xf32>,
      %broadcast_in_dim3A_2015 = arith.constant 65 : i32
      %broadcast_in_dim3A_2016 = vector.broadcast %broadcast_in_dim3A_2015 : i32 to vector<16xi32>
      %get3A_2017 = arith.constant 65 : i32
      %get3A_2018 = arith.constant 0 : i32
      %get3A_2019 = arith.constant 0 : i32
      %get3A_2020 = tpu.memref_slice %arg6[%rem3A_269, %get3A_2018, %get3A_2019] : memref<2x128x32xf32, #tpu.memory_space<vmem>> -> memref<1x128x32xf32, #tpu.memory_space<vmem>>
      %get3A_2021 = tpu.memref_squeeze %get3A_2020 : memref<1x128x32xf32, #tpu.memory_space<vmem>> -> memref<128x32xf32, #tpu.memory_space<vmem>>
      %get3A_2022 = arith.index_cast %get3A_2017 : i32 to index
      %get3A_2023 = arith.constant 0 : index
      %get3A_2024 = tpu.vector_load %get3A_2021[%get3A_2022, %get3A_2023] {strides = array<i32>} : memref<128x32xf32, #tpu.memory_space<vmem>>, vector<16xf32>,
      %scatter3A_2025 = arith.constant 0 : i32
      %scatter3A_2026 = arith.constant 0 : i32
      %scatter3A_2027 = tpu.memref_slice %arg7[%rem3A_269, %scatter3A_2025, %scatter3A_2026] : memref<2x32x129xf32, #tpu.memory_space<vmem>> -> memref<1x32x129xf32, #tpu.memory_space<vmem>>
      %scatter3A_2028 = tpu.memref_squeeze %scatter3A_2027 : memref<1x32x129xf32, #tpu.memory_space<vmem>> -> memref<32x129xf32, #tpu.memory_space<vmem>>
      tpu.vector_store_idx %scatter3A_2028[%add3A_324, %broadcast_in_dim3A_2016], %get3A_2024 : memref<32x129xf32, #tpu.memory_space<vmem>>[vector<16xi32>, vector<16xi32>], vector<16xf32>,
      %get3A_2029 = arith.constant 65 : i32
      %get3A_2030 = arith.constant 0 : i32
      %get3A_2031 = arith.constant 0 : i32
      %get3A_2032 = tpu.memref_slice %arg6[%rem3A_269, %get3A_2030, %get3A_2031] : memref<2x128x32xf32, #tpu.memory_space<vmem>> -> memref<1x128x32xf32, #tpu.memory_space<vmem>>
      %get3A_2033 = tpu.memref_squeeze %get3A_2032 : memref<1x128x32xf32, #tpu.memory_space<vmem>> -> memref<128x32xf32, #tpu.memory_space<vmem>>
      %get3A_2034 = arith.index_cast %get3A_2029 : i32 to index
      %get3A_2035 = arith.constant 16 : index
      %get3A_2036 = tpu.vector_load %get3A_2033[%get3A_2034, %get3A_2035] {strides = array<i32>} : memref<128x32xf32, #tpu.memory_space<vmem>>, vector<16xf32>,
      %scatter3A_2037 = arith.constant 0 : i32
      %scatter3A_2038 = arith.constant 0 : i32
      %scatter3A_2039 = tpu.memref_slice %arg7[%rem3A_269, %scatter3A_2037, %scatter3A_2038] : memref<2x32x129xf32, #tpu.memory_space<vmem>> -> memref<1x32x129xf32, #tpu.memory_space<vmem>>
      %scatter3A_2040 = tpu.memref_squeeze %scatter3A_2039 : memref<1x32x129xf32, #tpu.memory_space<vmem>> -> memref<32x129xf32, #tpu.memory_space<vmem>>
      tpu.vector_store_idx %scatter3A_2040[%add3A_327, %broadcast_in_dim3A_2016], %get3A_2036 : memref<32x129xf32, #tpu.memory_space<vmem>>[vector<16xi32>, vector<16xi32>], vector<16xf32>,
      %broadcast_in_dim3A_2041 = arith.constant 66 : i32
      %broadcast_in_dim3A_2042 = vector.broadcast %broadcast_in_dim3A_2041 : i32 to vector<16xi32>
      %get3A_2043 = arith.constant 66 : i32
      %get3A_2044 = arith.constant 0 : i32
      %get3A_2045 = arith.constant 0 : i32
      %get3A_2046 = tpu.memref_slice %arg6[%rem3A_269, %get3A_2044, %get3A_2045] : memref<2x128x32xf32, #tpu.memory_space<vmem>> -> memref<1x128x32xf32, #tpu.memory_space<vmem>>
      %get3A_2047 = tpu.memref_squeeze %get3A_2046 : memref<1x128x32xf32, #tpu.memory_space<vmem>> -> memref<128x32xf32, #tpu.memory_space<vmem>>
      %get3A_2048 = arith.index_cast %get3A_2043 : i32 to index
      %get3A_2049 = arith.constant 0 : index
      %get3A_2050 = tpu.vector_load %get3A_2047[%get3A_2048, %get3A_2049] {strides = array<i32>} : memref<128x32xf32, #tpu.memory_space<vmem>>, vector<16xf32>,
      %scatter3A_2051 = arith.constant 0 : i32
      %scatter3A_2052 = arith.constant 0 : i32
      %scatter3A_2053 = tpu.memref_slice %arg7[%rem3A_269, %scatter3A_2051, %scatter3A_2052] : memref<2x32x129xf32, #tpu.memory_space<vmem>> -> memref<1x32x129xf32, #tpu.memory_space<vmem>>
      %scatter3A_2054 = tpu.memref_squeeze %scatter3A_2053 : memref<1x32x129xf32, #tpu.memory_space<vmem>> -> memref<32x129xf32, #tpu.memory_space<vmem>>
      tpu.vector_store_idx %scatter3A_2054[%add3A_324, %broadcast_in_dim3A_2042], %get3A_2050 : memref<32x129xf32, #tpu.memory_space<vmem>>[vector<16xi32>, vector<16xi32>], vector<16xf32>,
      %get3A_2055 = arith.constant 66 : i32
      %get3A_2056 = arith.constant 0 : i32
      %get3A_2057 = arith.constant 0 : i32
      %get3A_2058 = tpu.memref_slice %arg6[%rem3A_269, %get3A_2056, %get3A_2057] : memref<2x128x32xf32, #tpu.memory_space<vmem>> -> memref<1x128x32xf32, #tpu.memory_space<vmem>>
      %get3A_2059 = tpu.memref_squeeze %get3A_2058 : memref<1x128x32xf32, #tpu.memory_space<vmem>> -> memref<128x32xf32, #tpu.memory_space<vmem>>
      %get3A_2060 = arith.index_cast %get3A_2055 : i32 to index
      %get3A_2061 = arith.constant 16 : index
      %get3A_2062 = tpu.vector_load %get3A_2059[%get3A_2060, %get3A_2061] {strides = array<i32>} : memref<128x32xf32, #tpu.memory_space<vmem>>, vector<16xf32>,
      %scatter3A_2063 = arith.constant 0 : i32
      %scatter3A_2064 = arith.constant 0 : i32
      %scatter3A_2065 = tpu.memref_slice %arg7[%rem3A_269, %scatter3A_2063, %scatter3A_2064] : memref<2x32x129xf32, #tpu.memory_space<vmem>> -> memref<1x32x129xf32, #tpu.memory_space<vmem>>
      %scatter3A_2066 = tpu.memref_squeeze %scatter3A_2065 : memref<1x32x129xf32, #tpu.memory_space<vmem>> -> memref<32x129xf32, #tpu.memory_space<vmem>>
      tpu.vector_store_idx %scatter3A_2066[%add3A_327, %broadcast_in_dim3A_2042], %get3A_2062 : memref<32x129xf32, #tpu.memory_space<vmem>>[vector<16xi32>, vector<16xi32>], vector<16xf32>,
      %broadcast_in_dim3A_2067 = arith.constant 67 : i32
      %broadcast_in_dim3A_2068 = vector.broadcast %broadcast_in_dim3A_2067 : i32 to vector<16xi32>
      %get3A_2069 = arith.constant 67 : i32
      %get3A_2070 = arith.constant 0 : i32
      %get3A_2071 = arith.constant 0 : i32
      %get3A_2072 = tpu.memref_slice %arg6[%rem3A_269, %get3A_2070, %get3A_2071] : memref<2x128x32xf32, #tpu.memory_space<vmem>> -> memref<1x128x32xf32, #tpu.memory_space<vmem>>
      %get3A_2073 = tpu.memref_squeeze %get3A_2072 : memref<1x128x32xf32, #tpu.memory_space<vmem>> -> memref<128x32xf32, #tpu.memory_space<vmem>>
      %get3A_2074 = arith.index_cast %get3A_2069 : i32 to index
      %get3A_2075 = arith.constant 0 : index
      %get3A_2076 = tpu.vector_load %get3A_2073[%get3A_2074, %get3A_2075] {strides = array<i32>} : memref<128x32xf32, #tpu.memory_space<vmem>>, vector<16xf32>,
      %scatter3A_2077 = arith.constant 0 : i32
      %scatter3A_2078 = arith.constant 0 : i32
      %scatter3A_2079 = tpu.memref_slice %arg7[%rem3A_269, %scatter3A_2077, %scatter3A_2078] : memref<2x32x129xf32, #tpu.memory_space<vmem>> -> memref<1x32x129xf32, #tpu.memory_space<vmem>>
      %scatter3A_2080 = tpu.memref_squeeze %scatter3A_2079 : memref<1x32x129xf32, #tpu.memory_space<vmem>> -> memref<32x129xf32, #tpu.memory_space<vmem>>
      tpu.vector_store_idx %scatter3A_2080[%add3A_324, %broadcast_in_dim3A_2068], %get3A_2076 : memref<32x129xf32, #tpu.memory_space<vmem>>[vector<16xi32>, vector<16xi32>], vector<16xf32>,
      %get3A_2081 = arith.constant 67 : i32
      %get3A_2082 = arith.constant 0 : i32
      %get3A_2083 = arith.constant 0 : i32
      %get3A_2084 = tpu.memref_slice %arg6[%rem3A_269, %get3A_2082, %get3A_2083] : memref<2x128x32xf32, #tpu.memory_space<vmem>> -> memref<1x128x32xf32, #tpu.memory_space<vmem>>
      %get3A_2085 = tpu.memref_squeeze %get3A_2084 : memref<1x128x32xf32, #tpu.memory_space<vmem>> -> memref<128x32xf32, #tpu.memory_space<vmem>>
      %get3A_2086 = arith.index_cast %get3A_2081 : i32 to index
      %get3A_2087 = arith.constant 16 : index
      %get3A_2088 = tpu.vector_load %get3A_2085[%get3A_2086, %get3A_2087] {strides = array<i32>} : memref<128x32xf32, #tpu.memory_space<vmem>>, vector<16xf32>,
      %scatter3A_2089 = arith.constant 0 : i32
      %scatter3A_2090 = arith.constant 0 : i32
      %scatter3A_2091 = tpu.memref_slice %arg7[%rem3A_269, %scatter3A_2089, %scatter3A_2090] : memref<2x32x129xf32, #tpu.memory_space<vmem>> -> memref<1x32x129xf32, #tpu.memory_space<vmem>>
      %scatter3A_2092 = tpu.memref_squeeze %scatter3A_2091 : memref<1x32x129xf32, #tpu.memory_space<vmem>> -> memref<32x129xf32, #tpu.memory_space<vmem>>
      tpu.vector_store_idx %scatter3A_2092[%add3A_327, %broadcast_in_dim3A_2068], %get3A_2088 : memref<32x129xf32, #tpu.memory_space<vmem>>[vector<16xi32>, vector<16xi32>], vector<16xf32>,
      %broadcast_in_dim3A_2093 = arith.constant 68 : i32
      %broadcast_in_dim3A_2094 = vector.broadcast %broadcast_in_dim3A_2093 : i32 to vector<16xi32>
      %get3A_2095 = arith.constant 68 : i32
      %get3A_2096 = arith.constant 0 : i32
      %get3A_2097 = arith.constant 0 : i32
      %get3A_2098 = tpu.memref_slice %arg6[%rem3A_269, %get3A_2096, %get3A_2097] : memref<2x128x32xf32, #tpu.memory_space<vmem>> -> memref<1x128x32xf32, #tpu.memory_space<vmem>>
      %get3A_2099 = tpu.memref_squeeze %get3A_2098 : memref<1x128x32xf32, #tpu.memory_space<vmem>> -> memref<128x32xf32, #tpu.memory_space<vmem>>
      %get3A_2100 = arith.index_cast %get3A_2095 : i32 to index
      %get3A_2101 = arith.constant 0 : index
      %get3A_2102 = tpu.vector_load %get3A_2099[%get3A_2100, %get3A_2101] {strides = array<i32>} : memref<128x32xf32, #tpu.memory_space<vmem>>, vector<16xf32>,
      %scatter3A_2103 = arith.constant 0 : i32
      %scatter3A_2104 = arith.constant 0 : i32
      %scatter3A_2105 = tpu.memref_slice %arg7[%rem3A_269, %scatter3A_2103, %scatter3A_2104] : memref<2x32x129xf32, #tpu.memory_space<vmem>> -> memref<1x32x129xf32, #tpu.memory_space<vmem>>
      %scatter3A_2106 = tpu.memref_squeeze %scatter3A_2105 : memref<1x32x129xf32, #tpu.memory_space<vmem>> -> memref<32x129xf32, #tpu.memory_space<vmem>>
      tpu.vector_store_idx %scatter3A_2106[%add3A_324, %broadcast_in_dim3A_2094], %get3A_2102 : memref<32x129xf32, #tpu.memory_space<vmem>>[vector<16xi32>, vector<16xi32>], vector<16xf32>,
      %get3A_2107 = arith.constant 68 : i32
      %get3A_2108 = arith.constant 0 : i32
      %get3A_2109 = arith.constant 0 : i32
      %get3A_2110 = tpu.memref_slice %arg6[%rem3A_269, %get3A_2108, %get3A_2109] : memref<2x128x32xf32, #tpu.memory_space<vmem>> -> memref<1x128x32xf32, #tpu.memory_space<vmem>>
      %get3A_2111 = tpu.memref_squeeze %get3A_2110 : memref<1x128x32xf32, #tpu.memory_space<vmem>> -> memref<128x32xf32, #tpu.memory_space<vmem>>
      %get3A_2112 = arith.index_cast %get3A_2107 : i32 to index
      %get3A_2113 = arith.constant 16 : index
      %get3A_2114 = tpu.vector_load %get3A_2111[%get3A_2112, %get3A_2113] {strides = array<i32>} : memref<128x32xf32, #tpu.memory_space<vmem>>, vector<16xf32>,
      %scatter3A_2115 = arith.constant 0 : i32
      %scatter3A_2116 = arith.constant 0 : i32
      %scatter3A_2117 = tpu.memref_slice %arg7[%rem3A_269, %scatter3A_2115, %scatter3A_2116] : memref<2x32x129xf32, #tpu.memory_space<vmem>> -> memref<1x32x129xf32, #tpu.memory_space<vmem>>
      %scatter3A_2118 = tpu.memref_squeeze %scatter3A_2117 : memref<1x32x129xf32, #tpu.memory_space<vmem>> -> memref<32x129xf32, #tpu.memory_space<vmem>>
      tpu.vector_store_idx %scatter3A_2118[%add3A_327, %broadcast_in_dim3A_2094], %get3A_2114 : memref<32x129xf32, #tpu.memory_space<vmem>>[vector<16xi32>, vector<16xi32>], vector<16xf32>,
      %broadcast_in_dim3A_2119 = arith.constant 69 : i32
      %broadcast_in_dim3A_2120 = vector.broadcast %broadcast_in_dim3A_2119 : i32 to vector<16xi32>
      %get3A_2121 = arith.constant 69 : i32
      %get3A_2122 = arith.constant 0 : i32
      %get3A_2123 = arith.constant 0 : i32
      %get3A_2124 = tpu.memref_slice %arg6[%rem3A_269, %get3A_2122, %get3A_2123] : memref<2x128x32xf32, #tpu.memory_space<vmem>> -> memref<1x128x32xf32, #tpu.memory_space<vmem>>
      %get3A_2125 = tpu.memref_squeeze %get3A_2124 : memref<1x128x32xf32, #tpu.memory_space<vmem>> -> memref<128x32xf32, #tpu.memory_space<vmem>>
      %get3A_2126 = arith.index_cast %get3A_2121 : i32 to index
      %get3A_2127 = arith.constant 0 : index
      %get3A_2128 = tpu.vector_load %get3A_2125[%get3A_2126, %get3A_2127] {strides = array<i32>} : memref<128x32xf32, #tpu.memory_space<vmem>>, vector<16xf32>,
      %scatter3A_2129 = arith.constant 0 : i32
      %scatter3A_2130 = arith.constant 0 : i32
      %scatter3A_2131 = tpu.memref_slice %arg7[%rem3A_269, %scatter3A_2129, %scatter3A_2130] : memref<2x32x129xf32, #tpu.memory_space<vmem>> -> memref<1x32x129xf32, #tpu.memory_space<vmem>>
      %scatter3A_2132 = tpu.memref_squeeze %scatter3A_2131 : memref<1x32x129xf32, #tpu.memory_space<vmem>> -> memref<32x129xf32, #tpu.memory_space<vmem>>
      tpu.vector_store_idx %scatter3A_2132[%add3A_324, %broadcast_in_dim3A_2120], %get3A_2128 : memref<32x129xf32, #tpu.memory_space<vmem>>[vector<16xi32>, vector<16xi32>], vector<16xf32>,
      %get3A_2133 = arith.constant 69 : i32
      %get3A_2134 = arith.constant 0 : i32
      %get3A_2135 = arith.constant 0 : i32
      %get3A_2136 = tpu.memref_slice %arg6[%rem3A_269, %get3A_2134, %get3A_2135] : memref<2x128x32xf32, #tpu.memory_space<vmem>> -> memref<1x128x32xf32, #tpu.memory_space<vmem>>
      %get3A_2137 = tpu.memref_squeeze %get3A_2136 : memref<1x128x32xf32, #tpu.memory_space<vmem>> -> memref<128x32xf32, #tpu.memory_space<vmem>>
      %get3A_2138 = arith.index_cast %get3A_2133 : i32 to index
      %get3A_2139 = arith.constant 16 : index
      %get3A_2140 = tpu.vector_load %get3A_2137[%get3A_2138, %get3A_2139] {strides = array<i32>} : memref<128x32xf32, #tpu.memory_space<vmem>>, vector<16xf32>,
      %scatter3A_2141 = arith.constant 0 : i32
      %scatter3A_2142 = arith.constant 0 : i32
      %scatter3A_2143 = tpu.memref_slice %arg7[%rem3A_269, %scatter3A_2141, %scatter3A_2142] : memref<2x32x129xf32, #tpu.memory_space<vmem>> -> memref<1x32x129xf32, #tpu.memory_space<vmem>>
      %scatter3A_2144 = tpu.memref_squeeze %scatter3A_2143 : memref<1x32x129xf32, #tpu.memory_space<vmem>> -> memref<32x129xf32, #tpu.memory_space<vmem>>
      tpu.vector_store_idx %scatter3A_2144[%add3A_327, %broadcast_in_dim3A_2120], %get3A_2140 : memref<32x129xf32, #tpu.memory_space<vmem>>[vector<16xi32>, vector<16xi32>], vector<16xf32>,
      %broadcast_in_dim3A_2145 = arith.constant 70 : i32
      %broadcast_in_dim3A_2146 = vector.broadcast %broadcast_in_dim3A_2145 : i32 to vector<16xi32>
      %get3A_2147 = arith.constant 70 : i32
      %get3A_2148 = arith.constant 0 : i32
      %get3A_2149 = arith.constant 0 : i32
      %get3A_2150 = tpu.memref_slice %arg6[%rem3A_269, %get3A_2148, %get3A_2149] : memref<2x128x32xf32, #tpu.memory_space<vmem>> -> memref<1x128x32xf32, #tpu.memory_space<vmem>>
      %get3A_2151 = tpu.memref_squeeze %get3A_2150 : memref<1x128x32xf32, #tpu.memory_space<vmem>> -> memref<128x32xf32, #tpu.memory_space<vmem>>
      %get3A_2152 = arith.index_cast %get3A_2147 : i32 to index
      %get3A_2153 = arith.constant 0 : index
      %get3A_2154 = tpu.vector_load %get3A_2151[%get3A_2152, %get3A_2153] {strides = array<i32>} : memref<128x32xf32, #tpu.memory_space<vmem>>, vector<16xf32>,
      %scatter3A_2155 = arith.constant 0 : i32
      %scatter3A_2156 = arith.constant 0 : i32
      %scatter3A_2157 = tpu.memref_slice %arg7[%rem3A_269, %scatter3A_2155, %scatter3A_2156] : memref<2x32x129xf32, #tpu.memory_space<vmem>> -> memref<1x32x129xf32, #tpu.memory_space<vmem>>
      %scatter3A_2158 = tpu.memref_squeeze %scatter3A_2157 : memref<1x32x129xf32, #tpu.memory_space<vmem>> -> memref<32x129xf32, #tpu.memory_space<vmem>>
      tpu.vector_store_idx %scatter3A_2158[%add3A_324, %broadcast_in_dim3A_2146], %get3A_2154 : memref<32x129xf32, #tpu.memory_space<vmem>>[vector<16xi32>, vector<16xi32>], vector<16xf32>,
      %get3A_2159 = arith.constant 70 : i32
      %get3A_2160 = arith.constant 0 : i32
      %get3A_2161 = arith.constant 0 : i32
      %get3A_2162 = tpu.memref_slice %arg6[%rem3A_269, %get3A_2160, %get3A_2161] : memref<2x128x32xf32, #tpu.memory_space<vmem>> -> memref<1x128x32xf32, #tpu.memory_space<vmem>>
      %get3A_2163 = tpu.memref_squeeze %get3A_2162 : memref<1x128x32xf32, #tpu.memory_space<vmem>> -> memref<128x32xf32, #tpu.memory_space<vmem>>
      %get3A_2164 = arith.index_cast %get3A_2159 : i32 to index
      %get3A_2165 = arith.constant 16 : index
      %get3A_2166 = tpu.vector_load %get3A_2163[%get3A_2164, %get3A_2165] {strides = array<i32>} : memref<128x32xf32, #tpu.memory_space<vmem>>, vector<16xf32>,
      %scatter3A_2167 = arith.constant 0 : i32
      %scatter3A_2168 = arith.constant 0 : i32
      %scatter3A_2169 = tpu.memref_slice %arg7[%rem3A_269, %scatter3A_2167, %scatter3A_2168] : memref<2x32x129xf32, #tpu.memory_space<vmem>> -> memref<1x32x129xf32, #tpu.memory_space<vmem>>
      %scatter3A_2170 = tpu.memref_squeeze %scatter3A_2169 : memref<1x32x129xf32, #tpu.memory_space<vmem>> -> memref<32x129xf32, #tpu.memory_space<vmem>>
      tpu.vector_store_idx %scatter3A_2170[%add3A_327, %broadcast_in_dim3A_2146], %get3A_2166 : memref<32x129xf32, #tpu.memory_space<vmem>>[vector<16xi32>, vector<16xi32>], vector<16xf32>,
      %broadcast_in_dim3A_2171 = arith.constant 71 : i32
      %broadcast_in_dim3A_2172 = vector.broadcast %broadcast_in_dim3A_2171 : i32 to vector<16xi32>
      %get3A_2173 = arith.constant 71 : i32
      %get3A_2174 = arith.constant 0 : i32
      %get3A_2175 = arith.constant 0 : i32
      %get3A_2176 = tpu.memref_slice %arg6[%rem3A_269, %get3A_2174, %get3A_2175] : memref<2x128x32xf32, #tpu.memory_space<vmem>> -> memref<1x128x32xf32, #tpu.memory_space<vmem>>
      %get3A_2177 = tpu.memref_squeeze %get3A_2176 : memref<1x128x32xf32, #tpu.memory_space<vmem>> -> memref<128x32xf32, #tpu.memory_space<vmem>>
      %get3A_2178 = arith.index_cast %get3A_2173 : i32 to index
      %get3A_2179 = arith.constant 0 : index
      %get3A_2180 = tpu.vector_load %get3A_2177[%get3A_2178, %get3A_2179] {strides = array<i32>} : memref<128x32xf32, #tpu.memory_space<vmem>>, vector<16xf32>,
      %scatter3A_2181 = arith.constant 0 : i32
      %scatter3A_2182 = arith.constant 0 : i32
      %scatter3A_2183 = tpu.memref_slice %arg7[%rem3A_269, %scatter3A_2181, %scatter3A_2182] : memref<2x32x129xf32, #tpu.memory_space<vmem>> -> memref<1x32x129xf32, #tpu.memory_space<vmem>>
      %scatter3A_2184 = tpu.memref_squeeze %scatter3A_2183 : memref<1x32x129xf32, #tpu.memory_space<vmem>> -> memref<32x129xf32, #tpu.memory_space<vmem>>
      tpu.vector_store_idx %scatter3A_2184[%add3A_324, %broadcast_in_dim3A_2172], %get3A_2180 : memref<32x129xf32, #tpu.memory_space<vmem>>[vector<16xi32>, vector<16xi32>], vector<16xf32>,
      %get3A_2185 = arith.constant 71 : i32
      %get3A_2186 = arith.constant 0 : i32
      %get3A_2187 = arith.constant 0 : i32
      %get3A_2188 = tpu.memref_slice %arg6[%rem3A_269, %get3A_2186, %get3A_2187] : memref<2x128x32xf32, #tpu.memory_space<vmem>> -> memref<1x128x32xf32, #tpu.memory_space<vmem>>
      %get3A_2189 = tpu.memref_squeeze %get3A_2188 : memref<1x128x32xf32, #tpu.memory_space<vmem>> -> memref<128x32xf32, #tpu.memory_space<vmem>>
      %get3A_2190 = arith.index_cast %get3A_2185 : i32 to index
      %get3A_2191 = arith.constant 16 : index
      %get3A_2192 = tpu.vector_load %get3A_2189[%get3A_2190, %get3A_2191] {strides = array<i32>} : memref<128x32xf32, #tpu.memory_space<vmem>>, vector<16xf32>,
      %scatter3A_2193 = arith.constant 0 : i32
      %scatter3A_2194 = arith.constant 0 : i32
      %scatter3A_2195 = tpu.memref_slice %arg7[%rem3A_269, %scatter3A_2193, %scatter3A_2194] : memref<2x32x129xf32, #tpu.memory_space<vmem>> -> memref<1x32x129xf32, #tpu.memory_space<vmem>>
      %scatter3A_2196 = tpu.memref_squeeze %scatter3A_2195 : memref<1x32x129xf32, #tpu.memory_space<vmem>> -> memref<32x129xf32, #tpu.memory_space<vmem>>
      tpu.vector_store_idx %scatter3A_2196[%add3A_327, %broadcast_in_dim3A_2172], %get3A_2192 : memref<32x129xf32, #tpu.memory_space<vmem>>[vector<16xi32>, vector<16xi32>], vector<16xf32>,
      %broadcast_in_dim3A_2197 = arith.constant 72 : i32
      %broadcast_in_dim3A_2198 = vector.broadcast %broadcast_in_dim3A_2197 : i32 to vector<16xi32>
      %get3A_2199 = arith.constant 72 : i32
      %get3A_2200 = arith.constant 0 : i32
      %get3A_2201 = arith.constant 0 : i32
      %get3A_2202 = tpu.memref_slice %arg6[%rem3A_269, %get3A_2200, %get3A_2201] : memref<2x128x32xf32, #tpu.memory_space<vmem>> -> memref<1x128x32xf32, #tpu.memory_space<vmem>>
      %get3A_2203 = tpu.memref_squeeze %get3A_2202 : memref<1x128x32xf32, #tpu.memory_space<vmem>> -> memref<128x32xf32, #tpu.memory_space<vmem>>
      %get3A_2204 = arith.index_cast %get3A_2199 : i32 to index
      %get3A_2205 = arith.constant 0 : index
      %get3A_2206 = tpu.vector_load %get3A_2203[%get3A_2204, %get3A_2205] {strides = array<i32>} : memref<128x32xf32, #tpu.memory_space<vmem>>, vector<16xf32>,
      %scatter3A_2207 = arith.constant 0 : i32
      %scatter3A_2208 = arith.constant 0 : i32
      %scatter3A_2209 = tpu.memref_slice %arg7[%rem3A_269, %scatter3A_2207, %scatter3A_2208] : memref<2x32x129xf32, #tpu.memory_space<vmem>> -> memref<1x32x129xf32, #tpu.memory_space<vmem>>
      %scatter3A_2210 = tpu.memref_squeeze %scatter3A_2209 : memref<1x32x129xf32, #tpu.memory_space<vmem>> -> memref<32x129xf32, #tpu.memory_space<vmem>>
      tpu.vector_store_idx %scatter3A_2210[%add3A_324, %broadcast_in_dim3A_2198], %get3A_2206 : memref<32x129xf32, #tpu.memory_space<vmem>>[vector<16xi32>, vector<16xi32>], vector<16xf32>,
      %get3A_2211 = arith.constant 72 : i32
      %get3A_2212 = arith.constant 0 : i32
      %get3A_2213 = arith.constant 0 : i32
      %get3A_2214 = tpu.memref_slice %arg6[%rem3A_269, %get3A_2212, %get3A_2213] : memref<2x128x32xf32, #tpu.memory_space<vmem>> -> memref<1x128x32xf32, #tpu.memory_space<vmem>>
      %get3A_2215 = tpu.memref_squeeze %get3A_2214 : memref<1x128x32xf32, #tpu.memory_space<vmem>> -> memref<128x32xf32, #tpu.memory_space<vmem>>
      %get3A_2216 = arith.index_cast %get3A_2211 : i32 to index
      %get3A_2217 = arith.constant 16 : index
      %get3A_2218 = tpu.vector_load %get3A_2215[%get3A_2216, %get3A_2217] {strides = array<i32>} : memref<128x32xf32, #tpu.memory_space<vmem>>, vector<16xf32>,
      %scatter3A_2219 = arith.constant 0 : i32
      %scatter3A_2220 = arith.constant 0 : i32
      %scatter3A_2221 = tpu.memref_slice %arg7[%rem3A_269, %scatter3A_2219, %scatter3A_2220] : memref<2x32x129xf32, #tpu.memory_space<vmem>> -> memref<1x32x129xf32, #tpu.memory_space<vmem>>
      %scatter3A_2222 = tpu.memref_squeeze %scatter3A_2221 : memref<1x32x129xf32, #tpu.memory_space<vmem>> -> memref<32x129xf32, #tpu.memory_space<vmem>>
      tpu.vector_store_idx %scatter3A_2222[%add3A_327, %broadcast_in_dim3A_2198], %get3A_2218 : memref<32x129xf32, #tpu.memory_space<vmem>>[vector<16xi32>, vector<16xi32>], vector<16xf32>,
      %broadcast_in_dim3A_2223 = arith.constant 73 : i32
      %broadcast_in_dim3A_2224 = vector.broadcast %broadcast_in_dim3A_2223 : i32 to vector<16xi32>
      %get3A_2225 = arith.constant 73 : i32
      %get3A_2226 = arith.constant 0 : i32
      %get3A_2227 = arith.constant 0 : i32
      %get3A_2228 = tpu.memref_slice %arg6[%rem3A_269, %get3A_2226, %get3A_2227] : memref<2x128x32xf32, #tpu.memory_space<vmem>> -> memref<1x128x32xf32, #tpu.memory_space<vmem>>
      %get3A_2229 = tpu.memref_squeeze %get3A_2228 : memref<1x128x32xf32, #tpu.memory_space<vmem>> -> memref<128x32xf32, #tpu.memory_space<vmem>>
      %get3A_2230 = arith.index_cast %get3A_2225 : i32 to index
      %get3A_2231 = arith.constant 0 : index
      %get3A_2232 = tpu.vector_load %get3A_2229[%get3A_2230, %get3A_2231] {strides = array<i32>} : memref<128x32xf32, #tpu.memory_space<vmem>>, vector<16xf32>,
      %scatter3A_2233 = arith.constant 0 : i32
      %scatter3A_2234 = arith.constant 0 : i32
      %scatter3A_2235 = tpu.memref_slice %arg7[%rem3A_269, %scatter3A_2233, %scatter3A_2234] : memref<2x32x129xf32, #tpu.memory_space<vmem>> -> memref<1x32x129xf32, #tpu.memory_space<vmem>>
      %scatter3A_2236 = tpu.memref_squeeze %scatter3A_2235 : memref<1x32x129xf32, #tpu.memory_space<vmem>> -> memref<32x129xf32, #tpu.memory_space<vmem>>
      tpu.vector_store_idx %scatter3A_2236[%add3A_324, %broadcast_in_dim3A_2224], %get3A_2232 : memref<32x129xf32, #tpu.memory_space<vmem>>[vector<16xi32>, vector<16xi32>], vector<16xf32>,
      %get3A_2237 = arith.constant 73 : i32
      %get3A_2238 = arith.constant 0 : i32
      %get3A_2239 = arith.constant 0 : i32
      %get3A_2240 = tpu.memref_slice %arg6[%rem3A_269, %get3A_2238, %get3A_2239] : memref<2x128x32xf32, #tpu.memory_space<vmem>> -> memref<1x128x32xf32, #tpu.memory_space<vmem>>
      %get3A_2241 = tpu.memref_squeeze %get3A_2240 : memref<1x128x32xf32, #tpu.memory_space<vmem>> -> memref<128x32xf32, #tpu.memory_space<vmem>>
      %get3A_2242 = arith.index_cast %get3A_2237 : i32 to index
      %get3A_2243 = arith.constant 16 : index
      %get3A_2244 = tpu.vector_load %get3A_2241[%get3A_2242, %get3A_2243] {strides = array<i32>} : memref<128x32xf32, #tpu.memory_space<vmem>>, vector<16xf32>,
      %scatter3A_2245 = arith.constant 0 : i32
      %scatter3A_2246 = arith.constant 0 : i32
      %scatter3A_2247 = tpu.memref_slice %arg7[%rem3A_269, %scatter3A_2245, %scatter3A_2246] : memref<2x32x129xf32, #tpu.memory_space<vmem>> -> memref<1x32x129xf32, #tpu.memory_space<vmem>>
      %scatter3A_2248 = tpu.memref_squeeze %scatter3A_2247 : memref<1x32x129xf32, #tpu.memory_space<vmem>> -> memref<32x129xf32, #tpu.memory_space<vmem>>
      tpu.vector_store_idx %scatter3A_2248[%add3A_327, %broadcast_in_dim3A_2224], %get3A_2244 : memref<32x129xf32, #tpu.memory_space<vmem>>[vector<16xi32>, vector<16xi32>], vector<16xf32>,
      %broadcast_in_dim3A_2249 = arith.constant 74 : i32
      %broadcast_in_dim3A_2250 = vector.broadcast %broadcast_in_dim3A_2249 : i32 to vector<16xi32>
      %get3A_2251 = arith.constant 74 : i32
      %get3A_2252 = arith.constant 0 : i32
      %get3A_2253 = arith.constant 0 : i32
      %get3A_2254 = tpu.memref_slice %arg6[%rem3A_269, %get3A_2252, %get3A_2253] : memref<2x128x32xf32, #tpu.memory_space<vmem>> -> memref<1x128x32xf32, #tpu.memory_space<vmem>>
      %get3A_2255 = tpu.memref_squeeze %get3A_2254 : memref<1x128x32xf32, #tpu.memory_space<vmem>> -> memref<128x32xf32, #tpu.memory_space<vmem>>
      %get3A_2256 = arith.index_cast %get3A_2251 : i32 to index
      %get3A_2257 = arith.constant 0 : index
      %get3A_2258 = tpu.vector_load %get3A_2255[%get3A_2256, %get3A_2257] {strides = array<i32>} : memref<128x32xf32, #tpu.memory_space<vmem>>, vector<16xf32>,
      %scatter3A_2259 = arith.constant 0 : i32
      %scatter3A_2260 = arith.constant 0 : i32
      %scatter3A_2261 = tpu.memref_slice %arg7[%rem3A_269, %scatter3A_2259, %scatter3A_2260] : memref<2x32x129xf32, #tpu.memory_space<vmem>> -> memref<1x32x129xf32, #tpu.memory_space<vmem>>
      %scatter3A_2262 = tpu.memref_squeeze %scatter3A_2261 : memref<1x32x129xf32, #tpu.memory_space<vmem>> -> memref<32x129xf32, #tpu.memory_space<vmem>>
      tpu.vector_store_idx %scatter3A_2262[%add3A_324, %broadcast_in_dim3A_2250], %get3A_2258 : memref<32x129xf32, #tpu.memory_space<vmem>>[vector<16xi32>, vector<16xi32>], vector<16xf32>,
      %get3A_2263 = arith.constant 74 : i32
      %get3A_2264 = arith.constant 0 : i32
      %get3A_2265 = arith.constant 0 : i32
      %get3A_2266 = tpu.memref_slice %arg6[%rem3A_269, %get3A_2264, %get3A_2265] : memref<2x128x32xf32, #tpu.memory_space<vmem>> -> memref<1x128x32xf32, #tpu.memory_space<vmem>>
      %get3A_2267 = tpu.memref_squeeze %get3A_2266 : memref<1x128x32xf32, #tpu.memory_space<vmem>> -> memref<128x32xf32, #tpu.memory_space<vmem>>
      %get3A_2268 = arith.index_cast %get3A_2263 : i32 to index
      %get3A_2269 = arith.constant 16 : index
      %get3A_2270 = tpu.vector_load %get3A_2267[%get3A_2268, %get3A_2269] {strides = array<i32>} : memref<128x32xf32, #tpu.memory_space<vmem>>, vector<16xf32>,
      %scatter3A_2271 = arith.constant 0 : i32
      %scatter3A_2272 = arith.constant 0 : i32
      %scatter3A_2273 = tpu.memref_slice %arg7[%rem3A_269, %scatter3A_2271, %scatter3A_2272] : memref<2x32x129xf32, #tpu.memory_space<vmem>> -> memref<1x32x129xf32, #tpu.memory_space<vmem>>
      %scatter3A_2274 = tpu.memref_squeeze %scatter3A_2273 : memref<1x32x129xf32, #tpu.memory_space<vmem>> -> memref<32x129xf32, #tpu.memory_space<vmem>>
      tpu.vector_store_idx %scatter3A_2274[%add3A_327, %broadcast_in_dim3A_2250], %get3A_2270 : memref<32x129xf32, #tpu.memory_space<vmem>>[vector<16xi32>, vector<16xi32>], vector<16xf32>,
      %broadcast_in_dim3A_2275 = arith.constant 75 : i32
      %broadcast_in_dim3A_2276 = vector.broadcast %broadcast_in_dim3A_2275 : i32 to vector<16xi32>
      %get3A_2277 = arith.constant 75 : i32
      %get3A_2278 = arith.constant 0 : i32
      %get3A_2279 = arith.constant 0 : i32
      %get3A_2280 = tpu.memref_slice %arg6[%rem3A_269, %get3A_2278, %get3A_2279] : memref<2x128x32xf32, #tpu.memory_space<vmem>> -> memref<1x128x32xf32, #tpu.memory_space<vmem>>
      %get3A_2281 = tpu.memref_squeeze %get3A_2280 : memref<1x128x32xf32, #tpu.memory_space<vmem>> -> memref<128x32xf32, #tpu.memory_space<vmem>>
      %get3A_2282 = arith.index_cast %get3A_2277 : i32 to index
      %get3A_2283 = arith.constant 0 : index
      %get3A_2284 = tpu.vector_load %get3A_2281[%get3A_2282, %get3A_2283] {strides = array<i32>} : memref<128x32xf32, #tpu.memory_space<vmem>>, vector<16xf32>,
      %scatter3A_2285 = arith.constant 0 : i32
      %scatter3A_2286 = arith.constant 0 : i32
      %scatter3A_2287 = tpu.memref_slice %arg7[%rem3A_269, %scatter3A_2285, %scatter3A_2286] : memref<2x32x129xf32, #tpu.memory_space<vmem>> -> memref<1x32x129xf32, #tpu.memory_space<vmem>>
      %scatter3A_2288 = tpu.memref_squeeze %scatter3A_2287 : memref<1x32x129xf32, #tpu.memory_space<vmem>> -> memref<32x129xf32, #tpu.memory_space<vmem>>
      tpu.vector_store_idx %scatter3A_2288[%add3A_324, %broadcast_in_dim3A_2276], %get3A_2284 : memref<32x129xf32, #tpu.memory_space<vmem>>[vector<16xi32>, vector<16xi32>], vector<16xf32>,
      %get3A_2289 = arith.constant 75 : i32
      %get3A_2290 = arith.constant 0 : i32
      %get3A_2291 = arith.constant 0 : i32
      %get3A_2292 = tpu.memref_slice %arg6[%rem3A_269, %get3A_2290, %get3A_2291] : memref<2x128x32xf32, #tpu.memory_space<vmem>> -> memref<1x128x32xf32, #tpu.memory_space<vmem>>
      %get3A_2293 = tpu.memref_squeeze %get3A_2292 : memref<1x128x32xf32, #tpu.memory_space<vmem>> -> memref<128x32xf32, #tpu.memory_space<vmem>>
      %get3A_2294 = arith.index_cast %get3A_2289 : i32 to index
      %get3A_2295 = arith.constant 16 : index
      %get3A_2296 = tpu.vector_load %get3A_2293[%get3A_2294, %get3A_2295] {strides = array<i32>} : memref<128x32xf32, #tpu.memory_space<vmem>>, vector<16xf32>,
      %scatter3A_2297 = arith.constant 0 : i32
      %scatter3A_2298 = arith.constant 0 : i32
      %scatter3A_2299 = tpu.memref_slice %arg7[%rem3A_269, %scatter3A_2297, %scatter3A_2298] : memref<2x32x129xf32, #tpu.memory_space<vmem>> -> memref<1x32x129xf32, #tpu.memory_space<vmem>>
      %scatter3A_2300 = tpu.memref_squeeze %scatter3A_2299 : memref<1x32x129xf32, #tpu.memory_space<vmem>> -> memref<32x129xf32, #tpu.memory_space<vmem>>
      tpu.vector_store_idx %scatter3A_2300[%add3A_327, %broadcast_in_dim3A_2276], %get3A_2296 : memref<32x129xf32, #tpu.memory_space<vmem>>[vector<16xi32>, vector<16xi32>], vector<16xf32>,
      %broadcast_in_dim3A_2301 = arith.constant 76 : i32
      %broadcast_in_dim3A_2302 = vector.broadcast %broadcast_in_dim3A_2301 : i32 to vector<16xi32>
      %get3A_2303 = arith.constant 76 : i32
      %get3A_2304 = arith.constant 0 : i32
      %get3A_2305 = arith.constant 0 : i32
      %get3A_2306 = tpu.memref_slice %arg6[%rem3A_269, %get3A_2304, %get3A_2305] : memref<2x128x32xf32, #tpu.memory_space<vmem>> -> memref<1x128x32xf32, #tpu.memory_space<vmem>>
      %get3A_2307 = tpu.memref_squeeze %get3A_2306 : memref<1x128x32xf32, #tpu.memory_space<vmem>> -> memref<128x32xf32, #tpu.memory_space<vmem>>
      %get3A_2308 = arith.index_cast %get3A_2303 : i32 to index
      %get3A_2309 = arith.constant 0 : index
      %get3A_2310 = tpu.vector_load %get3A_2307[%get3A_2308, %get3A_2309] {strides = array<i32>} : memref<128x32xf32, #tpu.memory_space<vmem>>, vector<16xf32>,
      %scatter3A_2311 = arith.constant 0 : i32
      %scatter3A_2312 = arith.constant 0 : i32
      %scatter3A_2313 = tpu.memref_slice %arg7[%rem3A_269, %scatter3A_2311, %scatter3A_2312] : memref<2x32x129xf32, #tpu.memory_space<vmem>> -> memref<1x32x129xf32, #tpu.memory_space<vmem>>
      %scatter3A_2314 = tpu.memref_squeeze %scatter3A_2313 : memref<1x32x129xf32, #tpu.memory_space<vmem>> -> memref<32x129xf32, #tpu.memory_space<vmem>>
      tpu.vector_store_idx %scatter3A_2314[%add3A_324, %broadcast_in_dim3A_2302], %get3A_2310 : memref<32x129xf32, #tpu.memory_space<vmem>>[vector<16xi32>, vector<16xi32>], vector<16xf32>,
      %get3A_2315 = arith.constant 76 : i32
      %get3A_2316 = arith.constant 0 : i32
      %get3A_2317 = arith.constant 0 : i32
      %get3A_2318 = tpu.memref_slice %arg6[%rem3A_269, %get3A_2316, %get3A_2317] : memref<2x128x32xf32, #tpu.memory_space<vmem>> -> memref<1x128x32xf32, #tpu.memory_space<vmem>>
      %get3A_2319 = tpu.memref_squeeze %get3A_2318 : memref<1x128x32xf32, #tpu.memory_space<vmem>> -> memref<128x32xf32, #tpu.memory_space<vmem>>
      %get3A_2320 = arith.index_cast %get3A_2315 : i32 to index
      %get3A_2321 = arith.constant 16 : index
      %get3A_2322 = tpu.vector_load %get3A_2319[%get3A_2320, %get3A_2321] {strides = array<i32>} : memref<128x32xf32, #tpu.memory_space<vmem>>, vector<16xf32>,
      %scatter3A_2323 = arith.constant 0 : i32
      %scatter3A_2324 = arith.constant 0 : i32
      %scatter3A_2325 = tpu.memref_slice %arg7[%rem3A_269, %scatter3A_2323, %scatter3A_2324] : memref<2x32x129xf32, #tpu.memory_space<vmem>> -> memref<1x32x129xf32, #tpu.memory_space<vmem>>
      %scatter3A_2326 = tpu.memref_squeeze %scatter3A_2325 : memref<1x32x129xf32, #tpu.memory_space<vmem>> -> memref<32x129xf32, #tpu.memory_space<vmem>>
      tpu.vector_store_idx %scatter3A_2326[%add3A_327, %broadcast_in_dim3A_2302], %get3A_2322 : memref<32x129xf32, #tpu.memory_space<vmem>>[vector<16xi32>, vector<16xi32>], vector<16xf32>,
      %broadcast_in_dim3A_2327 = arith.constant 77 : i32
      %broadcast_in_dim3A_2328 = vector.broadcast %broadcast_in_dim3A_2327 : i32 to vector<16xi32>
      %get3A_2329 = arith.constant 77 : i32
      %get3A_2330 = arith.constant 0 : i32
      %get3A_2331 = arith.constant 0 : i32
      %get3A_2332 = tpu.memref_slice %arg6[%rem3A_269, %get3A_2330, %get3A_2331] : memref<2x128x32xf32, #tpu.memory_space<vmem>> -> memref<1x128x32xf32, #tpu.memory_space<vmem>>
      %get3A_2333 = tpu.memref_squeeze %get3A_2332 : memref<1x128x32xf32, #tpu.memory_space<vmem>> -> memref<128x32xf32, #tpu.memory_space<vmem>>
      %get3A_2334 = arith.index_cast %get3A_2329 : i32 to index
      %get3A_2335 = arith.constant 0 : index
      %get3A_2336 = tpu.vector_load %get3A_2333[%get3A_2334, %get3A_2335] {strides = array<i32>} : memref<128x32xf32, #tpu.memory_space<vmem>>, vector<16xf32>,
      %scatter3A_2337 = arith.constant 0 : i32
      %scatter3A_2338 = arith.constant 0 : i32
      %scatter3A_2339 = tpu.memref_slice %arg7[%rem3A_269, %scatter3A_2337, %scatter3A_2338] : memref<2x32x129xf32, #tpu.memory_space<vmem>> -> memref<1x32x129xf32, #tpu.memory_space<vmem>>
      %scatter3A_2340 = tpu.memref_squeeze %scatter3A_2339 : memref<1x32x129xf32, #tpu.memory_space<vmem>> -> memref<32x129xf32, #tpu.memory_space<vmem>>
      tpu.vector_store_idx %scatter3A_2340[%add3A_324, %broadcast_in_dim3A_2328], %get3A_2336 : memref<32x129xf32, #tpu.memory_space<vmem>>[vector<16xi32>, vector<16xi32>], vector<16xf32>,
      %get3A_2341 = arith.constant 77 : i32
      %get3A_2342 = arith.constant 0 : i32
      %get3A_2343 = arith.constant 0 : i32
      %get3A_2344 = tpu.memref_slice %arg6[%rem3A_269, %get3A_2342, %get3A_2343] : memref<2x128x32xf32, #tpu.memory_space<vmem>> -> memref<1x128x32xf32, #tpu.memory_space<vmem>>
      %get3A_2345 = tpu.memref_squeeze %get3A_2344 : memref<1x128x32xf32, #tpu.memory_space<vmem>> -> memref<128x32xf32, #tpu.memory_space<vmem>>
      %get3A_2346 = arith.index_cast %get3A_2341 : i32 to index
      %get3A_2347 = arith.constant 16 : index
      %get3A_2348 = tpu.vector_load %get3A_2345[%get3A_2346, %get3A_2347] {strides = array<i32>} : memref<128x32xf32, #tpu.memory_space<vmem>>, vector<16xf32>,
      %scatter3A_2349 = arith.constant 0 : i32
      %scatter3A_2350 = arith.constant 0 : i32
      %scatter3A_2351 = tpu.memref_slice %arg7[%rem3A_269, %scatter3A_2349, %scatter3A_2350] : memref<2x32x129xf32, #tpu.memory_space<vmem>> -> memref<1x32x129xf32, #tpu.memory_space<vmem>>
      %scatter3A_2352 = tpu.memref_squeeze %scatter3A_2351 : memref<1x32x129xf32, #tpu.memory_space<vmem>> -> memref<32x129xf32, #tpu.memory_space<vmem>>
      tpu.vector_store_idx %scatter3A_2352[%add3A_327, %broadcast_in_dim3A_2328], %get3A_2348 : memref<32x129xf32, #tpu.memory_space<vmem>>[vector<16xi32>, vector<16xi32>], vector<16xf32>,
      %broadcast_in_dim3A_2353 = arith.constant 78 : i32
      %broadcast_in_dim3A_2354 = vector.broadcast %broadcast_in_dim3A_2353 : i32 to vector<16xi32>
      %get3A_2355 = arith.constant 78 : i32
      %get3A_2356 = arith.constant 0 : i32
      %get3A_2357 = arith.constant 0 : i32
      %get3A_2358 = tpu.memref_slice %arg6[%rem3A_269, %get3A_2356, %get3A_2357] : memref<2x128x32xf32, #tpu.memory_space<vmem>> -> memref<1x128x32xf32, #tpu.memory_space<vmem>>
      %get3A_2359 = tpu.memref_squeeze %get3A_2358 : memref<1x128x32xf32, #tpu.memory_space<vmem>> -> memref<128x32xf32, #tpu.memory_space<vmem>>
      %get3A_2360 = arith.index_cast %get3A_2355 : i32 to index
      %get3A_2361 = arith.constant 0 : index
      %get3A_2362 = tpu.vector_load %get3A_2359[%get3A_2360, %get3A_2361] {strides = array<i32>} : memref<128x32xf32, #tpu.memory_space<vmem>>, vector<16xf32>,
      %scatter3A_2363 = arith.constant 0 : i32
      %scatter3A_2364 = arith.constant 0 : i32
      %scatter3A_2365 = tpu.memref_slice %arg7[%rem3A_269, %scatter3A_2363, %scatter3A_2364] : memref<2x32x129xf32, #tpu.memory_space<vmem>> -> memref<1x32x129xf32, #tpu.memory_space<vmem>>
      %scatter3A_2366 = tpu.memref_squeeze %scatter3A_2365 : memref<1x32x129xf32, #tpu.memory_space<vmem>> -> memref<32x129xf32, #tpu.memory_space<vmem>>
      tpu.vector_store_idx %scatter3A_2366[%add3A_324, %broadcast_in_dim3A_2354], %get3A_2362 : memref<32x129xf32, #tpu.memory_space<vmem>>[vector<16xi32>, vector<16xi32>], vector<16xf32>,
      %get3A_2367 = arith.constant 78 : i32
      %get3A_2368 = arith.constant 0 : i32
      %get3A_2369 = arith.constant 0 : i32
      %get3A_2370 = tpu.memref_slice %arg6[%rem3A_269, %get3A_2368, %get3A_2369] : memref<2x128x32xf32, #tpu.memory_space<vmem>> -> memref<1x128x32xf32, #tpu.memory_space<vmem>>
      %get3A_2371 = tpu.memref_squeeze %get3A_2370 : memref<1x128x32xf32, #tpu.memory_space<vmem>> -> memref<128x32xf32, #tpu.memory_space<vmem>>
      %get3A_2372 = arith.index_cast %get3A_2367 : i32 to index
      %get3A_2373 = arith.constant 16 : index
      %get3A_2374 = tpu.vector_load %get3A_2371[%get3A_2372, %get3A_2373] {strides = array<i32>} : memref<128x32xf32, #tpu.memory_space<vmem>>, vector<16xf32>,
      %scatter3A_2375 = arith.constant 0 : i32
      %scatter3A_2376 = arith.constant 0 : i32
      %scatter3A_2377 = tpu.memref_slice %arg7[%rem3A_269, %scatter3A_2375, %scatter3A_2376] : memref<2x32x129xf32, #tpu.memory_space<vmem>> -> memref<1x32x129xf32, #tpu.memory_space<vmem>>
      %scatter3A_2378 = tpu.memref_squeeze %scatter3A_2377 : memref<1x32x129xf32, #tpu.memory_space<vmem>> -> memref<32x129xf32, #tpu.memory_space<vmem>>
      tpu.vector_store_idx %scatter3A_2378[%add3A_327, %broadcast_in_dim3A_2354], %get3A_2374 : memref<32x129xf32, #tpu.memory_space<vmem>>[vector<16xi32>, vector<16xi32>], vector<16xf32>,
      %broadcast_in_dim3A_2379 = arith.constant 79 : i32
      %broadcast_in_dim3A_2380 = vector.broadcast %broadcast_in_dim3A_2379 : i32 to vector<16xi32>
      %get3A_2381 = arith.constant 79 : i32
      %get3A_2382 = arith.constant 0 : i32
      %get3A_2383 = arith.constant 0 : i32
      %get3A_2384 = tpu.memref_slice %arg6[%rem3A_269, %get3A_2382, %get3A_2383] : memref<2x128x32xf32, #tpu.memory_space<vmem>> -> memref<1x128x32xf32, #tpu.memory_space<vmem>>
      %get3A_2385 = tpu.memref_squeeze %get3A_2384 : memref<1x128x32xf32, #tpu.memory_space<vmem>> -> memref<128x32xf32, #tpu.memory_space<vmem>>
      %get3A_2386 = arith.index_cast %get3A_2381 : i32 to index
      %get3A_2387 = arith.constant 0 : index
      %get3A_2388 = tpu.vector_load %get3A_2385[%get3A_2386, %get3A_2387] {strides = array<i32>} : memref<128x32xf32, #tpu.memory_space<vmem>>, vector<16xf32>,
      %scatter3A_2389 = arith.constant 0 : i32
      %scatter3A_2390 = arith.constant 0 : i32
      %scatter3A_2391 = tpu.memref_slice %arg7[%rem3A_269, %scatter3A_2389, %scatter3A_2390] : memref<2x32x129xf32, #tpu.memory_space<vmem>> -> memref<1x32x129xf32, #tpu.memory_space<vmem>>
      %scatter3A_2392 = tpu.memref_squeeze %scatter3A_2391 : memref<1x32x129xf32, #tpu.memory_space<vmem>> -> memref<32x129xf32, #tpu.memory_space<vmem>>
      tpu.vector_store_idx %scatter3A_2392[%add3A_324, %broadcast_in_dim3A_2380], %get3A_2388 : memref<32x129xf32, #tpu.memory_space<vmem>>[vector<16xi32>, vector<16xi32>], vector<16xf32>,
      %get3A_2393 = arith.constant 79 : i32
      %get3A_2394 = arith.constant 0 : i32
      %get3A_2395 = arith.constant 0 : i32
      %get3A_2396 = tpu.memref_slice %arg6[%rem3A_269, %get3A_2394, %get3A_2395] : memref<2x128x32xf32, #tpu.memory_space<vmem>> -> memref<1x128x32xf32, #tpu.memory_space<vmem>>
      %get3A_2397 = tpu.memref_squeeze %get3A_2396 : memref<1x128x32xf32, #tpu.memory_space<vmem>> -> memref<128x32xf32, #tpu.memory_space<vmem>>
      %get3A_2398 = arith.index_cast %get3A_2393 : i32 to index
      %get3A_2399 = arith.constant 16 : index
      %get3A_2400 = tpu.vector_load %get3A_2397[%get3A_2398, %get3A_2399] {strides = array<i32>} : memref<128x32xf32, #tpu.memory_space<vmem>>, vector<16xf32>,
      %scatter3A_2401 = arith.constant 0 : i32
      %scatter3A_2402 = arith.constant 0 : i32
      %scatter3A_2403 = tpu.memref_slice %arg7[%rem3A_269, %scatter3A_2401, %scatter3A_2402] : memref<2x32x129xf32, #tpu.memory_space<vmem>> -> memref<1x32x129xf32, #tpu.memory_space<vmem>>
      %scatter3A_2404 = tpu.memref_squeeze %scatter3A_2403 : memref<1x32x129xf32, #tpu.memory_space<vmem>> -> memref<32x129xf32, #tpu.memory_space<vmem>>
      tpu.vector_store_idx %scatter3A_2404[%add3A_327, %broadcast_in_dim3A_2380], %get3A_2400 : memref<32x129xf32, #tpu.memory_space<vmem>>[vector<16xi32>, vector<16xi32>], vector<16xf32>,
      %broadcast_in_dim3A_2405 = arith.constant 80 : i32
      %broadcast_in_dim3A_2406 = vector.broadcast %broadcast_in_dim3A_2405 : i32 to vector<16xi32>
      %get3A_2407 = arith.constant 80 : i32
      %get3A_2408 = arith.constant 0 : i32
      %get3A_2409 = arith.constant 0 : i32
      %get3A_2410 = tpu.memref_slice %arg6[%rem3A_269, %get3A_2408, %get3A_2409] : memref<2x128x32xf32, #tpu.memory_space<vmem>> -> memref<1x128x32xf32, #tpu.memory_space<vmem>>
      %get3A_2411 = tpu.memref_squeeze %get3A_2410 : memref<1x128x32xf32, #tpu.memory_space<vmem>> -> memref<128x32xf32, #tpu.memory_space<vmem>>
      %get3A_2412 = arith.index_cast %get3A_2407 : i32 to index
      %get3A_2413 = arith.constant 0 : index
      %get3A_2414 = tpu.vector_load %get3A_2411[%get3A_2412, %get3A_2413] {strides = array<i32>} : memref<128x32xf32, #tpu.memory_space<vmem>>, vector<16xf32>,
      %scatter3A_2415 = arith.constant 0 : i32
      %scatter3A_2416 = arith.constant 0 : i32
      %scatter3A_2417 = tpu.memref_slice %arg7[%rem3A_269, %scatter3A_2415, %scatter3A_2416] : memref<2x32x129xf32, #tpu.memory_space<vmem>> -> memref<1x32x129xf32, #tpu.memory_space<vmem>>
      %scatter3A_2418 = tpu.memref_squeeze %scatter3A_2417 : memref<1x32x129xf32, #tpu.memory_space<vmem>> -> memref<32x129xf32, #tpu.memory_space<vmem>>
      tpu.vector_store_idx %scatter3A_2418[%add3A_324, %broadcast_in_dim3A_2406], %get3A_2414 : memref<32x129xf32, #tpu.memory_space<vmem>>[vector<16xi32>, vector<16xi32>], vector<16xf32>,
      %get3A_2419 = arith.constant 80 : i32
      %get3A_2420 = arith.constant 0 : i32
      %get3A_2421 = arith.constant 0 : i32
      %get3A_2422 = tpu.memref_slice %arg6[%rem3A_269, %get3A_2420, %get3A_2421] : memref<2x128x32xf32, #tpu.memory_space<vmem>> -> memref<1x128x32xf32, #tpu.memory_space<vmem>>
      %get3A_2423 = tpu.memref_squeeze %get3A_2422 : memref<1x128x32xf32, #tpu.memory_space<vmem>> -> memref<128x32xf32, #tpu.memory_space<vmem>>
      %get3A_2424 = arith.index_cast %get3A_2419 : i32 to index
      %get3A_2425 = arith.constant 16 : index
      %get3A_2426 = tpu.vector_load %get3A_2423[%get3A_2424, %get3A_2425] {strides = array<i32>} : memref<128x32xf32, #tpu.memory_space<vmem>>, vector<16xf32>,
      %scatter3A_2427 = arith.constant 0 : i32
      %scatter3A_2428 = arith.constant 0 : i32
      %scatter3A_2429 = tpu.memref_slice %arg7[%rem3A_269, %scatter3A_2427, %scatter3A_2428] : memref<2x32x129xf32, #tpu.memory_space<vmem>> -> memref<1x32x129xf32, #tpu.memory_space<vmem>>
      %scatter3A_2430 = tpu.memref_squeeze %scatter3A_2429 : memref<1x32x129xf32, #tpu.memory_space<vmem>> -> memref<32x129xf32, #tpu.memory_space<vmem>>
      tpu.vector_store_idx %scatter3A_2430[%add3A_327, %broadcast_in_dim3A_2406], %get3A_2426 : memref<32x129xf32, #tpu.memory_space<vmem>>[vector<16xi32>, vector<16xi32>], vector<16xf32>,
      %broadcast_in_dim3A_2431 = arith.constant 81 : i32
      %broadcast_in_dim3A_2432 = vector.broadcast %broadcast_in_dim3A_2431 : i32 to vector<16xi32>
      %get3A_2433 = arith.constant 81 : i32
      %get3A_2434 = arith.constant 0 : i32
      %get3A_2435 = arith.constant 0 : i32
      %get3A_2436 = tpu.memref_slice %arg6[%rem3A_269, %get3A_2434, %get3A_2435] : memref<2x128x32xf32, #tpu.memory_space<vmem>> -> memref<1x128x32xf32, #tpu.memory_space<vmem>>
      %get3A_2437 = tpu.memref_squeeze %get3A_2436 : memref<1x128x32xf32, #tpu.memory_space<vmem>> -> memref<128x32xf32, #tpu.memory_space<vmem>>
      %get3A_2438 = arith.index_cast %get3A_2433 : i32 to index
      %get3A_2439 = arith.constant 0 : index
      %get3A_2440 = tpu.vector_load %get3A_2437[%get3A_2438, %get3A_2439] {strides = array<i32>} : memref<128x32xf32, #tpu.memory_space<vmem>>, vector<16xf32>,
      %scatter3A_2441 = arith.constant 0 : i32
      %scatter3A_2442 = arith.constant 0 : i32
      %scatter3A_2443 = tpu.memref_slice %arg7[%rem3A_269, %scatter3A_2441, %scatter3A_2442] : memref<2x32x129xf32, #tpu.memory_space<vmem>> -> memref<1x32x129xf32, #tpu.memory_space<vmem>>
      %scatter3A_2444 = tpu.memref_squeeze %scatter3A_2443 : memref<1x32x129xf32, #tpu.memory_space<vmem>> -> memref<32x129xf32, #tpu.memory_space<vmem>>
      tpu.vector_store_idx %scatter3A_2444[%add3A_324, %broadcast_in_dim3A_2432], %get3A_2440 : memref<32x129xf32, #tpu.memory_space<vmem>>[vector<16xi32>, vector<16xi32>], vector<16xf32>,
      %get3A_2445 = arith.constant 81 : i32
      %get3A_2446 = arith.constant 0 : i32
      %get3A_2447 = arith.constant 0 : i32
      %get3A_2448 = tpu.memref_slice %arg6[%rem3A_269, %get3A_2446, %get3A_2447] : memref<2x128x32xf32, #tpu.memory_space<vmem>> -> memref<1x128x32xf32, #tpu.memory_space<vmem>>
      %get3A_2449 = tpu.memref_squeeze %get3A_2448 : memref<1x128x32xf32, #tpu.memory_space<vmem>> -> memref<128x32xf32, #tpu.memory_space<vmem>>
      %get3A_2450 = arith.index_cast %get3A_2445 : i32 to index
      %get3A_2451 = arith.constant 16 : index
      %get3A_2452 = tpu.vector_load %get3A_2449[%get3A_2450, %get3A_2451] {strides = array<i32>} : memref<128x32xf32, #tpu.memory_space<vmem>>, vector<16xf32>,
      %scatter3A_2453 = arith.constant 0 : i32
      %scatter3A_2454 = arith.constant 0 : i32
      %scatter3A_2455 = tpu.memref_slice %arg7[%rem3A_269, %scatter3A_2453, %scatter3A_2454] : memref<2x32x129xf32, #tpu.memory_space<vmem>> -> memref<1x32x129xf32, #tpu.memory_space<vmem>>
      %scatter3A_2456 = tpu.memref_squeeze %scatter3A_2455 : memref<1x32x129xf32, #tpu.memory_space<vmem>> -> memref<32x129xf32, #tpu.memory_space<vmem>>
      tpu.vector_store_idx %scatter3A_2456[%add3A_327, %broadcast_in_dim3A_2432], %get3A_2452 : memref<32x129xf32, #tpu.memory_space<vmem>>[vector<16xi32>, vector<16xi32>], vector<16xf32>,
      %broadcast_in_dim3A_2457 = arith.constant 82 : i32
      %broadcast_in_dim3A_2458 = vector.broadcast %broadcast_in_dim3A_2457 : i32 to vector<16xi32>
      %get3A_2459 = arith.constant 82 : i32
      %get3A_2460 = arith.constant 0 : i32
      %get3A_2461 = arith.constant 0 : i32
      %get3A_2462 = tpu.memref_slice %arg6[%rem3A_269, %get3A_2460, %get3A_2461] : memref<2x128x32xf32, #tpu.memory_space<vmem>> -> memref<1x128x32xf32, #tpu.memory_space<vmem>>
      %get3A_2463 = tpu.memref_squeeze %get3A_2462 : memref<1x128x32xf32, #tpu.memory_space<vmem>> -> memref<128x32xf32, #tpu.memory_space<vmem>>
      %get3A_2464 = arith.index_cast %get3A_2459 : i32 to index
      %get3A_2465 = arith.constant 0 : index
      %get3A_2466 = tpu.vector_load %get3A_2463[%get3A_2464, %get3A_2465] {strides = array<i32>} : memref<128x32xf32, #tpu.memory_space<vmem>>, vector<16xf32>,
      %scatter3A_2467 = arith.constant 0 : i32
      %scatter3A_2468 = arith.constant 0 : i32
      %scatter3A_2469 = tpu.memref_slice %arg7[%rem3A_269, %scatter3A_2467, %scatter3A_2468] : memref<2x32x129xf32, #tpu.memory_space<vmem>> -> memref<1x32x129xf32, #tpu.memory_space<vmem>>
      %scatter3A_2470 = tpu.memref_squeeze %scatter3A_2469 : memref<1x32x129xf32, #tpu.memory_space<vmem>> -> memref<32x129xf32, #tpu.memory_space<vmem>>
      tpu.vector_store_idx %scatter3A_2470[%add3A_324, %broadcast_in_dim3A_2458], %get3A_2466 : memref<32x129xf32, #tpu.memory_space<vmem>>[vector<16xi32>, vector<16xi32>], vector<16xf32>,
      %get3A_2471 = arith.constant 82 : i32
      %get3A_2472 = arith.constant 0 : i32
      %get3A_2473 = arith.constant 0 : i32
      %get3A_2474 = tpu.memref_slice %arg6[%rem3A_269, %get3A_2472, %get3A_2473] : memref<2x128x32xf32, #tpu.memory_space<vmem>> -> memref<1x128x32xf32, #tpu.memory_space<vmem>>
      %get3A_2475 = tpu.memref_squeeze %get3A_2474 : memref<1x128x32xf32, #tpu.memory_space<vmem>> -> memref<128x32xf32, #tpu.memory_space<vmem>>
      %get3A_2476 = arith.index_cast %get3A_2471 : i32 to index
      %get3A_2477 = arith.constant 16 : index
      %get3A_2478 = tpu.vector_load %get3A_2475[%get3A_2476, %get3A_2477] {strides = array<i32>} : memref<128x32xf32, #tpu.memory_space<vmem>>, vector<16xf32>,
      %scatter3A_2479 = arith.constant 0 : i32
      %scatter3A_2480 = arith.constant 0 : i32
      %scatter3A_2481 = tpu.memref_slice %arg7[%rem3A_269, %scatter3A_2479, %scatter3A_2480] : memref<2x32x129xf32, #tpu.memory_space<vmem>> -> memref<1x32x129xf32, #tpu.memory_space<vmem>>
      %scatter3A_2482 = tpu.memref_squeeze %scatter3A_2481 : memref<1x32x129xf32, #tpu.memory_space<vmem>> -> memref<32x129xf32, #tpu.memory_space<vmem>>
      tpu.vector_store_idx %scatter3A_2482[%add3A_327, %broadcast_in_dim3A_2458], %get3A_2478 : memref<32x129xf32, #tpu.memory_space<vmem>>[vector<16xi32>, vector<16xi32>], vector<16xf32>,
      %broadcast_in_dim3A_2483 = arith.constant 83 : i32
      %broadcast_in_dim3A_2484 = vector.broadcast %broadcast_in_dim3A_2483 : i32 to vector<16xi32>
      %get3A_2485 = arith.constant 83 : i32
      %get3A_2486 = arith.constant 0 : i32
      %get3A_2487 = arith.constant 0 : i32
      %get3A_2488 = tpu.memref_slice %arg6[%rem3A_269, %get3A_2486, %get3A_2487] : memref<2x128x32xf32, #tpu.memory_space<vmem>> -> memref<1x128x32xf32, #tpu.memory_space<vmem>>
      %get3A_2489 = tpu.memref_squeeze %get3A_2488 : memref<1x128x32xf32, #tpu.memory_space<vmem>> -> memref<128x32xf32, #tpu.memory_space<vmem>>
      %get3A_2490 = arith.index_cast %get3A_2485 : i32 to index
      %get3A_2491 = arith.constant 0 : index
      %get3A_2492 = tpu.vector_load %get3A_2489[%get3A_2490, %get3A_2491] {strides = array<i32>} : memref<128x32xf32, #tpu.memory_space<vmem>>, vector<16xf32>,
      %scatter3A_2493 = arith.constant 0 : i32
      %scatter3A_2494 = arith.constant 0 : i32
      %scatter3A_2495 = tpu.memref_slice %arg7[%rem3A_269, %scatter3A_2493, %scatter3A_2494] : memref<2x32x129xf32, #tpu.memory_space<vmem>> -> memref<1x32x129xf32, #tpu.memory_space<vmem>>
      %scatter3A_2496 = tpu.memref_squeeze %scatter3A_2495 : memref<1x32x129xf32, #tpu.memory_space<vmem>> -> memref<32x129xf32, #tpu.memory_space<vmem>>
      tpu.vector_store_idx %scatter3A_2496[%add3A_324, %broadcast_in_dim3A_2484], %get3A_2492 : memref<32x129xf32, #tpu.memory_space<vmem>>[vector<16xi32>, vector<16xi32>], vector<16xf32>,
      %get3A_2497 = arith.constant 83 : i32
      %get3A_2498 = arith.constant 0 : i32
      %get3A_2499 = arith.constant 0 : i32
      %get3A_2500 = tpu.memref_slice %arg6[%rem3A_269, %get3A_2498, %get3A_2499] : memref<2x128x32xf32, #tpu.memory_space<vmem>> -> memref<1x128x32xf32, #tpu.memory_space<vmem>>
      %get3A_2501 = tpu.memref_squeeze %get3A_2500 : memref<1x128x32xf32, #tpu.memory_space<vmem>> -> memref<128x32xf32, #tpu.memory_space<vmem>>
      %get3A_2502 = arith.index_cast %get3A_2497 : i32 to index
      %get3A_2503 = arith.constant 16 : index
      %get3A_2504 = tpu.vector_load %get3A_2501[%get3A_2502, %get3A_2503] {strides = array<i32>} : memref<128x32xf32, #tpu.memory_space<vmem>>, vector<16xf32>,
      %scatter3A_2505 = arith.constant 0 : i32
      %scatter3A_2506 = arith.constant 0 : i32
      %scatter3A_2507 = tpu.memref_slice %arg7[%rem3A_269, %scatter3A_2505, %scatter3A_2506] : memref<2x32x129xf32, #tpu.memory_space<vmem>> -> memref<1x32x129xf32, #tpu.memory_space<vmem>>
      %scatter3A_2508 = tpu.memref_squeeze %scatter3A_2507 : memref<1x32x129xf32, #tpu.memory_space<vmem>> -> memref<32x129xf32, #tpu.memory_space<vmem>>
      tpu.vector_store_idx %scatter3A_2508[%add3A_327, %broadcast_in_dim3A_2484], %get3A_2504 : memref<32x129xf32, #tpu.memory_space<vmem>>[vector<16xi32>, vector<16xi32>], vector<16xf32>,
      %broadcast_in_dim3A_2509 = arith.constant 84 : i32
      %broadcast_in_dim3A_2510 = vector.broadcast %broadcast_in_dim3A_2509 : i32 to vector<16xi32>
      %get3A_2511 = arith.constant 84 : i32
      %get3A_2512 = arith.constant 0 : i32
      %get3A_2513 = arith.constant 0 : i32
      %get3A_2514 = tpu.memref_slice %arg6[%rem3A_269, %get3A_2512, %get3A_2513] : memref<2x128x32xf32, #tpu.memory_space<vmem>> -> memref<1x128x32xf32, #tpu.memory_space<vmem>>
      %get3A_2515 = tpu.memref_squeeze %get3A_2514 : memref<1x128x32xf32, #tpu.memory_space<vmem>> -> memref<128x32xf32, #tpu.memory_space<vmem>>
      %get3A_2516 = arith.index_cast %get3A_2511 : i32 to index
      %get3A_2517 = arith.constant 0 : index
      %get3A_2518 = tpu.vector_load %get3A_2515[%get3A_2516, %get3A_2517] {strides = array<i32>} : memref<128x32xf32, #tpu.memory_space<vmem>>, vector<16xf32>,
      %scatter3A_2519 = arith.constant 0 : i32
      %scatter3A_2520 = arith.constant 0 : i32
      %scatter3A_2521 = tpu.memref_slice %arg7[%rem3A_269, %scatter3A_2519, %scatter3A_2520] : memref<2x32x129xf32, #tpu.memory_space<vmem>> -> memref<1x32x129xf32, #tpu.memory_space<vmem>>
      %scatter3A_2522 = tpu.memref_squeeze %scatter3A_2521 : memref<1x32x129xf32, #tpu.memory_space<vmem>> -> memref<32x129xf32, #tpu.memory_space<vmem>>
      tpu.vector_store_idx %scatter3A_2522[%add3A_324, %broadcast_in_dim3A_2510], %get3A_2518 : memref<32x129xf32, #tpu.memory_space<vmem>>[vector<16xi32>, vector<16xi32>], vector<16xf32>,
      %get3A_2523 = arith.constant 84 : i32
      %get3A_2524 = arith.constant 0 : i32
      %get3A_2525 = arith.constant 0 : i32
      %get3A_2526 = tpu.memref_slice %arg6[%rem3A_269, %get3A_2524, %get3A_2525] : memref<2x128x32xf32, #tpu.memory_space<vmem>> -> memref<1x128x32xf32, #tpu.memory_space<vmem>>
      %get3A_2527 = tpu.memref_squeeze %get3A_2526 : memref<1x128x32xf32, #tpu.memory_space<vmem>> -> memref<128x32xf32, #tpu.memory_space<vmem>>
      %get3A_2528 = arith.index_cast %get3A_2523 : i32 to index
      %get3A_2529 = arith.constant 16 : index
      %get3A_2530 = tpu.vector_load %get3A_2527[%get3A_2528, %get3A_2529] {strides = array<i32>} : memref<128x32xf32, #tpu.memory_space<vmem>>, vector<16xf32>,
      %scatter3A_2531 = arith.constant 0 : i32
      %scatter3A_2532 = arith.constant 0 : i32
      %scatter3A_2533 = tpu.memref_slice %arg7[%rem3A_269, %scatter3A_2531, %scatter3A_2532] : memref<2x32x129xf32, #tpu.memory_space<vmem>> -> memref<1x32x129xf32, #tpu.memory_space<vmem>>
      %scatter3A_2534 = tpu.memref_squeeze %scatter3A_2533 : memref<1x32x129xf32, #tpu.memory_space<vmem>> -> memref<32x129xf32, #tpu.memory_space<vmem>>
      tpu.vector_store_idx %scatter3A_2534[%add3A_327, %broadcast_in_dim3A_2510], %get3A_2530 : memref<32x129xf32, #tpu.memory_space<vmem>>[vector<16xi32>, vector<16xi32>], vector<16xf32>,
      %broadcast_in_dim3A_2535 = arith.constant 85 : i32
      %broadcast_in_dim3A_2536 = vector.broadcast %broadcast_in_dim3A_2535 : i32 to vector<16xi32>
      %get3A_2537 = arith.constant 85 : i32
      %get3A_2538 = arith.constant 0 : i32
      %get3A_2539 = arith.constant 0 : i32
      %get3A_2540 = tpu.memref_slice %arg6[%rem3A_269, %get3A_2538, %get3A_2539] : memref<2x128x32xf32, #tpu.memory_space<vmem>> -> memref<1x128x32xf32, #tpu.memory_space<vmem>>
      %get3A_2541 = tpu.memref_squeeze %get3A_2540 : memref<1x128x32xf32, #tpu.memory_space<vmem>> -> memref<128x32xf32, #tpu.memory_space<vmem>>
      %get3A_2542 = arith.index_cast %get3A_2537 : i32 to index
      %get3A_2543 = arith.constant 0 : index
      %get3A_2544 = tpu.vector_load %get3A_2541[%get3A_2542, %get3A_2543] {strides = array<i32>} : memref<128x32xf32, #tpu.memory_space<vmem>>, vector<16xf32>,
      %scatter3A_2545 = arith.constant 0 : i32
      %scatter3A_2546 = arith.constant 0 : i32
      %scatter3A_2547 = tpu.memref_slice %arg7[%rem3A_269, %scatter3A_2545, %scatter3A_2546] : memref<2x32x129xf32, #tpu.memory_space<vmem>> -> memref<1x32x129xf32, #tpu.memory_space<vmem>>
      %scatter3A_2548 = tpu.memref_squeeze %scatter3A_2547 : memref<1x32x129xf32, #tpu.memory_space<vmem>> -> memref<32x129xf32, #tpu.memory_space<vmem>>
      tpu.vector_store_idx %scatter3A_2548[%add3A_324, %broadcast_in_dim3A_2536], %get3A_2544 : memref<32x129xf32, #tpu.memory_space<vmem>>[vector<16xi32>, vector<16xi32>], vector<16xf32>,
      %get3A_2549 = arith.constant 85 : i32
      %get3A_2550 = arith.constant 0 : i32
      %get3A_2551 = arith.constant 0 : i32
      %get3A_2552 = tpu.memref_slice %arg6[%rem3A_269, %get3A_2550, %get3A_2551] : memref<2x128x32xf32, #tpu.memory_space<vmem>> -> memref<1x128x32xf32, #tpu.memory_space<vmem>>
      %get3A_2553 = tpu.memref_squeeze %get3A_2552 : memref<1x128x32xf32, #tpu.memory_space<vmem>> -> memref<128x32xf32, #tpu.memory_space<vmem>>
      %get3A_2554 = arith.index_cast %get3A_2549 : i32 to index
      %get3A_2555 = arith.constant 16 : index
      %get3A_2556 = tpu.vector_load %get3A_2553[%get3A_2554, %get3A_2555] {strides = array<i32>} : memref<128x32xf32, #tpu.memory_space<vmem>>, vector<16xf32>,
      %scatter3A_2557 = arith.constant 0 : i32
      %scatter3A_2558 = arith.constant 0 : i32
      %scatter3A_2559 = tpu.memref_slice %arg7[%rem3A_269, %scatter3A_2557, %scatter3A_2558] : memref<2x32x129xf32, #tpu.memory_space<vmem>> -> memref<1x32x129xf32, #tpu.memory_space<vmem>>
      %scatter3A_2560 = tpu.memref_squeeze %scatter3A_2559 : memref<1x32x129xf32, #tpu.memory_space<vmem>> -> memref<32x129xf32, #tpu.memory_space<vmem>>
      tpu.vector_store_idx %scatter3A_2560[%add3A_327, %broadcast_in_dim3A_2536], %get3A_2556 : memref<32x129xf32, #tpu.memory_space<vmem>>[vector<16xi32>, vector<16xi32>], vector<16xf32>,
      %broadcast_in_dim3A_2561 = arith.constant 86 : i32
      %broadcast_in_dim3A_2562 = vector.broadcast %broadcast_in_dim3A_2561 : i32 to vector<16xi32>
      %get3A_2563 = arith.constant 86 : i32
      %get3A_2564 = arith.constant 0 : i32
      %get3A_2565 = arith.constant 0 : i32
      %get3A_2566 = tpu.memref_slice %arg6[%rem3A_269, %get3A_2564, %get3A_2565] : memref<2x128x32xf32, #tpu.memory_space<vmem>> -> memref<1x128x32xf32, #tpu.memory_space<vmem>>
      %get3A_2567 = tpu.memref_squeeze %get3A_2566 : memref<1x128x32xf32, #tpu.memory_space<vmem>> -> memref<128x32xf32, #tpu.memory_space<vmem>>
      %get3A_2568 = arith.index_cast %get3A_2563 : i32 to index
      %get3A_2569 = arith.constant 0 : index
      %get3A_2570 = tpu.vector_load %get3A_2567[%get3A_2568, %get3A_2569] {strides = array<i32>} : memref<128x32xf32, #tpu.memory_space<vmem>>, vector<16xf32>,
      %scatter3A_2571 = arith.constant 0 : i32
      %scatter3A_2572 = arith.constant 0 : i32
      %scatter3A_2573 = tpu.memref_slice %arg7[%rem3A_269, %scatter3A_2571, %scatter3A_2572] : memref<2x32x129xf32, #tpu.memory_space<vmem>> -> memref<1x32x129xf32, #tpu.memory_space<vmem>>
      %scatter3A_2574 = tpu.memref_squeeze %scatter3A_2573 : memref<1x32x129xf32, #tpu.memory_space<vmem>> -> memref<32x129xf32, #tpu.memory_space<vmem>>
      tpu.vector_store_idx %scatter3A_2574[%add3A_324, %broadcast_in_dim3A_2562], %get3A_2570 : memref<32x129xf32, #tpu.memory_space<vmem>>[vector<16xi32>, vector<16xi32>], vector<16xf32>,
      %get3A_2575 = arith.constant 86 : i32
      %get3A_2576 = arith.constant 0 : i32
      %get3A_2577 = arith.constant 0 : i32
      %get3A_2578 = tpu.memref_slice %arg6[%rem3A_269, %get3A_2576, %get3A_2577] : memref<2x128x32xf32, #tpu.memory_space<vmem>> -> memref<1x128x32xf32, #tpu.memory_space<vmem>>
      %get3A_2579 = tpu.memref_squeeze %get3A_2578 : memref<1x128x32xf32, #tpu.memory_space<vmem>> -> memref<128x32xf32, #tpu.memory_space<vmem>>
      %get3A_2580 = arith.index_cast %get3A_2575 : i32 to index
      %get3A_2581 = arith.constant 16 : index
      %get3A_2582 = tpu.vector_load %get3A_2579[%get3A_2580, %get3A_2581] {strides = array<i32>} : memref<128x32xf32, #tpu.memory_space<vmem>>, vector<16xf32>,
      %scatter3A_2583 = arith.constant 0 : i32
      %scatter3A_2584 = arith.constant 0 : i32
      %scatter3A_2585 = tpu.memref_slice %arg7[%rem3A_269, %scatter3A_2583, %scatter3A_2584] : memref<2x32x129xf32, #tpu.memory_space<vmem>> -> memref<1x32x129xf32, #tpu.memory_space<vmem>>
      %scatter3A_2586 = tpu.memref_squeeze %scatter3A_2585 : memref<1x32x129xf32, #tpu.memory_space<vmem>> -> memref<32x129xf32, #tpu.memory_space<vmem>>
      tpu.vector_store_idx %scatter3A_2586[%add3A_327, %broadcast_in_dim3A_2562], %get3A_2582 : memref<32x129xf32, #tpu.memory_space<vmem>>[vector<16xi32>, vector<16xi32>], vector<16xf32>,
      %broadcast_in_dim3A_2587 = arith.constant 87 : i32
      %broadcast_in_dim3A_2588 = vector.broadcast %broadcast_in_dim3A_2587 : i32 to vector<16xi32>
      %get3A_2589 = arith.constant 87 : i32
      %get3A_2590 = arith.constant 0 : i32
      %get3A_2591 = arith.constant 0 : i32
      %get3A_2592 = tpu.memref_slice %arg6[%rem3A_269, %get3A_2590, %get3A_2591] : memref<2x128x32xf32, #tpu.memory_space<vmem>> -> memref<1x128x32xf32, #tpu.memory_space<vmem>>
      %get3A_2593 = tpu.memref_squeeze %get3A_2592 : memref<1x128x32xf32, #tpu.memory_space<vmem>> -> memref<128x32xf32, #tpu.memory_space<vmem>>
      %get3A_2594 = arith.index_cast %get3A_2589 : i32 to index
      %get3A_2595 = arith.constant 0 : index
      %get3A_2596 = tpu.vector_load %get3A_2593[%get3A_2594, %get3A_2595] {strides = array<i32>} : memref<128x32xf32, #tpu.memory_space<vmem>>, vector<16xf32>,
      %scatter3A_2597 = arith.constant 0 : i32
      %scatter3A_2598 = arith.constant 0 : i32
      %scatter3A_2599 = tpu.memref_slice %arg7[%rem3A_269, %scatter3A_2597, %scatter3A_2598] : memref<2x32x129xf32, #tpu.memory_space<vmem>> -> memref<1x32x129xf32, #tpu.memory_space<vmem>>
      %scatter3A_2600 = tpu.memref_squeeze %scatter3A_2599 : memref<1x32x129xf32, #tpu.memory_space<vmem>> -> memref<32x129xf32, #tpu.memory_space<vmem>>
      tpu.vector_store_idx %scatter3A_2600[%add3A_324, %broadcast_in_dim3A_2588], %get3A_2596 : memref<32x129xf32, #tpu.memory_space<vmem>>[vector<16xi32>, vector<16xi32>], vector<16xf32>,
      %get3A_2601 = arith.constant 87 : i32
      %get3A_2602 = arith.constant 0 : i32
      %get3A_2603 = arith.constant 0 : i32
      %get3A_2604 = tpu.memref_slice %arg6[%rem3A_269, %get3A_2602, %get3A_2603] : memref<2x128x32xf32, #tpu.memory_space<vmem>> -> memref<1x128x32xf32, #tpu.memory_space<vmem>>
      %get3A_2605 = tpu.memref_squeeze %get3A_2604 : memref<1x128x32xf32, #tpu.memory_space<vmem>> -> memref<128x32xf32, #tpu.memory_space<vmem>>
      %get3A_2606 = arith.index_cast %get3A_2601 : i32 to index
      %get3A_2607 = arith.constant 16 : index
      %get3A_2608 = tpu.vector_load %get3A_2605[%get3A_2606, %get3A_2607] {strides = array<i32>} : memref<128x32xf32, #tpu.memory_space<vmem>>, vector<16xf32>,
      %scatter3A_2609 = arith.constant 0 : i32
      %scatter3A_2610 = arith.constant 0 : i32
      %scatter3A_2611 = tpu.memref_slice %arg7[%rem3A_269, %scatter3A_2609, %scatter3A_2610] : memref<2x32x129xf32, #tpu.memory_space<vmem>> -> memref<1x32x129xf32, #tpu.memory_space<vmem>>
      %scatter3A_2612 = tpu.memref_squeeze %scatter3A_2611 : memref<1x32x129xf32, #tpu.memory_space<vmem>> -> memref<32x129xf32, #tpu.memory_space<vmem>>
      tpu.vector_store_idx %scatter3A_2612[%add3A_327, %broadcast_in_dim3A_2588], %get3A_2608 : memref<32x129xf32, #tpu.memory_space<vmem>>[vector<16xi32>, vector<16xi32>], vector<16xf32>,
      %broadcast_in_dim3A_2613 = arith.constant 88 : i32
      %broadcast_in_dim3A_2614 = vector.broadcast %broadcast_in_dim3A_2613 : i32 to vector<16xi32>
      %get3A_2615 = arith.constant 88 : i32
      %get3A_2616 = arith.constant 0 : i32
      %get3A_2617 = arith.constant 0 : i32
      %get3A_2618 = tpu.memref_slice %arg6[%rem3A_269, %get3A_2616, %get3A_2617] : memref<2x128x32xf32, #tpu.memory_space<vmem>> -> memref<1x128x32xf32, #tpu.memory_space<vmem>>
      %get3A_2619 = tpu.memref_squeeze %get3A_2618 : memref<1x128x32xf32, #tpu.memory_space<vmem>> -> memref<128x32xf32, #tpu.memory_space<vmem>>
      %get3A_2620 = arith.index_cast %get3A_2615 : i32 to index
      %get3A_2621 = arith.constant 0 : index
      %get3A_2622 = tpu.vector_load %get3A_2619[%get3A_2620, %get3A_2621] {strides = array<i32>} : memref<128x32xf32, #tpu.memory_space<vmem>>, vector<16xf32>,
      %scatter3A_2623 = arith.constant 0 : i32
      %scatter3A_2624 = arith.constant 0 : i32
      %scatter3A_2625 = tpu.memref_slice %arg7[%rem3A_269, %scatter3A_2623, %scatter3A_2624] : memref<2x32x129xf32, #tpu.memory_space<vmem>> -> memref<1x32x129xf32, #tpu.memory_space<vmem>>
      %scatter3A_2626 = tpu.memref_squeeze %scatter3A_2625 : memref<1x32x129xf32, #tpu.memory_space<vmem>> -> memref<32x129xf32, #tpu.memory_space<vmem>>
      tpu.vector_store_idx %scatter3A_2626[%add3A_324, %broadcast_in_dim3A_2614], %get3A_2622 : memref<32x129xf32, #tpu.memory_space<vmem>>[vector<16xi32>, vector<16xi32>], vector<16xf32>,
      %get3A_2627 = arith.constant 88 : i32
      %get3A_2628 = arith.constant 0 : i32
      %get3A_2629 = arith.constant 0 : i32
      %get3A_2630 = tpu.memref_slice %arg6[%rem3A_269, %get3A_2628, %get3A_2629] : memref<2x128x32xf32, #tpu.memory_space<vmem>> -> memref<1x128x32xf32, #tpu.memory_space<vmem>>
      %get3A_2631 = tpu.memref_squeeze %get3A_2630 : memref<1x128x32xf32, #tpu.memory_space<vmem>> -> memref<128x32xf32, #tpu.memory_space<vmem>>
      %get3A_2632 = arith.index_cast %get3A_2627 : i32 to index
      %get3A_2633 = arith.constant 16 : index
      %get3A_2634 = tpu.vector_load %get3A_2631[%get3A_2632, %get3A_2633] {strides = array<i32>} : memref<128x32xf32, #tpu.memory_space<vmem>>, vector<16xf32>,
      %scatter3A_2635 = arith.constant 0 : i32
      %scatter3A_2636 = arith.constant 0 : i32
      %scatter3A_2637 = tpu.memref_slice %arg7[%rem3A_269, %scatter3A_2635, %scatter3A_2636] : memref<2x32x129xf32, #tpu.memory_space<vmem>> -> memref<1x32x129xf32, #tpu.memory_space<vmem>>
      %scatter3A_2638 = tpu.memref_squeeze %scatter3A_2637 : memref<1x32x129xf32, #tpu.memory_space<vmem>> -> memref<32x129xf32, #tpu.memory_space<vmem>>
      tpu.vector_store_idx %scatter3A_2638[%add3A_327, %broadcast_in_dim3A_2614], %get3A_2634 : memref<32x129xf32, #tpu.memory_space<vmem>>[vector<16xi32>, vector<16xi32>], vector<16xf32>,
      %broadcast_in_dim3A_2639 = arith.constant 89 : i32
      %broadcast_in_dim3A_2640 = vector.broadcast %broadcast_in_dim3A_2639 : i32 to vector<16xi32>
      %get3A_2641 = arith.constant 89 : i32
      %get3A_2642 = arith.constant 0 : i32
      %get3A_2643 = arith.constant 0 : i32
      %get3A_2644 = tpu.memref_slice %arg6[%rem3A_269, %get3A_2642, %get3A_2643] : memref<2x128x32xf32, #tpu.memory_space<vmem>> -> memref<1x128x32xf32, #tpu.memory_space<vmem>>
      %get3A_2645 = tpu.memref_squeeze %get3A_2644 : memref<1x128x32xf32, #tpu.memory_space<vmem>> -> memref<128x32xf32, #tpu.memory_space<vmem>>
      %get3A_2646 = arith.index_cast %get3A_2641 : i32 to index
      %get3A_2647 = arith.constant 0 : index
      %get3A_2648 = tpu.vector_load %get3A_2645[%get3A_2646, %get3A_2647] {strides = array<i32>} : memref<128x32xf32, #tpu.memory_space<vmem>>, vector<16xf32>,
      %scatter3A_2649 = arith.constant 0 : i32
      %scatter3A_2650 = arith.constant 0 : i32
      %scatter3A_2651 = tpu.memref_slice %arg7[%rem3A_269, %scatter3A_2649, %scatter3A_2650] : memref<2x32x129xf32, #tpu.memory_space<vmem>> -> memref<1x32x129xf32, #tpu.memory_space<vmem>>
      %scatter3A_2652 = tpu.memref_squeeze %scatter3A_2651 : memref<1x32x129xf32, #tpu.memory_space<vmem>> -> memref<32x129xf32, #tpu.memory_space<vmem>>
      tpu.vector_store_idx %scatter3A_2652[%add3A_324, %broadcast_in_dim3A_2640], %get3A_2648 : memref<32x129xf32, #tpu.memory_space<vmem>>[vector<16xi32>, vector<16xi32>], vector<16xf32>,
      %get3A_2653 = arith.constant 89 : i32
      %get3A_2654 = arith.constant 0 : i32
      %get3A_2655 = arith.constant 0 : i32
      %get3A_2656 = tpu.memref_slice %arg6[%rem3A_269, %get3A_2654, %get3A_2655] : memref<2x128x32xf32, #tpu.memory_space<vmem>> -> memref<1x128x32xf32, #tpu.memory_space<vmem>>
      %get3A_2657 = tpu.memref_squeeze %get3A_2656 : memref<1x128x32xf32, #tpu.memory_space<vmem>> -> memref<128x32xf32, #tpu.memory_space<vmem>>
      %get3A_2658 = arith.index_cast %get3A_2653 : i32 to index
      %get3A_2659 = arith.constant 16 : index
      %get3A_2660 = tpu.vector_load %get3A_2657[%get3A_2658, %get3A_2659] {strides = array<i32>} : memref<128x32xf32, #tpu.memory_space<vmem>>, vector<16xf32>,
      %scatter3A_2661 = arith.constant 0 : i32
      %scatter3A_2662 = arith.constant 0 : i32
      %scatter3A_2663 = tpu.memref_slice %arg7[%rem3A_269, %scatter3A_2661, %scatter3A_2662] : memref<2x32x129xf32, #tpu.memory_space<vmem>> -> memref<1x32x129xf32, #tpu.memory_space<vmem>>
      %scatter3A_2664 = tpu.memref_squeeze %scatter3A_2663 : memref<1x32x129xf32, #tpu.memory_space<vmem>> -> memref<32x129xf32, #tpu.memory_space<vmem>>
      tpu.vector_store_idx %scatter3A_2664[%add3A_327, %broadcast_in_dim3A_2640], %get3A_2660 : memref<32x129xf32, #tpu.memory_space<vmem>>[vector<16xi32>, vector<16xi32>], vector<16xf32>,
      %broadcast_in_dim3A_2665 = arith.constant 90 : i32
      %broadcast_in_dim3A_2666 = vector.broadcast %broadcast_in_dim3A_2665 : i32 to vector<16xi32>
      %get3A_2667 = arith.constant 90 : i32
      %get3A_2668 = arith.constant 0 : i32
      %get3A_2669 = arith.constant 0 : i32
      %get3A_2670 = tpu.memref_slice %arg6[%rem3A_269, %get3A_2668, %get3A_2669] : memref<2x128x32xf32, #tpu.memory_space<vmem>> -> memref<1x128x32xf32, #tpu.memory_space<vmem>>
      %get3A_2671 = tpu.memref_squeeze %get3A_2670 : memref<1x128x32xf32, #tpu.memory_space<vmem>> -> memref<128x32xf32, #tpu.memory_space<vmem>>
      %get3A_2672 = arith.index_cast %get3A_2667 : i32 to index
      %get3A_2673 = arith.constant 0 : index
      %get3A_2674 = tpu.vector_load %get3A_2671[%get3A_2672, %get3A_2673] {strides = array<i32>} : memref<128x32xf32, #tpu.memory_space<vmem>>, vector<16xf32>,
      %scatter3A_2675 = arith.constant 0 : i32
      %scatter3A_2676 = arith.constant 0 : i32
      %scatter3A_2677 = tpu.memref_slice %arg7[%rem3A_269, %scatter3A_2675, %scatter3A_2676] : memref<2x32x129xf32, #tpu.memory_space<vmem>> -> memref<1x32x129xf32, #tpu.memory_space<vmem>>
      %scatter3A_2678 = tpu.memref_squeeze %scatter3A_2677 : memref<1x32x129xf32, #tpu.memory_space<vmem>> -> memref<32x129xf32, #tpu.memory_space<vmem>>
      tpu.vector_store_idx %scatter3A_2678[%add3A_324, %broadcast_in_dim3A_2666], %get3A_2674 : memref<32x129xf32, #tpu.memory_space<vmem>>[vector<16xi32>, vector<16xi32>], vector<16xf32>,
      %get3A_2679 = arith.constant 90 : i32
      %get3A_2680 = arith.constant 0 : i32
      %get3A_2681 = arith.constant 0 : i32
      %get3A_2682 = tpu.memref_slice %arg6[%rem3A_269, %get3A_2680, %get3A_2681] : memref<2x128x32xf32, #tpu.memory_space<vmem>> -> memref<1x128x32xf32, #tpu.memory_space<vmem>>
      %get3A_2683 = tpu.memref_squeeze %get3A_2682 : memref<1x128x32xf32, #tpu.memory_space<vmem>> -> memref<128x32xf32, #tpu.memory_space<vmem>>
      %get3A_2684 = arith.index_cast %get3A_2679 : i32 to index
      %get3A_2685 = arith.constant 16 : index
      %get3A_2686 = tpu.vector_load %get3A_2683[%get3A_2684, %get3A_2685] {strides = array<i32>} : memref<128x32xf32, #tpu.memory_space<vmem>>, vector<16xf32>,
      %scatter3A_2687 = arith.constant 0 : i32
      %scatter3A_2688 = arith.constant 0 : i32
      %scatter3A_2689 = tpu.memref_slice %arg7[%rem3A_269, %scatter3A_2687, %scatter3A_2688] : memref<2x32x129xf32, #tpu.memory_space<vmem>> -> memref<1x32x129xf32, #tpu.memory_space<vmem>>
      %scatter3A_2690 = tpu.memref_squeeze %scatter3A_2689 : memref<1x32x129xf32, #tpu.memory_space<vmem>> -> memref<32x129xf32, #tpu.memory_space<vmem>>
      tpu.vector_store_idx %scatter3A_2690[%add3A_327, %broadcast_in_dim3A_2666], %get3A_2686 : memref<32x129xf32, #tpu.memory_space<vmem>>[vector<16xi32>, vector<16xi32>], vector<16xf32>,
      %broadcast_in_dim3A_2691 = arith.constant 91 : i32
      %broadcast_in_dim3A_2692 = vector.broadcast %broadcast_in_dim3A_2691 : i32 to vector<16xi32>
      %get3A_2693 = arith.constant 91 : i32
      %get3A_2694 = arith.constant 0 : i32
      %get3A_2695 = arith.constant 0 : i32
      %get3A_2696 = tpu.memref_slice %arg6[%rem3A_269, %get3A_2694, %get3A_2695] : memref<2x128x32xf32, #tpu.memory_space<vmem>> -> memref<1x128x32xf32, #tpu.memory_space<vmem>>
      %get3A_2697 = tpu.memref_squeeze %get3A_2696 : memref<1x128x32xf32, #tpu.memory_space<vmem>> -> memref<128x32xf32, #tpu.memory_space<vmem>>
      %get3A_2698 = arith.index_cast %get3A_2693 : i32 to index
      %get3A_2699 = arith.constant 0 : index
      %get3A_2700 = tpu.vector_load %get3A_2697[%get3A_2698, %get3A_2699] {strides = array<i32>} : memref<128x32xf32, #tpu.memory_space<vmem>>, vector<16xf32>,
      %scatter3A_2701 = arith.constant 0 : i32
      %scatter3A_2702 = arith.constant 0 : i32
      %scatter3A_2703 = tpu.memref_slice %arg7[%rem3A_269, %scatter3A_2701, %scatter3A_2702] : memref<2x32x129xf32, #tpu.memory_space<vmem>> -> memref<1x32x129xf32, #tpu.memory_space<vmem>>
      %scatter3A_2704 = tpu.memref_squeeze %scatter3A_2703 : memref<1x32x129xf32, #tpu.memory_space<vmem>> -> memref<32x129xf32, #tpu.memory_space<vmem>>
      tpu.vector_store_idx %scatter3A_2704[%add3A_324, %broadcast_in_dim3A_2692], %get3A_2700 : memref<32x129xf32, #tpu.memory_space<vmem>>[vector<16xi32>, vector<16xi32>], vector<16xf32>,
      %get3A_2705 = arith.constant 91 : i32
      %get3A_2706 = arith.constant 0 : i32
      %get3A_2707 = arith.constant 0 : i32
      %get3A_2708 = tpu.memref_slice %arg6[%rem3A_269, %get3A_2706, %get3A_2707] : memref<2x128x32xf32, #tpu.memory_space<vmem>> -> memref<1x128x32xf32, #tpu.memory_space<vmem>>
      %get3A_2709 = tpu.memref_squeeze %get3A_2708 : memref<1x128x32xf32, #tpu.memory_space<vmem>> -> memref<128x32xf32, #tpu.memory_space<vmem>>
      %get3A_2710 = arith.index_cast %get3A_2705 : i32 to index
      %get3A_2711 = arith.constant 16 : index
      %get3A_2712 = tpu.vector_load %get3A_2709[%get3A_2710, %get3A_2711] {strides = array<i32>} : memref<128x32xf32, #tpu.memory_space<vmem>>, vector<16xf32>,
      %scatter3A_2713 = arith.constant 0 : i32
      %scatter3A_2714 = arith.constant 0 : i32
      %scatter3A_2715 = tpu.memref_slice %arg7[%rem3A_269, %scatter3A_2713, %scatter3A_2714] : memref<2x32x129xf32, #tpu.memory_space<vmem>> -> memref<1x32x129xf32, #tpu.memory_space<vmem>>
      %scatter3A_2716 = tpu.memref_squeeze %scatter3A_2715 : memref<1x32x129xf32, #tpu.memory_space<vmem>> -> memref<32x129xf32, #tpu.memory_space<vmem>>
      tpu.vector_store_idx %scatter3A_2716[%add3A_327, %broadcast_in_dim3A_2692], %get3A_2712 : memref<32x129xf32, #tpu.memory_space<vmem>>[vector<16xi32>, vector<16xi32>], vector<16xf32>,
      %broadcast_in_dim3A_2717 = arith.constant 92 : i32
      %broadcast_in_dim3A_2718 = vector.broadcast %broadcast_in_dim3A_2717 : i32 to vector<16xi32>
      %get3A_2719 = arith.constant 92 : i32
      %get3A_2720 = arith.constant 0 : i32
      %get3A_2721 = arith.constant 0 : i32
      %get3A_2722 = tpu.memref_slice %arg6[%rem3A_269, %get3A_2720, %get3A_2721] : memref<2x128x32xf32, #tpu.memory_space<vmem>> -> memref<1x128x32xf32, #tpu.memory_space<vmem>>
      %get3A_2723 = tpu.memref_squeeze %get3A_2722 : memref<1x128x32xf32, #tpu.memory_space<vmem>> -> memref<128x32xf32, #tpu.memory_space<vmem>>
      %get3A_2724 = arith.index_cast %get3A_2719 : i32 to index
      %get3A_2725 = arith.constant 0 : index
      %get3A_2726 = tpu.vector_load %get3A_2723[%get3A_2724, %get3A_2725] {strides = array<i32>} : memref<128x32xf32, #tpu.memory_space<vmem>>, vector<16xf32>,
      %scatter3A_2727 = arith.constant 0 : i32
      %scatter3A_2728 = arith.constant 0 : i32
      %scatter3A_2729 = tpu.memref_slice %arg7[%rem3A_269, %scatter3A_2727, %scatter3A_2728] : memref<2x32x129xf32, #tpu.memory_space<vmem>> -> memref<1x32x129xf32, #tpu.memory_space<vmem>>
      %scatter3A_2730 = tpu.memref_squeeze %scatter3A_2729 : memref<1x32x129xf32, #tpu.memory_space<vmem>> -> memref<32x129xf32, #tpu.memory_space<vmem>>
      tpu.vector_store_idx %scatter3A_2730[%add3A_324, %broadcast_in_dim3A_2718], %get3A_2726 : memref<32x129xf32, #tpu.memory_space<vmem>>[vector<16xi32>, vector<16xi32>], vector<16xf32>,
      %get3A_2731 = arith.constant 92 : i32
      %get3A_2732 = arith.constant 0 : i32
      %get3A_2733 = arith.constant 0 : i32
      %get3A_2734 = tpu.memref_slice %arg6[%rem3A_269, %get3A_2732, %get3A_2733] : memref<2x128x32xf32, #tpu.memory_space<vmem>> -> memref<1x128x32xf32, #tpu.memory_space<vmem>>
      %get3A_2735 = tpu.memref_squeeze %get3A_2734 : memref<1x128x32xf32, #tpu.memory_space<vmem>> -> memref<128x32xf32, #tpu.memory_space<vmem>>
      %get3A_2736 = arith.index_cast %get3A_2731 : i32 to index
      %get3A_2737 = arith.constant 16 : index
      %get3A_2738 = tpu.vector_load %get3A_2735[%get3A_2736, %get3A_2737] {strides = array<i32>} : memref<128x32xf32, #tpu.memory_space<vmem>>, vector<16xf32>,
      %scatter3A_2739 = arith.constant 0 : i32
      %scatter3A_2740 = arith.constant 0 : i32
      %scatter3A_2741 = tpu.memref_slice %arg7[%rem3A_269, %scatter3A_2739, %scatter3A_2740] : memref<2x32x129xf32, #tpu.memory_space<vmem>> -> memref<1x32x129xf32, #tpu.memory_space<vmem>>
      %scatter3A_2742 = tpu.memref_squeeze %scatter3A_2741 : memref<1x32x129xf32, #tpu.memory_space<vmem>> -> memref<32x129xf32, #tpu.memory_space<vmem>>
      tpu.vector_store_idx %scatter3A_2742[%add3A_327, %broadcast_in_dim3A_2718], %get3A_2738 : memref<32x129xf32, #tpu.memory_space<vmem>>[vector<16xi32>, vector<16xi32>], vector<16xf32>,
      %broadcast_in_dim3A_2743 = arith.constant 93 : i32
      %broadcast_in_dim3A_2744 = vector.broadcast %broadcast_in_dim3A_2743 : i32 to vector<16xi32>
      %get3A_2745 = arith.constant 93 : i32
      %get3A_2746 = arith.constant 0 : i32
      %get3A_2747 = arith.constant 0 : i32
      %get3A_2748 = tpu.memref_slice %arg6[%rem3A_269, %get3A_2746, %get3A_2747] : memref<2x128x32xf32, #tpu.memory_space<vmem>> -> memref<1x128x32xf32, #tpu.memory_space<vmem>>
      %get3A_2749 = tpu.memref_squeeze %get3A_2748 : memref<1x128x32xf32, #tpu.memory_space<vmem>> -> memref<128x32xf32, #tpu.memory_space<vmem>>
      %get3A_2750 = arith.index_cast %get3A_2745 : i32 to index
      %get3A_2751 = arith.constant 0 : index
      %get3A_2752 = tpu.vector_load %get3A_2749[%get3A_2750, %get3A_2751] {strides = array<i32>} : memref<128x32xf32, #tpu.memory_space<vmem>>, vector<16xf32>,
      %scatter3A_2753 = arith.constant 0 : i32
      %scatter3A_2754 = arith.constant 0 : i32
      %scatter3A_2755 = tpu.memref_slice %arg7[%rem3A_269, %scatter3A_2753, %scatter3A_2754] : memref<2x32x129xf32, #tpu.memory_space<vmem>> -> memref<1x32x129xf32, #tpu.memory_space<vmem>>
      %scatter3A_2756 = tpu.memref_squeeze %scatter3A_2755 : memref<1x32x129xf32, #tpu.memory_space<vmem>> -> memref<32x129xf32, #tpu.memory_space<vmem>>
      tpu.vector_store_idx %scatter3A_2756[%add3A_324, %broadcast_in_dim3A_2744], %get3A_2752 : memref<32x129xf32, #tpu.memory_space<vmem>>[vector<16xi32>, vector<16xi32>], vector<16xf32>,
      %get3A_2757 = arith.constant 93 : i32
      %get3A_2758 = arith.constant 0 : i32
      %get3A_2759 = arith.constant 0 : i32
      %get3A_2760 = tpu.memref_slice %arg6[%rem3A_269, %get3A_2758, %get3A_2759] : memref<2x128x32xf32, #tpu.memory_space<vmem>> -> memref<1x128x32xf32, #tpu.memory_space<vmem>>
      %get3A_2761 = tpu.memref_squeeze %get3A_2760 : memref<1x128x32xf32, #tpu.memory_space<vmem>> -> memref<128x32xf32, #tpu.memory_space<vmem>>
      %get3A_2762 = arith.index_cast %get3A_2757 : i32 to index
      %get3A_2763 = arith.constant 16 : index
      %get3A_2764 = tpu.vector_load %get3A_2761[%get3A_2762, %get3A_2763] {strides = array<i32>} : memref<128x32xf32, #tpu.memory_space<vmem>>, vector<16xf32>,
      %scatter3A_2765 = arith.constant 0 : i32
      %scatter3A_2766 = arith.constant 0 : i32
      %scatter3A_2767 = tpu.memref_slice %arg7[%rem3A_269, %scatter3A_2765, %scatter3A_2766] : memref<2x32x129xf32, #tpu.memory_space<vmem>> -> memref<1x32x129xf32, #tpu.memory_space<vmem>>
      %scatter3A_2768 = tpu.memref_squeeze %scatter3A_2767 : memref<1x32x129xf32, #tpu.memory_space<vmem>> -> memref<32x129xf32, #tpu.memory_space<vmem>>
      tpu.vector_store_idx %scatter3A_2768[%add3A_327, %broadcast_in_dim3A_2744], %get3A_2764 : memref<32x129xf32, #tpu.memory_space<vmem>>[vector<16xi32>, vector<16xi32>], vector<16xf32>,
      %broadcast_in_dim3A_2769 = arith.constant 94 : i32
      %broadcast_in_dim3A_2770 = vector.broadcast %broadcast_in_dim3A_2769 : i32 to vector<16xi32>
      %get3A_2771 = arith.constant 94 : i32
      %get3A_2772 = arith.constant 0 : i32
      %get3A_2773 = arith.constant 0 : i32
      %get3A_2774 = tpu.memref_slice %arg6[%rem3A_269, %get3A_2772, %get3A_2773] : memref<2x128x32xf32, #tpu.memory_space<vmem>> -> memref<1x128x32xf32, #tpu.memory_space<vmem>>
      %get3A_2775 = tpu.memref_squeeze %get3A_2774 : memref<1x128x32xf32, #tpu.memory_space<vmem>> -> memref<128x32xf32, #tpu.memory_space<vmem>>
      %get3A_2776 = arith.index_cast %get3A_2771 : i32 to index
      %get3A_2777 = arith.constant 0 : index
      %get3A_2778 = tpu.vector_load %get3A_2775[%get3A_2776, %get3A_2777] {strides = array<i32>} : memref<128x32xf32, #tpu.memory_space<vmem>>, vector<16xf32>,
      %scatter3A_2779 = arith.constant 0 : i32
      %scatter3A_2780 = arith.constant 0 : i32
      %scatter3A_2781 = tpu.memref_slice %arg7[%rem3A_269, %scatter3A_2779, %scatter3A_2780] : memref<2x32x129xf32, #tpu.memory_space<vmem>> -> memref<1x32x129xf32, #tpu.memory_space<vmem>>
      %scatter3A_2782 = tpu.memref_squeeze %scatter3A_2781 : memref<1x32x129xf32, #tpu.memory_space<vmem>> -> memref<32x129xf32, #tpu.memory_space<vmem>>
      tpu.vector_store_idx %scatter3A_2782[%add3A_324, %broadcast_in_dim3A_2770], %get3A_2778 : memref<32x129xf32, #tpu.memory_space<vmem>>[vector<16xi32>, vector<16xi32>], vector<16xf32>,
      %get3A_2783 = arith.constant 94 : i32
      %get3A_2784 = arith.constant 0 : i32
      %get3A_2785 = arith.constant 0 : i32
      %get3A_2786 = tpu.memref_slice %arg6[%rem3A_269, %get3A_2784, %get3A_2785] : memref<2x128x32xf32, #tpu.memory_space<vmem>> -> memref<1x128x32xf32, #tpu.memory_space<vmem>>
      %get3A_2787 = tpu.memref_squeeze %get3A_2786 : memref<1x128x32xf32, #tpu.memory_space<vmem>> -> memref<128x32xf32, #tpu.memory_space<vmem>>
      %get3A_2788 = arith.index_cast %get3A_2783 : i32 to index
      %get3A_2789 = arith.constant 16 : index
      %get3A_2790 = tpu.vector_load %get3A_2787[%get3A_2788, %get3A_2789] {strides = array<i32>} : memref<128x32xf32, #tpu.memory_space<vmem>>, vector<16xf32>,
      %scatter3A_2791 = arith.constant 0 : i32
      %scatter3A_2792 = arith.constant 0 : i32
      %scatter3A_2793 = tpu.memref_slice %arg7[%rem3A_269, %scatter3A_2791, %scatter3A_2792] : memref<2x32x129xf32, #tpu.memory_space<vmem>> -> memref<1x32x129xf32, #tpu.memory_space<vmem>>
      %scatter3A_2794 = tpu.memref_squeeze %scatter3A_2793 : memref<1x32x129xf32, #tpu.memory_space<vmem>> -> memref<32x129xf32, #tpu.memory_space<vmem>>
      tpu.vector_store_idx %scatter3A_2794[%add3A_327, %broadcast_in_dim3A_2770], %get3A_2790 : memref<32x129xf32, #tpu.memory_space<vmem>>[vector<16xi32>, vector<16xi32>], vector<16xf32>,
      %broadcast_in_dim3A_2795 = arith.constant 95 : i32
      %broadcast_in_dim3A_2796 = vector.broadcast %broadcast_in_dim3A_2795 : i32 to vector<16xi32>
      %get3A_2797 = arith.constant 95 : i32
      %get3A_2798 = arith.constant 0 : i32
      %get3A_2799 = arith.constant 0 : i32
      %get3A_2800 = tpu.memref_slice %arg6[%rem3A_269, %get3A_2798, %get3A_2799] : memref<2x128x32xf32, #tpu.memory_space<vmem>> -> memref<1x128x32xf32, #tpu.memory_space<vmem>>
      %get3A_2801 = tpu.memref_squeeze %get3A_2800 : memref<1x128x32xf32, #tpu.memory_space<vmem>> -> memref<128x32xf32, #tpu.memory_space<vmem>>
      %get3A_2802 = arith.index_cast %get3A_2797 : i32 to index
      %get3A_2803 = arith.constant 0 : index
      %get3A_2804 = tpu.vector_load %get3A_2801[%get3A_2802, %get3A_2803] {strides = array<i32>} : memref<128x32xf32, #tpu.memory_space<vmem>>, vector<16xf32>,
      %scatter3A_2805 = arith.constant 0 : i32
      %scatter3A_2806 = arith.constant 0 : i32
      %scatter3A_2807 = tpu.memref_slice %arg7[%rem3A_269, %scatter3A_2805, %scatter3A_2806] : memref<2x32x129xf32, #tpu.memory_space<vmem>> -> memref<1x32x129xf32, #tpu.memory_space<vmem>>
      %scatter3A_2808 = tpu.memref_squeeze %scatter3A_2807 : memref<1x32x129xf32, #tpu.memory_space<vmem>> -> memref<32x129xf32, #tpu.memory_space<vmem>>
      tpu.vector_store_idx %scatter3A_2808[%add3A_324, %broadcast_in_dim3A_2796], %get3A_2804 : memref<32x129xf32, #tpu.memory_space<vmem>>[vector<16xi32>, vector<16xi32>], vector<16xf32>,
      %get3A_2809 = arith.constant 95 : i32
      %get3A_2810 = arith.constant 0 : i32
      %get3A_2811 = arith.constant 0 : i32
      %get3A_2812 = tpu.memref_slice %arg6[%rem3A_269, %get3A_2810, %get3A_2811] : memref<2x128x32xf32, #tpu.memory_space<vmem>> -> memref<1x128x32xf32, #tpu.memory_space<vmem>>
      %get3A_2813 = tpu.memref_squeeze %get3A_2812 : memref<1x128x32xf32, #tpu.memory_space<vmem>> -> memref<128x32xf32, #tpu.memory_space<vmem>>
      %get3A_2814 = arith.index_cast %get3A_2809 : i32 to index
      %get3A_2815 = arith.constant 16 : index
      %get3A_2816 = tpu.vector_load %get3A_2813[%get3A_2814, %get3A_2815] {strides = array<i32>} : memref<128x32xf32, #tpu.memory_space<vmem>>, vector<16xf32>,
      %scatter3A_2817 = arith.constant 0 : i32
      %scatter3A_2818 = arith.constant 0 : i32
      %scatter3A_2819 = tpu.memref_slice %arg7[%rem3A_269, %scatter3A_2817, %scatter3A_2818] : memref<2x32x129xf32, #tpu.memory_space<vmem>> -> memref<1x32x129xf32, #tpu.memory_space<vmem>>
      %scatter3A_2820 = tpu.memref_squeeze %scatter3A_2819 : memref<1x32x129xf32, #tpu.memory_space<vmem>> -> memref<32x129xf32, #tpu.memory_space<vmem>>
      tpu.vector_store_idx %scatter3A_2820[%add3A_327, %broadcast_in_dim3A_2796], %get3A_2816 : memref<32x129xf32, #tpu.memory_space<vmem>>[vector<16xi32>, vector<16xi32>], vector<16xf32>,
      %broadcast_in_dim3A_2821 = arith.constant 96 : i32
      %broadcast_in_dim3A_2822 = vector.broadcast %broadcast_in_dim3A_2821 : i32 to vector<16xi32>
      %get3A_2823 = arith.constant 96 : i32
      %get3A_2824 = arith.constant 0 : i32
      %get3A_2825 = arith.constant 0 : i32
      %get3A_2826 = tpu.memref_slice %arg6[%rem3A_269, %get3A_2824, %get3A_2825] : memref<2x128x32xf32, #tpu.memory_space<vmem>> -> memref<1x128x32xf32, #tpu.memory_space<vmem>>
      %get3A_2827 = tpu.memref_squeeze %get3A_2826 : memref<1x128x32xf32, #tpu.memory_space<vmem>> -> memref<128x32xf32, #tpu.memory_space<vmem>>
      %get3A_2828 = arith.index_cast %get3A_2823 : i32 to index
      %get3A_2829 = arith.constant 0 : index
      %get3A_2830 = tpu.vector_load %get3A_2827[%get3A_2828, %get3A_2829] {strides = array<i32>} : memref<128x32xf32, #tpu.memory_space<vmem>>, vector<16xf32>,
      %scatter3A_2831 = arith.constant 0 : i32
      %scatter3A_2832 = arith.constant 0 : i32
      %scatter3A_2833 = tpu.memref_slice %arg7[%rem3A_269, %scatter3A_2831, %scatter3A_2832] : memref<2x32x129xf32, #tpu.memory_space<vmem>> -> memref<1x32x129xf32, #tpu.memory_space<vmem>>
      %scatter3A_2834 = tpu.memref_squeeze %scatter3A_2833 : memref<1x32x129xf32, #tpu.memory_space<vmem>> -> memref<32x129xf32, #tpu.memory_space<vmem>>
      tpu.vector_store_idx %scatter3A_2834[%add3A_324, %broadcast_in_dim3A_2822], %get3A_2830 : memref<32x129xf32, #tpu.memory_space<vmem>>[vector<16xi32>, vector<16xi32>], vector<16xf32>,
      %get3A_2835 = arith.constant 96 : i32
      %get3A_2836 = arith.constant 0 : i32
      %get3A_2837 = arith.constant 0 : i32
      %get3A_2838 = tpu.memref_slice %arg6[%rem3A_269, %get3A_2836, %get3A_2837] : memref<2x128x32xf32, #tpu.memory_space<vmem>> -> memref<1x128x32xf32, #tpu.memory_space<vmem>>
      %get3A_2839 = tpu.memref_squeeze %get3A_2838 : memref<1x128x32xf32, #tpu.memory_space<vmem>> -> memref<128x32xf32, #tpu.memory_space<vmem>>
      %get3A_2840 = arith.index_cast %get3A_2835 : i32 to index
      %get3A_2841 = arith.constant 16 : index
      %get3A_2842 = tpu.vector_load %get3A_2839[%get3A_2840, %get3A_2841] {strides = array<i32>} : memref<128x32xf32, #tpu.memory_space<vmem>>, vector<16xf32>,
      %scatter3A_2843 = arith.constant 0 : i32
      %scatter3A_2844 = arith.constant 0 : i32
      %scatter3A_2845 = tpu.memref_slice %arg7[%rem3A_269, %scatter3A_2843, %scatter3A_2844] : memref<2x32x129xf32, #tpu.memory_space<vmem>> -> memref<1x32x129xf32, #tpu.memory_space<vmem>>
      %scatter3A_2846 = tpu.memref_squeeze %scatter3A_2845 : memref<1x32x129xf32, #tpu.memory_space<vmem>> -> memref<32x129xf32, #tpu.memory_space<vmem>>
      tpu.vector_store_idx %scatter3A_2846[%add3A_327, %broadcast_in_dim3A_2822], %get3A_2842 : memref<32x129xf32, #tpu.memory_space<vmem>>[vector<16xi32>, vector<16xi32>], vector<16xf32>,
      %broadcast_in_dim3A_2847 = arith.constant 97 : i32
      %broadcast_in_dim3A_2848 = vector.broadcast %broadcast_in_dim3A_2847 : i32 to vector<16xi32>
      %get3A_2849 = arith.constant 97 : i32
      %get3A_2850 = arith.constant 0 : i32
      %get3A_2851 = arith.constant 0 : i32
      %get3A_2852 = tpu.memref_slice %arg6[%rem3A_269, %get3A_2850, %get3A_2851] : memref<2x128x32xf32, #tpu.memory_space<vmem>> -> memref<1x128x32xf32, #tpu.memory_space<vmem>>
      %get3A_2853 = tpu.memref_squeeze %get3A_2852 : memref<1x128x32xf32, #tpu.memory_space<vmem>> -> memref<128x32xf32, #tpu.memory_space<vmem>>
      %get3A_2854 = arith.index_cast %get3A_2849 : i32 to index
      %get3A_2855 = arith.constant 0 : index
      %get3A_2856 = tpu.vector_load %get3A_2853[%get3A_2854, %get3A_2855] {strides = array<i32>} : memref<128x32xf32, #tpu.memory_space<vmem>>, vector<16xf32>,
      %scatter3A_2857 = arith.constant 0 : i32
      %scatter3A_2858 = arith.constant 0 : i32
      %scatter3A_2859 = tpu.memref_slice %arg7[%rem3A_269, %scatter3A_2857, %scatter3A_2858] : memref<2x32x129xf32, #tpu.memory_space<vmem>> -> memref<1x32x129xf32, #tpu.memory_space<vmem>>
      %scatter3A_2860 = tpu.memref_squeeze %scatter3A_2859 : memref<1x32x129xf32, #tpu.memory_space<vmem>> -> memref<32x129xf32, #tpu.memory_space<vmem>>
      tpu.vector_store_idx %scatter3A_2860[%add3A_324, %broadcast_in_dim3A_2848], %get3A_2856 : memref<32x129xf32, #tpu.memory_space<vmem>>[vector<16xi32>, vector<16xi32>], vector<16xf32>,
      %get3A_2861 = arith.constant 97 : i32
      %get3A_2862 = arith.constant 0 : i32
      %get3A_2863 = arith.constant 0 : i32
      %get3A_2864 = tpu.memref_slice %arg6[%rem3A_269, %get3A_2862, %get3A_2863] : memref<2x128x32xf32, #tpu.memory_space<vmem>> -> memref<1x128x32xf32, #tpu.memory_space<vmem>>
      %get3A_2865 = tpu.memref_squeeze %get3A_2864 : memref<1x128x32xf32, #tpu.memory_space<vmem>> -> memref<128x32xf32, #tpu.memory_space<vmem>>
      %get3A_2866 = arith.index_cast %get3A_2861 : i32 to index
      %get3A_2867 = arith.constant 16 : index
      %get3A_2868 = tpu.vector_load %get3A_2865[%get3A_2866, %get3A_2867] {strides = array<i32>} : memref<128x32xf32, #tpu.memory_space<vmem>>, vector<16xf32>,
      %scatter3A_2869 = arith.constant 0 : i32
      %scatter3A_2870 = arith.constant 0 : i32
      %scatter3A_2871 = tpu.memref_slice %arg7[%rem3A_269, %scatter3A_2869, %scatter3A_2870] : memref<2x32x129xf32, #tpu.memory_space<vmem>> -> memref<1x32x129xf32, #tpu.memory_space<vmem>>
      %scatter3A_2872 = tpu.memref_squeeze %scatter3A_2871 : memref<1x32x129xf32, #tpu.memory_space<vmem>> -> memref<32x129xf32, #tpu.memory_space<vmem>>
      tpu.vector_store_idx %scatter3A_2872[%add3A_327, %broadcast_in_dim3A_2848], %get3A_2868 : memref<32x129xf32, #tpu.memory_space<vmem>>[vector<16xi32>, vector<16xi32>], vector<16xf32>,
      %broadcast_in_dim3A_2873 = arith.constant 98 : i32
      %broadcast_in_dim3A_2874 = vector.broadcast %broadcast_in_dim3A_2873 : i32 to vector<16xi32>
      %get3A_2875 = arith.constant 98 : i32
      %get3A_2876 = arith.constant 0 : i32
      %get3A_2877 = arith.constant 0 : i32
      %get3A_2878 = tpu.memref_slice %arg6[%rem3A_269, %get3A_2876, %get3A_2877] : memref<2x128x32xf32, #tpu.memory_space<vmem>> -> memref<1x128x32xf32, #tpu.memory_space<vmem>>
      %get3A_2879 = tpu.memref_squeeze %get3A_2878 : memref<1x128x32xf32, #tpu.memory_space<vmem>> -> memref<128x32xf32, #tpu.memory_space<vmem>>
      %get3A_2880 = arith.index_cast %get3A_2875 : i32 to index
      %get3A_2881 = arith.constant 0 : index
      %get3A_2882 = tpu.vector_load %get3A_2879[%get3A_2880, %get3A_2881] {strides = array<i32>} : memref<128x32xf32, #tpu.memory_space<vmem>>, vector<16xf32>,
      %scatter3A_2883 = arith.constant 0 : i32
      %scatter3A_2884 = arith.constant 0 : i32
      %scatter3A_2885 = tpu.memref_slice %arg7[%rem3A_269, %scatter3A_2883, %scatter3A_2884] : memref<2x32x129xf32, #tpu.memory_space<vmem>> -> memref<1x32x129xf32, #tpu.memory_space<vmem>>
      %scatter3A_2886 = tpu.memref_squeeze %scatter3A_2885 : memref<1x32x129xf32, #tpu.memory_space<vmem>> -> memref<32x129xf32, #tpu.memory_space<vmem>>
      tpu.vector_store_idx %scatter3A_2886[%add3A_324, %broadcast_in_dim3A_2874], %get3A_2882 : memref<32x129xf32, #tpu.memory_space<vmem>>[vector<16xi32>, vector<16xi32>], vector<16xf32>,
      %get3A_2887 = arith.constant 98 : i32
      %get3A_2888 = arith.constant 0 : i32
      %get3A_2889 = arith.constant 0 : i32
      %get3A_2890 = tpu.memref_slice %arg6[%rem3A_269, %get3A_2888, %get3A_2889] : memref<2x128x32xf32, #tpu.memory_space<vmem>> -> memref<1x128x32xf32, #tpu.memory_space<vmem>>
      %get3A_2891 = tpu.memref_squeeze %get3A_2890 : memref<1x128x32xf32, #tpu.memory_space<vmem>> -> memref<128x32xf32, #tpu.memory_space<vmem>>
      %get3A_2892 = arith.index_cast %get3A_2887 : i32 to index
      %get3A_2893 = arith.constant 16 : index
      %get3A_2894 = tpu.vector_load %get3A_2891[%get3A_2892, %get3A_2893] {strides = array<i32>} : memref<128x32xf32, #tpu.memory_space<vmem>>, vector<16xf32>,
      %scatter3A_2895 = arith.constant 0 : i32
      %scatter3A_2896 = arith.constant 0 : i32
      %scatter3A_2897 = tpu.memref_slice %arg7[%rem3A_269, %scatter3A_2895, %scatter3A_2896] : memref<2x32x129xf32, #tpu.memory_space<vmem>> -> memref<1x32x129xf32, #tpu.memory_space<vmem>>
      %scatter3A_2898 = tpu.memref_squeeze %scatter3A_2897 : memref<1x32x129xf32, #tpu.memory_space<vmem>> -> memref<32x129xf32, #tpu.memory_space<vmem>>
      tpu.vector_store_idx %scatter3A_2898[%add3A_327, %broadcast_in_dim3A_2874], %get3A_2894 : memref<32x129xf32, #tpu.memory_space<vmem>>[vector<16xi32>, vector<16xi32>], vector<16xf32>,
      %broadcast_in_dim3A_2899 = arith.constant 99 : i32
      %broadcast_in_dim3A_2900 = vector.broadcast %broadcast_in_dim3A_2899 : i32 to vector<16xi32>
      %get3A_2901 = arith.constant 99 : i32
      %get3A_2902 = arith.constant 0 : i32
      %get3A_2903 = arith.constant 0 : i32
      %get3A_2904 = tpu.memref_slice %arg6[%rem3A_269, %get3A_2902, %get3A_2903] : memref<2x128x32xf32, #tpu.memory_space<vmem>> -> memref<1x128x32xf32, #tpu.memory_space<vmem>>
      %get3A_2905 = tpu.memref_squeeze %get3A_2904 : memref<1x128x32xf32, #tpu.memory_space<vmem>> -> memref<128x32xf32, #tpu.memory_space<vmem>>
      %get3A_2906 = arith.index_cast %get3A_2901 : i32 to index
      %get3A_2907 = arith.constant 0 : index
      %get3A_2908 = tpu.vector_load %get3A_2905[%get3A_2906, %get3A_2907] {strides = array<i32>} : memref<128x32xf32, #tpu.memory_space<vmem>>, vector<16xf32>,
      %scatter3A_2909 = arith.constant 0 : i32
      %scatter3A_2910 = arith.constant 0 : i32
      %scatter3A_2911 = tpu.memref_slice %arg7[%rem3A_269, %scatter3A_2909, %scatter3A_2910] : memref<2x32x129xf32, #tpu.memory_space<vmem>> -> memref<1x32x129xf32, #tpu.memory_space<vmem>>
      %scatter3A_2912 = tpu.memref_squeeze %scatter3A_2911 : memref<1x32x129xf32, #tpu.memory_space<vmem>> -> memref<32x129xf32, #tpu.memory_space<vmem>>
      tpu.vector_store_idx %scatter3A_2912[%add3A_324, %broadcast_in_dim3A_2900], %get3A_2908 : memref<32x129xf32, #tpu.memory_space<vmem>>[vector<16xi32>, vector<16xi32>], vector<16xf32>,
      %get3A_2913 = arith.constant 99 : i32
      %get3A_2914 = arith.constant 0 : i32
      %get3A_2915 = arith.constant 0 : i32
      %get3A_2916 = tpu.memref_slice %arg6[%rem3A_269, %get3A_2914, %get3A_2915] : memref<2x128x32xf32, #tpu.memory_space<vmem>> -> memref<1x128x32xf32, #tpu.memory_space<vmem>>
      %get3A_2917 = tpu.memref_squeeze %get3A_2916 : memref<1x128x32xf32, #tpu.memory_space<vmem>> -> memref<128x32xf32, #tpu.memory_space<vmem>>
      %get3A_2918 = arith.index_cast %get3A_2913 : i32 to index
      %get3A_2919 = arith.constant 16 : index
      %get3A_2920 = tpu.vector_load %get3A_2917[%get3A_2918, %get3A_2919] {strides = array<i32>} : memref<128x32xf32, #tpu.memory_space<vmem>>, vector<16xf32>,
      %scatter3A_2921 = arith.constant 0 : i32
      %scatter3A_2922 = arith.constant 0 : i32
      %scatter3A_2923 = tpu.memref_slice %arg7[%rem3A_269, %scatter3A_2921, %scatter3A_2922] : memref<2x32x129xf32, #tpu.memory_space<vmem>> -> memref<1x32x129xf32, #tpu.memory_space<vmem>>
      %scatter3A_2924 = tpu.memref_squeeze %scatter3A_2923 : memref<1x32x129xf32, #tpu.memory_space<vmem>> -> memref<32x129xf32, #tpu.memory_space<vmem>>
      tpu.vector_store_idx %scatter3A_2924[%add3A_327, %broadcast_in_dim3A_2900], %get3A_2920 : memref<32x129xf32, #tpu.memory_space<vmem>>[vector<16xi32>, vector<16xi32>], vector<16xf32>,
      %broadcast_in_dim3A_2925 = arith.constant 100 : i32
      %broadcast_in_dim3A_2926 = vector.broadcast %broadcast_in_dim3A_2925 : i32 to vector<16xi32>
      %get3A_2927 = arith.constant 100 : i32
      %get3A_2928 = arith.constant 0 : i32
      %get3A_2929 = arith.constant 0 : i32
      %get3A_2930 = tpu.memref_slice %arg6[%rem3A_269, %get3A_2928, %get3A_2929] : memref<2x128x32xf32, #tpu.memory_space<vmem>> -> memref<1x128x32xf32, #tpu.memory_space<vmem>>
      %get3A_2931 = tpu.memref_squeeze %get3A_2930 : memref<1x128x32xf32, #tpu.memory_space<vmem>> -> memref<128x32xf32, #tpu.memory_space<vmem>>
      %get3A_2932 = arith.index_cast %get3A_2927 : i32 to index
      %get3A_2933 = arith.constant 0 : index
      %get3A_2934 = tpu.vector_load %get3A_2931[%get3A_2932, %get3A_2933] {strides = array<i32>} : memref<128x32xf32, #tpu.memory_space<vmem>>, vector<16xf32>,
      %scatter3A_2935 = arith.constant 0 : i32
      %scatter3A_2936 = arith.constant 0 : i32
      %scatter3A_2937 = tpu.memref_slice %arg7[%rem3A_269, %scatter3A_2935, %scatter3A_2936] : memref<2x32x129xf32, #tpu.memory_space<vmem>> -> memref<1x32x129xf32, #tpu.memory_space<vmem>>
      %scatter3A_2938 = tpu.memref_squeeze %scatter3A_2937 : memref<1x32x129xf32, #tpu.memory_space<vmem>> -> memref<32x129xf32, #tpu.memory_space<vmem>>
      tpu.vector_store_idx %scatter3A_2938[%add3A_324, %broadcast_in_dim3A_2926], %get3A_2934 : memref<32x129xf32, #tpu.memory_space<vmem>>[vector<16xi32>, vector<16xi32>], vector<16xf32>,
      %get3A_2939 = arith.constant 100 : i32
      %get3A_2940 = arith.constant 0 : i32
      %get3A_2941 = arith.constant 0 : i32
      %get3A_2942 = tpu.memref_slice %arg6[%rem3A_269, %get3A_2940, %get3A_2941] : memref<2x128x32xf32, #tpu.memory_space<vmem>> -> memref<1x128x32xf32, #tpu.memory_space<vmem>>
      %get3A_2943 = tpu.memref_squeeze %get3A_2942 : memref<1x128x32xf32, #tpu.memory_space<vmem>> -> memref<128x32xf32, #tpu.memory_space<vmem>>
      %get3A_2944 = arith.index_cast %get3A_2939 : i32 to index
      %get3A_2945 = arith.constant 16 : index
      %get3A_2946 = tpu.vector_load %get3A_2943[%get3A_2944, %get3A_2945] {strides = array<i32>} : memref<128x32xf32, #tpu.memory_space<vmem>>, vector<16xf32>,
      %scatter3A_2947 = arith.constant 0 : i32
      %scatter3A_2948 = arith.constant 0 : i32
      %scatter3A_2949 = tpu.memref_slice %arg7[%rem3A_269, %scatter3A_2947, %scatter3A_2948] : memref<2x32x129xf32, #tpu.memory_space<vmem>> -> memref<1x32x129xf32, #tpu.memory_space<vmem>>
      %scatter3A_2950 = tpu.memref_squeeze %scatter3A_2949 : memref<1x32x129xf32, #tpu.memory_space<vmem>> -> memref<32x129xf32, #tpu.memory_space<vmem>>
      tpu.vector_store_idx %scatter3A_2950[%add3A_327, %broadcast_in_dim3A_2926], %get3A_2946 : memref<32x129xf32, #tpu.memory_space<vmem>>[vector<16xi32>, vector<16xi32>], vector<16xf32>,
      %broadcast_in_dim3A_2951 = arith.constant 101 : i32
      %broadcast_in_dim3A_2952 = vector.broadcast %broadcast_in_dim3A_2951 : i32 to vector<16xi32>
      %get3A_2953 = arith.constant 101 : i32
      %get3A_2954 = arith.constant 0 : i32
      %get3A_2955 = arith.constant 0 : i32
      %get3A_2956 = tpu.memref_slice %arg6[%rem3A_269, %get3A_2954, %get3A_2955] : memref<2x128x32xf32, #tpu.memory_space<vmem>> -> memref<1x128x32xf32, #tpu.memory_space<vmem>>
      %get3A_2957 = tpu.memref_squeeze %get3A_2956 : memref<1x128x32xf32, #tpu.memory_space<vmem>> -> memref<128x32xf32, #tpu.memory_space<vmem>>
      %get3A_2958 = arith.index_cast %get3A_2953 : i32 to index
      %get3A_2959 = arith.constant 0 : index
      %get3A_2960 = tpu.vector_load %get3A_2957[%get3A_2958, %get3A_2959] {strides = array<i32>} : memref<128x32xf32, #tpu.memory_space<vmem>>, vector<16xf32>,
      %scatter3A_2961 = arith.constant 0 : i32
      %scatter3A_2962 = arith.constant 0 : i32
      %scatter3A_2963 = tpu.memref_slice %arg7[%rem3A_269, %scatter3A_2961, %scatter3A_2962] : memref<2x32x129xf32, #tpu.memory_space<vmem>> -> memref<1x32x129xf32, #tpu.memory_space<vmem>>
      %scatter3A_2964 = tpu.memref_squeeze %scatter3A_2963 : memref<1x32x129xf32, #tpu.memory_space<vmem>> -> memref<32x129xf32, #tpu.memory_space<vmem>>
      tpu.vector_store_idx %scatter3A_2964[%add3A_324, %broadcast_in_dim3A_2952], %get3A_2960 : memref<32x129xf32, #tpu.memory_space<vmem>>[vector<16xi32>, vector<16xi32>], vector<16xf32>,
      %get3A_2965 = arith.constant 101 : i32
      %get3A_2966 = arith.constant 0 : i32
      %get3A_2967 = arith.constant 0 : i32
      %get3A_2968 = tpu.memref_slice %arg6[%rem3A_269, %get3A_2966, %get3A_2967] : memref<2x128x32xf32, #tpu.memory_space<vmem>> -> memref<1x128x32xf32, #tpu.memory_space<vmem>>
      %get3A_2969 = tpu.memref_squeeze %get3A_2968 : memref<1x128x32xf32, #tpu.memory_space<vmem>> -> memref<128x32xf32, #tpu.memory_space<vmem>>
      %get3A_2970 = arith.index_cast %get3A_2965 : i32 to index
      %get3A_2971 = arith.constant 16 : index
      %get3A_2972 = tpu.vector_load %get3A_2969[%get3A_2970, %get3A_2971] {strides = array<i32>} : memref<128x32xf32, #tpu.memory_space<vmem>>, vector<16xf32>,
      %scatter3A_2973 = arith.constant 0 : i32
      %scatter3A_2974 = arith.constant 0 : i32
      %scatter3A_2975 = tpu.memref_slice %arg7[%rem3A_269, %scatter3A_2973, %scatter3A_2974] : memref<2x32x129xf32, #tpu.memory_space<vmem>> -> memref<1x32x129xf32, #tpu.memory_space<vmem>>
      %scatter3A_2976 = tpu.memref_squeeze %scatter3A_2975 : memref<1x32x129xf32, #tpu.memory_space<vmem>> -> memref<32x129xf32, #tpu.memory_space<vmem>>
      tpu.vector_store_idx %scatter3A_2976[%add3A_327, %broadcast_in_dim3A_2952], %get3A_2972 : memref<32x129xf32, #tpu.memory_space<vmem>>[vector<16xi32>, vector<16xi32>], vector<16xf32>,
      %broadcast_in_dim3A_2977 = arith.constant 102 : i32
      %broadcast_in_dim3A_2978 = vector.broadcast %broadcast_in_dim3A_2977 : i32 to vector<16xi32>
      %get3A_2979 = arith.constant 102 : i32
      %get3A_2980 = arith.constant 0 : i32
      %get3A_2981 = arith.constant 0 : i32
      %get3A_2982 = tpu.memref_slice %arg6[%rem3A_269, %get3A_2980, %get3A_2981] : memref<2x128x32xf32, #tpu.memory_space<vmem>> -> memref<1x128x32xf32, #tpu.memory_space<vmem>>
      %get3A_2983 = tpu.memref_squeeze %get3A_2982 : memref<1x128x32xf32, #tpu.memory_space<vmem>> -> memref<128x32xf32, #tpu.memory_space<vmem>>
      %get3A_2984 = arith.index_cast %get3A_2979 : i32 to index
      %get3A_2985 = arith.constant 0 : index
      %get3A_2986 = tpu.vector_load %get3A_2983[%get3A_2984, %get3A_2985] {strides = array<i32>} : memref<128x32xf32, #tpu.memory_space<vmem>>, vector<16xf32>,
      %scatter3A_2987 = arith.constant 0 : i32
      %scatter3A_2988 = arith.constant 0 : i32
      %scatter3A_2989 = tpu.memref_slice %arg7[%rem3A_269, %scatter3A_2987, %scatter3A_2988] : memref<2x32x129xf32, #tpu.memory_space<vmem>> -> memref<1x32x129xf32, #tpu.memory_space<vmem>>
      %scatter3A_2990 = tpu.memref_squeeze %scatter3A_2989 : memref<1x32x129xf32, #tpu.memory_space<vmem>> -> memref<32x129xf32, #tpu.memory_space<vmem>>
      tpu.vector_store_idx %scatter3A_2990[%add3A_324, %broadcast_in_dim3A_2978], %get3A_2986 : memref<32x129xf32, #tpu.memory_space<vmem>>[vector<16xi32>, vector<16xi32>], vector<16xf32>,
      %get3A_2991 = arith.constant 102 : i32
      %get3A_2992 = arith.constant 0 : i32
      %get3A_2993 = arith.constant 0 : i32
      %get3A_2994 = tpu.memref_slice %arg6[%rem3A_269, %get3A_2992, %get3A_2993] : memref<2x128x32xf32, #tpu.memory_space<vmem>> -> memref<1x128x32xf32, #tpu.memory_space<vmem>>
      %get3A_2995 = tpu.memref_squeeze %get3A_2994 : memref<1x128x32xf32, #tpu.memory_space<vmem>> -> memref<128x32xf32, #tpu.memory_space<vmem>>
      %get3A_2996 = arith.index_cast %get3A_2991 : i32 to index
      %get3A_2997 = arith.constant 16 : index
      %get3A_2998 = tpu.vector_load %get3A_2995[%get3A_2996, %get3A_2997] {strides = array<i32>} : memref<128x32xf32, #tpu.memory_space<vmem>>, vector<16xf32>,
      %scatter3A_2999 = arith.constant 0 : i32
      %scatter3A_3000 = arith.constant 0 : i32
      %scatter3A_3001 = tpu.memref_slice %arg7[%rem3A_269, %scatter3A_2999, %scatter3A_3000] : memref<2x32x129xf32, #tpu.memory_space<vmem>> -> memref<1x32x129xf32, #tpu.memory_space<vmem>>
      %scatter3A_3002 = tpu.memref_squeeze %scatter3A_3001 : memref<1x32x129xf32, #tpu.memory_space<vmem>> -> memref<32x129xf32, #tpu.memory_space<vmem>>
      tpu.vector_store_idx %scatter3A_3002[%add3A_327, %broadcast_in_dim3A_2978], %get3A_2998 : memref<32x129xf32, #tpu.memory_space<vmem>>[vector<16xi32>, vector<16xi32>], vector<16xf32>,
      %broadcast_in_dim3A_3003 = arith.constant 103 : i32
      %broadcast_in_dim3A_3004 = vector.broadcast %broadcast_in_dim3A_3003 : i32 to vector<16xi32>
      %get3A_3005 = arith.constant 103 : i32
      %get3A_3006 = arith.constant 0 : i32
      %get3A_3007 = arith.constant 0 : i32
      %get3A_3008 = tpu.memref_slice %arg6[%rem3A_269, %get3A_3006, %get3A_3007] : memref<2x128x32xf32, #tpu.memory_space<vmem>> -> memref<1x128x32xf32, #tpu.memory_space<vmem>>
      %get3A_3009 = tpu.memref_squeeze %get3A_3008 : memref<1x128x32xf32, #tpu.memory_space<vmem>> -> memref<128x32xf32, #tpu.memory_space<vmem>>
      %get3A_3010 = arith.index_cast %get3A_3005 : i32 to index
      %get3A_3011 = arith.constant 0 : index
      %get3A_3012 = tpu.vector_load %get3A_3009[%get3A_3010, %get3A_3011] {strides = array<i32>} : memref<128x32xf32, #tpu.memory_space<vmem>>, vector<16xf32>,
      %scatter3A_3013 = arith.constant 0 : i32
      %scatter3A_3014 = arith.constant 0 : i32
      %scatter3A_3015 = tpu.memref_slice %arg7[%rem3A_269, %scatter3A_3013, %scatter3A_3014] : memref<2x32x129xf32, #tpu.memory_space<vmem>> -> memref<1x32x129xf32, #tpu.memory_space<vmem>>
      %scatter3A_3016 = tpu.memref_squeeze %scatter3A_3015 : memref<1x32x129xf32, #tpu.memory_space<vmem>> -> memref<32x129xf32, #tpu.memory_space<vmem>>
      tpu.vector_store_idx %scatter3A_3016[%add3A_324, %broadcast_in_dim3A_3004], %get3A_3012 : memref<32x129xf32, #tpu.memory_space<vmem>>[vector<16xi32>, vector<16xi32>], vector<16xf32>,
      %get3A_3017 = arith.constant 103 : i32
      %get3A_3018 = arith.constant 0 : i32
      %get3A_3019 = arith.constant 0 : i32
      %get3A_3020 = tpu.memref_slice %arg6[%rem3A_269, %get3A_3018, %get3A_3019] : memref<2x128x32xf32, #tpu.memory_space<vmem>> -> memref<1x128x32xf32, #tpu.memory_space<vmem>>
      %get3A_3021 = tpu.memref_squeeze %get3A_3020 : memref<1x128x32xf32, #tpu.memory_space<vmem>> -> memref<128x32xf32, #tpu.memory_space<vmem>>
      %get3A_3022 = arith.index_cast %get3A_3017 : i32 to index
      %get3A_3023 = arith.constant 16 : index
      %get3A_3024 = tpu.vector_load %get3A_3021[%get3A_3022, %get3A_3023] {strides = array<i32>} : memref<128x32xf32, #tpu.memory_space<vmem>>, vector<16xf32>,
      %scatter3A_3025 = arith.constant 0 : i32
      %scatter3A_3026 = arith.constant 0 : i32
      %scatter3A_3027 = tpu.memref_slice %arg7[%rem3A_269, %scatter3A_3025, %scatter3A_3026] : memref<2x32x129xf32, #tpu.memory_space<vmem>> -> memref<1x32x129xf32, #tpu.memory_space<vmem>>
      %scatter3A_3028 = tpu.memref_squeeze %scatter3A_3027 : memref<1x32x129xf32, #tpu.memory_space<vmem>> -> memref<32x129xf32, #tpu.memory_space<vmem>>
      tpu.vector_store_idx %scatter3A_3028[%add3A_327, %broadcast_in_dim3A_3004], %get3A_3024 : memref<32x129xf32, #tpu.memory_space<vmem>>[vector<16xi32>, vector<16xi32>], vector<16xf32>,
      %broadcast_in_dim3A_3029 = arith.constant 104 : i32
      %broadcast_in_dim3A_3030 = vector.broadcast %broadcast_in_dim3A_3029 : i32 to vector<16xi32>
      %get3A_3031 = arith.constant 104 : i32
      %get3A_3032 = arith.constant 0 : i32
      %get3A_3033 = arith.constant 0 : i32
      %get3A_3034 = tpu.memref_slice %arg6[%rem3A_269, %get3A_3032, %get3A_3033] : memref<2x128x32xf32, #tpu.memory_space<vmem>> -> memref<1x128x32xf32, #tpu.memory_space<vmem>>
      %get3A_3035 = tpu.memref_squeeze %get3A_3034 : memref<1x128x32xf32, #tpu.memory_space<vmem>> -> memref<128x32xf32, #tpu.memory_space<vmem>>
      %get3A_3036 = arith.index_cast %get3A_3031 : i32 to index
      %get3A_3037 = arith.constant 0 : index
      %get3A_3038 = tpu.vector_load %get3A_3035[%get3A_3036, %get3A_3037] {strides = array<i32>} : memref<128x32xf32, #tpu.memory_space<vmem>>, vector<16xf32>,
      %scatter3A_3039 = arith.constant 0 : i32
      %scatter3A_3040 = arith.constant 0 : i32
      %scatter3A_3041 = tpu.memref_slice %arg7[%rem3A_269, %scatter3A_3039, %scatter3A_3040] : memref<2x32x129xf32, #tpu.memory_space<vmem>> -> memref<1x32x129xf32, #tpu.memory_space<vmem>>
      %scatter3A_3042 = tpu.memref_squeeze %scatter3A_3041 : memref<1x32x129xf32, #tpu.memory_space<vmem>> -> memref<32x129xf32, #tpu.memory_space<vmem>>
      tpu.vector_store_idx %scatter3A_3042[%add3A_324, %broadcast_in_dim3A_3030], %get3A_3038 : memref<32x129xf32, #tpu.memory_space<vmem>>[vector<16xi32>, vector<16xi32>], vector<16xf32>,
      %get3A_3043 = arith.constant 104 : i32
      %get3A_3044 = arith.constant 0 : i32
      %get3A_3045 = arith.constant 0 : i32
      %get3A_3046 = tpu.memref_slice %arg6[%rem3A_269, %get3A_3044, %get3A_3045] : memref<2x128x32xf32, #tpu.memory_space<vmem>> -> memref<1x128x32xf32, #tpu.memory_space<vmem>>
      %get3A_3047 = tpu.memref_squeeze %get3A_3046 : memref<1x128x32xf32, #tpu.memory_space<vmem>> -> memref<128x32xf32, #tpu.memory_space<vmem>>
      %get3A_3048 = arith.index_cast %get3A_3043 : i32 to index
      %get3A_3049 = arith.constant 16 : index
      %get3A_3050 = tpu.vector_load %get3A_3047[%get3A_3048, %get3A_3049] {strides = array<i32>} : memref<128x32xf32, #tpu.memory_space<vmem>>, vector<16xf32>,
      %scatter3A_3051 = arith.constant 0 : i32
      %scatter3A_3052 = arith.constant 0 : i32
      %scatter3A_3053 = tpu.memref_slice %arg7[%rem3A_269, %scatter3A_3051, %scatter3A_3052] : memref<2x32x129xf32, #tpu.memory_space<vmem>> -> memref<1x32x129xf32, #tpu.memory_space<vmem>>
      %scatter3A_3054 = tpu.memref_squeeze %scatter3A_3053 : memref<1x32x129xf32, #tpu.memory_space<vmem>> -> memref<32x129xf32, #tpu.memory_space<vmem>>
      tpu.vector_store_idx %scatter3A_3054[%add3A_327, %broadcast_in_dim3A_3030], %get3A_3050 : memref<32x129xf32, #tpu.memory_space<vmem>>[vector<16xi32>, vector<16xi32>], vector<16xf32>,
      %broadcast_in_dim3A_3055 = arith.constant 105 : i32
      %broadcast_in_dim3A_3056 = vector.broadcast %broadcast_in_dim3A_3055 : i32 to vector<16xi32>
      %get3A_3057 = arith.constant 105 : i32
      %get3A_3058 = arith.constant 0 : i32
      %get3A_3059 = arith.constant 0 : i32
      %get3A_3060 = tpu.memref_slice %arg6[%rem3A_269, %get3A_3058, %get3A_3059] : memref<2x128x32xf32, #tpu.memory_space<vmem>> -> memref<1x128x32xf32, #tpu.memory_space<vmem>>
      %get3A_3061 = tpu.memref_squeeze %get3A_3060 : memref<1x128x32xf32, #tpu.memory_space<vmem>> -> memref<128x32xf32, #tpu.memory_space<vmem>>
      %get3A_3062 = arith.index_cast %get3A_3057 : i32 to index
      %get3A_3063 = arith.constant 0 : index
      %get3A_3064 = tpu.vector_load %get3A_3061[%get3A_3062, %get3A_3063] {strides = array<i32>} : memref<128x32xf32, #tpu.memory_space<vmem>>, vector<16xf32>,
      %scatter3A_3065 = arith.constant 0 : i32
      %scatter3A_3066 = arith.constant 0 : i32
      %scatter3A_3067 = tpu.memref_slice %arg7[%rem3A_269, %scatter3A_3065, %scatter3A_3066] : memref<2x32x129xf32, #tpu.memory_space<vmem>> -> memref<1x32x129xf32, #tpu.memory_space<vmem>>
      %scatter3A_3068 = tpu.memref_squeeze %scatter3A_3067 : memref<1x32x129xf32, #tpu.memory_space<vmem>> -> memref<32x129xf32, #tpu.memory_space<vmem>>
      tpu.vector_store_idx %scatter3A_3068[%add3A_324, %broadcast_in_dim3A_3056], %get3A_3064 : memref<32x129xf32, #tpu.memory_space<vmem>>[vector<16xi32>, vector<16xi32>], vector<16xf32>,
      %get3A_3069 = arith.constant 105 : i32
      %get3A_3070 = arith.constant 0 : i32
      %get3A_3071 = arith.constant 0 : i32
      %get3A_3072 = tpu.memref_slice %arg6[%rem3A_269, %get3A_3070, %get3A_3071] : memref<2x128x32xf32, #tpu.memory_space<vmem>> -> memref<1x128x32xf32, #tpu.memory_space<vmem>>
      %get3A_3073 = tpu.memref_squeeze %get3A_3072 : memref<1x128x32xf32, #tpu.memory_space<vmem>> -> memref<128x32xf32, #tpu.memory_space<vmem>>
      %get3A_3074 = arith.index_cast %get3A_3069 : i32 to index
      %get3A_3075 = arith.constant 16 : index
      %get3A_3076 = tpu.vector_load %get3A_3073[%get3A_3074, %get3A_3075] {strides = array<i32>} : memref<128x32xf32, #tpu.memory_space<vmem>>, vector<16xf32>,
      %scatter3A_3077 = arith.constant 0 : i32
      %scatter3A_3078 = arith.constant 0 : i32
      %scatter3A_3079 = tpu.memref_slice %arg7[%rem3A_269, %scatter3A_3077, %scatter3A_3078] : memref<2x32x129xf32, #tpu.memory_space<vmem>> -> memref<1x32x129xf32, #tpu.memory_space<vmem>>
      %scatter3A_3080 = tpu.memref_squeeze %scatter3A_3079 : memref<1x32x129xf32, #tpu.memory_space<vmem>> -> memref<32x129xf32, #tpu.memory_space<vmem>>
      tpu.vector_store_idx %scatter3A_3080[%add3A_327, %broadcast_in_dim3A_3056], %get3A_3076 : memref<32x129xf32, #tpu.memory_space<vmem>>[vector<16xi32>, vector<16xi32>], vector<16xf32>,
      %broadcast_in_dim3A_3081 = arith.constant 106 : i32
      %broadcast_in_dim3A_3082 = vector.broadcast %broadcast_in_dim3A_3081 : i32 to vector<16xi32>
      %get3A_3083 = arith.constant 106 : i32
      %get3A_3084 = arith.constant 0 : i32
      %get3A_3085 = arith.constant 0 : i32
      %get3A_3086 = tpu.memref_slice %arg6[%rem3A_269, %get3A_3084, %get3A_3085] : memref<2x128x32xf32, #tpu.memory_space<vmem>> -> memref<1x128x32xf32, #tpu.memory_space<vmem>>
      %get3A_3087 = tpu.memref_squeeze %get3A_3086 : memref<1x128x32xf32, #tpu.memory_space<vmem>> -> memref<128x32xf32, #tpu.memory_space<vmem>>
      %get3A_3088 = arith.index_cast %get3A_3083 : i32 to index
      %get3A_3089 = arith.constant 0 : index
      %get3A_3090 = tpu.vector_load %get3A_3087[%get3A_3088, %get3A_3089] {strides = array<i32>} : memref<128x32xf32, #tpu.memory_space<vmem>>, vector<16xf32>,
      %scatter3A_3091 = arith.constant 0 : i32
      %scatter3A_3092 = arith.constant 0 : i32
      %scatter3A_3093 = tpu.memref_slice %arg7[%rem3A_269, %scatter3A_3091, %scatter3A_3092] : memref<2x32x129xf32, #tpu.memory_space<vmem>> -> memref<1x32x129xf32, #tpu.memory_space<vmem>>
      %scatter3A_3094 = tpu.memref_squeeze %scatter3A_3093 : memref<1x32x129xf32, #tpu.memory_space<vmem>> -> memref<32x129xf32, #tpu.memory_space<vmem>>
      tpu.vector_store_idx %scatter3A_3094[%add3A_324, %broadcast_in_dim3A_3082], %get3A_3090 : memref<32x129xf32, #tpu.memory_space<vmem>>[vector<16xi32>, vector<16xi32>], vector<16xf32>,
      %get3A_3095 = arith.constant 106 : i32
      %get3A_3096 = arith.constant 0 : i32
      %get3A_3097 = arith.constant 0 : i32
      %get3A_3098 = tpu.memref_slice %arg6[%rem3A_269, %get3A_3096, %get3A_3097] : memref<2x128x32xf32, #tpu.memory_space<vmem>> -> memref<1x128x32xf32, #tpu.memory_space<vmem>>
      %get3A_3099 = tpu.memref_squeeze %get3A_3098 : memref<1x128x32xf32, #tpu.memory_space<vmem>> -> memref<128x32xf32, #tpu.memory_space<vmem>>
      %get3A_3100 = arith.index_cast %get3A_3095 : i32 to index
      %get3A_3101 = arith.constant 16 : index
      %get3A_3102 = tpu.vector_load %get3A_3099[%get3A_3100, %get3A_3101] {strides = array<i32>} : memref<128x32xf32, #tpu.memory_space<vmem>>, vector<16xf32>,
      %scatter3A_3103 = arith.constant 0 : i32
      %scatter3A_3104 = arith.constant 0 : i32
      %scatter3A_3105 = tpu.memref_slice %arg7[%rem3A_269, %scatter3A_3103, %scatter3A_3104] : memref<2x32x129xf32, #tpu.memory_space<vmem>> -> memref<1x32x129xf32, #tpu.memory_space<vmem>>
      %scatter3A_3106 = tpu.memref_squeeze %scatter3A_3105 : memref<1x32x129xf32, #tpu.memory_space<vmem>> -> memref<32x129xf32, #tpu.memory_space<vmem>>
      tpu.vector_store_idx %scatter3A_3106[%add3A_327, %broadcast_in_dim3A_3082], %get3A_3102 : memref<32x129xf32, #tpu.memory_space<vmem>>[vector<16xi32>, vector<16xi32>], vector<16xf32>,
      %broadcast_in_dim3A_3107 = arith.constant 107 : i32
      %broadcast_in_dim3A_3108 = vector.broadcast %broadcast_in_dim3A_3107 : i32 to vector<16xi32>
      %get3A_3109 = arith.constant 107 : i32
      %get3A_3110 = arith.constant 0 : i32
      %get3A_3111 = arith.constant 0 : i32
      %get3A_3112 = tpu.memref_slice %arg6[%rem3A_269, %get3A_3110, %get3A_3111] : memref<2x128x32xf32, #tpu.memory_space<vmem>> -> memref<1x128x32xf32, #tpu.memory_space<vmem>>
      %get3A_3113 = tpu.memref_squeeze %get3A_3112 : memref<1x128x32xf32, #tpu.memory_space<vmem>> -> memref<128x32xf32, #tpu.memory_space<vmem>>
      %get3A_3114 = arith.index_cast %get3A_3109 : i32 to index
      %get3A_3115 = arith.constant 0 : index
      %get3A_3116 = tpu.vector_load %get3A_3113[%get3A_3114, %get3A_3115] {strides = array<i32>} : memref<128x32xf32, #tpu.memory_space<vmem>>, vector<16xf32>,
      %scatter3A_3117 = arith.constant 0 : i32
      %scatter3A_3118 = arith.constant 0 : i32
      %scatter3A_3119 = tpu.memref_slice %arg7[%rem3A_269, %scatter3A_3117, %scatter3A_3118] : memref<2x32x129xf32, #tpu.memory_space<vmem>> -> memref<1x32x129xf32, #tpu.memory_space<vmem>>
      %scatter3A_3120 = tpu.memref_squeeze %scatter3A_3119 : memref<1x32x129xf32, #tpu.memory_space<vmem>> -> memref<32x129xf32, #tpu.memory_space<vmem>>
      tpu.vector_store_idx %scatter3A_3120[%add3A_324, %broadcast_in_dim3A_3108], %get3A_3116 : memref<32x129xf32, #tpu.memory_space<vmem>>[vector<16xi32>, vector<16xi32>], vector<16xf32>,
      %get3A_3121 = arith.constant 107 : i32
      %get3A_3122 = arith.constant 0 : i32
      %get3A_3123 = arith.constant 0 : i32
      %get3A_3124 = tpu.memref_slice %arg6[%rem3A_269, %get3A_3122, %get3A_3123] : memref<2x128x32xf32, #tpu.memory_space<vmem>> -> memref<1x128x32xf32, #tpu.memory_space<vmem>>
      %get3A_3125 = tpu.memref_squeeze %get3A_3124 : memref<1x128x32xf32, #tpu.memory_space<vmem>> -> memref<128x32xf32, #tpu.memory_space<vmem>>
      %get3A_3126 = arith.index_cast %get3A_3121 : i32 to index
      %get3A_3127 = arith.constant 16 : index
      %get3A_3128 = tpu.vector_load %get3A_3125[%get3A_3126, %get3A_3127] {strides = array<i32>} : memref<128x32xf32, #tpu.memory_space<vmem>>, vector<16xf32>,
      %scatter3A_3129 = arith.constant 0 : i32
      %scatter3A_3130 = arith.constant 0 : i32
      %scatter3A_3131 = tpu.memref_slice %arg7[%rem3A_269, %scatter3A_3129, %scatter3A_3130] : memref<2x32x129xf32, #tpu.memory_space<vmem>> -> memref<1x32x129xf32, #tpu.memory_space<vmem>>
      %scatter3A_3132 = tpu.memref_squeeze %scatter3A_3131 : memref<1x32x129xf32, #tpu.memory_space<vmem>> -> memref<32x129xf32, #tpu.memory_space<vmem>>
      tpu.vector_store_idx %scatter3A_3132[%add3A_327, %broadcast_in_dim3A_3108], %get3A_3128 : memref<32x129xf32, #tpu.memory_space<vmem>>[vector<16xi32>, vector<16xi32>], vector<16xf32>,
      %broadcast_in_dim3A_3133 = arith.constant 108 : i32
      %broadcast_in_dim3A_3134 = vector.broadcast %broadcast_in_dim3A_3133 : i32 to vector<16xi32>
      %get3A_3135 = arith.constant 108 : i32
      %get3A_3136 = arith.constant 0 : i32
      %get3A_3137 = arith.constant 0 : i32
      %get3A_3138 = tpu.memref_slice %arg6[%rem3A_269, %get3A_3136, %get3A_3137] : memref<2x128x32xf32, #tpu.memory_space<vmem>> -> memref<1x128x32xf32, #tpu.memory_space<vmem>>
      %get3A_3139 = tpu.memref_squeeze %get3A_3138 : memref<1x128x32xf32, #tpu.memory_space<vmem>> -> memref<128x32xf32, #tpu.memory_space<vmem>>
      %get3A_3140 = arith.index_cast %get3A_3135 : i32 to index
      %get3A_3141 = arith.constant 0 : index
      %get3A_3142 = tpu.vector_load %get3A_3139[%get3A_3140, %get3A_3141] {strides = array<i32>} : memref<128x32xf32, #tpu.memory_space<vmem>>, vector<16xf32>,
      %scatter3A_3143 = arith.constant 0 : i32
      %scatter3A_3144 = arith.constant 0 : i32
      %scatter3A_3145 = tpu.memref_slice %arg7[%rem3A_269, %scatter3A_3143, %scatter3A_3144] : memref<2x32x129xf32, #tpu.memory_space<vmem>> -> memref<1x32x129xf32, #tpu.memory_space<vmem>>
      %scatter3A_3146 = tpu.memref_squeeze %scatter3A_3145 : memref<1x32x129xf32, #tpu.memory_space<vmem>> -> memref<32x129xf32, #tpu.memory_space<vmem>>
      tpu.vector_store_idx %scatter3A_3146[%add3A_324, %broadcast_in_dim3A_3134], %get3A_3142 : memref<32x129xf32, #tpu.memory_space<vmem>>[vector<16xi32>, vector<16xi32>], vector<16xf32>,
      %get3A_3147 = arith.constant 108 : i32
      %get3A_3148 = arith.constant 0 : i32
      %get3A_3149 = arith.constant 0 : i32
      %get3A_3150 = tpu.memref_slice %arg6[%rem3A_269, %get3A_3148, %get3A_3149] : memref<2x128x32xf32, #tpu.memory_space<vmem>> -> memref<1x128x32xf32, #tpu.memory_space<vmem>>
      %get3A_3151 = tpu.memref_squeeze %get3A_3150 : memref<1x128x32xf32, #tpu.memory_space<vmem>> -> memref<128x32xf32, #tpu.memory_space<vmem>>
      %get3A_3152 = arith.index_cast %get3A_3147 : i32 to index
      %get3A_3153 = arith.constant 16 : index
      %get3A_3154 = tpu.vector_load %get3A_3151[%get3A_3152, %get3A_3153] {strides = array<i32>} : memref<128x32xf32, #tpu.memory_space<vmem>>, vector<16xf32>,
      %scatter3A_3155 = arith.constant 0 : i32
      %scatter3A_3156 = arith.constant 0 : i32
      %scatter3A_3157 = tpu.memref_slice %arg7[%rem3A_269, %scatter3A_3155, %scatter3A_3156] : memref<2x32x129xf32, #tpu.memory_space<vmem>> -> memref<1x32x129xf32, #tpu.memory_space<vmem>>
      %scatter3A_3158 = tpu.memref_squeeze %scatter3A_3157 : memref<1x32x129xf32, #tpu.memory_space<vmem>> -> memref<32x129xf32, #tpu.memory_space<vmem>>
      tpu.vector_store_idx %scatter3A_3158[%add3A_327, %broadcast_in_dim3A_3134], %get3A_3154 : memref<32x129xf32, #tpu.memory_space<vmem>>[vector<16xi32>, vector<16xi32>], vector<16xf32>,
      %broadcast_in_dim3A_3159 = arith.constant 109 : i32
      %broadcast_in_dim3A_3160 = vector.broadcast %broadcast_in_dim3A_3159 : i32 to vector<16xi32>
      %get3A_3161 = arith.constant 109 : i32
      %get3A_3162 = arith.constant 0 : i32
      %get3A_3163 = arith.constant 0 : i32
      %get3A_3164 = tpu.memref_slice %arg6[%rem3A_269, %get3A_3162, %get3A_3163] : memref<2x128x32xf32, #tpu.memory_space<vmem>> -> memref<1x128x32xf32, #tpu.memory_space<vmem>>
      %get3A_3165 = tpu.memref_squeeze %get3A_3164 : memref<1x128x32xf32, #tpu.memory_space<vmem>> -> memref<128x32xf32, #tpu.memory_space<vmem>>
      %get3A_3166 = arith.index_cast %get3A_3161 : i32 to index
      %get3A_3167 = arith.constant 0 : index
      %get3A_3168 = tpu.vector_load %get3A_3165[%get3A_3166, %get3A_3167] {strides = array<i32>} : memref<128x32xf32, #tpu.memory_space<vmem>>, vector<16xf32>,
      %scatter3A_3169 = arith.constant 0 : i32
      %scatter3A_3170 = arith.constant 0 : i32
      %scatter3A_3171 = tpu.memref_slice %arg7[%rem3A_269, %scatter3A_3169, %scatter3A_3170] : memref<2x32x129xf32, #tpu.memory_space<vmem>> -> memref<1x32x129xf32, #tpu.memory_space<vmem>>
      %scatter3A_3172 = tpu.memref_squeeze %scatter3A_3171 : memref<1x32x129xf32, #tpu.memory_space<vmem>> -> memref<32x129xf32, #tpu.memory_space<vmem>>
      tpu.vector_store_idx %scatter3A_3172[%add3A_324, %broadcast_in_dim3A_3160], %get3A_3168 : memref<32x129xf32, #tpu.memory_space<vmem>>[vector<16xi32>, vector<16xi32>], vector<16xf32>,
      %get3A_3173 = arith.constant 109 : i32
      %get3A_3174 = arith.constant 0 : i32
      %get3A_3175 = arith.constant 0 : i32
      %get3A_3176 = tpu.memref_slice %arg6[%rem3A_269, %get3A_3174, %get3A_3175] : memref<2x128x32xf32, #tpu.memory_space<vmem>> -> memref<1x128x32xf32, #tpu.memory_space<vmem>>
      %get3A_3177 = tpu.memref_squeeze %get3A_3176 : memref<1x128x32xf32, #tpu.memory_space<vmem>> -> memref<128x32xf32, #tpu.memory_space<vmem>>
      %get3A_3178 = arith.index_cast %get3A_3173 : i32 to index
      %get3A_3179 = arith.constant 16 : index
      %get3A_3180 = tpu.vector_load %get3A_3177[%get3A_3178, %get3A_3179] {strides = array<i32>} : memref<128x32xf32, #tpu.memory_space<vmem>>, vector<16xf32>,
      %scatter3A_3181 = arith.constant 0 : i32
      %scatter3A_3182 = arith.constant 0 : i32
      %scatter3A_3183 = tpu.memref_slice %arg7[%rem3A_269, %scatter3A_3181, %scatter3A_3182] : memref<2x32x129xf32, #tpu.memory_space<vmem>> -> memref<1x32x129xf32, #tpu.memory_space<vmem>>
      %scatter3A_3184 = tpu.memref_squeeze %scatter3A_3183 : memref<1x32x129xf32, #tpu.memory_space<vmem>> -> memref<32x129xf32, #tpu.memory_space<vmem>>
      tpu.vector_store_idx %scatter3A_3184[%add3A_327, %broadcast_in_dim3A_3160], %get3A_3180 : memref<32x129xf32, #tpu.memory_space<vmem>>[vector<16xi32>, vector<16xi32>], vector<16xf32>,
      %broadcast_in_dim3A_3185 = arith.constant 110 : i32
      %broadcast_in_dim3A_3186 = vector.broadcast %broadcast_in_dim3A_3185 : i32 to vector<16xi32>
      %get3A_3187 = arith.constant 110 : i32
      %get3A_3188 = arith.constant 0 : i32
      %get3A_3189 = arith.constant 0 : i32
      %get3A_3190 = tpu.memref_slice %arg6[%rem3A_269, %get3A_3188, %get3A_3189] : memref<2x128x32xf32, #tpu.memory_space<vmem>> -> memref<1x128x32xf32, #tpu.memory_space<vmem>>
      %get3A_3191 = tpu.memref_squeeze %get3A_3190 : memref<1x128x32xf32, #tpu.memory_space<vmem>> -> memref<128x32xf32, #tpu.memory_space<vmem>>
      %get3A_3192 = arith.index_cast %get3A_3187 : i32 to index
      %get3A_3193 = arith.constant 0 : index
      %get3A_3194 = tpu.vector_load %get3A_3191[%get3A_3192, %get3A_3193] {strides = array<i32>} : memref<128x32xf32, #tpu.memory_space<vmem>>, vector<16xf32>,
      %scatter3A_3195 = arith.constant 0 : i32
      %scatter3A_3196 = arith.constant 0 : i32
      %scatter3A_3197 = tpu.memref_slice %arg7[%rem3A_269, %scatter3A_3195, %scatter3A_3196] : memref<2x32x129xf32, #tpu.memory_space<vmem>> -> memref<1x32x129xf32, #tpu.memory_space<vmem>>
      %scatter3A_3198 = tpu.memref_squeeze %scatter3A_3197 : memref<1x32x129xf32, #tpu.memory_space<vmem>> -> memref<32x129xf32, #tpu.memory_space<vmem>>
      tpu.vector_store_idx %scatter3A_3198[%add3A_324, %broadcast_in_dim3A_3186], %get3A_3194 : memref<32x129xf32, #tpu.memory_space<vmem>>[vector<16xi32>, vector<16xi32>], vector<16xf32>,
      %get3A_3199 = arith.constant 110 : i32
      %get3A_3200 = arith.constant 0 : i32
      %get3A_3201 = arith.constant 0 : i32
      %get3A_3202 = tpu.memref_slice %arg6[%rem3A_269, %get3A_3200, %get3A_3201] : memref<2x128x32xf32, #tpu.memory_space<vmem>> -> memref<1x128x32xf32, #tpu.memory_space<vmem>>
      %get3A_3203 = tpu.memref_squeeze %get3A_3202 : memref<1x128x32xf32, #tpu.memory_space<vmem>> -> memref<128x32xf32, #tpu.memory_space<vmem>>
      %get3A_3204 = arith.index_cast %get3A_3199 : i32 to index
      %get3A_3205 = arith.constant 16 : index
      %get3A_3206 = tpu.vector_load %get3A_3203[%get3A_3204, %get3A_3205] {strides = array<i32>} : memref<128x32xf32, #tpu.memory_space<vmem>>, vector<16xf32>,
      %scatter3A_3207 = arith.constant 0 : i32
      %scatter3A_3208 = arith.constant 0 : i32
      %scatter3A_3209 = tpu.memref_slice %arg7[%rem3A_269, %scatter3A_3207, %scatter3A_3208] : memref<2x32x129xf32, #tpu.memory_space<vmem>> -> memref<1x32x129xf32, #tpu.memory_space<vmem>>
      %scatter3A_3210 = tpu.memref_squeeze %scatter3A_3209 : memref<1x32x129xf32, #tpu.memory_space<vmem>> -> memref<32x129xf32, #tpu.memory_space<vmem>>
      tpu.vector_store_idx %scatter3A_3210[%add3A_327, %broadcast_in_dim3A_3186], %get3A_3206 : memref<32x129xf32, #tpu.memory_space<vmem>>[vector<16xi32>, vector<16xi32>], vector<16xf32>,
      %broadcast_in_dim3A_3211 = arith.constant 111 : i32
      %broadcast_in_dim3A_3212 = vector.broadcast %broadcast_in_dim3A_3211 : i32 to vector<16xi32>
      %get3A_3213 = arith.constant 111 : i32
      %get3A_3214 = arith.constant 0 : i32
      %get3A_3215 = arith.constant 0 : i32
      %get3A_3216 = tpu.memref_slice %arg6[%rem3A_269, %get3A_3214, %get3A_3215] : memref<2x128x32xf32, #tpu.memory_space<vmem>> -> memref<1x128x32xf32, #tpu.memory_space<vmem>>
      %get3A_3217 = tpu.memref_squeeze %get3A_3216 : memref<1x128x32xf32, #tpu.memory_space<vmem>> -> memref<128x32xf32, #tpu.memory_space<vmem>>
      %get3A_3218 = arith.index_cast %get3A_3213 : i32 to index
      %get3A_3219 = arith.constant 0 : index
      %get3A_3220 = tpu.vector_load %get3A_3217[%get3A_3218, %get3A_3219] {strides = array<i32>} : memref<128x32xf32, #tpu.memory_space<vmem>>, vector<16xf32>,
      %scatter3A_3221 = arith.constant 0 : i32
      %scatter3A_3222 = arith.constant 0 : i32
      %scatter3A_3223 = tpu.memref_slice %arg7[%rem3A_269, %scatter3A_3221, %scatter3A_3222] : memref<2x32x129xf32, #tpu.memory_space<vmem>> -> memref<1x32x129xf32, #tpu.memory_space<vmem>>
      %scatter3A_3224 = tpu.memref_squeeze %scatter3A_3223 : memref<1x32x129xf32, #tpu.memory_space<vmem>> -> memref<32x129xf32, #tpu.memory_space<vmem>>
      tpu.vector_store_idx %scatter3A_3224[%add3A_324, %broadcast_in_dim3A_3212], %get3A_3220 : memref<32x129xf32, #tpu.memory_space<vmem>>[vector<16xi32>, vector<16xi32>], vector<16xf32>,
      %get3A_3225 = arith.constant 111 : i32
      %get3A_3226 = arith.constant 0 : i32
      %get3A_3227 = arith.constant 0 : i32
      %get3A_3228 = tpu.memref_slice %arg6[%rem3A_269, %get3A_3226, %get3A_3227] : memref<2x128x32xf32, #tpu.memory_space<vmem>> -> memref<1x128x32xf32, #tpu.memory_space<vmem>>
      %get3A_3229 = tpu.memref_squeeze %get3A_3228 : memref<1x128x32xf32, #tpu.memory_space<vmem>> -> memref<128x32xf32, #tpu.memory_space<vmem>>
      %get3A_3230 = arith.index_cast %get3A_3225 : i32 to index
      %get3A_3231 = arith.constant 16 : index
      %get3A_3232 = tpu.vector_load %get3A_3229[%get3A_3230, %get3A_3231] {strides = array<i32>} : memref<128x32xf32, #tpu.memory_space<vmem>>, vector<16xf32>,
      %scatter3A_3233 = arith.constant 0 : i32
      %scatter3A_3234 = arith.constant 0 : i32
      %scatter3A_3235 = tpu.memref_slice %arg7[%rem3A_269, %scatter3A_3233, %scatter3A_3234] : memref<2x32x129xf32, #tpu.memory_space<vmem>> -> memref<1x32x129xf32, #tpu.memory_space<vmem>>
      %scatter3A_3236 = tpu.memref_squeeze %scatter3A_3235 : memref<1x32x129xf32, #tpu.memory_space<vmem>> -> memref<32x129xf32, #tpu.memory_space<vmem>>
      tpu.vector_store_idx %scatter3A_3236[%add3A_327, %broadcast_in_dim3A_3212], %get3A_3232 : memref<32x129xf32, #tpu.memory_space<vmem>>[vector<16xi32>, vector<16xi32>], vector<16xf32>,
      %broadcast_in_dim3A_3237 = arith.constant 112 : i32
      %broadcast_in_dim3A_3238 = vector.broadcast %broadcast_in_dim3A_3237 : i32 to vector<16xi32>
      %get3A_3239 = arith.constant 112 : i32
      %get3A_3240 = arith.constant 0 : i32
      %get3A_3241 = arith.constant 0 : i32
      %get3A_3242 = tpu.memref_slice %arg6[%rem3A_269, %get3A_3240, %get3A_3241] : memref<2x128x32xf32, #tpu.memory_space<vmem>> -> memref<1x128x32xf32, #tpu.memory_space<vmem>>
      %get3A_3243 = tpu.memref_squeeze %get3A_3242 : memref<1x128x32xf32, #tpu.memory_space<vmem>> -> memref<128x32xf32, #tpu.memory_space<vmem>>
      %get3A_3244 = arith.index_cast %get3A_3239 : i32 to index
      %get3A_3245 = arith.constant 0 : index
      %get3A_3246 = tpu.vector_load %get3A_3243[%get3A_3244, %get3A_3245] {strides = array<i32>} : memref<128x32xf32, #tpu.memory_space<vmem>>, vector<16xf32>,
      %scatter3A_3247 = arith.constant 0 : i32
      %scatter3A_3248 = arith.constant 0 : i32
      %scatter3A_3249 = tpu.memref_slice %arg7[%rem3A_269, %scatter3A_3247, %scatter3A_3248] : memref<2x32x129xf32, #tpu.memory_space<vmem>> -> memref<1x32x129xf32, #tpu.memory_space<vmem>>
      %scatter3A_3250 = tpu.memref_squeeze %scatter3A_3249 : memref<1x32x129xf32, #tpu.memory_space<vmem>> -> memref<32x129xf32, #tpu.memory_space<vmem>>
      tpu.vector_store_idx %scatter3A_3250[%add3A_324, %broadcast_in_dim3A_3238], %get3A_3246 : memref<32x129xf32, #tpu.memory_space<vmem>>[vector<16xi32>, vector<16xi32>], vector<16xf32>,
      %get3A_3251 = arith.constant 112 : i32
      %get3A_3252 = arith.constant 0 : i32
      %get3A_3253 = arith.constant 0 : i32
      %get3A_3254 = tpu.memref_slice %arg6[%rem3A_269, %get3A_3252, %get3A_3253] : memref<2x128x32xf32, #tpu.memory_space<vmem>> -> memref<1x128x32xf32, #tpu.memory_space<vmem>>
      %get3A_3255 = tpu.memref_squeeze %get3A_3254 : memref<1x128x32xf32, #tpu.memory_space<vmem>> -> memref<128x32xf32, #tpu.memory_space<vmem>>
      %get3A_3256 = arith.index_cast %get3A_3251 : i32 to index
      %get3A_3257 = arith.constant 16 : index
      %get3A_3258 = tpu.vector_load %get3A_3255[%get3A_3256, %get3A_3257] {strides = array<i32>} : memref<128x32xf32, #tpu.memory_space<vmem>>, vector<16xf32>,
      %scatter3A_3259 = arith.constant 0 : i32
      %scatter3A_3260 = arith.constant 0 : i32
      %scatter3A_3261 = tpu.memref_slice %arg7[%rem3A_269, %scatter3A_3259, %scatter3A_3260] : memref<2x32x129xf32, #tpu.memory_space<vmem>> -> memref<1x32x129xf32, #tpu.memory_space<vmem>>
      %scatter3A_3262 = tpu.memref_squeeze %scatter3A_3261 : memref<1x32x129xf32, #tpu.memory_space<vmem>> -> memref<32x129xf32, #tpu.memory_space<vmem>>
      tpu.vector_store_idx %scatter3A_3262[%add3A_327, %broadcast_in_dim3A_3238], %get3A_3258 : memref<32x129xf32, #tpu.memory_space<vmem>>[vector<16xi32>, vector<16xi32>], vector<16xf32>,
      %broadcast_in_dim3A_3263 = arith.constant 113 : i32
      %broadcast_in_dim3A_3264 = vector.broadcast %broadcast_in_dim3A_3263 : i32 to vector<16xi32>
      %get3A_3265 = arith.constant 113 : i32
      %get3A_3266 = arith.constant 0 : i32
      %get3A_3267 = arith.constant 0 : i32
      %get3A_3268 = tpu.memref_slice %arg6[%rem3A_269, %get3A_3266, %get3A_3267] : memref<2x128x32xf32, #tpu.memory_space<vmem>> -> memref<1x128x32xf32, #tpu.memory_space<vmem>>
      %get3A_3269 = tpu.memref_squeeze %get3A_3268 : memref<1x128x32xf32, #tpu.memory_space<vmem>> -> memref<128x32xf32, #tpu.memory_space<vmem>>
      %get3A_3270 = arith.index_cast %get3A_3265 : i32 to index
      %get3A_3271 = arith.constant 0 : index
      %get3A_3272 = tpu.vector_load %get3A_3269[%get3A_3270, %get3A_3271] {strides = array<i32>} : memref<128x32xf32, #tpu.memory_space<vmem>>, vector<16xf32>,
      %scatter3A_3273 = arith.constant 0 : i32
      %scatter3A_3274 = arith.constant 0 : i32
      %scatter3A_3275 = tpu.memref_slice %arg7[%rem3A_269, %scatter3A_3273, %scatter3A_3274] : memref<2x32x129xf32, #tpu.memory_space<vmem>> -> memref<1x32x129xf32, #tpu.memory_space<vmem>>
      %scatter3A_3276 = tpu.memref_squeeze %scatter3A_3275 : memref<1x32x129xf32, #tpu.memory_space<vmem>> -> memref<32x129xf32, #tpu.memory_space<vmem>>
      tpu.vector_store_idx %scatter3A_3276[%add3A_324, %broadcast_in_dim3A_3264], %get3A_3272 : memref<32x129xf32, #tpu.memory_space<vmem>>[vector<16xi32>, vector<16xi32>], vector<16xf32>,
      %get3A_3277 = arith.constant 113 : i32
      %get3A_3278 = arith.constant 0 : i32
      %get3A_3279 = arith.constant 0 : i32
      %get3A_3280 = tpu.memref_slice %arg6[%rem3A_269, %get3A_3278, %get3A_3279] : memref<2x128x32xf32, #tpu.memory_space<vmem>> -> memref<1x128x32xf32, #tpu.memory_space<vmem>>
      %get3A_3281 = tpu.memref_squeeze %get3A_3280 : memref<1x128x32xf32, #tpu.memory_space<vmem>> -> memref<128x32xf32, #tpu.memory_space<vmem>>
      %get3A_3282 = arith.index_cast %get3A_3277 : i32 to index
      %get3A_3283 = arith.constant 16 : index
      %get3A_3284 = tpu.vector_load %get3A_3281[%get3A_3282, %get3A_3283] {strides = array<i32>} : memref<128x32xf32, #tpu.memory_space<vmem>>, vector<16xf32>,
      %scatter3A_3285 = arith.constant 0 : i32
      %scatter3A_3286 = arith.constant 0 : i32
      %scatter3A_3287 = tpu.memref_slice %arg7[%rem3A_269, %scatter3A_3285, %scatter3A_3286] : memref<2x32x129xf32, #tpu.memory_space<vmem>> -> memref<1x32x129xf32, #tpu.memory_space<vmem>>
      %scatter3A_3288 = tpu.memref_squeeze %scatter3A_3287 : memref<1x32x129xf32, #tpu.memory_space<vmem>> -> memref<32x129xf32, #tpu.memory_space<vmem>>
      tpu.vector_store_idx %scatter3A_3288[%add3A_327, %broadcast_in_dim3A_3264], %get3A_3284 : memref<32x129xf32, #tpu.memory_space<vmem>>[vector<16xi32>, vector<16xi32>], vector<16xf32>,
      %broadcast_in_dim3A_3289 = arith.constant 114 : i32
      %broadcast_in_dim3A_3290 = vector.broadcast %broadcast_in_dim3A_3289 : i32 to vector<16xi32>
      %get3A_3291 = arith.constant 114 : i32
      %get3A_3292 = arith.constant 0 : i32
      %get3A_3293 = arith.constant 0 : i32
      %get3A_3294 = tpu.memref_slice %arg6[%rem3A_269, %get3A_3292, %get3A_3293] : memref<2x128x32xf32, #tpu.memory_space<vmem>> -> memref<1x128x32xf32, #tpu.memory_space<vmem>>
      %get3A_3295 = tpu.memref_squeeze %get3A_3294 : memref<1x128x32xf32, #tpu.memory_space<vmem>> -> memref<128x32xf32, #tpu.memory_space<vmem>>
      %get3A_3296 = arith.index_cast %get3A_3291 : i32 to index
      %get3A_3297 = arith.constant 0 : index
      %get3A_3298 = tpu.vector_load %get3A_3295[%get3A_3296, %get3A_3297] {strides = array<i32>} : memref<128x32xf32, #tpu.memory_space<vmem>>, vector<16xf32>,
      %scatter3A_3299 = arith.constant 0 : i32
      %scatter3A_3300 = arith.constant 0 : i32
      %scatter3A_3301 = tpu.memref_slice %arg7[%rem3A_269, %scatter3A_3299, %scatter3A_3300] : memref<2x32x129xf32, #tpu.memory_space<vmem>> -> memref<1x32x129xf32, #tpu.memory_space<vmem>>
      %scatter3A_3302 = tpu.memref_squeeze %scatter3A_3301 : memref<1x32x129xf32, #tpu.memory_space<vmem>> -> memref<32x129xf32, #tpu.memory_space<vmem>>
      tpu.vector_store_idx %scatter3A_3302[%add3A_324, %broadcast_in_dim3A_3290], %get3A_3298 : memref<32x129xf32, #tpu.memory_space<vmem>>[vector<16xi32>, vector<16xi32>], vector<16xf32>,
      %get3A_3303 = arith.constant 114 : i32
      %get3A_3304 = arith.constant 0 : i32
      %get3A_3305 = arith.constant 0 : i32
      %get3A_3306 = tpu.memref_slice %arg6[%rem3A_269, %get3A_3304, %get3A_3305] : memref<2x128x32xf32, #tpu.memory_space<vmem>> -> memref<1x128x32xf32, #tpu.memory_space<vmem>>
      %get3A_3307 = tpu.memref_squeeze %get3A_3306 : memref<1x128x32xf32, #tpu.memory_space<vmem>> -> memref<128x32xf32, #tpu.memory_space<vmem>>
      %get3A_3308 = arith.index_cast %get3A_3303 : i32 to index
      %get3A_3309 = arith.constant 16 : index
      %get3A_3310 = tpu.vector_load %get3A_3307[%get3A_3308, %get3A_3309] {strides = array<i32>} : memref<128x32xf32, #tpu.memory_space<vmem>>, vector<16xf32>,
      %scatter3A_3311 = arith.constant 0 : i32
      %scatter3A_3312 = arith.constant 0 : i32
      %scatter3A_3313 = tpu.memref_slice %arg7[%rem3A_269, %scatter3A_3311, %scatter3A_3312] : memref<2x32x129xf32, #tpu.memory_space<vmem>> -> memref<1x32x129xf32, #tpu.memory_space<vmem>>
      %scatter3A_3314 = tpu.memref_squeeze %scatter3A_3313 : memref<1x32x129xf32, #tpu.memory_space<vmem>> -> memref<32x129xf32, #tpu.memory_space<vmem>>
      tpu.vector_store_idx %scatter3A_3314[%add3A_327, %broadcast_in_dim3A_3290], %get3A_3310 : memref<32x129xf32, #tpu.memory_space<vmem>>[vector<16xi32>, vector<16xi32>], vector<16xf32>,
      %broadcast_in_dim3A_3315 = arith.constant 115 : i32
      %broadcast_in_dim3A_3316 = vector.broadcast %broadcast_in_dim3A_3315 : i32 to vector<16xi32>
      %get3A_3317 = arith.constant 115 : i32
      %get3A_3318 = arith.constant 0 : i32
      %get3A_3319 = arith.constant 0 : i32
      %get3A_3320 = tpu.memref_slice %arg6[%rem3A_269, %get3A_3318, %get3A_3319] : memref<2x128x32xf32, #tpu.memory_space<vmem>> -> memref<1x128x32xf32, #tpu.memory_space<vmem>>
      %get3A_3321 = tpu.memref_squeeze %get3A_3320 : memref<1x128x32xf32, #tpu.memory_space<vmem>> -> memref<128x32xf32, #tpu.memory_space<vmem>>
      %get3A_3322 = arith.index_cast %get3A_3317 : i32 to index
      %get3A_3323 = arith.constant 0 : index
      %get3A_3324 = tpu.vector_load %get3A_3321[%get3A_3322, %get3A_3323] {strides = array<i32>} : memref<128x32xf32, #tpu.memory_space<vmem>>, vector<16xf32>,
      %scatter3A_3325 = arith.constant 0 : i32
      %scatter3A_3326 = arith.constant 0 : i32
      %scatter3A_3327 = tpu.memref_slice %arg7[%rem3A_269, %scatter3A_3325, %scatter3A_3326] : memref<2x32x129xf32, #tpu.memory_space<vmem>> -> memref<1x32x129xf32, #tpu.memory_space<vmem>>
      %scatter3A_3328 = tpu.memref_squeeze %scatter3A_3327 : memref<1x32x129xf32, #tpu.memory_space<vmem>> -> memref<32x129xf32, #tpu.memory_space<vmem>>
      tpu.vector_store_idx %scatter3A_3328[%add3A_324, %broadcast_in_dim3A_3316], %get3A_3324 : memref<32x129xf32, #tpu.memory_space<vmem>>[vector<16xi32>, vector<16xi32>], vector<16xf32>,
      %get3A_3329 = arith.constant 115 : i32
      %get3A_3330 = arith.constant 0 : i32
      %get3A_3331 = arith.constant 0 : i32
      %get3A_3332 = tpu.memref_slice %arg6[%rem3A_269, %get3A_3330, %get3A_3331] : memref<2x128x32xf32, #tpu.memory_space<vmem>> -> memref<1x128x32xf32, #tpu.memory_space<vmem>>
      %get3A_3333 = tpu.memref_squeeze %get3A_3332 : memref<1x128x32xf32, #tpu.memory_space<vmem>> -> memref<128x32xf32, #tpu.memory_space<vmem>>
      %get3A_3334 = arith.index_cast %get3A_3329 : i32 to index
      %get3A_3335 = arith.constant 16 : index
      %get3A_3336 = tpu.vector_load %get3A_3333[%get3A_3334, %get3A_3335] {strides = array<i32>} : memref<128x32xf32, #tpu.memory_space<vmem>>, vector<16xf32>,
      %scatter3A_3337 = arith.constant 0 : i32
      %scatter3A_3338 = arith.constant 0 : i32
      %scatter3A_3339 = tpu.memref_slice %arg7[%rem3A_269, %scatter3A_3337, %scatter3A_3338] : memref<2x32x129xf32, #tpu.memory_space<vmem>> -> memref<1x32x129xf32, #tpu.memory_space<vmem>>
      %scatter3A_3340 = tpu.memref_squeeze %scatter3A_3339 : memref<1x32x129xf32, #tpu.memory_space<vmem>> -> memref<32x129xf32, #tpu.memory_space<vmem>>
      tpu.vector_store_idx %scatter3A_3340[%add3A_327, %broadcast_in_dim3A_3316], %get3A_3336 : memref<32x129xf32, #tpu.memory_space<vmem>>[vector<16xi32>, vector<16xi32>], vector<16xf32>,
      %broadcast_in_dim3A_3341 = arith.constant 116 : i32
      %broadcast_in_dim3A_3342 = vector.broadcast %broadcast_in_dim3A_3341 : i32 to vector<16xi32>
      %get3A_3343 = arith.constant 116 : i32
      %get3A_3344 = arith.constant 0 : i32
      %get3A_3345 = arith.constant 0 : i32
      %get3A_3346 = tpu.memref_slice %arg6[%rem3A_269, %get3A_3344, %get3A_3345] : memref<2x128x32xf32, #tpu.memory_space<vmem>> -> memref<1x128x32xf32, #tpu.memory_space<vmem>>
      %get3A_3347 = tpu.memref_squeeze %get3A_3346 : memref<1x128x32xf32, #tpu.memory_space<vmem>> -> memref<128x32xf32, #tpu.memory_space<vmem>>
      %get3A_3348 = arith.index_cast %get3A_3343 : i32 to index
      %get3A_3349 = arith.constant 0 : index
      %get3A_3350 = tpu.vector_load %get3A_3347[%get3A_3348, %get3A_3349] {strides = array<i32>} : memref<128x32xf32, #tpu.memory_space<vmem>>, vector<16xf32>,
      %scatter3A_3351 = arith.constant 0 : i32
      %scatter3A_3352 = arith.constant 0 : i32
      %scatter3A_3353 = tpu.memref_slice %arg7[%rem3A_269, %scatter3A_3351, %scatter3A_3352] : memref<2x32x129xf32, #tpu.memory_space<vmem>> -> memref<1x32x129xf32, #tpu.memory_space<vmem>>
      %scatter3A_3354 = tpu.memref_squeeze %scatter3A_3353 : memref<1x32x129xf32, #tpu.memory_space<vmem>> -> memref<32x129xf32, #tpu.memory_space<vmem>>
      tpu.vector_store_idx %scatter3A_3354[%add3A_324, %broadcast_in_dim3A_3342], %get3A_3350 : memref<32x129xf32, #tpu.memory_space<vmem>>[vector<16xi32>, vector<16xi32>], vector<16xf32>,
      %get3A_3355 = arith.constant 116 : i32
      %get3A_3356 = arith.constant 0 : i32
      %get3A_3357 = arith.constant 0 : i32
      %get3A_3358 = tpu.memref_slice %arg6[%rem3A_269, %get3A_3356, %get3A_3357] : memref<2x128x32xf32, #tpu.memory_space<vmem>> -> memref<1x128x32xf32, #tpu.memory_space<vmem>>
      %get3A_3359 = tpu.memref_squeeze %get3A_3358 : memref<1x128x32xf32, #tpu.memory_space<vmem>> -> memref<128x32xf32, #tpu.memory_space<vmem>>
      %get3A_3360 = arith.index_cast %get3A_3355 : i32 to index
      %get3A_3361 = arith.constant 16 : index
      %get3A_3362 = tpu.vector_load %get3A_3359[%get3A_3360, %get3A_3361] {strides = array<i32>} : memref<128x32xf32, #tpu.memory_space<vmem>>, vector<16xf32>,
      %scatter3A_3363 = arith.constant 0 : i32
      %scatter3A_3364 = arith.constant 0 : i32
      %scatter3A_3365 = tpu.memref_slice %arg7[%rem3A_269, %scatter3A_3363, %scatter3A_3364] : memref<2x32x129xf32, #tpu.memory_space<vmem>> -> memref<1x32x129xf32, #tpu.memory_space<vmem>>
      %scatter3A_3366 = tpu.memref_squeeze %scatter3A_3365 : memref<1x32x129xf32, #tpu.memory_space<vmem>> -> memref<32x129xf32, #tpu.memory_space<vmem>>
      tpu.vector_store_idx %scatter3A_3366[%add3A_327, %broadcast_in_dim3A_3342], %get3A_3362 : memref<32x129xf32, #tpu.memory_space<vmem>>[vector<16xi32>, vector<16xi32>], vector<16xf32>,
      %broadcast_in_dim3A_3367 = arith.constant 117 : i32
      %broadcast_in_dim3A_3368 = vector.broadcast %broadcast_in_dim3A_3367 : i32 to vector<16xi32>
      %get3A_3369 = arith.constant 117 : i32
      %get3A_3370 = arith.constant 0 : i32
      %get3A_3371 = arith.constant 0 : i32
      %get3A_3372 = tpu.memref_slice %arg6[%rem3A_269, %get3A_3370, %get3A_3371] : memref<2x128x32xf32, #tpu.memory_space<vmem>> -> memref<1x128x32xf32, #tpu.memory_space<vmem>>
      %get3A_3373 = tpu.memref_squeeze %get3A_3372 : memref<1x128x32xf32, #tpu.memory_space<vmem>> -> memref<128x32xf32, #tpu.memory_space<vmem>>
      %get3A_3374 = arith.index_cast %get3A_3369 : i32 to index
      %get3A_3375 = arith.constant 0 : index
      %get3A_3376 = tpu.vector_load %get3A_3373[%get3A_3374, %get3A_3375] {strides = array<i32>} : memref<128x32xf32, #tpu.memory_space<vmem>>, vector<16xf32>,
      %scatter3A_3377 = arith.constant 0 : i32
      %scatter3A_3378 = arith.constant 0 : i32
      %scatter3A_3379 = tpu.memref_slice %arg7[%rem3A_269, %scatter3A_3377, %scatter3A_3378] : memref<2x32x129xf32, #tpu.memory_space<vmem>> -> memref<1x32x129xf32, #tpu.memory_space<vmem>>
      %scatter3A_3380 = tpu.memref_squeeze %scatter3A_3379 : memref<1x32x129xf32, #tpu.memory_space<vmem>> -> memref<32x129xf32, #tpu.memory_space<vmem>>
      tpu.vector_store_idx %scatter3A_3380[%add3A_324, %broadcast_in_dim3A_3368], %get3A_3376 : memref<32x129xf32, #tpu.memory_space<vmem>>[vector<16xi32>, vector<16xi32>], vector<16xf32>,
      %get3A_3381 = arith.constant 117 : i32
      %get3A_3382 = arith.constant 0 : i32
      %get3A_3383 = arith.constant 0 : i32
      %get3A_3384 = tpu.memref_slice %arg6[%rem3A_269, %get3A_3382, %get3A_3383] : memref<2x128x32xf32, #tpu.memory_space<vmem>> -> memref<1x128x32xf32, #tpu.memory_space<vmem>>
      %get3A_3385 = tpu.memref_squeeze %get3A_3384 : memref<1x128x32xf32, #tpu.memory_space<vmem>> -> memref<128x32xf32, #tpu.memory_space<vmem>>
      %get3A_3386 = arith.index_cast %get3A_3381 : i32 to index
      %get3A_3387 = arith.constant 16 : index
      %get3A_3388 = tpu.vector_load %get3A_3385[%get3A_3386, %get3A_3387] {strides = array<i32>} : memref<128x32xf32, #tpu.memory_space<vmem>>, vector<16xf32>,
      %scatter3A_3389 = arith.constant 0 : i32
      %scatter3A_3390 = arith.constant 0 : i32
      %scatter3A_3391 = tpu.memref_slice %arg7[%rem3A_269, %scatter3A_3389, %scatter3A_3390] : memref<2x32x129xf32, #tpu.memory_space<vmem>> -> memref<1x32x129xf32, #tpu.memory_space<vmem>>
      %scatter3A_3392 = tpu.memref_squeeze %scatter3A_3391 : memref<1x32x129xf32, #tpu.memory_space<vmem>> -> memref<32x129xf32, #tpu.memory_space<vmem>>
      tpu.vector_store_idx %scatter3A_3392[%add3A_327, %broadcast_in_dim3A_3368], %get3A_3388 : memref<32x129xf32, #tpu.memory_space<vmem>>[vector<16xi32>, vector<16xi32>], vector<16xf32>,
      %broadcast_in_dim3A_3393 = arith.constant 118 : i32
      %broadcast_in_dim3A_3394 = vector.broadcast %broadcast_in_dim3A_3393 : i32 to vector<16xi32>
      %get3A_3395 = arith.constant 118 : i32
      %get3A_3396 = arith.constant 0 : i32
      %get3A_3397 = arith.constant 0 : i32
      %get3A_3398 = tpu.memref_slice %arg6[%rem3A_269, %get3A_3396, %get3A_3397] : memref<2x128x32xf32, #tpu.memory_space<vmem>> -> memref<1x128x32xf32, #tpu.memory_space<vmem>>
      %get3A_3399 = tpu.memref_squeeze %get3A_3398 : memref<1x128x32xf32, #tpu.memory_space<vmem>> -> memref<128x32xf32, #tpu.memory_space<vmem>>
      %get3A_3400 = arith.index_cast %get3A_3395 : i32 to index
      %get3A_3401 = arith.constant 0 : index
      %get3A_3402 = tpu.vector_load %get3A_3399[%get3A_3400, %get3A_3401] {strides = array<i32>} : memref<128x32xf32, #tpu.memory_space<vmem>>, vector<16xf32>,
      %scatter3A_3403 = arith.constant 0 : i32
      %scatter3A_3404 = arith.constant 0 : i32
      %scatter3A_3405 = tpu.memref_slice %arg7[%rem3A_269, %scatter3A_3403, %scatter3A_3404] : memref<2x32x129xf32, #tpu.memory_space<vmem>> -> memref<1x32x129xf32, #tpu.memory_space<vmem>>
      %scatter3A_3406 = tpu.memref_squeeze %scatter3A_3405 : memref<1x32x129xf32, #tpu.memory_space<vmem>> -> memref<32x129xf32, #tpu.memory_space<vmem>>
      tpu.vector_store_idx %scatter3A_3406[%add3A_324, %broadcast_in_dim3A_3394], %get3A_3402 : memref<32x129xf32, #tpu.memory_space<vmem>>[vector<16xi32>, vector<16xi32>], vector<16xf32>,
      %get3A_3407 = arith.constant 118 : i32
      %get3A_3408 = arith.constant 0 : i32
      %get3A_3409 = arith.constant 0 : i32
      %get3A_3410 = tpu.memref_slice %arg6[%rem3A_269, %get3A_3408, %get3A_3409] : memref<2x128x32xf32, #tpu.memory_space<vmem>> -> memref<1x128x32xf32, #tpu.memory_space<vmem>>
      %get3A_3411 = tpu.memref_squeeze %get3A_3410 : memref<1x128x32xf32, #tpu.memory_space<vmem>> -> memref<128x32xf32, #tpu.memory_space<vmem>>
      %get3A_3412 = arith.index_cast %get3A_3407 : i32 to index
      %get3A_3413 = arith.constant 16 : index
      %get3A_3414 = tpu.vector_load %get3A_3411[%get3A_3412, %get3A_3413] {strides = array<i32>} : memref<128x32xf32, #tpu.memory_space<vmem>>, vector<16xf32>,
      %scatter3A_3415 = arith.constant 0 : i32
      %scatter3A_3416 = arith.constant 0 : i32
      %scatter3A_3417 = tpu.memref_slice %arg7[%rem3A_269, %scatter3A_3415, %scatter3A_3416] : memref<2x32x129xf32, #tpu.memory_space<vmem>> -> memref<1x32x129xf32, #tpu.memory_space<vmem>>
      %scatter3A_3418 = tpu.memref_squeeze %scatter3A_3417 : memref<1x32x129xf32, #tpu.memory_space<vmem>> -> memref<32x129xf32, #tpu.memory_space<vmem>>
      tpu.vector_store_idx %scatter3A_3418[%add3A_327, %broadcast_in_dim3A_3394], %get3A_3414 : memref<32x129xf32, #tpu.memory_space<vmem>>[vector<16xi32>, vector<16xi32>], vector<16xf32>,
      %broadcast_in_dim3A_3419 = arith.constant 119 : i32
      %broadcast_in_dim3A_3420 = vector.broadcast %broadcast_in_dim3A_3419 : i32 to vector<16xi32>
      %get3A_3421 = arith.constant 119 : i32
      %get3A_3422 = arith.constant 0 : i32
      %get3A_3423 = arith.constant 0 : i32
      %get3A_3424 = tpu.memref_slice %arg6[%rem3A_269, %get3A_3422, %get3A_3423] : memref<2x128x32xf32, #tpu.memory_space<vmem>> -> memref<1x128x32xf32, #tpu.memory_space<vmem>>
      %get3A_3425 = tpu.memref_squeeze %get3A_3424 : memref<1x128x32xf32, #tpu.memory_space<vmem>> -> memref<128x32xf32, #tpu.memory_space<vmem>>
      %get3A_3426 = arith.index_cast %get3A_3421 : i32 to index
      %get3A_3427 = arith.constant 0 : index
      %get3A_3428 = tpu.vector_load %get3A_3425[%get3A_3426, %get3A_3427] {strides = array<i32>} : memref<128x32xf32, #tpu.memory_space<vmem>>, vector<16xf32>,
      %scatter3A_3429 = arith.constant 0 : i32
      %scatter3A_3430 = arith.constant 0 : i32
      %scatter3A_3431 = tpu.memref_slice %arg7[%rem3A_269, %scatter3A_3429, %scatter3A_3430] : memref<2x32x129xf32, #tpu.memory_space<vmem>> -> memref<1x32x129xf32, #tpu.memory_space<vmem>>
      %scatter3A_3432 = tpu.memref_squeeze %scatter3A_3431 : memref<1x32x129xf32, #tpu.memory_space<vmem>> -> memref<32x129xf32, #tpu.memory_space<vmem>>
      tpu.vector_store_idx %scatter3A_3432[%add3A_324, %broadcast_in_dim3A_3420], %get3A_3428 : memref<32x129xf32, #tpu.memory_space<vmem>>[vector<16xi32>, vector<16xi32>], vector<16xf32>,
      %get3A_3433 = arith.constant 119 : i32
      %get3A_3434 = arith.constant 0 : i32
      %get3A_3435 = arith.constant 0 : i32
      %get3A_3436 = tpu.memref_slice %arg6[%rem3A_269, %get3A_3434, %get3A_3435] : memref<2x128x32xf32, #tpu.memory_space<vmem>> -> memref<1x128x32xf32, #tpu.memory_space<vmem>>
      %get3A_3437 = tpu.memref_squeeze %get3A_3436 : memref<1x128x32xf32, #tpu.memory_space<vmem>> -> memref<128x32xf32, #tpu.memory_space<vmem>>
      %get3A_3438 = arith.index_cast %get3A_3433 : i32 to index
      %get3A_3439 = arith.constant 16 : index
      %get3A_3440 = tpu.vector_load %get3A_3437[%get3A_3438, %get3A_3439] {strides = array<i32>} : memref<128x32xf32, #tpu.memory_space<vmem>>, vector<16xf32>,
      %scatter3A_3441 = arith.constant 0 : i32
      %scatter3A_3442 = arith.constant 0 : i32
      %scatter3A_3443 = tpu.memref_slice %arg7[%rem3A_269, %scatter3A_3441, %scatter3A_3442] : memref<2x32x129xf32, #tpu.memory_space<vmem>> -> memref<1x32x129xf32, #tpu.memory_space<vmem>>
      %scatter3A_3444 = tpu.memref_squeeze %scatter3A_3443 : memref<1x32x129xf32, #tpu.memory_space<vmem>> -> memref<32x129xf32, #tpu.memory_space<vmem>>
      tpu.vector_store_idx %scatter3A_3444[%add3A_327, %broadcast_in_dim3A_3420], %get3A_3440 : memref<32x129xf32, #tpu.memory_space<vmem>>[vector<16xi32>, vector<16xi32>], vector<16xf32>,
      %broadcast_in_dim3A_3445 = arith.constant 120 : i32
      %broadcast_in_dim3A_3446 = vector.broadcast %broadcast_in_dim3A_3445 : i32 to vector<16xi32>
      %get3A_3447 = arith.constant 120 : i32
      %get3A_3448 = arith.constant 0 : i32
      %get3A_3449 = arith.constant 0 : i32
      %get3A_3450 = tpu.memref_slice %arg6[%rem3A_269, %get3A_3448, %get3A_3449] : memref<2x128x32xf32, #tpu.memory_space<vmem>> -> memref<1x128x32xf32, #tpu.memory_space<vmem>>
      %get3A_3451 = tpu.memref_squeeze %get3A_3450 : memref<1x128x32xf32, #tpu.memory_space<vmem>> -> memref<128x32xf32, #tpu.memory_space<vmem>>
      %get3A_3452 = arith.index_cast %get3A_3447 : i32 to index
      %get3A_3453 = arith.constant 0 : index
      %get3A_3454 = tpu.vector_load %get3A_3451[%get3A_3452, %get3A_3453] {strides = array<i32>} : memref<128x32xf32, #tpu.memory_space<vmem>>, vector<16xf32>,
      %scatter3A_3455 = arith.constant 0 : i32
      %scatter3A_3456 = arith.constant 0 : i32
      %scatter3A_3457 = tpu.memref_slice %arg7[%rem3A_269, %scatter3A_3455, %scatter3A_3456] : memref<2x32x129xf32, #tpu.memory_space<vmem>> -> memref<1x32x129xf32, #tpu.memory_space<vmem>>
      %scatter3A_3458 = tpu.memref_squeeze %scatter3A_3457 : memref<1x32x129xf32, #tpu.memory_space<vmem>> -> memref<32x129xf32, #tpu.memory_space<vmem>>
      tpu.vector_store_idx %scatter3A_3458[%add3A_324, %broadcast_in_dim3A_3446], %get3A_3454 : memref<32x129xf32, #tpu.memory_space<vmem>>[vector<16xi32>, vector<16xi32>], vector<16xf32>,
      %get3A_3459 = arith.constant 120 : i32
      %get3A_3460 = arith.constant 0 : i32
      %get3A_3461 = arith.constant 0 : i32
      %get3A_3462 = tpu.memref_slice %arg6[%rem3A_269, %get3A_3460, %get3A_3461] : memref<2x128x32xf32, #tpu.memory_space<vmem>> -> memref<1x128x32xf32, #tpu.memory_space<vmem>>
      %get3A_3463 = tpu.memref_squeeze %get3A_3462 : memref<1x128x32xf32, #tpu.memory_space<vmem>> -> memref<128x32xf32, #tpu.memory_space<vmem>>
      %get3A_3464 = arith.index_cast %get3A_3459 : i32 to index
      %get3A_3465 = arith.constant 16 : index
      %get3A_3466 = tpu.vector_load %get3A_3463[%get3A_3464, %get3A_3465] {strides = array<i32>} : memref<128x32xf32, #tpu.memory_space<vmem>>, vector<16xf32>,
      %scatter3A_3467 = arith.constant 0 : i32
      %scatter3A_3468 = arith.constant 0 : i32
      %scatter3A_3469 = tpu.memref_slice %arg7[%rem3A_269, %scatter3A_3467, %scatter3A_3468] : memref<2x32x129xf32, #tpu.memory_space<vmem>> -> memref<1x32x129xf32, #tpu.memory_space<vmem>>
      %scatter3A_3470 = tpu.memref_squeeze %scatter3A_3469 : memref<1x32x129xf32, #tpu.memory_space<vmem>> -> memref<32x129xf32, #tpu.memory_space<vmem>>
      tpu.vector_store_idx %scatter3A_3470[%add3A_327, %broadcast_in_dim3A_3446], %get3A_3466 : memref<32x129xf32, #tpu.memory_space<vmem>>[vector<16xi32>, vector<16xi32>], vector<16xf32>,
      %broadcast_in_dim3A_3471 = arith.constant 121 : i32
      %broadcast_in_dim3A_3472 = vector.broadcast %broadcast_in_dim3A_3471 : i32 to vector<16xi32>
      %get3A_3473 = arith.constant 121 : i32
      %get3A_3474 = arith.constant 0 : i32
      %get3A_3475 = arith.constant 0 : i32
      %get3A_3476 = tpu.memref_slice %arg6[%rem3A_269, %get3A_3474, %get3A_3475] : memref<2x128x32xf32, #tpu.memory_space<vmem>> -> memref<1x128x32xf32, #tpu.memory_space<vmem>>
      %get3A_3477 = tpu.memref_squeeze %get3A_3476 : memref<1x128x32xf32, #tpu.memory_space<vmem>> -> memref<128x32xf32, #tpu.memory_space<vmem>>
      %get3A_3478 = arith.index_cast %get3A_3473 : i32 to index
      %get3A_3479 = arith.constant 0 : index
      %get3A_3480 = tpu.vector_load %get3A_3477[%get3A_3478, %get3A_3479] {strides = array<i32>} : memref<128x32xf32, #tpu.memory_space<vmem>>, vector<16xf32>,
      %scatter3A_3481 = arith.constant 0 : i32
      %scatter3A_3482 = arith.constant 0 : i32
      %scatter3A_3483 = tpu.memref_slice %arg7[%rem3A_269, %scatter3A_3481, %scatter3A_3482] : memref<2x32x129xf32, #tpu.memory_space<vmem>> -> memref<1x32x129xf32, #tpu.memory_space<vmem>>
      %scatter3A_3484 = tpu.memref_squeeze %scatter3A_3483 : memref<1x32x129xf32, #tpu.memory_space<vmem>> -> memref<32x129xf32, #tpu.memory_space<vmem>>
      tpu.vector_store_idx %scatter3A_3484[%add3A_324, %broadcast_in_dim3A_3472], %get3A_3480 : memref<32x129xf32, #tpu.memory_space<vmem>>[vector<16xi32>, vector<16xi32>], vector<16xf32>,
      %get3A_3485 = arith.constant 121 : i32
      %get3A_3486 = arith.constant 0 : i32
      %get3A_3487 = arith.constant 0 : i32
      %get3A_3488 = tpu.memref_slice %arg6[%rem3A_269, %get3A_3486, %get3A_3487] : memref<2x128x32xf32, #tpu.memory_space<vmem>> -> memref<1x128x32xf32, #tpu.memory_space<vmem>>
      %get3A_3489 = tpu.memref_squeeze %get3A_3488 : memref<1x128x32xf32, #tpu.memory_space<vmem>> -> memref<128x32xf32, #tpu.memory_space<vmem>>
      %get3A_3490 = arith.index_cast %get3A_3485 : i32 to index
      %get3A_3491 = arith.constant 16 : index
      %get3A_3492 = tpu.vector_load %get3A_3489[%get3A_3490, %get3A_3491] {strides = array<i32>} : memref<128x32xf32, #tpu.memory_space<vmem>>, vector<16xf32>,
      %scatter3A_3493 = arith.constant 0 : i32
      %scatter3A_3494 = arith.constant 0 : i32
      %scatter3A_3495 = tpu.memref_slice %arg7[%rem3A_269, %scatter3A_3493, %scatter3A_3494] : memref<2x32x129xf32, #tpu.memory_space<vmem>> -> memref<1x32x129xf32, #tpu.memory_space<vmem>>
      %scatter3A_3496 = tpu.memref_squeeze %scatter3A_3495 : memref<1x32x129xf32, #tpu.memory_space<vmem>> -> memref<32x129xf32, #tpu.memory_space<vmem>>
      tpu.vector_store_idx %scatter3A_3496[%add3A_327, %broadcast_in_dim3A_3472], %get3A_3492 : memref<32x129xf32, #tpu.memory_space<vmem>>[vector<16xi32>, vector<16xi32>], vector<16xf32>,
      %broadcast_in_dim3A_3497 = arith.constant 122 : i32
      %broadcast_in_dim3A_3498 = vector.broadcast %broadcast_in_dim3A_3497 : i32 to vector<16xi32>
      %get3A_3499 = arith.constant 122 : i32
      %get3A_3500 = arith.constant 0 : i32
      %get3A_3501 = arith.constant 0 : i32
      %get3A_3502 = tpu.memref_slice %arg6[%rem3A_269, %get3A_3500, %get3A_3501] : memref<2x128x32xf32, #tpu.memory_space<vmem>> -> memref<1x128x32xf32, #tpu.memory_space<vmem>>
      %get3A_3503 = tpu.memref_squeeze %get3A_3502 : memref<1x128x32xf32, #tpu.memory_space<vmem>> -> memref<128x32xf32, #tpu.memory_space<vmem>>
      %get3A_3504 = arith.index_cast %get3A_3499 : i32 to index
      %get3A_3505 = arith.constant 0 : index
      %get3A_3506 = tpu.vector_load %get3A_3503[%get3A_3504, %get3A_3505] {strides = array<i32>} : memref<128x32xf32, #tpu.memory_space<vmem>>, vector<16xf32>,
      %scatter3A_3507 = arith.constant 0 : i32
      %scatter3A_3508 = arith.constant 0 : i32
      %scatter3A_3509 = tpu.memref_slice %arg7[%rem3A_269, %scatter3A_3507, %scatter3A_3508] : memref<2x32x129xf32, #tpu.memory_space<vmem>> -> memref<1x32x129xf32, #tpu.memory_space<vmem>>
      %scatter3A_3510 = tpu.memref_squeeze %scatter3A_3509 : memref<1x32x129xf32, #tpu.memory_space<vmem>> -> memref<32x129xf32, #tpu.memory_space<vmem>>
      tpu.vector_store_idx %scatter3A_3510[%add3A_324, %broadcast_in_dim3A_3498], %get3A_3506 : memref<32x129xf32, #tpu.memory_space<vmem>>[vector<16xi32>, vector<16xi32>], vector<16xf32>,
      %get3A_3511 = arith.constant 122 : i32
      %get3A_3512 = arith.constant 0 : i32
      %get3A_3513 = arith.constant 0 : i32
      %get3A_3514 = tpu.memref_slice %arg6[%rem3A_269, %get3A_3512, %get3A_3513] : memref<2x128x32xf32, #tpu.memory_space<vmem>> -> memref<1x128x32xf32, #tpu.memory_space<vmem>>
      %get3A_3515 = tpu.memref_squeeze %get3A_3514 : memref<1x128x32xf32, #tpu.memory_space<vmem>> -> memref<128x32xf32, #tpu.memory_space<vmem>>
      %get3A_3516 = arith.index_cast %get3A_3511 : i32 to index
      %get3A_3517 = arith.constant 16 : index
      %get3A_3518 = tpu.vector_load %get3A_3515[%get3A_3516, %get3A_3517] {strides = array<i32>} : memref<128x32xf32, #tpu.memory_space<vmem>>, vector<16xf32>,
      %scatter3A_3519 = arith.constant 0 : i32
      %scatter3A_3520 = arith.constant 0 : i32
      %scatter3A_3521 = tpu.memref_slice %arg7[%rem3A_269, %scatter3A_3519, %scatter3A_3520] : memref<2x32x129xf32, #tpu.memory_space<vmem>> -> memref<1x32x129xf32, #tpu.memory_space<vmem>>
      %scatter3A_3522 = tpu.memref_squeeze %scatter3A_3521 : memref<1x32x129xf32, #tpu.memory_space<vmem>> -> memref<32x129xf32, #tpu.memory_space<vmem>>
      tpu.vector_store_idx %scatter3A_3522[%add3A_327, %broadcast_in_dim3A_3498], %get3A_3518 : memref<32x129xf32, #tpu.memory_space<vmem>>[vector<16xi32>, vector<16xi32>], vector<16xf32>,
      %broadcast_in_dim3A_3523 = arith.constant 123 : i32
      %broadcast_in_dim3A_3524 = vector.broadcast %broadcast_in_dim3A_3523 : i32 to vector<16xi32>
      %get3A_3525 = arith.constant 123 : i32
      %get3A_3526 = arith.constant 0 : i32
      %get3A_3527 = arith.constant 0 : i32
      %get3A_3528 = tpu.memref_slice %arg6[%rem3A_269, %get3A_3526, %get3A_3527] : memref<2x128x32xf32, #tpu.memory_space<vmem>> -> memref<1x128x32xf32, #tpu.memory_space<vmem>>
      %get3A_3529 = tpu.memref_squeeze %get3A_3528 : memref<1x128x32xf32, #tpu.memory_space<vmem>> -> memref<128x32xf32, #tpu.memory_space<vmem>>
      %get3A_3530 = arith.index_cast %get3A_3525 : i32 to index
      %get3A_3531 = arith.constant 0 : index
      %get3A_3532 = tpu.vector_load %get3A_3529[%get3A_3530, %get3A_3531] {strides = array<i32>} : memref<128x32xf32, #tpu.memory_space<vmem>>, vector<16xf32>,
      %scatter3A_3533 = arith.constant 0 : i32
      %scatter3A_3534 = arith.constant 0 : i32
      %scatter3A_3535 = tpu.memref_slice %arg7[%rem3A_269, %scatter3A_3533, %scatter3A_3534] : memref<2x32x129xf32, #tpu.memory_space<vmem>> -> memref<1x32x129xf32, #tpu.memory_space<vmem>>
      %scatter3A_3536 = tpu.memref_squeeze %scatter3A_3535 : memref<1x32x129xf32, #tpu.memory_space<vmem>> -> memref<32x129xf32, #tpu.memory_space<vmem>>
      tpu.vector_store_idx %scatter3A_3536[%add3A_324, %broadcast_in_dim3A_3524], %get3A_3532 : memref<32x129xf32, #tpu.memory_space<vmem>>[vector<16xi32>, vector<16xi32>], vector<16xf32>,
      %get3A_3537 = arith.constant 123 : i32
      %get3A_3538 = arith.constant 0 : i32
      %get3A_3539 = arith.constant 0 : i32
      %get3A_3540 = tpu.memref_slice %arg6[%rem3A_269, %get3A_3538, %get3A_3539] : memref<2x128x32xf32, #tpu.memory_space<vmem>> -> memref<1x128x32xf32, #tpu.memory_space<vmem>>
      %get3A_3541 = tpu.memref_squeeze %get3A_3540 : memref<1x128x32xf32, #tpu.memory_space<vmem>> -> memref<128x32xf32, #tpu.memory_space<vmem>>
      %get3A_3542 = arith.index_cast %get3A_3537 : i32 to index
      %get3A_3543 = arith.constant 16 : index
      %get3A_3544 = tpu.vector_load %get3A_3541[%get3A_3542, %get3A_3543] {strides = array<i32>} : memref<128x32xf32, #tpu.memory_space<vmem>>, vector<16xf32>,
      %scatter3A_3545 = arith.constant 0 : i32
      %scatter3A_3546 = arith.constant 0 : i32
      %scatter3A_3547 = tpu.memref_slice %arg7[%rem3A_269, %scatter3A_3545, %scatter3A_3546] : memref<2x32x129xf32, #tpu.memory_space<vmem>> -> memref<1x32x129xf32, #tpu.memory_space<vmem>>
      %scatter3A_3548 = tpu.memref_squeeze %scatter3A_3547 : memref<1x32x129xf32, #tpu.memory_space<vmem>> -> memref<32x129xf32, #tpu.memory_space<vmem>>
      tpu.vector_store_idx %scatter3A_3548[%add3A_327, %broadcast_in_dim3A_3524], %get3A_3544 : memref<32x129xf32, #tpu.memory_space<vmem>>[vector<16xi32>, vector<16xi32>], vector<16xf32>,
      %broadcast_in_dim3A_3549 = arith.constant 124 : i32
      %broadcast_in_dim3A_3550 = vector.broadcast %broadcast_in_dim3A_3549 : i32 to vector<16xi32>
      %get3A_3551 = arith.constant 124 : i32
      %get3A_3552 = arith.constant 0 : i32
      %get3A_3553 = arith.constant 0 : i32
      %get3A_3554 = tpu.memref_slice %arg6[%rem3A_269, %get3A_3552, %get3A_3553] : memref<2x128x32xf32, #tpu.memory_space<vmem>> -> memref<1x128x32xf32, #tpu.memory_space<vmem>>
      %get3A_3555 = tpu.memref_squeeze %get3A_3554 : memref<1x128x32xf32, #tpu.memory_space<vmem>> -> memref<128x32xf32, #tpu.memory_space<vmem>>
      %get3A_3556 = arith.index_cast %get3A_3551 : i32 to index
      %get3A_3557 = arith.constant 0 : index
      %get3A_3558 = tpu.vector_load %get3A_3555[%get3A_3556, %get3A_3557] {strides = array<i32>} : memref<128x32xf32, #tpu.memory_space<vmem>>, vector<16xf32>,
      %scatter3A_3559 = arith.constant 0 : i32
      %scatter3A_3560 = arith.constant 0 : i32
      %scatter3A_3561 = tpu.memref_slice %arg7[%rem3A_269, %scatter3A_3559, %scatter3A_3560] : memref<2x32x129xf32, #tpu.memory_space<vmem>> -> memref<1x32x129xf32, #tpu.memory_space<vmem>>
      %scatter3A_3562 = tpu.memref_squeeze %scatter3A_3561 : memref<1x32x129xf32, #tpu.memory_space<vmem>> -> memref<32x129xf32, #tpu.memory_space<vmem>>
      tpu.vector_store_idx %scatter3A_3562[%add3A_324, %broadcast_in_dim3A_3550], %get3A_3558 : memref<32x129xf32, #tpu.memory_space<vmem>>[vector<16xi32>, vector<16xi32>], vector<16xf32>,
      %get3A_3563 = arith.constant 124 : i32
      %get3A_3564 = arith.constant 0 : i32
      %get3A_3565 = arith.constant 0 : i32
      %get3A_3566 = tpu.memref_slice %arg6[%rem3A_269, %get3A_3564, %get3A_3565] : memref<2x128x32xf32, #tpu.memory_space<vmem>> -> memref<1x128x32xf32, #tpu.memory_space<vmem>>
      %get3A_3567 = tpu.memref_squeeze %get3A_3566 : memref<1x128x32xf32, #tpu.memory_space<vmem>> -> memref<128x32xf32, #tpu.memory_space<vmem>>
      %get3A_3568 = arith.index_cast %get3A_3563 : i32 to index
      %get3A_3569 = arith.constant 16 : index
      %get3A_3570 = tpu.vector_load %get3A_3567[%get3A_3568, %get3A_3569] {strides = array<i32>} : memref<128x32xf32, #tpu.memory_space<vmem>>, vector<16xf32>,
      %scatter3A_3571 = arith.constant 0 : i32
      %scatter3A_3572 = arith.constant 0 : i32
      %scatter3A_3573 = tpu.memref_slice %arg7[%rem3A_269, %scatter3A_3571, %scatter3A_3572] : memref<2x32x129xf32, #tpu.memory_space<vmem>> -> memref<1x32x129xf32, #tpu.memory_space<vmem>>
      %scatter3A_3574 = tpu.memref_squeeze %scatter3A_3573 : memref<1x32x129xf32, #tpu.memory_space<vmem>> -> memref<32x129xf32, #tpu.memory_space<vmem>>
      tpu.vector_store_idx %scatter3A_3574[%add3A_327, %broadcast_in_dim3A_3550], %get3A_3570 : memref<32x129xf32, #tpu.memory_space<vmem>>[vector<16xi32>, vector<16xi32>], vector<16xf32>,
      %broadcast_in_dim3A_3575 = arith.constant 125 : i32
      %broadcast_in_dim3A_3576 = vector.broadcast %broadcast_in_dim3A_3575 : i32 to vector<16xi32>
      %get3A_3577 = arith.constant 125 : i32
      %get3A_3578 = arith.constant 0 : i32
      %get3A_3579 = arith.constant 0 : i32
      %get3A_3580 = tpu.memref_slice %arg6[%rem3A_269, %get3A_3578, %get3A_3579] : memref<2x128x32xf32, #tpu.memory_space<vmem>> -> memref<1x128x32xf32, #tpu.memory_space<vmem>>
      %get3A_3581 = tpu.memref_squeeze %get3A_3580 : memref<1x128x32xf32, #tpu.memory_space<vmem>> -> memref<128x32xf32, #tpu.memory_space<vmem>>
      %get3A_3582 = arith.index_cast %get3A_3577 : i32 to index
      %get3A_3583 = arith.constant 0 : index
      %get3A_3584 = tpu.vector_load %get3A_3581[%get3A_3582, %get3A_3583] {strides = array<i32>} : memref<128x32xf32, #tpu.memory_space<vmem>>, vector<16xf32>,
      %scatter3A_3585 = arith.constant 0 : i32
      %scatter3A_3586 = arith.constant 0 : i32
      %scatter3A_3587 = tpu.memref_slice %arg7[%rem3A_269, %scatter3A_3585, %scatter3A_3586] : memref<2x32x129xf32, #tpu.memory_space<vmem>> -> memref<1x32x129xf32, #tpu.memory_space<vmem>>
      %scatter3A_3588 = tpu.memref_squeeze %scatter3A_3587 : memref<1x32x129xf32, #tpu.memory_space<vmem>> -> memref<32x129xf32, #tpu.memory_space<vmem>>
      tpu.vector_store_idx %scatter3A_3588[%add3A_324, %broadcast_in_dim3A_3576], %get3A_3584 : memref<32x129xf32, #tpu.memory_space<vmem>>[vector<16xi32>, vector<16xi32>], vector<16xf32>,
      %get3A_3589 = arith.constant 125 : i32
      %get3A_3590 = arith.constant 0 : i32
      %get3A_3591 = arith.constant 0 : i32
      %get3A_3592 = tpu.memref_slice %arg6[%rem3A_269, %get3A_3590, %get3A_3591] : memref<2x128x32xf32, #tpu.memory_space<vmem>> -> memref<1x128x32xf32, #tpu.memory_space<vmem>>
      %get3A_3593 = tpu.memref_squeeze %get3A_3592 : memref<1x128x32xf32, #tpu.memory_space<vmem>> -> memref<128x32xf32, #tpu.memory_space<vmem>>
      %get3A_3594 = arith.index_cast %get3A_3589 : i32 to index
      %get3A_3595 = arith.constant 16 : index
      %get3A_3596 = tpu.vector_load %get3A_3593[%get3A_3594, %get3A_3595] {strides = array<i32>} : memref<128x32xf32, #tpu.memory_space<vmem>>, vector<16xf32>,
      %scatter3A_3597 = arith.constant 0 : i32
      %scatter3A_3598 = arith.constant 0 : i32
      %scatter3A_3599 = tpu.memref_slice %arg7[%rem3A_269, %scatter3A_3597, %scatter3A_3598] : memref<2x32x129xf32, #tpu.memory_space<vmem>> -> memref<1x32x129xf32, #tpu.memory_space<vmem>>
      %scatter3A_3600 = tpu.memref_squeeze %scatter3A_3599 : memref<1x32x129xf32, #tpu.memory_space<vmem>> -> memref<32x129xf32, #tpu.memory_space<vmem>>
      tpu.vector_store_idx %scatter3A_3600[%add3A_327, %broadcast_in_dim3A_3576], %get3A_3596 : memref<32x129xf32, #tpu.memory_space<vmem>>[vector<16xi32>, vector<16xi32>], vector<16xf32>,
      %broadcast_in_dim3A_3601 = arith.constant 126 : i32
      %broadcast_in_dim3A_3602 = vector.broadcast %broadcast_in_dim3A_3601 : i32 to vector<16xi32>
      %get3A_3603 = arith.constant 126 : i32
      %get3A_3604 = arith.constant 0 : i32
      %get3A_3605 = arith.constant 0 : i32
      %get3A_3606 = tpu.memref_slice %arg6[%rem3A_269, %get3A_3604, %get3A_3605] : memref<2x128x32xf32, #tpu.memory_space<vmem>> -> memref<1x128x32xf32, #tpu.memory_space<vmem>>
      %get3A_3607 = tpu.memref_squeeze %get3A_3606 : memref<1x128x32xf32, #tpu.memory_space<vmem>> -> memref<128x32xf32, #tpu.memory_space<vmem>>
      %get3A_3608 = arith.index_cast %get3A_3603 : i32 to index
      %get3A_3609 = arith.constant 0 : index
      %get3A_3610 = tpu.vector_load %get3A_3607[%get3A_3608, %get3A_3609] {strides = array<i32>} : memref<128x32xf32, #tpu.memory_space<vmem>>, vector<16xf32>,
      %scatter3A_3611 = arith.constant 0 : i32
      %scatter3A_3612 = arith.constant 0 : i32
      %scatter3A_3613 = tpu.memref_slice %arg7[%rem3A_269, %scatter3A_3611, %scatter3A_3612] : memref<2x32x129xf32, #tpu.memory_space<vmem>> -> memref<1x32x129xf32, #tpu.memory_space<vmem>>
      %scatter3A_3614 = tpu.memref_squeeze %scatter3A_3613 : memref<1x32x129xf32, #tpu.memory_space<vmem>> -> memref<32x129xf32, #tpu.memory_space<vmem>>
      tpu.vector_store_idx %scatter3A_3614[%add3A_324, %broadcast_in_dim3A_3602], %get3A_3610 : memref<32x129xf32, #tpu.memory_space<vmem>>[vector<16xi32>, vector<16xi32>], vector<16xf32>,
      %get3A_3615 = arith.constant 126 : i32
      %get3A_3616 = arith.constant 0 : i32
      %get3A_3617 = arith.constant 0 : i32
      %get3A_3618 = tpu.memref_slice %arg6[%rem3A_269, %get3A_3616, %get3A_3617] : memref<2x128x32xf32, #tpu.memory_space<vmem>> -> memref<1x128x32xf32, #tpu.memory_space<vmem>>
      %get3A_3619 = tpu.memref_squeeze %get3A_3618 : memref<1x128x32xf32, #tpu.memory_space<vmem>> -> memref<128x32xf32, #tpu.memory_space<vmem>>
      %get3A_3620 = arith.index_cast %get3A_3615 : i32 to index
      %get3A_3621 = arith.constant 16 : index
      %get3A_3622 = tpu.vector_load %get3A_3619[%get3A_3620, %get3A_3621] {strides = array<i32>} : memref<128x32xf32, #tpu.memory_space<vmem>>, vector<16xf32>,
      %scatter3A_3623 = arith.constant 0 : i32
      %scatter3A_3624 = arith.constant 0 : i32
      %scatter3A_3625 = tpu.memref_slice %arg7[%rem3A_269, %scatter3A_3623, %scatter3A_3624] : memref<2x32x129xf32, #tpu.memory_space<vmem>> -> memref<1x32x129xf32, #tpu.memory_space<vmem>>
      %scatter3A_3626 = tpu.memref_squeeze %scatter3A_3625 : memref<1x32x129xf32, #tpu.memory_space<vmem>> -> memref<32x129xf32, #tpu.memory_space<vmem>>
      tpu.vector_store_idx %scatter3A_3626[%add3A_327, %broadcast_in_dim3A_3602], %get3A_3622 : memref<32x129xf32, #tpu.memory_space<vmem>>[vector<16xi32>, vector<16xi32>], vector<16xf32>,
      %broadcast_in_dim3A_3627 = arith.constant 127 : i32
      %broadcast_in_dim3A_3628 = vector.broadcast %broadcast_in_dim3A_3627 : i32 to vector<16xi32>
      %get3A_3629 = arith.constant 127 : i32
      %get3A_3630 = arith.constant 0 : i32
      %get3A_3631 = arith.constant 0 : i32
      %get3A_3632 = tpu.memref_slice %arg6[%rem3A_269, %get3A_3630, %get3A_3631] : memref<2x128x32xf32, #tpu.memory_space<vmem>> -> memref<1x128x32xf32, #tpu.memory_space<vmem>>
      %get3A_3633 = tpu.memref_squeeze %get3A_3632 : memref<1x128x32xf32, #tpu.memory_space<vmem>> -> memref<128x32xf32, #tpu.memory_space<vmem>>
      %get3A_3634 = arith.index_cast %get3A_3629 : i32 to index
      %get3A_3635 = arith.constant 0 : index
      %get3A_3636 = tpu.vector_load %get3A_3633[%get3A_3634, %get3A_3635] {strides = array<i32>} : memref<128x32xf32, #tpu.memory_space<vmem>>, vector<16xf32>,
      %scatter3A_3637 = arith.constant 0 : i32
      %scatter3A_3638 = arith.constant 0 : i32
      %scatter3A_3639 = tpu.memref_slice %arg7[%rem3A_269, %scatter3A_3637, %scatter3A_3638] : memref<2x32x129xf32, #tpu.memory_space<vmem>> -> memref<1x32x129xf32, #tpu.memory_space<vmem>>
      %scatter3A_3640 = tpu.memref_squeeze %scatter3A_3639 : memref<1x32x129xf32, #tpu.memory_space<vmem>> -> memref<32x129xf32, #tpu.memory_space<vmem>>
      tpu.vector_store_idx %scatter3A_3640[%add3A_324, %broadcast_in_dim3A_3628], %get3A_3636 : memref<32x129xf32, #tpu.memory_space<vmem>>[vector<16xi32>, vector<16xi32>], vector<16xf32>,
      %get3A_3641 = arith.constant 127 : i32
      %get3A_3642 = arith.constant 0 : i32
      %get3A_3643 = arith.constant 0 : i32
      %get3A_3644 = tpu.memref_slice %arg6[%rem3A_269, %get3A_3642, %get3A_3643] : memref<2x128x32xf32, #tpu.memory_space<vmem>> -> memref<1x128x32xf32, #tpu.memory_space<vmem>>
      %get3A_3645 = tpu.memref_squeeze %get3A_3644 : memref<1x128x32xf32, #tpu.memory_space<vmem>> -> memref<128x32xf32, #tpu.memory_space<vmem>>
      %get3A_3646 = arith.index_cast %get3A_3641 : i32 to index
      %get3A_3647 = arith.constant 16 : index
      %get3A_3648 = tpu.vector_load %get3A_3645[%get3A_3646, %get3A_3647] {strides = array<i32>} : memref<128x32xf32, #tpu.memory_space<vmem>>, vector<16xf32>,
      %scatter3A_3649 = arith.constant 0 : i32
      %scatter3A_3650 = arith.constant 0 : i32
      %scatter3A_3651 = tpu.memref_slice %arg7[%rem3A_269, %scatter3A_3649, %scatter3A_3650] : memref<2x32x129xf32, #tpu.memory_space<vmem>> -> memref<1x32x129xf32, #tpu.memory_space<vmem>>
      %scatter3A_3652 = tpu.memref_squeeze %scatter3A_3651 : memref<1x32x129xf32, #tpu.memory_space<vmem>> -> memref<32x129xf32, #tpu.memory_space<vmem>>
      tpu.vector_store_idx %scatter3A_3652[%add3A_327, %broadcast_in_dim3A_3628], %get3A_3648 : memref<32x129xf32, #tpu.memory_space<vmem>>[vector<16xi32>, vector<16xi32>], vector<16xf32>,
      %dma_start3A_3653 = arith.constant 0 : i32
      %dma_start3A_3654 = arith.constant 0 : i32
      %dma_start3A_3655 = arith.constant 0 : i32
      %dma_start3A_3656 = tpu.memref_slice %arg7[%rem3A_269, %dma_start3A_3654, %dma_start3A_3655] : memref<2x32x129xf32, #tpu.memory_space<vmem>> -> memref<1x8x128xf32, #tpu.memory_space<vmem>>
      %dma_start3A_3657 = tpu.memref_squeeze %dma_start3A_3656 : memref<1x8x128xf32, #tpu.memory_space<vmem>> -> memref<8x128xf32, #tpu.memory_space<vmem>>
      %dma_start3A_3658 = arith.constant 0 : i32
      %dma_start3A_3659 = arith.constant 0 : i32
      %dma_start3A_3660 = tpu.memref_slice %arg4[%select_n3A_298, %dma_start3A_3653, %rem3A_300, %dma_start3A_3658, %dma_start3A_3659] : memref<50x4x128x8x128xf32, #tpu.memory_space<hbm>> -> memref<1x1x1x8x128xf32, #tpu.memory_space<hbm>>
      %dma_start3A_3661 = tpu.memref_squeeze %dma_start3A_3660 : memref<1x1x1x8x128xf32, #tpu.memory_space<hbm>> -> memref<8x128xf32, #tpu.memory_space<hbm>>
      %dma_start3A_3662 = arith.constant 0 : i32
      %dma_start3A_3663 = arith.constant 0 : i32
      %dma_start3A_3664 = tpu.memref_slice %arg4[%select_n3A_298, %dma_start3A_3653, %rem3A_300, %dma_start3A_3662, %dma_start3A_3663] : memref<50x4x128x8x128xf32, #tpu.memory_space<hbm>> -> memref<1x1x1x8x128xf32, #tpu.memory_space<hbm>>
      %dma_start3A_3665 = tpu.memref_squeeze %dma_start3A_3664 : memref<1x1x1x8x128xf32, #tpu.memory_space<hbm>> -> memref<8x128xf32, #tpu.memory_space<hbm>>
      %dma_start3A_3666 = arith.constant 0 : i32
      %dma_start3A_3667 = arith.constant 0 : i32
      %dma_start3A_3668 = tpu.memref_slice %arg7[%rem3A_269, %dma_start3A_3666, %dma_start3A_3667] : memref<2x32x129xf32, #tpu.memory_space<vmem>> -> memref<1x8x128xf32, #tpu.memory_space<vmem>>
      %dma_start3A_3669 = tpu.memref_squeeze %dma_start3A_3668 : memref<1x8x128xf32, #tpu.memory_space<vmem>> -> memref<8x128xf32, #tpu.memory_space<vmem>>
      tpu.enqueue_dma source(%dma_start3A_3669 : memref<8x128xf32, #tpu.memory_space<vmem>>) target(%dma_start3A_3665 : memref<8x128xf32, #tpu.memory_space<hbm>>) target_semaphore(%arg9 : memref<!tpu.dma_semaphore, #tpu.memory_space<semaphore_mem>>)
      %dma_start3A_3670 = arith.constant 1 : i32
      %dma_start3A_3671 = arith.constant 8 : i32
      %dma_start3A_3672 = arith.constant 0 : i32
      %dma_start3A_3673 = tpu.memref_slice %arg7[%rem3A_269, %dma_start3A_3671, %dma_start3A_3672] : memref<2x32x129xf32, #tpu.memory_space<vmem>> -> memref<1x8x128xf32, #tpu.memory_space<vmem>>
      %dma_start3A_3674 = tpu.memref_squeeze %dma_start3A_3673 : memref<1x8x128xf32, #tpu.memory_space<vmem>> -> memref<8x128xf32, #tpu.memory_space<vmem>>
      %dma_start3A_3675 = arith.constant 0 : i32
      %dma_start3A_3676 = arith.constant 0 : i32
      %dma_start3A_3677 = tpu.memref_slice %arg4[%select_n3A_298, %dma_start3A_3670, %rem3A_300, %dma_start3A_3675, %dma_start3A_3676] : memref<50x4x128x8x128xf32, #tpu.memory_space<hbm>> -> memref<1x1x1x8x128xf32, #tpu.memory_space<hbm>>
      %dma_start3A_3678 = tpu.memref_squeeze %dma_start3A_3677 : memref<1x1x1x8x128xf32, #tpu.memory_space<hbm>> -> memref<8x128xf32, #tpu.memory_space<hbm>>
      %dma_start3A_3679 = arith.constant 0 : i32
      %dma_start3A_3680 = arith.constant 0 : i32
      %dma_start3A_3681 = tpu.memref_slice %arg4[%select_n3A_298, %dma_start3A_3670, %rem3A_300, %dma_start3A_3679, %dma_start3A_3680] : memref<50x4x128x8x128xf32, #tpu.memory_space<hbm>> -> memref<1x1x1x8x128xf32, #tpu.memory_space<hbm>>
      %dma_start3A_3682 = tpu.memref_squeeze %dma_start3A_3681 : memref<1x1x1x8x128xf32, #tpu.memory_space<hbm>> -> memref<8x128xf32, #tpu.memory_space<hbm>>
      %dma_start3A_3683 = arith.constant 8 : i32
      %dma_start3A_3684 = arith.constant 0 : i32
      %dma_start3A_3685 = tpu.memref_slice %arg7[%rem3A_269, %dma_start3A_3683, %dma_start3A_3684] : memref<2x32x129xf32, #tpu.memory_space<vmem>> -> memref<1x8x128xf32, #tpu.memory_space<vmem>>
      %dma_start3A_3686 = tpu.memref_squeeze %dma_start3A_3685 : memref<1x8x128xf32, #tpu.memory_space<vmem>> -> memref<8x128xf32, #tpu.memory_space<vmem>>
      tpu.enqueue_dma source(%dma_start3A_3686 : memref<8x128xf32, #tpu.memory_space<vmem>>) target(%dma_start3A_3682 : memref<8x128xf32, #tpu.memory_space<hbm>>) target_semaphore(%arg9 : memref<!tpu.dma_semaphore, #tpu.memory_space<semaphore_mem>>)
      %dma_start3A_3687 = arith.constant 2 : i32
      %dma_start3A_3688 = arith.constant 16 : i32
      %dma_start3A_3689 = arith.constant 0 : i32
      %dma_start3A_3690 = tpu.memref_slice %arg7[%rem3A_269, %dma_start3A_3688, %dma_start3A_3689] : memref<2x32x129xf32, #tpu.memory_space<vmem>> -> memref<1x8x128xf32, #tpu.memory_space<vmem>>
      %dma_start3A_3691 = tpu.memref_squeeze %dma_start3A_3690 : memref<1x8x128xf32, #tpu.memory_space<vmem>> -> memref<8x128xf32, #tpu.memory_space<vmem>>
      %dma_start3A_3692 = arith.constant 0 : i32
      %dma_start3A_3693 = arith.constant 0 : i32
      %dma_start3A_3694 = tpu.memref_slice %arg4[%select_n3A_298, %dma_start3A_3687, %rem3A_300, %dma_start3A_3692, %dma_start3A_3693] : memref<50x4x128x8x128xf32, #tpu.memory_space<hbm>> -> memref<1x1x1x8x128xf32, #tpu.memory_space<hbm>>
      %dma_start3A_3695 = tpu.memref_squeeze %dma_start3A_3694 : memref<1x1x1x8x128xf32, #tpu.memory_space<hbm>> -> memref<8x128xf32, #tpu.memory_space<hbm>>
      %dma_start3A_3696 = arith.constant 0 : i32
      %dma_start3A_3697 = arith.constant 0 : i32
      %dma_start3A_3698 = tpu.memref_slice %arg4[%select_n3A_298, %dma_start3A_3687, %rem3A_300, %dma_start3A_3696, %dma_start3A_3697] : memref<50x4x128x8x128xf32, #tpu.memory_space<hbm>> -> memref<1x1x1x8x128xf32, #tpu.memory_space<hbm>>
      %dma_start3A_3699 = tpu.memref_squeeze %dma_start3A_3698 : memref<1x1x1x8x128xf32, #tpu.memory_space<hbm>> -> memref<8x128xf32, #tpu.memory_space<hbm>>
      %dma_start3A_3700 = arith.constant 16 : i32
      %dma_start3A_3701 = arith.constant 0 : i32
      %dma_start3A_3702 = tpu.memref_slice %arg7[%rem3A_269, %dma_start3A_3700, %dma_start3A_3701] : memref<2x32x129xf32, #tpu.memory_space<vmem>> -> memref<1x8x128xf32, #tpu.memory_space<vmem>>
      %dma_start3A_3703 = tpu.memref_squeeze %dma_start3A_3702 : memref<1x8x128xf32, #tpu.memory_space<vmem>> -> memref<8x128xf32, #tpu.memory_space<vmem>>
      tpu.enqueue_dma source(%dma_start3A_3703 : memref<8x128xf32, #tpu.memory_space<vmem>>) target(%dma_start3A_3699 : memref<8x128xf32, #tpu.memory_space<hbm>>) target_semaphore(%arg9 : memref<!tpu.dma_semaphore, #tpu.memory_space<semaphore_mem>>)
      %dma_start3A_3704 = arith.constant 3 : i32
      %dma_start3A_3705 = arith.constant 24 : i32
      %dma_start3A_3706 = arith.constant 0 : i32
      %dma_start3A_3707 = tpu.memref_slice %arg7[%rem3A_269, %dma_start3A_3705, %dma_start3A_3706] : memref<2x32x129xf32, #tpu.memory_space<vmem>> -> memref<1x8x128xf32, #tpu.memory_space<vmem>>
      %dma_start3A_3708 = tpu.memref_squeeze %dma_start3A_3707 : memref<1x8x128xf32, #tpu.memory_space<vmem>> -> memref<8x128xf32, #tpu.memory_space<vmem>>
      %dma_start3A_3709 = arith.constant 0 : i32
      %dma_start3A_3710 = arith.constant 0 : i32
      %dma_start3A_3711 = tpu.memref_slice %arg4[%select_n3A_298, %dma_start3A_3704, %rem3A_300, %dma_start3A_3709, %dma_start3A_3710] : memref<50x4x128x8x128xf32, #tpu.memory_space<hbm>> -> memref<1x1x1x8x128xf32, #tpu.memory_space<hbm>>
      %dma_start3A_3712 = tpu.memref_squeeze %dma_start3A_3711 : memref<1x1x1x8x128xf32, #tpu.memory_space<hbm>> -> memref<8x128xf32, #tpu.memory_space<hbm>>
      %dma_start3A_3713 = arith.constant 0 : i32
      %dma_start3A_3714 = arith.constant 0 : i32
      %dma_start3A_3715 = tpu.memref_slice %arg4[%select_n3A_298, %dma_start3A_3704, %rem3A_300, %dma_start3A_3713, %dma_start3A_3714] : memref<50x4x128x8x128xf32, #tpu.memory_space<hbm>> -> memref<1x1x1x8x128xf32, #tpu.memory_space<hbm>>
      %dma_start3A_3716 = tpu.memref_squeeze %dma_start3A_3715 : memref<1x1x1x8x128xf32, #tpu.memory_space<hbm>> -> memref<8x128xf32, #tpu.memory_space<hbm>>
      %dma_start3A_3717 = arith.constant 24 : i32
      %dma_start3A_3718 = arith.constant 0 : i32
      %dma_start3A_3719 = tpu.memref_slice %arg7[%rem3A_269, %dma_start3A_3717, %dma_start3A_3718] : memref<2x32x129xf32, #tpu.memory_space<vmem>> -> memref<1x8x128xf32, #tpu.memory_space<vmem>>
      %dma_start3A_3720 = tpu.memref_squeeze %dma_start3A_3719 : memref<1x8x128xf32, #tpu.memory_space<vmem>> -> memref<8x128xf32, #tpu.memory_space<vmem>>
      tpu.enqueue_dma source(%dma_start3A_3720 : memref<8x128xf32, #tpu.memory_space<vmem>>) target(%dma_start3A_3716 : memref<8x128xf32, #tpu.memory_space<hbm>>) target_semaphore(%arg9 : memref<!tpu.dma_semaphore, #tpu.memory_space<semaphore_mem>>)
    }
    %scan3A_102 = arith.constant 200 : i32
    %dma_wait3A_103 = arith.constant 0 : i32
    %dma_wait3A_104 = arith.constant 0 : i32
    %dma_wait3A_105 = arith.constant 0 : i32
    %dma_wait3A_106 = arith.constant 0 : i32
    %dma_wait3A_107 = arith.constant 0 : i32
    %dma_wait3A_108 = arith.constant 0 : i32
    %dma_wait3A_109 = tpu.memref_slice %arg7[%dma_wait3A_103, %dma_wait3A_107, %dma_wait3A_108] : memref<2x32x129xf32, #tpu.memory_space<vmem>> -> memref<1x8x128xf32, #tpu.memory_space<vmem>>
    %dma_wait3A_110 = tpu.memref_squeeze %dma_wait3A_109 : memref<1x8x128xf32, #tpu.memory_space<vmem>> -> memref<8x128xf32, #tpu.memory_space<vmem>>
    %dma_wait3A_111 = arith.constant 0 : i32
    %dma_wait3A_112 = arith.constant 0 : i32
    %dma_wait3A_113 = tpu.memref_slice %arg4[%dma_wait3A_104, %dma_wait3A_105, %dma_wait3A_106, %dma_wait3A_111, %dma_wait3A_112] : memref<50x4x128x8x128xf32, #tpu.memory_space<hbm>> -> memref<1x1x1x8x128xf32, #tpu.memory_space<hbm>>
    %dma_wait3A_114 = tpu.memref_squeeze %dma_wait3A_113 : memref<1x1x1x8x128xf32, #tpu.memory_space<hbm>> -> memref<8x128xf32, #tpu.memory_space<hbm>>
    %dma_wait3A_115 = arith.constant 0 : i32
    %dma_wait3A_116 = arith.constant 0 : i32
    %dma_wait3A_117 = tpu.memref_slice %arg4[%dma_wait3A_104, %dma_wait3A_105, %dma_wait3A_106, %dma_wait3A_115, %dma_wait3A_116] : memref<50x4x128x8x128xf32, #tpu.memory_space<hbm>> -> memref<1x1x1x8x128xf32, #tpu.memory_space<hbm>>
    %dma_wait3A_118 = tpu.memref_squeeze %dma_wait3A_117 : memref<1x1x1x8x128xf32, #tpu.memory_space<hbm>> -> memref<8x128xf32, #tpu.memory_space<hbm>>
    %dma_wait3A_119 = arith.constant 0 : i32
    %dma_wait3A_120 = arith.constant 0 : i32
    %dma_wait3A_121 = tpu.memref_slice %arg7[%dma_wait3A_103, %dma_wait3A_119, %dma_wait3A_120] : memref<2x32x129xf32, #tpu.memory_space<vmem>> -> memref<1x8x128xf32, #tpu.memory_space<vmem>>
    %dma_wait3A_122 = tpu.memref_squeeze %dma_wait3A_121 : memref<1x8x128xf32, #tpu.memory_space<vmem>> -> memref<8x128xf32, #tpu.memory_space<vmem>>
    tpu.wait_dma2 semaphore(%arg9 : memref<!tpu.dma_semaphore, #tpu.memory_space<semaphore_mem>>) src(%dma_wait3A_122 : memref<8x128xf32, #tpu.memory_space<vmem>>) dst(%dma_wait3A_118 : memref<8x128xf32, #tpu.memory_space<hbm>>)
    %dma_wait3A_123 = arith.constant 0 : i32
    %dma_wait3A_124 = arith.constant 0 : i32
    %dma_wait3A_125 = arith.constant 1 : i32
    %dma_wait3A_126 = arith.constant 0 : i32
    %dma_wait3A_127 = arith.constant 8 : i32
    %dma_wait3A_128 = arith.constant 0 : i32
    %dma_wait3A_129 = tpu.memref_slice %arg7[%dma_wait3A_123, %dma_wait3A_127, %dma_wait3A_128] : memref<2x32x129xf32, #tpu.memory_space<vmem>> -> memref<1x8x128xf32, #tpu.memory_space<vmem>>
    %dma_wait3A_130 = tpu.memref_squeeze %dma_wait3A_129 : memref<1x8x128xf32, #tpu.memory_space<vmem>> -> memref<8x128xf32, #tpu.memory_space<vmem>>
    %dma_wait3A_131 = arith.constant 0 : i32
    %dma_wait3A_132 = arith.constant 0 : i32
    %dma_wait3A_133 = tpu.memref_slice %arg4[%dma_wait3A_124, %dma_wait3A_125, %dma_wait3A_126, %dma_wait3A_131, %dma_wait3A_132] : memref<50x4x128x8x128xf32, #tpu.memory_space<hbm>> -> memref<1x1x1x8x128xf32, #tpu.memory_space<hbm>>
    %dma_wait3A_134 = tpu.memref_squeeze %dma_wait3A_133 : memref<1x1x1x8x128xf32, #tpu.memory_space<hbm>> -> memref<8x128xf32, #tpu.memory_space<hbm>>
    %dma_wait3A_135 = arith.constant 0 : i32
    %dma_wait3A_136 = arith.constant 0 : i32
    %dma_wait3A_137 = tpu.memref_slice %arg4[%dma_wait3A_124, %dma_wait3A_125, %dma_wait3A_126, %dma_wait3A_135, %dma_wait3A_136] : memref<50x4x128x8x128xf32, #tpu.memory_space<hbm>> -> memref<1x1x1x8x128xf32, #tpu.memory_space<hbm>>
    %dma_wait3A_138 = tpu.memref_squeeze %dma_wait3A_137 : memref<1x1x1x8x128xf32, #tpu.memory_space<hbm>> -> memref<8x128xf32, #tpu.memory_space<hbm>>
    %dma_wait3A_139 = arith.constant 8 : i32
    %dma_wait3A_140 = arith.constant 0 : i32
    %dma_wait3A_141 = tpu.memref_slice %arg7[%dma_wait3A_123, %dma_wait3A_139, %dma_wait3A_140] : memref<2x32x129xf32, #tpu.memory_space<vmem>> -> memref<1x8x128xf32, #tpu.memory_space<vmem>>
    %dma_wait3A_142 = tpu.memref_squeeze %dma_wait3A_141 : memref<1x8x128xf32, #tpu.memory_space<vmem>> -> memref<8x128xf32, #tpu.memory_space<vmem>>
    tpu.wait_dma2 semaphore(%arg9 : memref<!tpu.dma_semaphore, #tpu.memory_space<semaphore_mem>>) src(%dma_wait3A_142 : memref<8x128xf32, #tpu.memory_space<vmem>>) dst(%dma_wait3A_138 : memref<8x128xf32, #tpu.memory_space<hbm>>)
    %dma_wait3A_143 = arith.constant 0 : i32
    %dma_wait3A_144 = arith.constant 0 : i32
    %dma_wait3A_145 = arith.constant 2 : i32
    %dma_wait3A_146 = arith.constant 0 : i32
    %dma_wait3A_147 = arith.constant 16 : i32
    %dma_wait3A_148 = arith.constant 0 : i32
    %dma_wait3A_149 = tpu.memref_slice %arg7[%dma_wait3A_143, %dma_wait3A_147, %dma_wait3A_148] : memref<2x32x129xf32, #tpu.memory_space<vmem>> -> memref<1x8x128xf32, #tpu.memory_space<vmem>>
    %dma_wait3A_150 = tpu.memref_squeeze %dma_wait3A_149 : memref<1x8x128xf32, #tpu.memory_space<vmem>> -> memref<8x128xf32, #tpu.memory_space<vmem>>
    %dma_wait3A_151 = arith.constant 0 : i32
    %dma_wait3A_152 = arith.constant 0 : i32
    %dma_wait3A_153 = tpu.memref_slice %arg4[%dma_wait3A_144, %dma_wait3A_145, %dma_wait3A_146, %dma_wait3A_151, %dma_wait3A_152] : memref<50x4x128x8x128xf32, #tpu.memory_space<hbm>> -> memref<1x1x1x8x128xf32, #tpu.memory_space<hbm>>
    %dma_wait3A_154 = tpu.memref_squeeze %dma_wait3A_153 : memref<1x1x1x8x128xf32, #tpu.memory_space<hbm>> -> memref<8x128xf32, #tpu.memory_space<hbm>>
    %dma_wait3A_155 = arith.constant 0 : i32
    %dma_wait3A_156 = arith.constant 0 : i32
    %dma_wait3A_157 = tpu.memref_slice %arg4[%dma_wait3A_144, %dma_wait3A_145, %dma_wait3A_146, %dma_wait3A_155, %dma_wait3A_156] : memref<50x4x128x8x128xf32, #tpu.memory_space<hbm>> -> memref<1x1x1x8x128xf32, #tpu.memory_space<hbm>>
    %dma_wait3A_158 = tpu.memref_squeeze %dma_wait3A_157 : memref<1x1x1x8x128xf32, #tpu.memory_space<hbm>> -> memref<8x128xf32, #tpu.memory_space<hbm>>
    %dma_wait3A_159 = arith.constant 16 : i32
    %dma_wait3A_160 = arith.constant 0 : i32
    %dma_wait3A_161 = tpu.memref_slice %arg7[%dma_wait3A_143, %dma_wait3A_159, %dma_wait3A_160] : memref<2x32x129xf32, #tpu.memory_space<vmem>> -> memref<1x8x128xf32, #tpu.memory_space<vmem>>
    %dma_wait3A_162 = tpu.memref_squeeze %dma_wait3A_161 : memref<1x8x128xf32, #tpu.memory_space<vmem>> -> memref<8x128xf32, #tpu.memory_space<vmem>>
    tpu.wait_dma2 semaphore(%arg9 : memref<!tpu.dma_semaphore, #tpu.memory_space<semaphore_mem>>) src(%dma_wait3A_162 : memref<8x128xf32, #tpu.memory_space<vmem>>) dst(%dma_wait3A_158 : memref<8x128xf32, #tpu.memory_space<hbm>>)
    %dma_wait3A_163 = arith.constant 0 : i32
    %dma_wait3A_164 = arith.constant 0 : i32
    %dma_wait3A_165 = arith.constant 3 : i32
    %dma_wait3A_166 = arith.constant 0 : i32
    %dma_wait3A_167 = arith.constant 24 : i32
    %dma_wait3A_168 = arith.constant 0 : i32
    %dma_wait3A_169 = tpu.memref_slice %arg7[%dma_wait3A_163, %dma_wait3A_167, %dma_wait3A_168] : memref<2x32x129xf32, #tpu.memory_space<vmem>> -> memref<1x8x128xf32, #tpu.memory_space<vmem>>
    %dma_wait3A_170 = tpu.memref_squeeze %dma_wait3A_169 : memref<1x8x128xf32, #tpu.memory_space<vmem>> -> memref<8x128xf32, #tpu.memory_space<vmem>>
    %dma_wait3A_171 = arith.constant 0 : i32
    %dma_wait3A_172 = arith.constant 0 : i32
    %dma_wait3A_173 = tpu.memref_slice %arg4[%dma_wait3A_164, %dma_wait3A_165, %dma_wait3A_166, %dma_wait3A_171, %dma_wait3A_172] : memref<50x4x128x8x128xf32, #tpu.memory_space<hbm>> -> memref<1x1x1x8x128xf32, #tpu.memory_space<hbm>>
    %dma_wait3A_174 = tpu.memref_squeeze %dma_wait3A_173 : memref<1x1x1x8x128xf32, #tpu.memory_space<hbm>> -> memref<8x128xf32, #tpu.memory_space<hbm>>
    %dma_wait3A_175 = arith.constant 0 : i32
    %dma_wait3A_176 = arith.constant 0 : i32
    %dma_wait3A_177 = tpu.memref_slice %arg4[%dma_wait3A_164, %dma_wait3A_165, %dma_wait3A_166, %dma_wait3A_175, %dma_wait3A_176] : memref<50x4x128x8x128xf32, #tpu.memory_space<hbm>> -> memref<1x1x1x8x128xf32, #tpu.memory_space<hbm>>
    %dma_wait3A_178 = tpu.memref_squeeze %dma_wait3A_177 : memref<1x1x1x8x128xf32, #tpu.memory_space<hbm>> -> memref<8x128xf32, #tpu.memory_space<hbm>>
    %dma_wait3A_179 = arith.constant 24 : i32
    %dma_wait3A_180 = arith.constant 0 : i32
    %dma_wait3A_181 = tpu.memref_slice %arg7[%dma_wait3A_163, %dma_wait3A_179, %dma_wait3A_180] : memref<2x32x129xf32, #tpu.memory_space<vmem>> -> memref<1x8x128xf32, #tpu.memory_space<vmem>>
    %dma_wait3A_182 = tpu.memref_squeeze %dma_wait3A_181 : memref<1x8x128xf32, #tpu.memory_space<vmem>> -> memref<8x128xf32, #tpu.memory_space<vmem>>
    tpu.wait_dma2 semaphore(%arg9 : memref<!tpu.dma_semaphore, #tpu.memory_space<semaphore_mem>>) src(%dma_wait3A_182 : memref<8x128xf32, #tpu.memory_space<vmem>>) dst(%dma_wait3A_178 : memref<8x128xf32, #tpu.memory_space<hbm>>)
    %dma_wait3A_183 = arith.constant 1 : i32
    %dma_wait3A_184 = arith.constant 0 : i32
    %dma_wait3A_185 = arith.constant 0 : i32
    %dma_wait3A_186 = arith.constant 0 : i32
    %dma_wait3A_187 = arith.constant 0 : i32
    %dma_wait3A_188 = arith.constant 0 : i32
    %dma_wait3A_189 = tpu.memref_slice %arg7[%dma_wait3A_183, %dma_wait3A_187, %dma_wait3A_188] : memref<2x32x129xf32, #tpu.memory_space<vmem>> -> memref<1x8x128xf32, #tpu.memory_space<vmem>>
    %dma_wait3A_190 = tpu.memref_squeeze %dma_wait3A_189 : memref<1x8x128xf32, #tpu.memory_space<vmem>> -> memref<8x128xf32, #tpu.memory_space<vmem>>
    %dma_wait3A_191 = arith.constant 0 : i32
    %dma_wait3A_192 = arith.constant 0 : i32
    %dma_wait3A_193 = tpu.memref_slice %arg4[%dma_wait3A_184, %dma_wait3A_185, %dma_wait3A_186, %dma_wait3A_191, %dma_wait3A_192] : memref<50x4x128x8x128xf32, #tpu.memory_space<hbm>> -> memref<1x1x1x8x128xf32, #tpu.memory_space<hbm>>
    %dma_wait3A_194 = tpu.memref_squeeze %dma_wait3A_193 : memref<1x1x1x8x128xf32, #tpu.memory_space<hbm>> -> memref<8x128xf32, #tpu.memory_space<hbm>>
    %dma_wait3A_195 = arith.constant 0 : i32
    %dma_wait3A_196 = arith.constant 0 : i32
    %dma_wait3A_197 = tpu.memref_slice %arg4[%dma_wait3A_184, %dma_wait3A_185, %dma_wait3A_186, %dma_wait3A_195, %dma_wait3A_196] : memref<50x4x128x8x128xf32, #tpu.memory_space<hbm>> -> memref<1x1x1x8x128xf32, #tpu.memory_space<hbm>>
    %dma_wait3A_198 = tpu.memref_squeeze %dma_wait3A_197 : memref<1x1x1x8x128xf32, #tpu.memory_space<hbm>> -> memref<8x128xf32, #tpu.memory_space<hbm>>
    %dma_wait3A_199 = arith.constant 0 : i32
    %dma_wait3A_200 = arith.constant 0 : i32
    %dma_wait3A_201 = tpu.memref_slice %arg7[%dma_wait3A_183, %dma_wait3A_199, %dma_wait3A_200] : memref<2x32x129xf32, #tpu.memory_space<vmem>> -> memref<1x8x128xf32, #tpu.memory_space<vmem>>
    %dma_wait3A_202 = tpu.memref_squeeze %dma_wait3A_201 : memref<1x8x128xf32, #tpu.memory_space<vmem>> -> memref<8x128xf32, #tpu.memory_space<vmem>>
    tpu.wait_dma2 semaphore(%arg9 : memref<!tpu.dma_semaphore, #tpu.memory_space<semaphore_mem>>) src(%dma_wait3A_202 : memref<8x128xf32, #tpu.memory_space<vmem>>) dst(%dma_wait3A_198 : memref<8x128xf32, #tpu.memory_space<hbm>>)
    %dma_wait3A_203 = arith.constant 1 : i32
    %dma_wait3A_204 = arith.constant 0 : i32
    %dma_wait3A_205 = arith.constant 1 : i32
    %dma_wait3A_206 = arith.constant 0 : i32
    %dma_wait3A_207 = arith.constant 8 : i32
    %dma_wait3A_208 = arith.constant 0 : i32
    %dma_wait3A_209 = tpu.memref_slice %arg7[%dma_wait3A_203, %dma_wait3A_207, %dma_wait3A_208] : memref<2x32x129xf32, #tpu.memory_space<vmem>> -> memref<1x8x128xf32, #tpu.memory_space<vmem>>
    %dma_wait3A_210 = tpu.memref_squeeze %dma_wait3A_209 : memref<1x8x128xf32, #tpu.memory_space<vmem>> -> memref<8x128xf32, #tpu.memory_space<vmem>>
    %dma_wait3A_211 = arith.constant 0 : i32
    %dma_wait3A_212 = arith.constant 0 : i32
    %dma_wait3A_213 = tpu.memref_slice %arg4[%dma_wait3A_204, %dma_wait3A_205, %dma_wait3A_206, %dma_wait3A_211, %dma_wait3A_212] : memref<50x4x128x8x128xf32, #tpu.memory_space<hbm>> -> memref<1x1x1x8x128xf32, #tpu.memory_space<hbm>>
    %dma_wait3A_214 = tpu.memref_squeeze %dma_wait3A_213 : memref<1x1x1x8x128xf32, #tpu.memory_space<hbm>> -> memref<8x128xf32, #tpu.memory_space<hbm>>
    %dma_wait3A_215 = arith.constant 0 : i32
    %dma_wait3A_216 = arith.constant 0 : i32
    %dma_wait3A_217 = tpu.memref_slice %arg4[%dma_wait3A_204, %dma_wait3A_205, %dma_wait3A_206, %dma_wait3A_215, %dma_wait3A_216] : memref<50x4x128x8x128xf32, #tpu.memory_space<hbm>> -> memref<1x1x1x8x128xf32, #tpu.memory_space<hbm>>
    %dma_wait3A_218 = tpu.memref_squeeze %dma_wait3A_217 : memref<1x1x1x8x128xf32, #tpu.memory_space<hbm>> -> memref<8x128xf32, #tpu.memory_space<hbm>>
    %dma_wait3A_219 = arith.constant 8 : i32
    %dma_wait3A_220 = arith.constant 0 : i32
    %dma_wait3A_221 = tpu.memref_slice %arg7[%dma_wait3A_203, %dma_wait3A_219, %dma_wait3A_220] : memref<2x32x129xf32, #tpu.memory_space<vmem>> -> memref<1x8x128xf32, #tpu.memory_space<vmem>>
    %dma_wait3A_222 = tpu.memref_squeeze %dma_wait3A_221 : memref<1x8x128xf32, #tpu.memory_space<vmem>> -> memref<8x128xf32, #tpu.memory_space<vmem>>
    tpu.wait_dma2 semaphore(%arg9 : memref<!tpu.dma_semaphore, #tpu.memory_space<semaphore_mem>>) src(%dma_wait3A_222 : memref<8x128xf32, #tpu.memory_space<vmem>>) dst(%dma_wait3A_218 : memref<8x128xf32, #tpu.memory_space<hbm>>)
    %dma_wait3A_223 = arith.constant 1 : i32
    %dma_wait3A_224 = arith.constant 0 : i32
    %dma_wait3A_225 = arith.constant 2 : i32
    %dma_wait3A_226 = arith.constant 0 : i32
    %dma_wait3A_227 = arith.constant 16 : i32
    %dma_wait3A_228 = arith.constant 0 : i32
    %dma_wait3A_229 = tpu.memref_slice %arg7[%dma_wait3A_223, %dma_wait3A_227, %dma_wait3A_228] : memref<2x32x129xf32, #tpu.memory_space<vmem>> -> memref<1x8x128xf32, #tpu.memory_space<vmem>>
    %dma_wait3A_230 = tpu.memref_squeeze %dma_wait3A_229 : memref<1x8x128xf32, #tpu.memory_space<vmem>> -> memref<8x128xf32, #tpu.memory_space<vmem>>
    %dma_wait3A_231 = arith.constant 0 : i32
    %dma_wait3A_232 = arith.constant 0 : i32
    %dma_wait3A_233 = tpu.memref_slice %arg4[%dma_wait3A_224, %dma_wait3A_225, %dma_wait3A_226, %dma_wait3A_231, %dma_wait3A_232] : memref<50x4x128x8x128xf32, #tpu.memory_space<hbm>> -> memref<1x1x1x8x128xf32, #tpu.memory_space<hbm>>
    %dma_wait3A_234 = tpu.memref_squeeze %dma_wait3A_233 : memref<1x1x1x8x128xf32, #tpu.memory_space<hbm>> -> memref<8x128xf32, #tpu.memory_space<hbm>>
    %dma_wait3A_235 = arith.constant 0 : i32
    %dma_wait3A_236 = arith.constant 0 : i32
    %dma_wait3A_237 = tpu.memref_slice %arg4[%dma_wait3A_224, %dma_wait3A_225, %dma_wait3A_226, %dma_wait3A_235, %dma_wait3A_236] : memref<50x4x128x8x128xf32, #tpu.memory_space<hbm>> -> memref<1x1x1x8x128xf32, #tpu.memory_space<hbm>>
    %dma_wait3A_238 = tpu.memref_squeeze %dma_wait3A_237 : memref<1x1x1x8x128xf32, #tpu.memory_space<hbm>> -> memref<8x128xf32, #tpu.memory_space<hbm>>
    %dma_wait3A_239 = arith.constant 16 : i32
    %dma_wait3A_240 = arith.constant 0 : i32
    %dma_wait3A_241 = tpu.memref_slice %arg7[%dma_wait3A_223, %dma_wait3A_239, %dma_wait3A_240] : memref<2x32x129xf32, #tpu.memory_space<vmem>> -> memref<1x8x128xf32, #tpu.memory_space<vmem>>
    %dma_wait3A_242 = tpu.memref_squeeze %dma_wait3A_241 : memref<1x8x128xf32, #tpu.memory_space<vmem>> -> memref<8x128xf32, #tpu.memory_space<vmem>>
    tpu.wait_dma2 semaphore(%arg9 : memref<!tpu.dma_semaphore, #tpu.memory_space<semaphore_mem>>) src(%dma_wait3A_242 : memref<8x128xf32, #tpu.memory_space<vmem>>) dst(%dma_wait3A_238 : memref<8x128xf32, #tpu.memory_space<hbm>>)
    %dma_wait3A_243 = arith.constant 1 : i32
    %dma_wait3A_244 = arith.constant 0 : i32
    %dma_wait3A_245 = arith.constant 3 : i32
    %dma_wait3A_246 = arith.constant 0 : i32
    %dma_wait3A_247 = arith.constant 24 : i32
    %dma_wait3A_248 = arith.constant 0 : i32
    %dma_wait3A_249 = tpu.memref_slice %arg7[%dma_wait3A_243, %dma_wait3A_247, %dma_wait3A_248] : memref<2x32x129xf32, #tpu.memory_space<vmem>> -> memref<1x8x128xf32, #tpu.memory_space<vmem>>
    %dma_wait3A_250 = tpu.memref_squeeze %dma_wait3A_249 : memref<1x8x128xf32, #tpu.memory_space<vmem>> -> memref<8x128xf32, #tpu.memory_space<vmem>>
    %dma_wait3A_251 = arith.constant 0 : i32
    %dma_wait3A_252 = arith.constant 0 : i32
    %dma_wait3A_253 = tpu.memref_slice %arg4[%dma_wait3A_244, %dma_wait3A_245, %dma_wait3A_246, %dma_wait3A_251, %dma_wait3A_252] : memref<50x4x128x8x128xf32, #tpu.memory_space<hbm>> -> memref<1x1x1x8x128xf32, #tpu.memory_space<hbm>>
    %dma_wait3A_254 = tpu.memref_squeeze %dma_wait3A_253 : memref<1x1x1x8x128xf32, #tpu.memory_space<hbm>> -> memref<8x128xf32, #tpu.memory_space<hbm>>
    %dma_wait3A_255 = arith.constant 0 : i32
    %dma_wait3A_256 = arith.constant 0 : i32
    %dma_wait3A_257 = tpu.memref_slice %arg4[%dma_wait3A_244, %dma_wait3A_245, %dma_wait3A_246, %dma_wait3A_255, %dma_wait3A_256] : memref<50x4x128x8x128xf32, #tpu.memory_space<hbm>> -> memref<1x1x1x8x128xf32, #tpu.memory_space<hbm>>
    %dma_wait3A_258 = tpu.memref_squeeze %dma_wait3A_257 : memref<1x1x1x8x128xf32, #tpu.memory_space<hbm>> -> memref<8x128xf32, #tpu.memory_space<hbm>>
    %dma_wait3A_259 = arith.constant 24 : i32
    %dma_wait3A_260 = arith.constant 0 : i32
    %dma_wait3A_261 = tpu.memref_slice %arg7[%dma_wait3A_243, %dma_wait3A_259, %dma_wait3A_260] : memref<2x32x129xf32, #tpu.memory_space<vmem>> -> memref<1x8x128xf32, #tpu.memory_space<vmem>>
    %dma_wait3A_262 = tpu.memref_squeeze %dma_wait3A_261 : memref<1x8x128xf32, #tpu.memory_space<vmem>> -> memref<8x128xf32, #tpu.memory_space<vmem>>
    tpu.wait_dma2 semaphore(%arg9 : memref<!tpu.dma_semaphore, #tpu.memory_space<semaphore_mem>>) src(%dma_wait3A_262 : memref<8x128xf32, #tpu.memory_space<vmem>>) dst(%dma_wait3A_258 : memref<8x128xf32, #tpu.memory_space<hbm>>)
    return
  }
}

</mosaic_0001>

<sc_bundles>
// kernel: kernel.3.cloned.1.call-start
scs
__scs_entry_jumppad:
0x0: {  	(pc) =	sbr.rel $0x88, $3  }
0x1: {  	(tag) =	ssettag $0x0;
	lr =	simm.s32 $0x1  }
0x2: {  	[smem:$0x3F9F] =	sst lr;
	_ =	strace $0xD0000000  }
0x3: {  	_ = 	snop  }
0x4: {  	_ = 	snop  }
0x5: {  	_ = 	snop  }
0x6: {  	_ = 	snop  }
0x7: {  	_ = 	snop  }
__scs_overlays_trampoline_lowered:
0x8: {  	[smem:$0x3FAE] =	sst s0  }
0x9: {  	[smem:$0x3FAF] =	sst s1  }
0xa: {  	[smem:$0x3FB0] =	sst s2  }
0xb: {  	[smem:$0x3FB1] =	sst s3  }
0xc: {  	[smem:$0x3FB2] =	sst s4  }
0xd: {  	[smem:$0x3FB3] =	sst s5  }
0xe: {  	[smem:$0x3FB4] =	sst s6  }
0xf: {  	[smem:$0x3FB5] =	sst s7  }
0x10: {  	[smem:$0x3FB6] =	sst s8  }
0x11: {  	[smem:$0x3FB7] =	sst s9;
	s0 =	simm.s32 @!p0 $0x0  }
0x12: {  	s1 =	sld [smem:$0x3F9D];
	s0 =	simm.s32 @p0 $0x1  }
0x13: {  	[smem:$0x3FB8] =	sst s0;
	s0 =	simm.s32 @!p1 $0x0  }
0x14: {  	s2 =	sld [smem:$0x3F9C];
	s0 =	simm.s32 @p1 $0x1  }
0x15: {  	[smem:$0x3FB9] =	sst s0;
	s0 =	simm.s32 @!p2 $0x0  }
0x16: {  	s3 =	sld [smem:$0x3FDB];
	s0 =	simm.s32 @p2 $0x1  }
0x17: {  	s4 =	simm.s32 $0x1BF5;
	[smem:$0x3FBB] =	sst s0  }
0x18: {  	s0 =	sld [smem:$0x3F9E];
	_ =	swait.ge [sflag:s4], $0x0  }
0x19: {  	s7 =	sld [smem:$0x3F9F]  }
0x1a: {  	s8 =	sadd.s32 $0xFFFFE003, lr  }
0x1b: {  	s9 =	sadd.s32 $0xFFFFFEF7, lr;
	s5 =	simm.s32 $0xFFFFFFFF;
	p2 =	slt.u32 s8, $0xFFFFF086  }
0x1c: {  	p1 =	slt.u32 s9, $0xF7A;
	s5 =	simm.s32 @!p2 $0x0  }
0x1d: {  	s5 =	simm.s32 @p1 $0x1;
	p0 =	seq.s32 s7, s2  }
0x1e: {  	s7 =	smul.u32 @!p0 $0xF7A, s2;
	p2 =	seq.s32 @!p0 s5, $0x0  }
0x1f: {  	s9 =	smul.u32 $0xF7A, s1;
	s8 =	simm.s32 @!p0 $0x1BF5;
	p2 =	por !p2, p0  }
0x20: {  	[sflag:s8] =	ssyncset.s32 @!p0 $0xFFFFF086;
	s6 =	sadd.s32 @!p0 s3, s7;
	s7 =	simm.s32 @!p0 $0x108  }
0x21: {  	s3 =	sadd.s32 s3, s9;
	s6 =	sadd.s32 @!p0 $0x88, s6;
	s7 =	simm.s32 @p2 $0x1082  }
0x22: {  	[simem:s7], [sflag:s8] =	dma.local @!p0 [hbm:s6], $0xF7A  }
0x23: {  	s9 =	sor.u32 $0xD0000000, s2;
	s6 =	simm.s32 $0x108;
	_ =	swait.ge @!p0 [sflag:s8], $0x0  }
0x24: {  	s3 =	sadd.s32 $0x88, s3;
	s6 =	simm.s32 @!p1 $0x1082;
	[sflag:s4] =	ssyncset.s32 $0xFFFFF086  }
0x25: {  	[simem:s6], [sflag:s4] =	dma.local [hbm:s3], $0xF7A  }
0x26: {  	[smem:$0x3F9F] =	sst s1;
	(tag) =	ssettag s2;
	_ =	strace s9  }
0x27: {  	s1 =	sld [smem:$0x3FAF]  }
0x28: {  	s2 =	sld [smem:$0x3FB0]  }
0x29: {  	s4 =	sld [smem:$0x3FB2]  }
0x2a: {  	p0 =	seq.s32 s5, $0x0;
	s5 =	sld [smem:$0x3FB3]  }
0x2b: {  	s6 =	sld [smem:$0x3FB4]  }
0x2c: {  	s7 =	sld [smem:$0x3FB5]  }
0x2d: {  	s3 =	simm.s32 $0x108;
	s8 =	sld [smem:$0x3FB6]  }
0x2e: {  	s3 =	simm.s32 @!p0 $0x1082;
	s9 =	sld [smem:$0x3FB7]  }
0x2f: {  	lr =	sadd.s32 s0, s3;
	s0 =	sld [smem:$0x3FAE]  }
0x30: {  	s3 =	sld [smem:$0x3FB1]  }
0x31: {  	[smem:$0x3FBA] =	sst s10  }
0x32: {  	s10 =	sld [smem:$0x3FB8];
	_ =	sdelay $0x3  }
0x33: {  	p0 =	seq.s32 s10, $0x1;
	s10 =	sld [smem:$0x3FBA];
	_ =	sdelay $0x3  }
0x34: {  	[smem:$0x3FBA] =	sst s10  }
0x35: {  	s10 =	sld [smem:$0x3FB9];
	_ =	sdelay $0x3  }
0x36: {  	p1 =	seq.s32 s10, $0x1;
	s10 =	sld [smem:$0x3FBA];
	_ =	sdelay $0x3  }
0x37: {  	[smem:$0x3FBA] =	sst s10  }
0x38: {  	s10 =	sld [smem:$0x3FBB]  }
0x39: {  	_ = 	snop;
	(pc) =	sbr.ind lr, $3  }
0x3a: {  	_ = 	snop  }
0x3b: {  	_ = 	snop  }
0x3c: {  	p2 =	seq.s32 s10, $0x1;
	s10 =	sld [smem:$0x3FBA]  }
0x3d: {  	_ =	shalt  }
0x3e: {  	_ =	shalt  }
0x3f: {  	_ =	shalt  }
0x40: {  	_ =	shalt  }
0x41: {  	_ =	shalt  }
0x42: {  	_ =	shalt  }
0x43: {  	_ =	shalt  }
0x44: {  	_ =	shalt  }
0x45: {  	_ =	shalt  }
0x46: {  	_ =	shalt  }
0x47: {  	_ =	shalt  }
0x48: {  	_ =	shalt  }
0x49: {  	_ =	shalt  }
0x4a: {  	_ =	shalt  }
0x4b: {  	_ =	shalt  }
0x4c: {  	_ =	shalt  }
0x4d: {  	_ =	shalt  }
0x4e: {  	_ =	shalt  }
0x4f: {  	_ =	shalt  }
0x50: {  	_ =	shalt  }
0x51: {  	_ =	shalt  }
0x52: {  	_ =	shalt  }
0x53: {  	_ =	shalt  }
0x54: {  	_ =	shalt  }
0x55: {  	_ =	shalt  }
0x56: {  	_ =	shalt  }
0x57: {  	_ =	shalt  }
0x58: {  	_ =	shalt  }
0x59: {  	_ =	shalt  }
0x5a: {  	_ =	shalt  }
0x5b: {  	_ =	shalt  }
0x5c: {  	_ =	shalt  }
0x5d: {  	_ =	shalt  }
0x5e: {  	_ =	shalt  }
0x5f: {  	_ =	shalt  }
0x60: {  	_ =	shalt  }
0x61: {  	_ =	shalt  }
0x62: {  	_ =	shalt  }
0x63: {  	_ =	shalt  }
0x64: {  	_ =	shalt  }
0x65: {  	_ =	shalt  }
0x66: {  	_ =	shalt  }
0x67: {  	_ =	shalt  }
0x68: {  	_ =	shalt  }
0x69: {  	_ =	shalt  }
0x6a: {  	_ =	shalt  }
0x6b: {  	_ =	shalt  }
0x6c: {  	_ =	shalt  }
0x6d: {  	_ =	shalt  }
0x6e: {  	_ =	shalt  }
0x6f: {  	_ =	shalt  }
0x70: {  	_ =	shalt  }
0x71: {  	_ =	shalt  }
0x72: {  	_ =	shalt  }
0x73: {  	_ =	shalt  }
0x74: {  	_ =	shalt  }
0x75: {  	_ =	shalt  }
0x76: {  	_ =	shalt  }
0x77: {  	_ =	shalt  }
0x78: {  	_ =	shalt  }
0x79: {  	_ =	shalt  }
0x7a: {  	_ =	shalt  }
0x7b: {  	_ =	shalt  }
0x7c: {  	_ =	shalt  }
0x7d: {  	_ =	shalt  }
0x7e: {  	_ =	shalt  }
0x7f: {  	_ =	shalt  }
0x80: {  	_ =	shalt  }
0x81: {  	_ =	shalt  }
0x82: {  	_ =	shalt  }
0x83: {  	_ =	shalt  }
0x84: {  	_ =	shalt  }
0x85: {  	_ =	shalt  }
0x86: {  	_ =	shalt  }
0x87: {  	_ =	shalt  }
.Lfunc_end0:
.L_simem_size_0:
called_computation_lowered:
.L_overlay_start_0:
0x88: {  	s2 =	sld [smem:$0x3FD9]  }
0x89: {  	s3 =	sld [smem:$0x3FFE];
	_ =	sdelay $0x1  }
0x8a: {  	s1 =	srdreg.scid  }
0x8b: {  	s0 =	sand.u32 $0x1, s1  }
0x8c: {  	s17 =	sshll.u32 s0, $0xA;
	s2 =	sadd.s32 s3, s2  }
0x8d: {  	s2 =	sadd.s32 s2, s17  }
0x8e: {  	[smem:$0x3FC6] =	sst s2  }
0x8f: {  	_ = 	snop  }
0x90: {  	s2 =	sld [smem:$0x3FD0];
	(tm) =	ssettm $0x1  }
0x91: {  	s18 =	sld [smem:$0x3FFB];
	_ =	sdelay $0x3  }
0x92: {  	_ =	strace s18  }
0x93: {  	s3 =	sld [smem:$0x3FFC];
	_ =	sdelay $0x3  }
0x94: {  	_ =	strace s3  }
0x95: {  	s3 =	sld [smem:$0x3FFD];
	_ =	sdelay $0x3  }
0x96: {  	_ =	strace s3  }
0x97: {  	_ =	strace $0x8FFFFFFF  }
0x98: {  	s19 =	sld [smem:$0x3FDB];
	_ =	sdelay $0x1  }
0x99: {  	s4 =	simm.s32 $_scs_section_size  }
0x9a: {  	s5 =	simm.s32 $_size__tile_overlayer_lowered;
	s6 =	simm.s32 $_tile_overlayer_lowered  }
0x9b: {  	s22 =	simm.s32 $0x1BFF;
	s21 =	sshll.u32 s6, $0x1;
	s3 =	sadd.s32 s4, s19  }
0x9c: {  	s7 =	simm.s32 $0x0;
	s20 =	sshll.u32 s5, $0x1;
	s5 =	sadd.s32 s21, s3  }
0x9d: {  	[timem:s7], [sflag:s22] =	dma.local [hbm:s5], s20  }
0x9e: {  	_ =	swait.ge [sflag:s22], s20  }
0x9f: {  	s4 =	ssub.s32 $0x0, s20;
	[sflag:s22] =	ssyncset.done $0x0  }
0xa0: {  	[sflag:s22] =	ssyncadd.s32 s4;
	_ =	sdelay $0x1  }
0xa1: {  	s23 =	simm.s32 $0x1B8B  }
0xa2: {  	_ =	swait.ge [sflag:s23], $0x1  }
0xa3: {  	[sflag:s23] =	ssyncset.done $0x0  }
0xa4: {  	s25 =	simm.s32 $0x1B8E;
	s24 =	sld [smem:$0x3FFE];
	[sflag:s23] =	ssyncadd.s32 $0xFFFFFFFF  }
0xa5: {  	s26 =	simm.s32 $execute0_lowered;
	[smem:$0x3FD2] =	sst s25  }
0xa6: {  	s5 =	sshll.u32 s26, $0x1;
	_ =	strace $0x80000046;
	[dreg:$0x1] =	wrdreg $0xFFFFFFFF  }
0xa7: {  	s28 =	simm.s32 $_size_execute0_lowered;
	s3 =	sadd.s32 s3, s5;
	[dreg:$0x0] =	wrdreg $0x0  }
0xa8: {  	s5 =	sshll.u32 s28, $0x1;
	[dreg:$0x2] =	wrdreg s3  }
0xa9: {  	[dreg:$0x3] =	wrdreg s5  }
0xaa: {  	[dreg:$0x4] =	wrdreg $0xC0  }
0xab: {  	_ =	task [dreg:s7], $0x5FFFF  }
0xac: {  	[dreg:$0x1] =	wrdreg $0xFFFFFFFF  }
0xad: {  	[dreg:$0x0] =	wrdreg $0x60  }
0xae: {  	[dreg:$0x2] =	wrdreg s24  }
0xaf: {  	[dreg:$0x3] =	wrdreg s2  }
0xb0: {  	[dreg:$0x4] =	wrdreg $0x9  }
0xb1: {  	_ =	task.clear_ibuf [dreg:s7], $0x5FFFF;
	_ =	strace $0x90000046  }
0xb2: {  	s29 =	simm.s32 $0x9;
	_ =	strace $0x80000048  }
0xb3: {  	_ =	swait.ge [sflag:s29], $0x1  }
0xb4: {  	[sflag:s29] =	ssyncadd.s32 $0xFFFFFFFF  }
0xb5: {  	_ =	strace $0x90000048  }
0xb6: {  	_ =	sfence  }
0xb7: {  	s30 =	sld [smem:$0x0];
	_ =	sdelay $0x2  }
0xb8: {  	s31 =	sshll.u32 s1, $0xD;
	s1 =	sshrl.u32 s1, $0x2  }
0xb9: {  	s3 =	sand.u32 $0x4000, s31;
	s1 =	sadd.s32 s1, s30  }
0xba: {  	s0 =	sor.u32 s3, s0;
	s1 =	sshll.u32 s1, $0x11  }
0xbb: {  	s0 =	sor.u32 s1, s0  }
0xbc: {  	s0 =	sadd.s32 $0x8F2B, s0  }
0xbd: {  	[sflag:s0] =	ssyncadd.remote.s32 $0x1  }
0xbe: {  	_ =	sfence.sel $0xFFFF  }
0xbf: {  	[dreg:$0x0] =	wrdreg $0xFFFFFFFF;
	(pc) =	sbr.abs _section_cstart, $3  }
0xc0: {  	[dreg:$0x1] =	wrdreg $0xFFFFFFFF  }
0xc1: {  	_ =	task.clear_ibuf [dreg:s7], $0x2FFFF;
	_ =	strace $0x9FFFFFFF  }
0xc2: {  	(tm) =	ssettm $0x7FFFFFFF  }
0xc3: {  	_ =	shalt  }
tec
execute0_lowered:
.L_overlay_start_1:
0x0: {  	(tag) =	ssettag $0x1  }
0x1: {  	v0 =	vlaneseq.u32  }
0x2: {  	v0 =	vmul.u32 $0x88, v0;
	_ =	sdelay $0x1  }
0x3: {  	v1 =	vadd.s32 $0x880, v0;
	v3 =	vadd.s32 $0x881, v0;
	v4 =	vor.u32 $0x2, v0  }
0x4: {  	v5 =	vadd.s32 $0x882, v0;
	v6 =	vor.u32 $0x3, v0;
	v7 =	vadd.s32 $0x883, v0  }
0x5: {  	v8 =	vor.u32 $0x4, v0;
	v9 =	vadd.s32 $0x884, v0;
	v10 =	vor.u32 $0x5, v0  }
0x6: {  	v11 =	vadd.s32 $0x885, v0;
	v12 =	vor.u32 $0x6, v0;
	v13 =	vadd.s32 $0x886, v0  }
0x7: {  	v14 =	vor.u32 $0x7, v0;
	v15 =	vadd.s32 $0x887, v0;
	v16 =	vadd.s32 $0x8, v0  }
0x8: {  	s5 =	rddreg [dreg:$0x0];
	s0 =	stileid.u32;
	v17 =	vadd.s32 $0x888, v0;
	v18 =	vadd.s32 $0x9, v0;
	v19 =	vadd.s32 $0x889, v0  }
0x9: {  	s1 =	srdreg.scid;
	s11 =	smul.u32 $0x1900, s0;
	v20 =	vadd.s32 $0xA, v0;
	v21 =	vadd.s32 $0x88A, v0;
	v22 =	vadd.s32 $0xB, v0  }
0xa: {  	s2 =	rddreg [dreg:$0x1];
	s13 =	smul.u32 $0xC800, s0;
	v23 =	vadd.s32 $0x88B, v0;
	v24 =	vadd.s32 $0xC, v0;
	v25 =	vadd.s32 $0x88C, v0  }
0xb: {  	s3 =	simm.s32 $0x0;
	s9 =	sand.u32 $0x1, s1;
	s16 =	smul.u32 $0x32000, s0;
	v26 =	vadd.s32 $0xD, v0;
	v27 =	vadd.s32 $0x88D, v0;
	v28 =	vadd.s32 $0xE, v0  }
0xc: {  	s18 =	simm.s32 $0x2;
	s19 =	simm.s32 $0x0;
	s12 =	smul.u32 $0xC80, s9;
	v29 =	vadd.s32 $0x88E, v0;
	v30 =	vadd.s32 $0xF, v0;
	v31 =	vadd.s32 $0x88F, v0  }
0xd: {  	s4 =	sshll.u32 s0, $0x1;
	s1 =	rddreg [dreg:$0x2];
	s15 =	smul.u32 $0x6400, s9;
	v32 =	vadd.s32 $0x10, v0;
	v33 =	vadd.s32 $0x890, v0;
	v34 =	vadd.s32 $0x11, v0  }
0xe: {  	[smem:$0x7FF] =	sst s3;
	s4 =	sor.u32 s9, s4;
	s17 =	smul.u32 $0x19000, s9;
	v35 =	vadd.s32 $0x891, v0;
	v36 =	vadd.s32 $0x12, v0;
	v37 =	vadd.s32 $0x892, v0  }
0xf: {  	s10 =	sadd.s32 $0x600, s5;
	s8 =	sadd.s32 $0x8000, s2;
	s6 =	smul.u32 $0x6400, s4;
	v38 =	vadd.s32 $0x13, v0;
	v39 =	vadd.s32 $0x893, v0;
	v40 =	vadd.s32 $0x14, v0  }
0x10: {  	s30 =	ssub.s32 $0x2, s9;
	s9 =	sadd.s32 $0xC000, s2;
	s7 =	smul.u32 $0x2400, s4;
	v41 =	vadd.s32 $0x894, v0;
	v42 =	vadd.s32 $0x15, v0;
	v43 =	vadd.s32 $0x895, v0  }
0x11: {  	s4 =	sadd.s32 $0xF42A00, s5;
	s31 =	sshrl.u32 s30, $0x1;
	v44 =	vadd.s32 $0x16, v0;
	v45 =	vadd.s32 $0x896, v0;
	v46 =	vadd.s32 $0x17, v0;
	s11 =	sadd.s32 s11, s10  }
0x12: {  	v47 =	vadd.s32 $0x897, v0;
	v48 =	vadd.s32 $0x18, v0;
	v49 =	vadd.s32 $0x898, v0;
	s14 =	ssub.s32 s30, s31;
	s11 =	sadd.s32 s12, s11;
	s12 =	sadd.s32 s15, s13  }
0x13: {  	v50 =	vadd.s32 $0x19, v0;
	v51 =	vadd.s32 $0x899, v0;
	v52 =	vadd.s32 $0x1A, v0;
	s13 =	sadd.s32 s17, s16;
	s28 =	sand.u32 $0xFC000, s6;
	s29 =	sand.u32 $0x3C00, s7  }
0x14: {  	v53 =	vadd.s32 $0x89A, v0;
	v54 =	vadd.s32 $0x1B, v0;
	[tilespmem:$0x1FFE0] =	vst v1;
	v1 =	vor.u32 $0x1, v0;
	s15 =	simm.s32 $0x80;
	s16 =	simm.s32 $0x100;
	s5 =	sor.u32 s29, s28  }
0x15: {  	v55 =	vadd.s32 $0x89B, v0;
	v56 =	vadd.s32 $0x1C, v0;
	v57 =	vadd.s32 $0x89C, v0;
	s17 =	simm.s32 $0x1;
	[tilespmem:$0x1FFF0] =	vst v1;
	s7 =	sadd.s32 $0x4000, s2;
	s5 =	sshrl.u32 s5, $0x3  }
0x16: {  	v58 =	vadd.s32 $0x1D, v0;
	v59 =	vadd.s32 $0x89D, v0;
	v60 =	vadd.s32 $0x1E, v0;
	s11 =	sadd.s32 $0x20, s11;
	_ =	strace $0x80000047;
	s5 =	sadd.s32 s10, s5  }
0x17: {  	v61 =	vadd.s32 $0x89E, v0;
	v62 =	vadd.s32 $0x1F, v0;
	v63 =	vadd.s32 $0x89F, v0;
	s10 =	smax.u32 s14, $0x1;
	s14 =	simm.s32 $0x3;
	s6 =	sadd.s32 $0x10, s5  }
.LBB2_1:
0x18: {  	[tilespmem:s3], [sflag:$0x3] =	stream.linear.gather [hbm4b:s5+s3], $0x80, $0x38;
	[tilespmem:$0x4300] =	vst v63  }
0x19: {  	_ =	swait.ge [sflag:s14], $0x80  }
0x1a: {  	[sflag:s14] =	ssyncset.done $0x0  }
0x1b: {  	s20 =	smov.u32 s13;
	[sflag:s14] =	ssyncadd.s32 $0xFFFFFF80  }
0x1c: {  	[tilespmem:s16], [sflag:$0x1] =	stream.indirect.gather [hbm4b:s4+s15], $0x20, s3, s15, $0xb8;
	[tilespmem:$0x4300] =	vst v63  }
0x1d: {  	s21 =	smov.u32 s12;
	s22 =	smov.u32 s11;
	s23 =	simm.s32 $0x0  }
0x1e: {  	[tilespmem:s15], [sflag:$0x3] =	stream.linear.gather [hbm4b:s6+s3], $0x80, $0x38;
	[tilespmem:$0x4300] =	vst v63  }
.LBB2_2:
0x1f: {  	p0 =	seq.s32 s23, $0xC7  }
0x20: {  	s25 =	smov.u32 s23;
	s23 =	sadd.s32 $0x1, s23;
	s24 =	simm.s32 @!p0 $0x3  }
0x21: {  	s26 =	sand.u32 @!p0 $0x1, s23;
	_ =	swait.ge @!p0 [sflag:s24], $0x80  }
0x22: {  	s28 =	sshll.u32 @!p0 s26, $0x7;
	s26 =	sshll.u32 @!p0 s26, $0xC;
	[sflag:s24] =	ssyncset.done @!p0 $0x0  }
0x23: {  	[sflag:s24] =	ssyncadd.s32 @!p0 $0xFFFFFF80;
	s24 =	sor.u32 @!p0 $0x100, s26;
	s26 =	simm.s32 @!p0 $0x80  }
0x24: {  	[tilespmem:s24], [sflag:$0x1] =	stream.indirect.gather @!p0 [hbm4b:s4+s26], $0x20, s28, s26, $0xb8;
	[tilespmem:$0x4300] =	vst v63  }
0x25: {  	s24 =	sand.u32 $0x1, s25;
	p0 =	sgt.u32 s25, $0xC5;
	_ =	swait.ge [sflag:s17], $0x1000  }
0x26: {  	s26 =	sshll.u32 @!p0 s24, $0x7;
	[sflag:s17] =	ssyncset.done $0x0  }
0x27: {  	s28 =	simm.s32 @!p0 $0x0;
	p1 =	slt.u32 @!p0 s25, $0x2;
	[sflag:s17] =	ssyncadd.s32 $0xFFFFF000  }
0x28: {  	[tilespmem:s26], [sflag:$0x3] =	stream.linear.gather @!p0 [hbm4b:s22+s28], $0x80, $0x38;
	[tilespmem:$0x4300] =	vst v63  }
0x29: {  	p0 =	por p0, !p1  }
0x2a: {  	_ =	swait.ge @p0 [sflag:s18], $0x400  }
0x2b: {  	[sflag:s18] =	ssyncset.done @p0 $0x0  }
0x2c: {  	[sflag:s18] =	ssyncadd.s32 @p0 $0xFFFFFC00  }
0x2d: {  	_ =	swait.ge @p0 [sflag:s18], $0x400  }
0x2e: {  	[sflag:s18] =	ssyncset.done @p0 $0x0  }
0x2f: {  	[sflag:s18] =	ssyncadd.s32 @p0 $0xFFFFFC00  }
0x30: {  	_ =	swait.ge @p0 [sflag:s18], $0x400  }
0x31: {  	[sflag:s18] =	ssyncset.done @p0 $0x0  }
0x32: {  	[sflag:s18] =	ssyncadd.s32 @p0 $0xFFFFFC00  }
0x33: {  	_ =	swait.ge @p0 [sflag:s18], $0x400  }
0x34: {  	[sflag:s18] =	ssyncset.done @p0 $0x0  }
0x35: {  	s31 =	sshll.u32 s24, $0xC;
	[sflag:s18] =	ssyncadd.s32 @p0 $0xFFFFFC00  }
0x36: {  	v1 =	vld [tilespmem:s31+$0x100];
	_ =	sdelay $0x1  }
0x37: {  	s24 =	smul.u32 $0x4400, s24  }
0x38: {  	v2 =	vld [tilespmem:$0x1FFE0]  }
0x39: {  	s24 =	sshrl.u32 s24, $0x2  }
0x3a: {  	[tilespmem:v0+s24+$0x2100] =	vst.idx.msk $0xffff, v1  }
0x3b: {  	v1 =	vld [tilespmem:s31+$0x110];
	_ =	sdelay $0x4  }
0x3c: {  	[tilespmem:v2+s24+$0x2100] =	vst.idx.msk $0xffff, v1;
	v2 =	vld [tilespmem:$0x1FFF0];
	_ =	sdelay $0x2  }
0x3d: {  	v1 =	vld [tilespmem:s31+$0x120];
	_ =	sdelay $0x4  }
0x3e: {  	[tilespmem:v2+s24+$0x2100] =	vst.idx.msk $0xffff, v1  }
0x3f: {  	v1 =	vld [tilespmem:s31+$0x130];
	_ =	sdelay $0x4  }
0x40: {  	[tilespmem:v3+s24+$0x2100] =	vst.idx.msk $0xffff, v1  }
0x41: {  	v1 =	vld [tilespmem:s31+$0x140];
	_ =	sdelay $0x4  }
0x42: {  	[tilespmem:v4+s24+$0x2100] =	vst.idx.msk $0xffff, v1  }
0x43: {  	v1 =	vld [tilespmem:s31+$0x150];
	_ =	sdelay $0x4  }
0x44: {  	[tilespmem:v5+s24+$0x2100] =	vst.idx.msk $0xffff, v1  }
0x45: {  	v1 =	vld [tilespmem:s31+$0x160];
	_ =	sdelay $0x4  }
0x46: {  	[tilespmem:v6+s24+$0x2100] =	vst.idx.msk $0xffff, v1  }
0x47: {  	v1 =	vld [tilespmem:s31+$0x170];
	_ =	sdelay $0x4  }
0x48: {  	[tilespmem:v7+s24+$0x2100] =	vst.idx.msk $0xffff, v1  }
0x49: {  	v1 =	vld [tilespmem:s31+$0x180];
	_ =	sdelay $0x4  }
0x4a: {  	[tilespmem:v8+s24+$0x2100] =	vst.idx.msk $0xffff, v1  }
0x4b: {  	v1 =	vld [tilespmem:s31+$0x190];
	_ =	sdelay $0x4  }
0x4c: {  	[tilespmem:v9+s24+$0x2100] =	vst.idx.msk $0xffff, v1  }
0x4d: {  	v1 =	vld [tilespmem:s31+$0x1A0];
	_ =	sdelay $0x4  }
0x4e: {  	[tilespmem:v10+s24+$0x2100] =	vst.idx.msk $0xffff, v1  }
0x4f: {  	v1 =	vld [tilespmem:s31+$0x1B0];
	_ =	sdelay $0x4  }
0x50: {  	[tilespmem:v11+s24+$0x2100] =	vst.idx.msk $0xffff, v1  }
0x51: {  	v1 =	vld [tilespmem:s31+$0x1C0];
	_ =	sdelay $0x4  }
0x52: {  	[tilespmem:v12+s24+$0x2100] =	vst.idx.msk $0xffff, v1  }
0x53: {  	v1 =	vld [tilespmem:s31+$0x1D0];
	_ =	sdelay $0x4  }
0x54: {  	[tilespmem:v13+s24+$0x2100] =	vst.idx.msk $0xffff, v1  }
0x55: {  	v1 =	vld [tilespmem:s31+$0x1E0];
	_ =	sdelay $0x4  }
0x56: {  	[tilespmem:v14+s24+$0x2100] =	vst.idx.msk $0xffff, v1  }
0x57: {  	v1 =	vld [tilespmem:s31+$0x1F0];
	_ =	sdelay $0x4  }
0x58: {  	[tilespmem:v15+s24+$0x2100] =	vst.idx.msk $0xffff, v1  }
0x59: {  	v1 =	vld [tilespmem:s31+$0x200];
	_ =	sdelay $0x4  }
0x5a: {  	[tilespmem:v16+s24+$0x2100] =	vst.idx.msk $0xffff, v1  }
0x5b: {  	v1 =	vld [tilespmem:s31+$0x210];
	_ =	sdelay $0x4  }
0x5c: {  	[tilespmem:v17+s24+$0x2100] =	vst.idx.msk $0xffff, v1  }
0x5d: {  	v1 =	vld [tilespmem:s31+$0x220];
	_ =	sdelay $0x4  }
0x5e: {  	[tilespmem:v18+s24+$0x2100] =	vst.idx.msk $0xffff, v1  }
0x5f: {  	v1 =	vld [tilespmem:s31+$0x230];
	_ =	sdelay $0x4  }
0x60: {  	[tilespmem:v19+s24+$0x2100] =	vst.idx.msk $0xffff, v1  }
0x61: {  	v1 =	vld [tilespmem:s31+$0x240];
	_ =	sdelay $0x4  }
0x62: {  	[tilespmem:v20+s24+$0x2100] =	vst.idx.msk $0xffff, v1  }
0x63: {  	v1 =	vld [tilespmem:s31+$0x250];
	_ =	sdelay $0x4  }
0x64: {  	[tilespmem:v21+s24+$0x2100] =	vst.idx.msk $0xffff, v1  }
0x65: {  	v1 =	vld [tilespmem:s31+$0x260];
	_ =	sdelay $0x4  }
0x66: {  	[tilespmem:v22+s24+$0x2100] =	vst.idx.msk $0xffff, v1  }
0x67: {  	v1 =	vld [tilespmem:s31+$0x270];
	_ =	sdelay $0x4  }
0x68: {  	[tilespmem:v23+s24+$0x2100] =	vst.idx.msk $0xffff, v1  }
0x69: {  	v1 =	vld [tilespmem:s31+$0x280];
	_ =	sdelay $0x4  }
0x6a: {  	[tilespmem:v24+s24+$0x2100] =	vst.idx.msk $0xffff, v1  }
0x6b: {  	v1 =	vld [tilespmem:s31+$0x290];
	_ =	sdelay $0x4  }
0x6c: {  	[tilespmem:v25+s24+$0x2100] =	vst.idx.msk $0xffff, v1  }
0x6d: {  	v1 =	vld [tilespmem:s31+$0x2A0];
	_ =	sdelay $0x4  }
0x6e: {  	[tilespmem:v26+s24+$0x2100] =	vst.idx.msk $0xffff, v1  }
0x6f: {  	v1 =	vld [tilespmem:s31+$0x2B0];
	_ =	sdelay $0x4  }
0x70: {  	[tilespmem:v27+s24+$0x2100] =	vst.idx.msk $0xffff, v1  }
0x71: {  	v1 =	vld [tilespmem:s31+$0x2C0];
	_ =	sdelay $0x4  }
0x72: {  	[tilespmem:v28+s24+$0x2100] =	vst.idx.msk $0xffff, v1  }
0x73: {  	v1 =	vld [tilespmem:s31+$0x2D0];
	_ =	sdelay $0x4  }
0x74: {  	[tilespmem:v29+s24+$0x2100] =	vst.idx.msk $0xffff, v1  }
0x75: {  	v1 =	vld [tilespmem:s31+$0x2E0];
	_ =	sdelay $0x4  }
0x76: {  	[tilespmem:v30+s24+$0x2100] =	vst.idx.msk $0xffff, v1  }
0x77: {  	v1 =	vld [tilespmem:s31+$0x2F0];
	_ =	sdelay $0x4  }
0x78: {  	[tilespmem:v31+s24+$0x2100] =	vst.idx.msk $0xffff, v1  }
0x79: {  	v1 =	vld [tilespmem:s31+$0x300];
	_ =	sdelay $0x4  }
0x7a: {  	[tilespmem:v32+s24+$0x2100] =	vst.idx.msk $0xffff, v1  }
0x7b: {  	v1 =	vld [tilespmem:s31+$0x310];
	_ =	sdelay $0x4  }
0x7c: {  	[tilespmem:v33+s24+$0x2100] =	vst.idx.msk $0xffff, v1  }
0x7d: {  	v1 =	vld [tilespmem:s31+$0x320];
	_ =	sdelay $0x4  }
0x7e: {  	[tilespmem:v34+s24+$0x2100] =	vst.idx.msk $0xffff, v1  }
0x7f: {  	v1 =	vld [tilespmem:s31+$0x330];
	_ =	sdelay $0x4  }
0x80: {  	[tilespmem:v35+s24+$0x2100] =	vst.idx.msk $0xffff, v1  }
0x81: {  	v1 =	vld [tilespmem:s31+$0x340];
	_ =	sdelay $0x4  }
0x82: {  	[tilespmem:v36+s24+$0x2100] =	vst.idx.msk $0xffff, v1  }
0x83: {  	v1 =	vld [tilespmem:s31+$0x350];
	_ =	sdelay $0x4  }
0x84: {  	[tilespmem:v37+s24+$0x2100] =	vst.idx.msk $0xffff, v1  }
0x85: {  	v1 =	vld [tilespmem:s31+$0x360];
	_ =	sdelay $0x4  }
0x86: {  	[tilespmem:v38+s24+$0x2100] =	vst.idx.msk $0xffff, v1  }
0x87: {  	v1 =	vld [tilespmem:s31+$0x370];
	_ =	sdelay $0x4  }
0x88: {  	[tilespmem:v39+s24+$0x2100] =	vst.idx.msk $0xffff, v1  }
0x89: {  	v1 =	vld [tilespmem:s31+$0x380];
	_ =	sdelay $0x4  }
0x8a: {  	[tilespmem:v40+s24+$0x2100] =	vst.idx.msk $0xffff, v1  }
0x8b: {  	v1 =	vld [tilespmem:s31+$0x390];
	_ =	sdelay $0x4  }
0x8c: {  	[tilespmem:v41+s24+$0x2100] =	vst.idx.msk $0xffff, v1  }
0x8d: {  	v1 =	vld [tilespmem:s31+$0x3A0];
	_ =	sdelay $0x4  }
0x8e: {  	[tilespmem:v42+s24+$0x2100] =	vst.idx.msk $0xffff, v1  }
0x8f: {  	v1 =	vld [tilespmem:s31+$0x3B0];
	_ =	sdelay $0x4  }
0x90: {  	[tilespmem:v43+s24+$0x2100] =	vst.idx.msk $0xffff, v1  }
0x91: {  	v1 =	vld [tilespmem:s31+$0x3C0];
	_ =	sdelay $0x4  }
0x92: {  	[tilespmem:v44+s24+$0x2100] =	vst.idx.msk $0xffff, v1  }
0x93: {  	v1 =	vld [tilespmem:s31+$0x3D0];
	_ =	sdelay $0x4  }
0x94: {  	[tilespmem:v45+s24+$0x2100] =	vst.idx.msk $0xffff, v1  }
0x95: {  	v1 =	vld [tilespmem:s31+$0x3E0];
	_ =	sdelay $0x4  }
0x96: {  	[tilespmem:v46+s24+$0x2100] =	vst.idx.msk $0xffff, v1  }
0x97: {  	v1 =	vld [tilespmem:s31+$0x3F0];
	_ =	sdelay $0x4  }
0x98: {  	[tilespmem:v47+s24+$0x2100] =	vst.idx.msk $0xffff, v1  }
0x99: {  	v1 =	vld [tilespmem:s31+$0x400];
	_ =	sdelay $0x4  }
0x9a: {  	[tilespmem:v48+s24+$0x2100] =	vst.idx.msk $0xffff, v1  }
0x9b: {  	v1 =	vld [tilespmem:s31+$0x410];
	_ =	sdelay $0x4  }
0x9c: {  	[tilespmem:v49+s24+$0x2100] =	vst.idx.msk $0xffff, v1  }
0x9d: {  	v1 =	vld [tilespmem:s31+$0x420];
	_ =	sdelay $0x4  }
0x9e: {  	[tilespmem:v50+s24+$0x2100] =	vst.idx.msk $0xffff, v1  }
0x9f: {  	v1 =	vld [tilespmem:s31+$0x430];
	_ =	sdelay $0x4  }
0xa0: {  	[tilespmem:v51+s24+$0x2100] =	vst.idx.msk $0xffff, v1  }
0xa1: {  	v1 =	vld [tilespmem:s31+$0x440];
	_ =	sdelay $0x4  }
0xa2: {  	[tilespmem:v52+s24+$0x2100] =	vst.idx.msk $0xffff, v1  }
0xa3: {  	v1 =	vld [tilespmem:s31+$0x450];
	_ =	sdelay $0x4  }
0xa4: {  	[tilespmem:v53+s24+$0x2100] =	vst.idx.msk $0xffff, v1  }
0xa5: {  	v1 =	vld [tilespmem:s31+$0x460];
	_ =	sdelay $0x4  }
0xa6: {  	[tilespmem:v54+s24+$0x2100] =	vst.idx.msk $0xffff, v1  }
0xa7: {  	v1 =	vld [tilespmem:s31+$0x470];
	_ =	sdelay $0x4  }
0xa8: {  	[tilespmem:v55+s24+$0x2100] =	vst.idx.msk $0xffff, v1  }
0xa9: {  	v1 =	vld [tilespmem:s31+$0x480];
	_ =	sdelay $0x4  }
0xaa: {  	[tilespmem:v56+s24+$0x2100] =	vst.idx.msk $0xffff, v1  }
0xab: {  	v1 =	vld [tilespmem:s31+$0x490];
	_ =	sdelay $0x4  }
0xac: {  	[tilespmem:v57+s24+$0x2100] =	vst.idx.msk $0xffff, v1  }
0xad: {  	v1 =	vld [tilespmem:s31+$0x4A0];
	_ =	sdelay $0x4  }
0xae: {  	[tilespmem:v58+s24+$0x2100] =	vst.idx.msk $0xffff, v1  }
0xaf: {  	v1 =	vld [tilespmem:s31+$0x4B0];
	_ =	sdelay $0x4  }
0xb0: {  	[tilespmem:v59+s24+$0x2100] =	vst.idx.msk $0xffff, v1  }
0xb1: {  	v1 =	vld [tilespmem:s31+$0x4C0];
	_ =	sdelay $0x4  }
0xb2: {  	[tilespmem:v60+s24+$0x2100] =	vst.idx.msk $0xffff, v1  }
0xb3: {  	v1 =	vld [tilespmem:s31+$0x4D0];
	_ =	sdelay $0x4  }
0xb4: {  	[tilespmem:v61+s24+$0x2100] =	vst.idx.msk $0xffff, v1  }
0xb5: {  	v1 =	vld [tilespmem:s31+$0x4E0];
	_ =	sdelay $0x4  }
0xb6: {  	[tilespmem:v62+s24+$0x2100] =	vst.idx.msk $0xffff, v1  }
0xb7: {  	v1 =	vld [tilespmem:s31+$0x4F0];
	_ =	sdelay $0x4  }
0xb8: {  	[tilespmem:v63+s24+$0x2100] =	vst.idx.msk $0xffff, v1  }
0xb9: {  	v2 =	vadd.s32 $0x20, v0;
	v1 =	vld [tilespmem:s31+$0x500];
	_ =	sdelay $0x4  }
0xba: {  	[tilespmem:v2+s24+$0x2100] =	vst.idx.msk $0xffff, v1  }
0xbb: {  	v2 =	vadd.s32 $0x8A0, v0;
	v1 =	vld [tilespmem:s31+$0x510];
	_ =	sdelay $0x4  }
0xbc: {  	[tilespmem:v2+s24+$0x2100] =	vst.idx.msk $0xffff, v1  }
0xbd: {  	v2 =	vadd.s32 $0x21, v0;
	v1 =	vld [tilespmem:s31+$0x520];
	_ =	sdelay $0x4  }
0xbe: {  	[tilespmem:v2+s24+$0x2100] =	vst.idx.msk $0xffff, v1  }
0xbf: {  	v2 =	vadd.s32 $0x8A1, v0;
	v1 =	vld [tilespmem:s31+$0x530];
	_ =	sdelay $0x4  }
0xc0: {  	[tilespmem:v2+s24+$0x2100] =	vst.idx.msk $0xffff, v1  }
0xc1: {  	v2 =	vadd.s32 $0x22, v0;
	v1 =	vld [tilespmem:s31+$0x540];
	_ =	sdelay $0x4  }
0xc2: {  	[tilespmem:v2+s24+$0x2100] =	vst.idx.msk $0xffff, v1  }
0xc3: {  	v2 =	vadd.s32 $0x8A2, v0;
	v1 =	vld [tilespmem:s31+$0x550];
	_ =	sdelay $0x4  }
0xc4: {  	[tilespmem:v2+s24+$0x2100] =	vst.idx.msk $0xffff, v1  }
0xc5: {  	v2 =	vadd.s32 $0x23, v0;
	v1 =	vld [tilespmem:s31+$0x560];
	_ =	sdelay $0x4  }
0xc6: {  	[tilespmem:v2+s24+$0x2100] =	vst.idx.msk $0xffff, v1  }
0xc7: {  	v2 =	vadd.s32 $0x8A3, v0;
	v1 =	vld [tilespmem:s31+$0x570];
	_ =	sdelay $0x4  }
0xc8: {  	[tilespmem:v2+s24+$0x2100] =	vst.idx.msk $0xffff, v1  }
0xc9: {  	v2 =	vadd.s32 $0x24, v0;
	v1 =	vld [tilespmem:s31+$0x580];
	_ =	sdelay $0x4  }
0xca: {  	[tilespmem:v2+s24+$0x2100] =	vst.idx.msk $0xffff, v1  }
0xcb: {  	v2 =	vadd.s32 $0x8A4, v0;
	v1 =	vld [tilespmem:s31+$0x590];
	_ =	sdelay $0x4  }
0xcc: {  	[tilespmem:v2+s24+$0x2100] =	vst.idx.msk $0xffff, v1  }
0xcd: {  	v2 =	vadd.s32 $0x25, v0;
	v1 =	vld [tilespmem:s31+$0x5A0];
	_ =	sdelay $0x4  }
0xce: {  	[tilespmem:v2+s24+$0x2100] =	vst.idx.msk $0xffff, v1  }
0xcf: {  	v2 =	vadd.s32 $0x8A5, v0;
	v1 =	vld [tilespmem:s31+$0x5B0];
	_ =	sdelay $0x4  }
0xd0: {  	[tilespmem:v2+s24+$0x2100] =	vst.idx.msk $0xffff, v1  }
0xd1: {  	v2 =	vadd.s32 $0x26, v0;
	v1 =	vld [tilespmem:s31+$0x5C0];
	_ =	sdelay $0x4  }
0xd2: {  	[tilespmem:v2+s24+$0x2100] =	vst.idx.msk $0xffff, v1  }
0xd3: {  	v2 =	vadd.s32 $0x8A6, v0;
	v1 =	vld [tilespmem:s31+$0x5D0];
	_ =	sdelay $0x4  }
0xd4: {  	[tilespmem:v2+s24+$0x2100] =	vst.idx.msk $0xffff, v1  }
0xd5: {  	v2 =	vadd.s32 $0x27, v0;
	v1 =	vld [tilespmem:s31+$0x5E0];
	_ =	sdelay $0x4  }
0xd6: {  	[tilespmem:v2+s24+$0x2100] =	vst.idx.msk $0xffff, v1  }
0xd7: {  	v2 =	vadd.s32 $0x8A7, v0;
	v1 =	vld [tilespmem:s31+$0x5F0];
	_ =	sdelay $0x4  }
0xd8: {  	[tilespmem:v2+s24+$0x2100] =	vst.idx.msk $0xffff, v1  }
0xd9: {  	v2 =	vadd.s32 $0x28, v0;
	v1 =	vld [tilespmem:s31+$0x600];
	_ =	sdelay $0x4  }
0xda: {  	[tilespmem:v2+s24+$0x2100] =	vst.idx.msk $0xffff, v1  }
0xdb: {  	v2 =	vadd.s32 $0x8A8, v0;
	v1 =	vld [tilespmem:s31+$0x610];
	_ =	sdelay $0x4  }
0xdc: {  	[tilespmem:v2+s24+$0x2100] =	vst.idx.msk $0xffff, v1  }
0xdd: {  	v2 =	vadd.s32 $0x29, v0;
	v1 =	vld [tilespmem:s31+$0x620];
	_ =	sdelay $0x4  }
0xde: {  	[tilespmem:v2+s24+$0x2100] =	vst.idx.msk $0xffff, v1  }
0xdf: {  	v2 =	vadd.s32 $0x8A9, v0;
	v1 =	vld [tilespmem:s31+$0x630];
	_ =	sdelay $0x4  }
0xe0: {  	[tilespmem:v2+s24+$0x2100] =	vst.idx.msk $0xffff, v1  }
0xe1: {  	v2 =	vadd.s32 $0x2A, v0;
	v1 =	vld [tilespmem:s31+$0x640];
	_ =	sdelay $0x4  }
0xe2: {  	[tilespmem:v2+s24+$0x2100] =	vst.idx.msk $0xffff, v1  }
0xe3: {  	v2 =	vadd.s32 $0x8AA, v0;
	v1 =	vld [tilespmem:s31+$0x650];
	_ =	sdelay $0x4  }
0xe4: {  	[tilespmem:v2+s24+$0x2100] =	vst.idx.msk $0xffff, v1  }
0xe5: {  	v2 =	vadd.s32 $0x2B, v0;
	v1 =	vld [tilespmem:s31+$0x660];
	_ =	sdelay $0x4  }
0xe6: {  	[tilespmem:v2+s24+$0x2100] =	vst.idx.msk $0xffff, v1  }
0xe7: {  	v2 =	vadd.s32 $0x8AB, v0;
	v1 =	vld [tilespmem:s31+$0x670];
	_ =	sdelay $0x4  }
0xe8: {  	[tilespmem:v2+s24+$0x2100] =	vst.idx.msk $0xffff, v1  }
0xe9: {  	v2 =	vadd.s32 $0x2C, v0;
	v1 =	vld [tilespmem:s31+$0x680];
	_ =	sdelay $0x4  }
0xea: {  	[tilespmem:v2+s24+$0x2100] =	vst.idx.msk $0xffff, v1  }
0xeb: {  	v2 =	vadd.s32 $0x8AC, v0;
	v1 =	vld [tilespmem:s31+$0x690];
	_ =	sdelay $0x4  }
0xec: {  	[tilespmem:v2+s24+$0x2100] =	vst.idx.msk $0xffff, v1  }
0xed: {  	v2 =	vadd.s32 $0x2D, v0;
	v1 =	vld [tilespmem:s31+$0x6A0];
	_ =	sdelay $0x4  }
0xee: {  	[tilespmem:v2+s24+$0x2100] =	vst.idx.msk $0xffff, v1  }
0xef: {  	v2 =	vadd.s32 $0x8AD, v0;
	v1 =	vld [tilespmem:s31+$0x6B0];
	_ =	sdelay $0x4  }
0xf0: {  	[tilespmem:v2+s24+$0x2100] =	vst.idx.msk $0xffff, v1  }
0xf1: {  	v2 =	vadd.s32 $0x2E, v0;
	v1 =	vld [tilespmem:s31+$0x6C0];
	_ =	sdelay $0x4  }
0xf2: {  	[tilespmem:v2+s24+$0x2100] =	vst.idx.msk $0xffff, v1  }
0xf3: {  	v2 =	vadd.s32 $0x8AE, v0;
	v1 =	vld [tilespmem:s31+$0x6D0];
	_ =	sdelay $0x4  }
0xf4: {  	[tilespmem:v2+s24+$0x2100] =	vst.idx.msk $0xffff, v1  }
0xf5: {  	v2 =	vadd.s32 $0x2F, v0;
	v1 =	vld [tilespmem:s31+$0x6E0];
	_ =	sdelay $0x4  }
0xf6: {  	[tilespmem:v2+s24+$0x2100] =	vst.idx.msk $0xffff, v1  }
0xf7: {  	v2 =	vadd.s32 $0x8AF, v0;
	v1 =	vld [tilespmem:s31+$0x6F0];
	_ =	sdelay $0x4  }
0xf8: {  	[tilespmem:v2+s24+$0x2100] =	vst.idx.msk $0xffff, v1  }
0xf9: {  	v2 =	vadd.s32 $0x30, v0;
	v1 =	vld [tilespmem:s31+$0x700];
	_ =	sdelay $0x4  }
0xfa: {  	[tilespmem:v2+s24+$0x2100] =	vst.idx.msk $0xffff, v1  }
0xfb: {  	v2 =	vadd.s32 $0x8B0, v0;
	v1 =	vld [tilespmem:s31+$0x710];
	_ =	sdelay $0x4  }
0xfc: {  	[tilespmem:v2+s24+$0x2100] =	vst.idx.msk $0xffff, v1  }
0xfd: {  	v2 =	vadd.s32 $0x31, v0;
	v1 =	vld [tilespmem:s31+$0x720];
	_ =	sdelay $0x4  }
0xfe: {  	[tilespmem:v2+s24+$0x2100] =	vst.idx.msk $0xffff, v1  }
0xff: {  	v2 =	vadd.s32 $0x8B1, v0;
	v1 =	vld [tilespmem:s31+$0x730];
	_ =	sdelay $0x4  }
0x100: {  	[tilespmem:v2+s24+$0x2100] =	vst.idx.msk $0xffff, v1  }
0x101: {  	v2 =	vadd.s32 $0x32, v0;
	v1 =	vld [tilespmem:s31+$0x740];
	_ =	sdelay $0x4  }
0x102: {  	[tilespmem:v2+s24+$0x2100] =	vst.idx.msk $0xffff, v1  }
0x103: {  	v2 =	vadd.s32 $0x8B2, v0;
	v1 =	vld [tilespmem:s31+$0x750];
	_ =	sdelay $0x4  }
0x104: {  	[tilespmem:v2+s24+$0x2100] =	vst.idx.msk $0xffff, v1  }
0x105: {  	v2 =	vadd.s32 $0x33, v0;
	v1 =	vld [tilespmem:s31+$0x760];
	_ =	sdelay $0x4  }
0x106: {  	[tilespmem:v2+s24+$0x2100] =	vst.idx.msk $0xffff, v1  }
0x107: {  	v2 =	vadd.s32 $0x8B3, v0;
	v1 =	vld [tilespmem:s31+$0x770];
	_ =	sdelay $0x4  }
0x108: {  	[tilespmem:v2+s24+$0x2100] =	vst.idx.msk $0xffff, v1  }
0x109: {  	v2 =	vadd.s32 $0x34, v0;
	v1 =	vld [tilespmem:s31+$0x780];
	_ =	sdelay $0x4  }
0x10a: {  	[tilespmem:v2+s24+$0x2100] =	vst.idx.msk $0xffff, v1  }
0x10b: {  	v2 =	vadd.s32 $0x8B4, v0;
	v1 =	vld [tilespmem:s31+$0x790];
	_ =	sdelay $0x4  }
0x10c: {  	[tilespmem:v2+s24+$0x2100] =	vst.idx.msk $0xffff, v1  }
0x10d: {  	v2 =	vadd.s32 $0x35, v0;
	v1 =	vld [tilespmem:s31+$0x7A0];
	_ =	sdelay $0x4  }
0x10e: {  	[tilespmem:v2+s24+$0x2100] =	vst.idx.msk $0xffff, v1  }
0x10f: {  	v2 =	vadd.s32 $0x8B5, v0;
	v1 =	vld [tilespmem:s31+$0x7B0];
	_ =	sdelay $0x4  }
0x110: {  	[tilespmem:v2+s24+$0x2100] =	vst.idx.msk $0xffff, v1  }
0x111: {  	v2 =	vadd.s32 $0x36, v0;
	v1 =	vld [tilespmem:s31+$0x7C0];
	_ =	sdelay $0x4  }
0x112: {  	[tilespmem:v2+s24+$0x2100] =	vst.idx.msk $0xffff, v1  }
0x113: {  	v2 =	vadd.s32 $0x8B6, v0;
	v1 =	vld [tilespmem:s31+$0x7D0];
	_ =	sdelay $0x4  }
0x114: {  	[tilespmem:v2+s24+$0x2100] =	vst.idx.msk $0xffff, v1  }
0x115: {  	v2 =	vadd.s32 $0x37, v0;
	v1 =	vld [tilespmem:s31+$0x7E0];
	_ =	sdelay $0x4  }
0x116: {  	[tilespmem:v2+s24+$0x2100] =	vst.idx.msk $0xffff, v1  }
0x117: {  	v2 =	vadd.s32 $0x8B7, v0;
	v1 =	vld [tilespmem:s31+$0x7F0];
	_ =	sdelay $0x4  }
0x118: {  	[tilespmem:v2+s24+$0x2100] =	vst.idx.msk $0xffff, v1  }
0x119: {  	v2 =	vadd.s32 $0x38, v0;
	v1 =	vld [tilespmem:s31+$0x800];
	_ =	sdelay $0x4  }
0x11a: {  	[tilespmem:v2+s24+$0x2100] =	vst.idx.msk $0xffff, v1  }
0x11b: {  	v2 =	vadd.s32 $0x8B8, v0;
	v1 =	vld [tilespmem:s31+$0x810];
	_ =	sdelay $0x4  }
0x11c: {  	[tilespmem:v2+s24+$0x2100] =	vst.idx.msk $0xffff, v1  }
0x11d: {  	v2 =	vadd.s32 $0x39, v0;
	v1 =	vld [tilespmem:s31+$0x820];
	_ =	sdelay $0x4  }
0x11e: {  	[tilespmem:v2+s24+$0x2100] =	vst.idx.msk $0xffff, v1  }
0x11f: {  	v2 =	vadd.s32 $0x8B9, v0;
	v1 =	vld [tilespmem:s31+$0x830];
	_ =	sdelay $0x4  }
0x120: {  	[tilespmem:v2+s24+$0x2100] =	vst.idx.msk $0xffff, v1  }
0x121: {  	v2 =	vadd.s32 $0x3A, v0;
	v1 =	vld [tilespmem:s31+$0x840];
	_ =	sdelay $0x4  }
0x122: {  	[tilespmem:v2+s24+$0x2100] =	vst.idx.msk $0xffff, v1  }
0x123: {  	v2 =	vadd.s32 $0x8BA, v0;
	v1 =	vld [tilespmem:s31+$0x850];
	_ =	sdelay $0x4  }
0x124: {  	[tilespmem:v2+s24+$0x2100] =	vst.idx.msk $0xffff, v1  }
0x125: {  	v2 =	vadd.s32 $0x3B, v0;
	v1 =	vld [tilespmem:s31+$0x860];
	_ =	sdelay $0x4  }
0x126: {  	[tilespmem:v2+s24+$0x2100] =	vst.idx.msk $0xffff, v1  }
0x127: {  	v2 =	vadd.s32 $0x8BB, v0;
	v1 =	vld [tilespmem:s31+$0x870];
	_ =	sdelay $0x4  }
0x128: {  	[tilespmem:v2+s24+$0x2100] =	vst.idx.msk $0xffff, v1  }
0x129: {  	v2 =	vadd.s32 $0x3C, v0;
	v1 =	vld [tilespmem:s31+$0x880];
	_ =	sdelay $0x4  }
0x12a: {  	[tilespmem:v2+s24+$0x2100] =	vst.idx.msk $0xffff, v1  }
0x12b: {  	v2 =	vadd.s32 $0x8BC, v0;
	v1 =	vld [tilespmem:s31+$0x890];
	_ =	sdelay $0x4  }
0x12c: {  	[tilespmem:v2+s24+$0x2100] =	vst.idx.msk $0xffff, v1  }
0x12d: {  	v2 =	vadd.s32 $0x3D, v0;
	v1 =	vld [tilespmem:s31+$0x8A0];
	_ =	sdelay $0x4  }
0x12e: {  	[tilespmem:v2+s24+$0x2100] =	vst.idx.msk $0xffff, v1  }
0x12f: {  	v2 =	vadd.s32 $0x8BD, v0;
	v1 =	vld [tilespmem:s31+$0x8B0];
	_ =	sdelay $0x4  }
0x130: {  	[tilespmem:v2+s24+$0x2100] =	vst.idx.msk $0xffff, v1  }
0x131: {  	v2 =	vadd.s32 $0x3E, v0;
	v1 =	vld [tilespmem:s31+$0x8C0];
	_ =	sdelay $0x4  }
0x132: {  	[tilespmem:v2+s24+$0x2100] =	vst.idx.msk $0xffff, v1  }
0x133: {  	v2 =	vadd.s32 $0x8BE, v0;
	v1 =	vld [tilespmem:s31+$0x8D0];
	_ =	sdelay $0x4  }
0x134: {  	[tilespmem:v2+s24+$0x2100] =	vst.idx.msk $0xffff, v1  }
0x135: {  	v2 =	vadd.s32 $0x3F, v0;
	v1 =	vld [tilespmem:s31+$0x8E0];
	_ =	sdelay $0x4  }
0x136: {  	[tilespmem:v2+s24+$0x2100] =	vst.idx.msk $0xffff, v1  }
0x137: {  	v2 =	vadd.s32 $0x8BF, v0;
	v1 =	vld [tilespmem:s31+$0x8F0];
	_ =	sdelay $0x4  }
0x138: {  	[tilespmem:v2+s24+$0x2100] =	vst.idx.msk $0xffff, v1  }
0x139: {  	v2 =	vadd.s32 $0x40, v0;
	v1 =	vld [tilespmem:s31+$0x900];
	_ =	sdelay $0x4  }
0x13a: {  	[tilespmem:v2+s24+$0x2100] =	vst.idx.msk $0xffff, v1  }
0x13b: {  	v2 =	vadd.s32 $0x8C0, v0;
	v1 =	vld [tilespmem:s31+$0x910];
	_ =	sdelay $0x4  }
0x13c: {  	[tilespmem:v2+s24+$0x2100] =	vst.idx.msk $0xffff, v1  }
0x13d: {  	v2 =	vadd.s32 $0x41, v0;
	v1 =	vld [tilespmem:s31+$0x920];
	_ =	sdelay $0x4  }
0x13e: {  	[tilespmem:v2+s24+$0x2100] =	vst.idx.msk $0xffff, v1  }
0x13f: {  	v2 =	vadd.s32 $0x8C1, v0;
	v1 =	vld [tilespmem:s31+$0x930];
	_ =	sdelay $0x4  }
0x140: {  	[tilespmem:v2+s24+$0x2100] =	vst.idx.msk $0xffff, v1  }
0x141: {  	v2 =	vadd.s32 $0x42, v0;
	v1 =	vld [tilespmem:s31+$0x940];
	_ =	sdelay $0x4  }
0x142: {  	[tilespmem:v2+s24+$0x2100] =	vst.idx.msk $0xffff, v1  }
0x143: {  	v2 =	vadd.s32 $0x8C2, v0;
	v1 =	vld [tilespmem:s31+$0x950];
	_ =	sdelay $0x4  }
0x144: {  	[tilespmem:v2+s24+$0x2100] =	vst.idx.msk $0xffff, v1  }
0x145: {  	v2 =	vadd.s32 $0x43, v0;
	v1 =	vld [tilespmem:s31+$0x960];
	_ =	sdelay $0x4  }
0x146: {  	[tilespmem:v2+s24+$0x2100] =	vst.idx.msk $0xffff, v1  }
0x147: {  	v2 =	vadd.s32 $0x8C3, v0;
	v1 =	vld [tilespmem:s31+$0x970];
	_ =	sdelay $0x4  }
0x148: {  	[tilespmem:v2+s24+$0x2100] =	vst.idx.msk $0xffff, v1  }
0x149: {  	v2 =	vadd.s32 $0x44, v0;
	v1 =	vld [tilespmem:s31+$0x980];
	_ =	sdelay $0x4  }
0x14a: {  	[tilespmem:v2+s24+$0x2100] =	vst.idx.msk $0xffff, v1  }
0x14b: {  	v2 =	vadd.s32 $0x8C4, v0;
	v1 =	vld [tilespmem:s31+$0x990];
	_ =	sdelay $0x4  }
0x14c: {  	[tilespmem:v2+s24+$0x2100] =	vst.idx.msk $0xffff, v1  }
0x14d: {  	v2 =	vadd.s32 $0x45, v0;
	v1 =	vld [tilespmem:s31+$0x9A0];
	_ =	sdelay $0x4  }
0x14e: {  	[tilespmem:v2+s24+$0x2100] =	vst.idx.msk $0xffff, v1  }
0x14f: {  	v2 =	vadd.s32 $0x8C5, v0;
	v1 =	vld [tilespmem:s31+$0x9B0];
	_ =	sdelay $0x4  }
0x150: {  	[tilespmem:v2+s24+$0x2100] =	vst.idx.msk $0xffff, v1  }
0x151: {  	v2 =	vadd.s32 $0x46, v0;
	v1 =	vld [tilespmem:s31+$0x9C0];
	_ =	sdelay $0x4  }
0x152: {  	[tilespmem:v2+s24+$0x2100] =	vst.idx.msk $0xffff, v1  }
0x153: {  	v2 =	vadd.s32 $0x8C6, v0;
	v1 =	vld [tilespmem:s31+$0x9D0];
	_ =	sdelay $0x4  }
0x154: {  	[tilespmem:v2+s24+$0x2100] =	vst.idx.msk $0xffff, v1  }
0x155: {  	v2 =	vadd.s32 $0x47, v0;
	v1 =	vld [tilespmem:s31+$0x9E0];
	_ =	sdelay $0x4  }
0x156: {  	[tilespmem:v2+s24+$0x2100] =	vst.idx.msk $0xffff, v1  }
0x157: {  	v2 =	vadd.s32 $0x8C7, v0;
	v1 =	vld [tilespmem:s31+$0x9F0];
	_ =	sdelay $0x4  }
0x158: {  	[tilespmem:v2+s24+$0x2100] =	vst.idx.msk $0xffff, v1  }
0x159: {  	v2 =	vadd.s32 $0x48, v0;
	v1 =	vld [tilespmem:s31+$0xA00];
	_ =	sdelay $0x4  }
0x15a: {  	[tilespmem:v2+s24+$0x2100] =	vst.idx.msk $0xffff, v1  }
0x15b: {  	v2 =	vadd.s32 $0x8C8, v0;
	v1 =	vld [tilespmem:s31+$0xA10];
	_ =	sdelay $0x4  }
0x15c: {  	[tilespmem:v2+s24+$0x2100] =	vst.idx.msk $0xffff, v1  }
0x15d: {  	v2 =	vadd.s32 $0x49, v0;
	v1 =	vld [tilespmem:s31+$0xA20];
	_ =	sdelay $0x4  }
0x15e: {  	[tilespmem:v2+s24+$0x2100] =	vst.idx.msk $0xffff, v1  }
0x15f: {  	v2 =	vadd.s32 $0x8C9, v0;
	v1 =	vld [tilespmem:s31+$0xA30];
	_ =	sdelay $0x4  }
0x160: {  	[tilespmem:v2+s24+$0x2100] =	vst.idx.msk $0xffff, v1  }
0x161: {  	v2 =	vadd.s32 $0x4A, v0;
	v1 =	vld [tilespmem:s31+$0xA40];
	_ =	sdelay $0x4  }
0x162: {  	[tilespmem:v2+s24+$0x2100] =	vst.idx.msk $0xffff, v1  }
0x163: {  	v2 =	vadd.s32 $0x8CA, v0;
	v1 =	vld [tilespmem:s31+$0xA50];
	_ =	sdelay $0x4  }
0x164: {  	[tilespmem:v2+s24+$0x2100] =	vst.idx.msk $0xffff, v1  }
0x165: {  	v2 =	vadd.s32 $0x4B, v0;
	v1 =	vld [tilespmem:s31+$0xA60];
	_ =	sdelay $0x4  }
0x166: {  	[tilespmem:v2+s24+$0x2100] =	vst.idx.msk $0xffff, v1  }
0x167: {  	v2 =	vadd.s32 $0x8CB, v0;
	v1 =	vld [tilespmem:s31+$0xA70];
	_ =	sdelay $0x4  }
0x168: {  	[tilespmem:v2+s24+$0x2100] =	vst.idx.msk $0xffff, v1  }
0x169: {  	v2 =	vadd.s32 $0x4C, v0;
	v1 =	vld [tilespmem:s31+$0xA80];
	_ =	sdelay $0x4  }
0x16a: {  	[tilespmem:v2+s24+$0x2100] =	vst.idx.msk $0xffff, v1  }
0x16b: {  	v2 =	vadd.s32 $0x8CC, v0;
	v1 =	vld [tilespmem:s31+$0xA90];
	_ =	sdelay $0x4  }
0x16c: {  	[tilespmem:v2+s24+$0x2100] =	vst.idx.msk $0xffff, v1  }
0x16d: {  	v2 =	vadd.s32 $0x4D, v0;
	v1 =	vld [tilespmem:s31+$0xAA0];
	_ =	sdelay $0x4  }
0x16e: {  	[tilespmem:v2+s24+$0x2100] =	vst.idx.msk $0xffff, v1  }
0x16f: {  	v2 =	vadd.s32 $0x8CD, v0;
	v1 =	vld [tilespmem:s31+$0xAB0];
	_ =	sdelay $0x4  }
0x170: {  	[tilespmem:v2+s24+$0x2100] =	vst.idx.msk $0xffff, v1  }
0x171: {  	v2 =	vadd.s32 $0x4E, v0;
	v1 =	vld [tilespmem:s31+$0xAC0];
	_ =	sdelay $0x4  }
0x172: {  	[tilespmem:v2+s24+$0x2100] =	vst.idx.msk $0xffff, v1  }
0x173: {  	v2 =	vadd.s32 $0x8CE, v0;
	v1 =	vld [tilespmem:s31+$0xAD0];
	_ =	sdelay $0x4  }
0x174: {  	[tilespmem:v2+s24+$0x2100] =	vst.idx.msk $0xffff, v1  }
0x175: {  	v2 =	vadd.s32 $0x4F, v0;
	v1 =	vld [tilespmem:s31+$0xAE0];
	_ =	sdelay $0x4  }
0x176: {  	[tilespmem:v2+s24+$0x2100] =	vst.idx.msk $0xffff, v1  }
0x177: {  	v2 =	vadd.s32 $0x8CF, v0;
	v1 =	vld [tilespmem:s31+$0xAF0];
	_ =	sdelay $0x4  }
0x178: {  	[tilespmem:v2+s24+$0x2100] =	vst.idx.msk $0xffff, v1  }
0x179: {  	v2 =	vadd.s32 $0x50, v0;
	v1 =	vld [tilespmem:s31+$0xB00];
	_ =	sdelay $0x4  }
0x17a: {  	[tilespmem:v2+s24+$0x2100] =	vst.idx.msk $0xffff, v1  }
0x17b: {  	v2 =	vadd.s32 $0x8D0, v0;
	v1 =	vld [tilespmem:s31+$0xB10];
	_ =	sdelay $0x4  }
0x17c: {  	[tilespmem:v2+s24+$0x2100] =	vst.idx.msk $0xffff, v1  }
0x17d: {  	v2 =	vadd.s32 $0x51, v0;
	v1 =	vld [tilespmem:s31+$0xB20];
	_ =	sdelay $0x4  }
0x17e: {  	[tilespmem:v2+s24+$0x2100] =	vst.idx.msk $0xffff, v1  }
0x17f: {  	v2 =	vadd.s32 $0x8D1, v0;
	v1 =	vld [tilespmem:s31+$0xB30];
	_ =	sdelay $0x4  }
0x180: {  	[tilespmem:v2+s24+$0x2100] =	vst.idx.msk $0xffff, v1  }
0x181: {  	v2 =	vadd.s32 $0x52, v0;
	v1 =	vld [tilespmem:s31+$0xB40];
	_ =	sdelay $0x4  }
0x182: {  	[tilespmem:v2+s24+$0x2100] =	vst.idx.msk $0xffff, v1  }
0x183: {  	v2 =	vadd.s32 $0x8D2, v0;
	v1 =	vld [tilespmem:s31+$0xB50];
	_ =	sdelay $0x4  }
0x184: {  	[tilespmem:v2+s24+$0x2100] =	vst.idx.msk $0xffff, v1  }
0x185: {  	v2 =	vadd.s32 $0x53, v0;
	v1 =	vld [tilespmem:s31+$0xB60];
	_ =	sdelay $0x4  }
0x186: {  	[tilespmem:v2+s24+$0x2100] =	vst.idx.msk $0xffff, v1  }
0x187: {  	v2 =	vadd.s32 $0x8D3, v0;
	v1 =	vld [tilespmem:s31+$0xB70];
	_ =	sdelay $0x4  }
0x188: {  	[tilespmem:v2+s24+$0x2100] =	vst.idx.msk $0xffff, v1  }
0x189: {  	v2 =	vadd.s32 $0x54, v0;
	v1 =	vld [tilespmem:s31+$0xB80];
	_ =	sdelay $0x4  }
0x18a: {  	[tilespmem:v2+s24+$0x2100] =	vst.idx.msk $0xffff, v1  }
0x18b: {  	v2 =	vadd.s32 $0x8D4, v0;
	v1 =	vld [tilespmem:s31+$0xB90];
	_ =	sdelay $0x4  }
0x18c: {  	[tilespmem:v2+s24+$0x2100] =	vst.idx.msk $0xffff, v1  }
0x18d: {  	v2 =	vadd.s32 $0x55, v0;
	v1 =	vld [tilespmem:s31+$0xBA0];
	_ =	sdelay $0x4  }
0x18e: {  	[tilespmem:v2+s24+$0x2100] =	vst.idx.msk $0xffff, v1  }
0x18f: {  	v2 =	vadd.s32 $0x8D5, v0;
	v1 =	vld [tilespmem:s31+$0xBB0];
	_ =	sdelay $0x4  }
0x190: {  	[tilespmem:v2+s24+$0x2100] =	vst.idx.msk $0xffff, v1  }
0x191: {  	v2 =	vadd.s32 $0x56, v0;
	v1 =	vld [tilespmem:s31+$0xBC0];
	_ =	sdelay $0x4  }
0x192: {  	[tilespmem:v2+s24+$0x2100] =	vst.idx.msk $0xffff, v1  }
0x193: {  	v2 =	vadd.s32 $0x8D6, v0;
	v1 =	vld [tilespmem:s31+$0xBD0];
	_ =	sdelay $0x4  }
0x194: {  	[tilespmem:v2+s24+$0x2100] =	vst.idx.msk $0xffff, v1  }
0x195: {  	v2 =	vadd.s32 $0x57, v0;
	v1 =	vld [tilespmem:s31+$0xBE0];
	_ =	sdelay $0x4  }
0x196: {  	[tilespmem:v2+s24+$0x2100] =	vst.idx.msk $0xffff, v1  }
0x197: {  	v2 =	vadd.s32 $0x8D7, v0;
	v1 =	vld [tilespmem:s31+$0xBF0];
	_ =	sdelay $0x4  }
0x198: {  	[tilespmem:v2+s24+$0x2100] =	vst.idx.msk $0xffff, v1  }
0x199: {  	v2 =	vadd.s32 $0x58, v0;
	v1 =	vld [tilespmem:s31+$0xC00];
	_ =	sdelay $0x4  }
0x19a: {  	[tilespmem:v2+s24+$0x2100] =	vst.idx.msk $0xffff, v1  }
0x19b: {  	v2 =	vadd.s32 $0x8D8, v0;
	v1 =	vld [tilespmem:s31+$0xC10];
	_ =	sdelay $0x4  }
0x19c: {  	[tilespmem:v2+s24+$0x2100] =	vst.idx.msk $0xffff, v1  }
0x19d: {  	v2 =	vadd.s32 $0x59, v0;
	v1 =	vld [tilespmem:s31+$0xC20];
	_ =	sdelay $0x4  }
0x19e: {  	[tilespmem:v2+s24+$0x2100] =	vst.idx.msk $0xffff, v1  }
0x19f: {  	v2 =	vadd.s32 $0x8D9, v0;
	v1 =	vld [tilespmem:s31+$0xC30];
	_ =	sdelay $0x4  }
0x1a0: {  	[tilespmem:v2+s24+$0x2100] =	vst.idx.msk $0xffff, v1  }
0x1a1: {  	v2 =	vadd.s32 $0x5A, v0;
	v1 =	vld [tilespmem:s31+$0xC40];
	_ =	sdelay $0x4  }
0x1a2: {  	[tilespmem:v2+s24+$0x2100] =	vst.idx.msk $0xffff, v1  }
0x1a3: {  	v2 =	vadd.s32 $0x8DA, v0;
	v1 =	vld [tilespmem:s31+$0xC50];
	_ =	sdelay $0x4  }
0x1a4: {  	[tilespmem:v2+s24+$0x2100] =	vst.idx.msk $0xffff, v1  }
0x1a5: {  	v2 =	vadd.s32 $0x5B, v0;
	v1 =	vld [tilespmem:s31+$0xC60];
	_ =	sdelay $0x4  }
0x1a6: {  	[tilespmem:v2+s24+$0x2100] =	vst.idx.msk $0xffff, v1  }
0x1a7: {  	v2 =	vadd.s32 $0x8DB, v0;
	v1 =	vld [tilespmem:s31+$0xC70];
	_ =	sdelay $0x4  }
0x1a8: {  	[tilespmem:v2+s24+$0x2100] =	vst.idx.msk $0xffff, v1  }
0x1a9: {  	v2 =	vadd.s32 $0x5C, v0;
	v1 =	vld [tilespmem:s31+$0xC80];
	_ =	sdelay $0x4  }
0x1aa: {  	[tilespmem:v2+s24+$0x2100] =	vst.idx.msk $0xffff, v1  }
0x1ab: {  	v2 =	vadd.s32 $0x8DC, v0;
	v1 =	vld [tilespmem:s31+$0xC90];
	_ =	sdelay $0x4  }
0x1ac: {  	[tilespmem:v2+s24+$0x2100] =	vst.idx.msk $0xffff, v1  }
0x1ad: {  	v2 =	vadd.s32 $0x5D, v0;
	v1 =	vld [tilespmem:s31+$0xCA0];
	_ =	sdelay $0x4  }
0x1ae: {  	[tilespmem:v2+s24+$0x2100] =	vst.idx.msk $0xffff, v1  }
0x1af: {  	v2 =	vadd.s32 $0x8DD, v0;
	v1 =	vld [tilespmem:s31+$0xCB0];
	_ =	sdelay $0x4  }
0x1b0: {  	[tilespmem:v2+s24+$0x2100] =	vst.idx.msk $0xffff, v1  }
0x1b1: {  	v2 =	vadd.s32 $0x5E, v0;
	v1 =	vld [tilespmem:s31+$0xCC0];
	_ =	sdelay $0x4  }
0x1b2: {  	[tilespmem:v2+s24+$0x2100] =	vst.idx.msk $0xffff, v1  }
0x1b3: {  	v2 =	vadd.s32 $0x8DE, v0;
	v1 =	vld [tilespmem:s31+$0xCD0];
	_ =	sdelay $0x4  }
0x1b4: {  	[tilespmem:v2+s24+$0x2100] =	vst.idx.msk $0xffff, v1  }
0x1b5: {  	v2 =	vadd.s32 $0x5F, v0;
	v1 =	vld [tilespmem:s31+$0xCE0];
	_ =	sdelay $0x4  }
0x1b6: {  	[tilespmem:v2+s24+$0x2100] =	vst.idx.msk $0xffff, v1  }
0x1b7: {  	v2 =	vadd.s32 $0x8DF, v0;
	v1 =	vld [tilespmem:s31+$0xCF0];
	_ =	sdelay $0x4  }
0x1b8: {  	[tilespmem:v2+s24+$0x2100] =	vst.idx.msk $0xffff, v1  }
0x1b9: {  	v2 =	vadd.s32 $0x60, v0;
	v1 =	vld [tilespmem:s31+$0xD00];
	_ =	sdelay $0x4  }
0x1ba: {  	[tilespmem:v2+s24+$0x2100] =	vst.idx.msk $0xffff, v1  }
0x1bb: {  	v2 =	vadd.s32 $0x8E0, v0;
	v1 =	vld [tilespmem:s31+$0xD10];
	_ =	sdelay $0x4  }
0x1bc: {  	[tilespmem:v2+s24+$0x2100] =	vst.idx.msk $0xffff, v1  }
0x1bd: {  	v2 =	vadd.s32 $0x61, v0;
	v1 =	vld [tilespmem:s31+$0xD20];
	_ =	sdelay $0x4  }
0x1be: {  	[tilespmem:v2+s24+$0x2100] =	vst.idx.msk $0xffff, v1  }
0x1bf: {  	v2 =	vadd.s32 $0x8E1, v0;
	v1 =	vld [tilespmem:s31+$0xD30];
	_ =	sdelay $0x4  }
0x1c0: {  	[tilespmem:v2+s24+$0x2100] =	vst.idx.msk $0xffff, v1  }
0x1c1: {  	v2 =	vadd.s32 $0x62, v0;
	v1 =	vld [tilespmem:s31+$0xD40];
	_ =	sdelay $0x4  }
0x1c2: {  	[tilespmem:v2+s24+$0x2100] =	vst.idx.msk $0xffff, v1  }
0x1c3: {  	v2 =	vadd.s32 $0x8E2, v0;
	v1 =	vld [tilespmem:s31+$0xD50];
	_ =	sdelay $0x4  }
0x1c4: {  	[tilespmem:v2+s24+$0x2100] =	vst.idx.msk $0xffff, v1  }
0x1c5: {  	v2 =	vadd.s32 $0x63, v0;
	v1 =	vld [tilespmem:s31+$0xD60];
	_ =	sdelay $0x4  }
0x1c6: {  	[tilespmem:v2+s24+$0x2100] =	vst.idx.msk $0xffff, v1  }
0x1c7: {  	v2 =	vadd.s32 $0x8E3, v0;
	v1 =	vld [tilespmem:s31+$0xD70];
	_ =	sdelay $0x4  }
0x1c8: {  	[tilespmem:v2+s24+$0x2100] =	vst.idx.msk $0xffff, v1  }
0x1c9: {  	v2 =	vadd.s32 $0x64, v0;
	v1 =	vld [tilespmem:s31+$0xD80];
	_ =	sdelay $0x4  }
0x1ca: {  	[tilespmem:v2+s24+$0x2100] =	vst.idx.msk $0xffff, v1  }
0x1cb: {  	v2 =	vadd.s32 $0x8E4, v0;
	v1 =	vld [tilespmem:s31+$0xD90];
	_ =	sdelay $0x4  }
0x1cc: {  	[tilespmem:v2+s24+$0x2100] =	vst.idx.msk $0xffff, v1  }
0x1cd: {  	v2 =	vadd.s32 $0x65, v0;
	v1 =	vld [tilespmem:s31+$0xDA0];
	_ =	sdelay $0x4  }
0x1ce: {  	[tilespmem:v2+s24+$0x2100] =	vst.idx.msk $0xffff, v1  }
0x1cf: {  	v2 =	vadd.s32 $0x8E5, v0;
	v1 =	vld [tilespmem:s31+$0xDB0];
	_ =	sdelay $0x4  }
0x1d0: {  	[tilespmem:v2+s24+$0x2100] =	vst.idx.msk $0xffff, v1  }
0x1d1: {  	v2 =	vadd.s32 $0x66, v0;
	v1 =	vld [tilespmem:s31+$0xDC0];
	_ =	sdelay $0x4  }
0x1d2: {  	[tilespmem:v2+s24+$0x2100] =	vst.idx.msk $0xffff, v1  }
0x1d3: {  	v2 =	vadd.s32 $0x8E6, v0;
	v1 =	vld [tilespmem:s31+$0xDD0];
	_ =	sdelay $0x4  }
0x1d4: {  	[tilespmem:v2+s24+$0x2100] =	vst.idx.msk $0xffff, v1  }
0x1d5: {  	v2 =	vadd.s32 $0x67, v0;
	v1 =	vld [tilespmem:s31+$0xDE0];
	_ =	sdelay $0x4  }
0x1d6: {  	[tilespmem:v2+s24+$0x2100] =	vst.idx.msk $0xffff, v1  }
0x1d7: {  	v2 =	vadd.s32 $0x8E7, v0;
	v1 =	vld [tilespmem:s31+$0xDF0];
	_ =	sdelay $0x4  }
0x1d8: {  	[tilespmem:v2+s24+$0x2100] =	vst.idx.msk $0xffff, v1  }
0x1d9: {  	v2 =	vadd.s32 $0x68, v0;
	v1 =	vld [tilespmem:s31+$0xE00];
	_ =	sdelay $0x4  }
0x1da: {  	[tilespmem:v2+s24+$0x2100] =	vst.idx.msk $0xffff, v1  }
0x1db: {  	v2 =	vadd.s32 $0x8E8, v0;
	v1 =	vld [tilespmem:s31+$0xE10];
	_ =	sdelay $0x4  }
0x1dc: {  	[tilespmem:v2+s24+$0x2100] =	vst.idx.msk $0xffff, v1  }
0x1dd: {  	v2 =	vadd.s32 $0x69, v0;
	v1 =	vld [tilespmem:s31+$0xE20];
	_ =	sdelay $0x4  }
0x1de: {  	[tilespmem:v2+s24+$0x2100] =	vst.idx.msk $0xffff, v1  }
0x1df: {  	v2 =	vadd.s32 $0x8E9, v0;
	v1 =	vld [tilespmem:s31+$0xE30];
	_ =	sdelay $0x4  }
0x1e0: {  	[tilespmem:v2+s24+$0x2100] =	vst.idx.msk $0xffff, v1  }
0x1e1: {  	v2 =	vadd.s32 $0x6A, v0;
	v1 =	vld [tilespmem:s31+$0xE40];
	_ =	sdelay $0x4  }
0x1e2: {  	[tilespmem:v2+s24+$0x2100] =	vst.idx.msk $0xffff, v1  }
0x1e3: {  	v2 =	vadd.s32 $0x8EA, v0;
	v1 =	vld [tilespmem:s31+$0xE50];
	_ =	sdelay $0x4  }
0x1e4: {  	[tilespmem:v2+s24+$0x2100] =	vst.idx.msk $0xffff, v1  }
0x1e5: {  	v2 =	vadd.s32 $0x6B, v0;
	v1 =	vld [tilespmem:s31+$0xE60];
	_ =	sdelay $0x4  }
0x1e6: {  	[tilespmem:v2+s24+$0x2100] =	vst.idx.msk $0xffff, v1  }
0x1e7: {  	v2 =	vadd.s32 $0x8EB, v0;
	v1 =	vld [tilespmem:s31+$0xE70];
	_ =	sdelay $0x4  }
0x1e8: {  	[tilespmem:v2+s24+$0x2100] =	vst.idx.msk $0xffff, v1  }
0x1e9: {  	v2 =	vadd.s32 $0x6C, v0;
	v1 =	vld [tilespmem:s31+$0xE80];
	_ =	sdelay $0x4  }
0x1ea: {  	[tilespmem:v2+s24+$0x2100] =	vst.idx.msk $0xffff, v1  }
0x1eb: {  	v2 =	vadd.s32 $0x8EC, v0;
	v1 =	vld [tilespmem:s31+$0xE90];
	_ =	sdelay $0x4  }
0x1ec: {  	[tilespmem:v2+s24+$0x2100] =	vst.idx.msk $0xffff, v1  }
0x1ed: {  	v2 =	vadd.s32 $0x6D, v0;
	v1 =	vld [tilespmem:s31+$0xEA0];
	_ =	sdelay $0x4  }
0x1ee: {  	[tilespmem:v2+s24+$0x2100] =	vst.idx.msk $0xffff, v1  }
0x1ef: {  	v2 =	vadd.s32 $0x8ED, v0;
	v1 =	vld [tilespmem:s31+$0xEB0];
	_ =	sdelay $0x4  }
0x1f0: {  	[tilespmem:v2+s24+$0x2100] =	vst.idx.msk $0xffff, v1  }
0x1f1: {  	v2 =	vadd.s32 $0x6E, v0;
	v1 =	vld [tilespmem:s31+$0xEC0];
	_ =	sdelay $0x4  }
0x1f2: {  	[tilespmem:v2+s24+$0x2100] =	vst.idx.msk $0xffff, v1  }
0x1f3: {  	v2 =	vadd.s32 $0x8EE, v0;
	v1 =	vld [tilespmem:s31+$0xED0];
	_ =	sdelay $0x4  }
0x1f4: {  	[tilespmem:v2+s24+$0x2100] =	vst.idx.msk $0xffff, v1  }
0x1f5: {  	v2 =	vadd.s32 $0x6F, v0;
	v1 =	vld [tilespmem:s31+$0xEE0];
	_ =	sdelay $0x4  }
0x1f6: {  	[tilespmem:v2+s24+$0x2100] =	vst.idx.msk $0xffff, v1  }
0x1f7: {  	v2 =	vadd.s32 $0x8EF, v0;
	v1 =	vld [tilespmem:s31+$0xEF0];
	_ =	sdelay $0x4  }
0x1f8: {  	[tilespmem:v2+s24+$0x2100] =	vst.idx.msk $0xffff, v1  }
0x1f9: {  	v2 =	vadd.s32 $0x70, v0;
	v1 =	vld [tilespmem:s31+$0xF00];
	_ =	sdelay $0x4  }
0x1fa: {  	[tilespmem:v2+s24+$0x2100] =	vst.idx.msk $0xffff, v1  }
0x1fb: {  	v2 =	vadd.s32 $0x8F0, v0;
	v1 =	vld [tilespmem:s31+$0xF10];
	_ =	sdelay $0x4  }
0x1fc: {  	[tilespmem:v2+s24+$0x2100] =	vst.idx.msk $0xffff, v1  }
0x1fd: {  	v2 =	vadd.s32 $0x71, v0;
	v1 =	vld [tilespmem:s31+$0xF20];
	_ =	sdelay $0x4  }
0x1fe: {  	[tilespmem:v2+s24+$0x2100] =	vst.idx.msk $0xffff, v1  }
0x1ff: {  	v2 =	vadd.s32 $0x8F1, v0;
	v1 =	vld [tilespmem:s31+$0xF30];
	_ =	sdelay $0x4  }
0x200: {  	[tilespmem:v2+s24+$0x2100] =	vst.idx.msk $0xffff, v1  }
0x201: {  	v2 =	vadd.s32 $0x72, v0;
	v1 =	vld [tilespmem:s31+$0xF40];
	_ =	sdelay $0x4  }
0x202: {  	[tilespmem:v2+s24+$0x2100] =	vst.idx.msk $0xffff, v1  }
0x203: {  	v2 =	vadd.s32 $0x8F2, v0;
	v1 =	vld [tilespmem:s31+$0xF50];
	_ =	sdelay $0x4  }
0x204: {  	[tilespmem:v2+s24+$0x2100] =	vst.idx.msk $0xffff, v1  }
0x205: {  	v2 =	vadd.s32 $0x73, v0;
	v1 =	vld [tilespmem:s31+$0xF60];
	_ =	sdelay $0x4  }
0x206: {  	[tilespmem:v2+s24+$0x2100] =	vst.idx.msk $0xffff, v1  }
0x207: {  	v2 =	vadd.s32 $0x8F3, v0;
	v1 =	vld [tilespmem:s31+$0xF70];
	_ =	sdelay $0x4  }
0x208: {  	[tilespmem:v2+s24+$0x2100] =	vst.idx.msk $0xffff, v1  }
0x209: {  	v2 =	vadd.s32 $0x74, v0;
	v1 =	vld [tilespmem:s31+$0xF80];
	_ =	sdelay $0x4  }
0x20a: {  	[tilespmem:v2+s24+$0x2100] =	vst.idx.msk $0xffff, v1  }
0x20b: {  	v2 =	vadd.s32 $0x8F4, v0;
	v1 =	vld [tilespmem:s31+$0xF90];
	_ =	sdelay $0x4  }
0x20c: {  	[tilespmem:v2+s24+$0x2100] =	vst.idx.msk $0xffff, v1  }
0x20d: {  	v2 =	vadd.s32 $0x75, v0;
	v1 =	vld [tilespmem:s31+$0xFA0];
	_ =	sdelay $0x4  }
0x20e: {  	[tilespmem:v2+s24+$0x2100] =	vst.idx.msk $0xffff, v1  }
0x20f: {  	v2 =	vadd.s32 $0x8F5, v0;
	v1 =	vld [tilespmem:s31+$0xFB0];
	_ =	sdelay $0x4  }
0x210: {  	[tilespmem:v2+s24+$0x2100] =	vst.idx.msk $0xffff, v1  }
0x211: {  	v2 =	vadd.s32 $0x76, v0;
	v1 =	vld [tilespmem:s31+$0xFC0];
	_ =	sdelay $0x4  }
0x212: {  	[tilespmem:v2+s24+$0x2100] =	vst.idx.msk $0xffff, v1  }
0x213: {  	v2 =	vadd.s32 $0x8F6, v0;
	v1 =	vld [tilespmem:s31+$0xFD0];
	_ =	sdelay $0x4  }
0x214: {  	[tilespmem:v2+s24+$0x2100] =	vst.idx.msk $0xffff, v1  }
0x215: {  	v2 =	vadd.s32 $0x77, v0;
	v1 =	vld [tilespmem:s31+$0xFE0];
	_ =	sdelay $0x4  }
0x216: {  	[tilespmem:v2+s24+$0x2100] =	vst.idx.msk $0xffff, v1  }
0x217: {  	v2 =	vadd.s32 $0x8F7, v0;
	v1 =	vld [tilespmem:s31+$0xFF0];
	_ =	sdelay $0x4  }
0x218: {  	[tilespmem:v2+s24+$0x2100] =	vst.idx.msk $0xffff, v1  }
0x219: {  	v2 =	vadd.s32 $0x78, v0;
	v1 =	vld [tilespmem:s31+$0x1000];
	_ =	sdelay $0x4  }
0x21a: {  	[tilespmem:v2+s24+$0x2100] =	vst.idx.msk $0xffff, v1  }
0x21b: {  	v2 =	vadd.s32 $0x8F8, v0;
	v1 =	vld [tilespmem:s31+$0x1010];
	_ =	sdelay $0x4  }
0x21c: {  	[tilespmem:v2+s24+$0x2100] =	vst.idx.msk $0xffff, v1  }
0x21d: {  	v2 =	vadd.s32 $0x79, v0;
	v1 =	vld [tilespmem:s31+$0x1020];
	_ =	sdelay $0x4  }
0x21e: {  	[tilespmem:v2+s24+$0x2100] =	vst.idx.msk $0xffff, v1  }
0x21f: {  	v2 =	vadd.s32 $0x8F9, v0;
	v1 =	vld [tilespmem:s31+$0x1030];
	_ =	sdelay $0x4  }
0x220: {  	[tilespmem:v2+s24+$0x2100] =	vst.idx.msk $0xffff, v1  }
0x221: {  	v2 =	vadd.s32 $0x7A, v0;
	v1 =	vld [tilespmem:s31+$0x1040];
	_ =	sdelay $0x4  }
0x222: {  	[tilespmem:v2+s24+$0x2100] =	vst.idx.msk $0xffff, v1  }
0x223: {  	v2 =	vadd.s32 $0x8FA, v0;
	v1 =	vld [tilespmem:s31+$0x1050];
	_ =	sdelay $0x4  }
0x224: {  	[tilespmem:v2+s24+$0x2100] =	vst.idx.msk $0xffff, v1  }
0x225: {  	v2 =	vadd.s32 $0x7B, v0;
	v1 =	vld [tilespmem:s31+$0x1060];
	_ =	sdelay $0x4  }
0x226: {  	[tilespmem:v2+s24+$0x2100] =	vst.idx.msk $0xffff, v1  }
0x227: {  	v2 =	vadd.s32 $0x8FB, v0;
	v1 =	vld [tilespmem:s31+$0x1070];
	_ =	sdelay $0x4  }
0x228: {  	[tilespmem:v2+s24+$0x2100] =	vst.idx.msk $0xffff, v1  }
0x229: {  	v2 =	vadd.s32 $0x7C, v0;
	v1 =	vld [tilespmem:s31+$0x1080];
	_ =	sdelay $0x4  }
0x22a: {  	[tilespmem:v2+s24+$0x2100] =	vst.idx.msk $0xffff, v1  }
0x22b: {  	v2 =	vadd.s32 $0x8FC, v0;
	v1 =	vld [tilespmem:s31+$0x1090];
	_ =	sdelay $0x4  }
0x22c: {  	[tilespmem:v2+s24+$0x2100] =	vst.idx.msk $0xffff, v1  }
0x22d: {  	v2 =	vadd.s32 $0x7D, v0;
	v1 =	vld [tilespmem:s31+$0x10A0];
	_ =	sdelay $0x4  }
0x22e: {  	[tilespmem:v2+s24+$0x2100] =	vst.idx.msk $0xffff, v1  }
0x22f: {  	v2 =	vadd.s32 $0x8FD, v0;
	v1 =	vld [tilespmem:s31+$0x10B0];
	_ =	sdelay $0x4  }
0x230: {  	[tilespmem:v2+s24+$0x2100] =	vst.idx.msk $0xffff, v1  }
0x231: {  	v2 =	vadd.s32 $0x7E, v0;
	v1 =	vld [tilespmem:s31+$0x10C0];
	_ =	sdelay $0x4  }
0x232: {  	[tilespmem:v2+s24+$0x2100] =	vst.idx.msk $0xffff, v1  }
0x233: {  	v2 =	vadd.s32 $0x8FE, v0;
	v1 =	vld [tilespmem:s31+$0x10D0];
	_ =	sdelay $0x4  }
0x234: {  	[tilespmem:v2+s24+$0x2100] =	vst.idx.msk $0xffff, v1  }
0x235: {  	v2 =	vadd.s32 $0x7F, v0;
	v1 =	vld [tilespmem:s31+$0x10E0];
	_ =	sdelay $0x4  }
0x236: {  	[tilespmem:v2+s24+$0x2100] =	vst.idx.msk $0xffff, v1  }
0x237: {  	v2 =	vadd.s32 $0x8FF, v0;
	v1 =	vld [tilespmem:s31+$0x10F0];
	_ =	sdelay $0x2  }
0x238: {  	s26 =	sand.u32 $0xFFF0000, s20;
	s28 =	sand.u32 $0x3F80, s21  }
0x239: {  	s25 =	sor.u32 s28, s26  }
0x23a: {  	s29 =	sadd.s32 $0x2100, s24;
	s28 =	sadd.s32 s2, s25;
	[tilespmem:v2+s24+$0x2100] =	vst.idx.msk $0xffff, v1  }
0x23b: {  	[hbm4b:s28+s3] =	stream.linear.scatter [tilespmem:s29], [sflag:$0x2], $0x80, $0x38;
	[tilespmem:$0x4300] =	vst v63  }
0x23c: {  	s30 =	sadd.s32 $0x2188, s24;
	s29 =	sadd.s32 $0x10, s28  }
0x23d: {  	[hbm4b:s29+s3] =	stream.linear.scatter [tilespmem:s30], [sflag:$0x2], $0x80, $0x38;
	[tilespmem:$0x4300] =	vst v63  }
0x23e: {  	s31 =	sadd.s32 $0x2210, s24;
	s30 =	sadd.s32 $0x20, s28  }
0x23f: {  	[hbm4b:s30+s3] =	stream.linear.scatter [tilespmem:s31], [sflag:$0x2], $0x80, $0x38;
	[tilespmem:$0x4300] =	vst v63  }
0x240: {  	s31 =	sadd.s32 $0x2298, s24;
	s30 =	sadd.s32 $0x30, s28  }
0x241: {  	[hbm4b:s30+s3] =	stream.linear.scatter [tilespmem:s31], [sflag:$0x2], $0x80, $0x38;
	[tilespmem:$0x4300] =	vst v63  }
0x242: {  	s31 =	sadd.s32 $0x2320, s24;
	s30 =	sadd.s32 $0x40, s28  }
0x243: {  	[hbm4b:s30+s3] =	stream.linear.scatter [tilespmem:s31], [sflag:$0x2], $0x80, $0x38;
	[tilespmem:$0x4300] =	vst v63  }
0x244: {  	s31 =	sadd.s32 $0x23A8, s24;
	s30 =	sadd.s32 $0x50, s28  }
0x245: {  	[hbm4b:s30+s3] =	stream.linear.scatter [tilespmem:s31], [sflag:$0x2], $0x80, $0x38;
	[tilespmem:$0x4300] =	vst v63  }
0x246: {  	s31 =	sadd.s32 $0x2430, s24;
	s30 =	sadd.s32 $0x60, s28  }
0x247: {  	[hbm4b:s30+s3] =	stream.linear.scatter [tilespmem:s31], [sflag:$0x2], $0x80, $0x38;
	[tilespmem:$0x4300] =	vst v63  }
0x248: {  	s28 =	sadd.s32 $0x70, s28;
	s31 =	sadd.s32 $0x24B8, s24  }
0x249: {  	[hbm4b:s28+s3] =	stream.linear.scatter [tilespmem:s31], [sflag:$0x2], $0x80, $0x38;
	[tilespmem:$0x4300] =	vst v63  }
0x24a: {  	s26 =	sadd.s32 s25, s7;
	s29 =	sadd.s32 $0x2540, s24  }
0x24b: {  	[hbm4b:s26+s3] =	stream.linear.scatter [tilespmem:s29], [sflag:$0x2], $0x80, $0x38;
	[tilespmem:$0x4300] =	vst v63  }
0x24c: {  	s30 =	sadd.s32 $0x25C8, s24;
	s31 =	sadd.s32 $0x10, s26  }
0x24d: {  	[hbm4b:s31+s3] =	stream.linear.scatter [tilespmem:s30], [sflag:$0x2], $0x80, $0x38;
	[tilespmem:$0x4300] =	vst v63  }
0x24e: {  	s30 =	sadd.s32 $0x2650, s24;
	s31 =	sadd.s32 $0x20, s26  }
0x24f: {  	[hbm4b:s31+s3] =	stream.linear.scatter [tilespmem:s30], [sflag:$0x2], $0x80, $0x38;
	[tilespmem:$0x4300] =	vst v63  }
0x250: {  	s30 =	sadd.s32 $0x26D8, s24;
	s31 =	sadd.s32 $0x30, s26  }
0x251: {  	[hbm4b:s31+s3] =	stream.linear.scatter [tilespmem:s30], [sflag:$0x2], $0x80, $0x38;
	[tilespmem:$0x4300] =	vst v63  }
0x252: {  	s30 =	sadd.s32 $0x2760, s24;
	s31 =	sadd.s32 $0x40, s26  }
0x253: {  	[hbm4b:s31+s3] =	stream.linear.scatter [tilespmem:s30], [sflag:$0x2], $0x80, $0x38;
	[tilespmem:$0x4300] =	vst v63  }
0x254: {  	s30 =	sadd.s32 $0x27E8, s24;
	s31 =	sadd.s32 $0x50, s26  }
0x255: {  	[hbm4b:s31+s3] =	stream.linear.scatter [tilespmem:s30], [sflag:$0x2], $0x80, $0x38;
	[tilespmem:$0x4300] =	vst v63  }
0x256: {  	s30 =	sadd.s32 $0x2870, s24;
	s31 =	sadd.s32 $0x60, s26  }
0x257: {  	[hbm4b:s31+s3] =	stream.linear.scatter [tilespmem:s30], [sflag:$0x2], $0x80, $0x38;
	[tilespmem:$0x4300] =	vst v63  }
0x258: {  	s29 =	sadd.s32 $0x28F8, s24;
	s26 =	sadd.s32 $0x70, s26  }
0x259: {  	[hbm4b:s26+s3] =	stream.linear.scatter [tilespmem:s29], [sflag:$0x2], $0x80, $0x38;
	[tilespmem:$0x4300] =	vst v63  }
0x25a: {  	s30 =	sadd.s32 $0x2980, s24;
	s26 =	sadd.s32 s25, s8  }
0x25b: {  	[hbm4b:s26+s3] =	stream.linear.scatter [tilespmem:s30], [sflag:$0x2], $0x80, $0x38;
	[tilespmem:$0x4300] =	vst v63  }
0x25c: {  	s31 =	sadd.s32 $0x2A08, s24;
	s30 =	sadd.s32 $0x10, s26  }
0x25d: {  	[hbm4b:s30+s3] =	stream.linear.scatter [tilespmem:s31], [sflag:$0x2], $0x80, $0x38;
	[tilespmem:$0x4300] =	vst v63  }
0x25e: {  	s31 =	sadd.s32 $0x2A90, s24;
	s30 =	sadd.s32 $0x20, s26  }
0x25f: {  	[hbm4b:s30+s3] =	stream.linear.scatter [tilespmem:s31], [sflag:$0x2], $0x80, $0x38;
	[tilespmem:$0x4300] =	vst v63  }
0x260: {  	s31 =	sadd.s32 $0x2B18, s24;
	s30 =	sadd.s32 $0x30, s26  }
0x261: {  	[hbm4b:s30+s3] =	stream.linear.scatter [tilespmem:s31], [sflag:$0x2], $0x80, $0x38;
	[tilespmem:$0x4300] =	vst v63  }
0x262: {  	s31 =	sadd.s32 $0x2BA0, s24;
	s30 =	sadd.s32 $0x40, s26  }
0x263: {  	[hbm4b:s30+s3] =	stream.linear.scatter [tilespmem:s31], [sflag:$0x2], $0x80, $0x38;
	[tilespmem:$0x4300] =	vst v63  }
0x264: {  	s31 =	sadd.s32 $0x2C28, s24;
	s30 =	sadd.s32 $0x50, s26  }
0x265: {  	[hbm4b:s30+s3] =	stream.linear.scatter [tilespmem:s31], [sflag:$0x2], $0x80, $0x38;
	[tilespmem:$0x4300] =	vst v63  }
0x266: {  	s31 =	sadd.s32 $0x2CB0, s24;
	s30 =	sadd.s32 $0x60, s26  }
0x267: {  	[hbm4b:s30+s3] =	stream.linear.scatter [tilespmem:s31], [sflag:$0x2], $0x80, $0x38;
	[tilespmem:$0x4300] =	vst v63  }
0x268: {  	s26 =	sadd.s32 $0x70, s26;
	s31 =	sadd.s32 $0x2D38, s24  }
0x269: {  	[hbm4b:s26+s3] =	stream.linear.scatter [tilespmem:s31], [sflag:$0x2], $0x80, $0x38;
	[tilespmem:$0x4300] =	vst v63  }
0x26a: {  	s28 =	sadd.s32 $0x2DC0, s24;
	s25 =	sadd.s32 s25, s9  }
0x26b: {  	[hbm4b:s25+s3] =	stream.linear.scatter [tilespmem:s28], [sflag:$0x2], $0x80, $0x38;
	[tilespmem:$0x4300] =	vst v63  }
0x26c: {  	s29 =	sadd.s32 $0x2E48, s24;
	s30 =	sadd.s32 $0x10, s25  }
0x26d: {  	[hbm4b:s30+s3] =	stream.linear.scatter [tilespmem:s29], [sflag:$0x2], $0x80, $0x38;
	[tilespmem:$0x4300] =	vst v63  }
0x26e: {  	s31 =	sadd.s32 $0x2ED0, s24;
	s29 =	sadd.s32 $0x20, s25  }
0x26f: {  	[hbm4b:s29+s3] =	stream.linear.scatter [tilespmem:s31], [sflag:$0x2], $0x80, $0x38;
	[tilespmem:$0x4300] =	vst v63  }
0x270: {  	s30 =	sadd.s32 $0x2F58, s24;
	s31 =	sadd.s32 $0x30, s25  }
0x271: {  	[hbm4b:s31+s3] =	stream.linear.scatter [tilespmem:s30], [sflag:$0x2], $0x80, $0x38;
	[tilespmem:$0x4300] =	vst v63  }
0x272: {  	s29 =	sadd.s32 $0x2FE0, s24;
	s30 =	sadd.s32 $0x40, s25  }
0x273: {  	[hbm4b:s30+s3] =	stream.linear.scatter [tilespmem:s29], [sflag:$0x2], $0x80, $0x38;
	[tilespmem:$0x4300] =	vst v63  }
0x274: {  	p0 =	sne.s32 s23, $0xC8;
	s31 =	sadd.s32 $0x3068, s24;
	s29 =	sadd.s32 $0x50, s25  }
0x275: {  	[hbm4b:s29+s3] =	stream.linear.scatter [tilespmem:s31], [sflag:$0x2], $0x80, $0x38;
	[tilespmem:$0x4300] =	vst v63  }
.Ltmp0:
0x276: {  	s22 =	sadd.s32 $0x10, s22;
	(pc) =	sbr.rel @p0 .LBB2_2-.Ltmp0, $4  }
0x277: {  	s21 =	sadd.s32 $0x80, s21;
	s30 =	sadd.s32 $0x30F0, s24;
	s31 =	sadd.s32 $0x60, s25  }
0x278: {  	[hbm4b:s31+s3] =	stream.linear.scatter [tilespmem:s30], [sflag:$0x2], $0x80, $0x38;
	[tilespmem:$0x4300] =	vst v63  }
0x279: {  	s20 =	sadd.s32 $0x200, s20;
	s24 =	sadd.s32 $0x3178, s24;
	s25 =	sadd.s32 $0x70, s25  }
0x27a: {  	[hbm4b:s25+s3] =	stream.linear.scatter [tilespmem:s24], [sflag:$0x2], $0x80, $0x38;
	[tilespmem:$0x4300] =	vst v63  }
0x27b: {  	_ =	swait.ge [sflag:s18], $0x400  }
0x27c: {  	[sflag:s18] =	ssyncset.done $0x0  }
0x27d: {  	[sflag:s18] =	ssyncadd.s32 $0xFFFFFC00  }
0x27e: {  	_ =	swait.ge [sflag:s18], $0x400  }
0x27f: {  	[sflag:s18] =	ssyncset.done $0x0  }
0x280: {  	[sflag:s18] =	ssyncadd.s32 $0xFFFFFC00  }
0x281: {  	_ =	swait.ge [sflag:s18], $0x400  }
0x282: {  	[sflag:s18] =	ssyncset.done $0x0  }
0x283: {  	[sflag:s18] =	ssyncadd.s32 $0xFFFFFC00  }
0x284: {  	_ =	swait.ge [sflag:s18], $0x400  }
0x285: {  	[sflag:s18] =	ssyncset.done $0x0  }
0x286: {  	[sflag:s18] =	ssyncadd.s32 $0xFFFFFC00  }
0x287: {  	_ =	swait.ge [sflag:s18], $0x400  }
0x288: {  	[sflag:s18] =	ssyncset.done $0x0  }
0x289: {  	[sflag:s18] =	ssyncadd.s32 $0xFFFFFC00  }
0x28a: {  	_ =	swait.ge [sflag:s18], $0x400  }
0x28b: {  	[sflag:s18] =	ssyncset.done $0x0  }
0x28c: {  	s19 =	sadd.s32 $0x1, s19;
	[sflag:s18] =	ssyncadd.s32 $0xFFFFFC00  }
0x28d: {  	p0 =	sne.s32 s19, s10;
	_ =	swait.ge [sflag:s18], $0x400  }
.Ltmp1:
0x28e: {  	[sflag:s18] =	ssyncset.done $0x0;
	(pc) =	sbr.rel @p0 .LBB2_1-.Ltmp1, $4  }
0x28f: {  	[sflag:s18] =	ssyncadd.s32 $0xFFFFFC00  }
0x290: {  	_ =	swait.ge [sflag:s18], $0x400  }
0x291: {  	[sflag:s18] =	ssyncset.done $0x0  }
0x292: {  	[sflag:s18] =	ssyncadd.s32 $0xFFFFFC00  }
0x293: {  	_ =	sfence.sel $0x180000  }
0x294: {  	[bflag:$0x0] =	sbarrier.arrive $0xFFFF  }
0x295: {  	p0 =	sne.s32 s0, $0x0;
	_ =	strace $0x90000047  }
0x296: {  	s0 =	sadd.s32 @!p0 $0x100000, s1;
	[bflag:$0x2] =	sbarrier.arrive $0xFFFF  }
0x297: {  	[sflag:s0] =	ssyncadd.tile.s32 @!p0 $0x1;
	_ =	shalt  }
.Lfunc_end2:
_tile_overlayer_lowered:
.L_overlay_start_2:
0x298: {  	(tag) =	ssettag $0x2  }
0x299: {  	s0 =	rddreg [dreg:$0x0];
	s2 =	stileid.u32  }
0x29a: {  	s1 =	rddreg [dreg:$0x1];
	p0 =	sne.s32 s2, $0x0  }
0x29b: {  	s3 =	rddreg [dreg:$0x2];
	[bflag:$0x3] =	sbarrier.arrive $0xFFFF;
	s2 =	simm.s32 @!p0 $0x1C04  }
0x29c: {  	[timem:s3], [sflag:s2] =	dma.local @!p0 [hbm:s0], s1  }
0x29d: {  	s0 =	simm.s32 @!p0 $0x4  }
0x29e: {  	_ =	swait.ge @!p0 [sflag:s0], s1  }
0x29f: {  	s1 =	ssub.s32 @!p0 $0x0, s1;
	[sflag:s0] =	ssyncset.done @!p0 $0x0  }
0x2a0: {  	[sflag:s0] =	ssyncadd.s32 @!p0 s1  }
0x2a1: {  	[bflag:$0x3] =	sbarrier.arrive $0xFFFF  }
0x2a2: {  	_ =	shalt  }

</sc_bundles>
